<compile_context>
chip_gen: v7x
topology: tpu7x:2x2x1
jax: 0.10.2.dev20260603
libtpu: 0.0.44.dev20260713+nightly
codegen_flags: <defaults>
</compile_context>

<pallas_src>
import functools

import jax
import jax.numpy as jnp
from jax import lax
from jax.experimental import pallas as pl
from jax.experimental.pallas import tpu as pltpu
from jax.experimental.pallas import tpu_sc as plsc

_NC = 2
_NS = 16
_NW = _NC * _NS
_LANES = 16


def _dot_t(x, w):
    return lax.dot_general(x, w, (((1,), (1,)), ((), ())),
                           preferred_element_type=jnp.float32)


def _norm_rows(x):
    return x / (jnp.sqrt(jnp.sum(x * x, axis=1, keepdims=True)) + 1e-12)



def _rel_kernel(rel_ref, riw_ref, rib_ref, rlw_ref, rlb_ref,
                cwg_ref, cbg_ref, swg_ref, sbg_ref,
                g_ref, rel_final_ref, last_rel_ref):
    r0 = rel_ref[...]
    inv = _dot_t(r0, riw_ref[...]) + rib_ref[...]
    rall0 = jnp.concatenate([r0, inv], axis=0)
    rall1 = _dot_t(rall0, rlw_ref[0]) + rlb_ref[0]
    rall2 = _dot_t(rall1, rlw_ref[1]) + rlb_ref[1]
    g_ref[0] = jax.nn.sigmoid(_dot_t(rall1, cwg_ref[0]) + cbg_ref[0])
    g_ref[1] = jax.nn.sigmoid(_dot_t(rall1, swg_ref[0]) + sbg_ref[0])
    g_ref[2] = jax.nn.sigmoid(_dot_t(rall2, cwg_ref[1]) + cbg_ref[1])
    g_ref[3] = jax.nn.sigmoid(_dot_t(rall2, swg_ref[1]) + sbg_ref[1])
    n0 = _norm_rows(rall0)
    n1 = _norm_rows(rall1)
    n2 = _norm_rows(rall2)
    rel_final_ref[...] = _norm_rows(jnp.concatenate([n0, n1, n2], axis=1))
    last_rel_ref[...] = n2


def _bnlin_kernel(x_ref, s_ref, g_ref, b_ref, ew_ref, eb_ref, sw_ref, sb_ref,
                  lx_ref, slx_ref):
    def bn(x):
        m = jnp.mean(x, axis=0)
        v = jnp.mean((x - m) ** 2, axis=0)
        return (x - m) / jnp.sqrt(v + 1e-5) * g_ref[...] + b_ref[...]

    lx_ref[...] = _dot_t(bn(x_ref[...]), ew_ref[...]) + eb_ref[...]
    slx_ref[...] = _dot_t(bn(s_ref[...]), sw_ref[...]) + sb_ref[...]


def _deginv_kernel(dege_ref, degc_ref, dinve_ref, dinvc_ref):
    dinve_ref[...] = 1.0 / jnp.maximum(
        jnp.sum(dege_ref[...], axis=0), 1.0)[:, None]
    dinvc_ref[...] = 1.0 / jnp.maximum(
        jnp.sum(degc_ref[...], axis=0), 1.0)[:, None]


def _comb_kernel(acc1_ref, acc2_ref, dinve_ref, dinvc_ref, lx_ref, slx_ref,
                 wo1_ref, ws1_ref, wo2_ref, ws2_ref,
                 out_ref, s_out_ref, n_out_ref, n_s_ref):
    agg1 = (acc1_ref[0] + acc1_ref[1]) * dinve_ref[...]
    le = _dot_t(agg1, wo1_ref[...]) + _dot_t(lx_ref[...], ws1_ref[...])
    agg2 = (acc2_ref[0] + acc2_ref[1]) * dinvc_ref[...]
    sle = _dot_t(agg2, wo2_ref[...]) + _dot_t(slx_ref[...], ws2_ref[...])
    out_ref[...] = sle
    s_out_ref[...] = le
    n_out_ref[...] = _norm_rows(sle)
    n_s_ref[...] = _norm_rows(le)


def _final_kernel(ent_ref, no0_ref, ns0_ref, no1_ref, ns1_ref,
                  final_ref, last_ref):
    n0 = _norm_rows(ent_ref[...])
    cat = jnp.concatenate(
        [n0, no0_ref[...], ns0_ref[...], no1_ref[...], ns1_ref[...]], axis=1)
    final_ref[...] = _norm_rows(cat)
    last_ref[...] = _norm_rows(
        jnp.concatenate([no1_ref[...], ns1_ref[...]], axis=1))



def _block_div(nchunk, cap=32):
    cb = 1
    for c in range(1, cap + 1):
        if nchunk % c == 0:
            cb = c
    return cb


@functools.lru_cache(maxsize=None)
def _make_conv_sc(n, d, nblk, cb, ch):
    mesh = plsc.VectorSubcoreMesh(core_axis_name="c", subcore_axis_name="s")
    rows_per_tile = n // _NS

    @functools.partial(
        pl.kernel,
        out_type=jax.ShapeDtypeStruct((_NC, n, d), jnp.float32),
        mesh=mesh,
        scratch_types=[
            pltpu.VMEM((cb, ch), jnp.int32),
            pltpu.VMEM((cb, ch), jnp.int32),
            pltpu.VMEM((cb, ch), jnp.int32),
            pltpu.VMEM((ch, d), jnp.float32),
            pltpu.VMEM((ch, d), jnp.float32),
            pltpu.VMEM_SHARED((n, d), jnp.float32),
            pltpu.SemaphoreType.DMA,
            pltpu.SemaphoreType.DMA,
        ],
    )
    def conv(x_hbm, gate_hbm, src_hbm, dst_hbm, attr_hbm, out_hbm,
             src_v, dst_v, attr_v, xr_v, gr_v, acc_sh, sem1, sem2):
        cid = lax.axis_index("c")
        sid = lax.axis_index("s")
        wid = cid * _NS + sid

        zero = jnp.zeros((_LANES,), jnp.float32)

        def zbody(i, _):
            for j in range(d // _LANES):
                xr_v[i, pl.ds(j * _LANES, _LANES)] = zero
            return 0

        lax.fori_loop(0, ch, zbody, 0)
        row0 = sid * rows_per_tile
        r = 0
        while r < rows_per_tile:
            step = min(ch, rows_per_tile - r)
            pltpu.sync_copy(xr_v.at[pl.ds(0, step)],
                            acc_sh.at[pl.ds(row0 + r, step)])
            r += step
        plsc.subcore_barrier()

        def blk_body(b, _):
            pltpu.sync_copy(src_hbm.at[wid, b], src_v)
            pltpu.sync_copy(dst_hbm.at[wid, b], dst_v)
            pltpu.sync_copy(attr_hbm.at[wid, b], attr_v)

            def chunk_body(c, _):
                cp_x = pltpu.async_copy(x_hbm.at[src_v.at[c]], xr_v, sem1)
                cp_g = pltpu.async_copy(gate_hbm.at[attr_v.at[c]], gr_v, sem2)
                cp_x.wait()
                cp_g.wait()

                def ebody(e, _):
                    for j in range(d // _LANES):
                        sl = pl.ds(j * _LANES, _LANES)
                        xr_v[e, sl] = xr_v[e, sl] * gr_v[e, sl]
                    return 0

                lax.fori_loop(0, ch, ebody, 0)
                pltpu.sync_copy(xr_v, acc_sh.at[dst_v.at[c]], add=True)
                return 0

            lax.fori_loop(0, cb, chunk_body, 0)
            return 0

        lax.fori_loop(0, nblk, blk_body, 0)
        plsc.subcore_barrier()

        pltpu.sync_copy(acc_sh.at[pl.ds(row0, rows_per_tile)],
                        out_hbm.at[cid, pl.ds(row0, rows_per_tile)])

    return conv


@functools.lru_cache(maxsize=None)
def _make_deg_sc(n, nchunk, ch):
    mesh = plsc.VectorSubcoreMesh(core_axis_name="c", subcore_axis_name="s")

    @functools.partial(
        pl.kernel,
        out_type=jax.ShapeDtypeStruct((_NW, n), jnp.float32),
        mesh=mesh,
        scratch_types=[
            pltpu.VMEM((nchunk, ch), jnp.int32),
            pltpu.VMEM((n,), jnp.float32),
        ],
        compiler_params=pltpu.CompilerParams(needs_layout_passes=False),
    )
    def deg(dst_hbm, out_hbm, dst_v, deg_v):
        cid = lax.axis_index("c")
        sid = lax.axis_index("s")
        wid = cid * _NS + sid
        pltpu.sync_copy(dst_hbm.at[wid], dst_v)

        zero = jnp.zeros((_LANES,), jnp.float32)

        def zbody(i, _):
            deg_v[pl.ds(i * _LANES, _LANES)] = zero
            return 0

        lax.fori_loop(0, n // _LANES, zbody, 0)

        ones = jnp.ones((_LANES,), jnp.float32)
        groups = ch // _LANES

        def body(i, _):
            r = i // groups
            g = i % groups
            idx = dst_v[r, pl.ds(g * _LANES, _LANES)]
            plsc.addupdate_scatter(deg_v, [idx], ones)
            return 0

        lax.fori_loop(0, nchunk * groups, body, 0)
        pltpu.sync_copy(deg_v, out_hbm.at[wid])

    return deg



def _pick_chunk(per_w):
    for c in range(128, 7, -8):
        if per_w % c == 0:
            return c
    return 0


def kernel(ent_emb, rel_emb, edge_index, cross_edge_index, edge_attr,
           rel_inv_W, rel_inv_b, bn_gamma, bn_beta, rel_lin_W, rel_lin_b,
           ent_lin_W, ent_lin_b, s_lin_W, s_lin_b, conv_Wg, conv_bg,
           conv_Wo, conv_Ws, s_conv_Wg, s_conv_bg, s_conv_Wo, s_conv_Ws):
    n, d = ent_emb.shape
    e = edge_index.shape[1]
    r2 = 2 * rel_emb.shape[0]

    g, rel_final, last_rel = pl.pallas_call(
        _rel_kernel,
        out_shape=[
            jax.ShapeDtypeStruct((4, r2, d), jnp.float32),
            jax.ShapeDtypeStruct((r2, 3 * d), jnp.float32),
            jax.ShapeDtypeStruct((r2, d), jnp.float32),
        ],
    )(rel_emb, rel_inv_W, rel_inv_b, rel_lin_W, rel_lin_b,
      conv_Wg, conv_bg, s_conv_Wg, s_conv_bg)

    per_w = e // _NW
    ch = _pick_chunk(per_w)
    pad = 0
    if ch == 0 or e % _NW:
        per_w = -(-e // _NW)
        per_w += (-per_w) % 8
        ch = _pick_chunk(per_w) or 8
        pad = per_w * _NW - e
    n_acc = -(-(n + (1 if pad else 0)) // 128) * 128
    nchunk = per_w // ch
    cb = _block_div(nchunk)
    nblk = nchunk // cb

    def _stage(a, fill):
        if pad:
            a = jnp.concatenate(
                [a, jnp.full((pad,), fill, jnp.int32)])
        return a.reshape(_NW, nblk, cb, ch)

    src_e = _stage(edge_index[0], 0)
    dst_e = _stage(edge_index[1], n)
    src_c = _stage(cross_edge_index[0], 0)
    dst_c = _stage(cross_edge_index[1], n)
    attr = _stage(edge_attr, 0)

    deg_fn = _make_deg_sc(n_acc, nchunk, ch)
    degp_e = deg_fn(dst_e.reshape(_NW, nchunk, ch))[:, :n]
    degp_c = deg_fn(dst_c.reshape(_NW, nchunk, ch))[:, :n]
    dinv_e, dinv_c = pl.pallas_call(
        _deginv_kernel,
        out_shape=[jax.ShapeDtypeStruct((n, 1), jnp.float32)] * 2,
    )(degp_e, degp_c)

    conv_fn = _make_conv_sc(n_acc, d, nblk, cb, ch)

    nb = 1000 if n % 1000 == 0 else n
    grid = (n // nb,)
    wspec = pl.BlockSpec((d, d), lambda i: (0, 0))
    xspec = pl.BlockSpec((nb, d), lambda i: (i, 0))
    accspec = pl.BlockSpec((_NC, nb, d), lambda i: (0, i, 0))
    dspec = pl.BlockSpec((nb, 1), lambda i: (i, 0))

    comb = pl.pallas_call(
        _comb_kernel,
        grid=grid,
        in_specs=[accspec, accspec, dspec, dspec, xspec, xspec,
                  wspec, wspec, wspec, wspec],
        out_specs=[xspec, xspec, xspec, xspec],
        out_shape=[jax.ShapeDtypeStruct((n, d), jnp.float32)] * 4,
    )

    out = ent_emb
    s_out = ent_emb
    norms = []
    for i in range(bn_gamma.shape[0]):
        lx, slx = pl.pallas_call(
            _bnlin_kernel,
            out_shape=[jax.ShapeDtypeStruct((n, d), jnp.float32)] * 2,
        )(out, s_out, bn_gamma[i], bn_beta[i],
          ent_lin_W[i], ent_lin_b[i], s_lin_W[i], s_lin_b[i])

        acc1 = conv_fn(lx, g[2 * i], src_e, dst_e, attr)[:, :n]
        acc2 = conv_fn(slx, g[2 * i + 1], src_c, dst_c, attr)[:, :n]

        out, s_out, n_out, n_s = comb(
            acc1, acc2, dinv_e, dinv_c, lx, slx,
            conv_Wo[i], conv_Ws[i], s_conv_Wo[i], s_conv_Ws[i])
        norms.append(n_out)
        norms.append(n_s)

    final, last_ent = pl.pallas_call(
        _final_kernel,
        grid=grid,
        in_specs=[xspec] * 5,
        out_specs=[pl.BlockSpec((nb, 5 * d), lambda i: (i, 0)),
                   pl.BlockSpec((nb, 2 * d), lambda i: (i, 0))],
        out_shape=[jax.ShapeDtypeStruct((n, 5 * d), jnp.float32),
                   jax.ShapeDtypeStruct((n, 2 * d), jnp.float32)],
    )(ent_emb, norms[0], norms[1], norms[2], norms[3])

    return final, rel_final, last_ent, last_rel

# --- scband reference (transcript-rebuilt; emitter-appended) ---
"""Pipeline reference for scband-my-net-torch-29094108463398 (READ-ONLY COPY).

The authoritative reference and input builder live on the scoring server;
editing this copy changes nothing except your own understanding.
"""

import jax, jax.numpy as jnp
import numpy as np

N = 10000
E = 320000
D = 128
R = 200
L = 2


def setup_inputs(seed=0):
    key = jax.random.key(seed)
    ks = jax.random.split(key, 32)
    inp = {}
    inp['ent_emb'] = jax.random.normal(ks[0], (N, D), dtype=jnp.float32) * 0.02
    inp['rel_emb'] = jax.random.normal(ks[1], (R, D), dtype=jnp.float32) * 0.02
    inp['edge_index'] = jax.random.randint(ks[2], (2, E), 0, N, dtype=jnp.int32)
    inp['cross_edge_index'] = jax.random.randint(ks[3], (2, E), 0, N, dtype=jnp.int32)
    inp['edge_attr'] = jax.random.randint(ks[4], (E,), 0, 2 * R, dtype=jnp.int32)
    inp['rel_inv_W'] = jax.random.normal(ks[5], (D, D), dtype=jnp.float32) * 0.05
    inp['rel_inv_b'] = jnp.zeros((D,), jnp.float32)
    inp['bn_gamma'] = jnp.ones((L, D), jnp.float32)
    inp['bn_beta'] = jnp.zeros((L, D), jnp.float32)
    inp['rel_lin_W'] = jax.random.normal(ks[6], (L, D, D), dtype=jnp.float32) * 0.05
    inp['rel_lin_b'] = jnp.zeros((L, D), jnp.float32)
    inp['ent_lin_W'] = jax.random.normal(ks[7], (L, D, D), dtype=jnp.float32) * 0.05
    inp['ent_lin_b'] = jnp.zeros((L, D), jnp.float32)
    inp['s_lin_W'] = jax.random.normal(ks[8], (L, D, D), dtype=jnp.float32) * 0.05
    inp['s_lin_b'] = jnp.zeros((L, D), jnp.float32)
    inp['conv_Wg'] = jax.random.normal(ks[9], (L, D, D), dtype=jnp.float32) * 0.05
    inp['conv_bg'] = jnp.zeros((L, D), jnp.float32)
    inp['conv_Wo'] = jax.random.normal(ks[10], (L, D, D), dtype=jnp.float32) * 0.05
    inp['conv_Ws'] = jax.random.normal(ks[11], (L, D, D), dtype=jnp.float32) * 0.05
    inp['s_conv_Wg'] = jax.random.normal(ks[12], (L, D, D), dtype=jnp.float32) * 0.05
    inp['s_conv_bg'] = jnp.zeros((L, D), jnp.float32)
    inp['s_conv_Wo'] = jax.random.normal(ks[13], (L, D, D), dtype=jnp.float32) * 0.05
    inp['s_conv_Ws'] = jax.random.normal(ks[14], (L, D, D), dtype=jnp.float32) * 0.05
    return inp


def _normalize(x):
    return x / (jnp.linalg.norm(x, axis=1, keepdims=True) + 1e-12)


def _bn(x, g, b):
    m = jnp.mean(x, axis=0)
    v = jnp.var(x, axis=0)
    return (x - m) / jnp.sqrt(v + 1e-5) * g + b


def _rel_gated_conv(x, edge_index, edge_attr, Wg, bg, Wo, Ws, n):
    # RelationGatedConv: messages from src gated by relation embedding, mean-aggregated at dst
    src = edge_index[0]
    dst = edge_index[1]
    gate = jax.nn.sigmoid(edge_attr @ Wg.T + bg)
    msg = x[src] * gate
    agg = jax.ops.segment_sum(msg, dst, num_segments=n)
    deg = jax.ops.segment_sum(jnp.ones((src.shape[0], 1), x.dtype), dst, num_segments=n)
    agg = agg / jnp.maximum(deg, 1.0)
    return agg @ Wo.T + x @ Ws.T


def _forward(ent_emb, rel_emb, edge_index, cross_edge_index, edge_attr, rel_inv_W, rel_inv_b, bn_gamma, bn_beta, rel_lin_W, rel_lin_b, ent_lin_W, ent_lin_b, s_lin_W, s_lin_b, conv_Wg, conv_bg, conv_Wo, conv_Ws, s_conv_Wg, s_conv_bg, s_conv_Wo, s_conv_Ws):
    n = ent_emb.shape[0]
    # inverse_relation == 'lin'
    inv_rel = rel_emb @ rel_inv_W.T + rel_inv_b
    rel_all = jnp.concatenate([rel_emb, inv_rel], axis=0)
    out_list = [_normalize(ent_emb)]
    rel_list = [_normalize(rel_all)]
    out = ent_emb
    s_out = ent_emb
    for i in range(bn_gamma.shape[0]):
        out = _bn(out, bn_gamma[i], bn_beta[i])
        s_out = _bn(s_out, bn_gamma[i], bn_beta[i])
        rel_all = rel_all @ rel_lin_W[i].T + rel_lin_b[i]
        ea = rel_all[edge_attr]
        lx = out @ ent_lin_W[i].T + ent_lin_b[i]
        slx = s_out @ s_lin_W[i].T + s_lin_b[i]
        le = _rel_gated_conv(lx, edge_index, ea, conv_Wg[i], conv_bg[i], conv_Wo[i], conv_Ws[i], n)
        sle = _rel_gated_conv(slx, cross_edge_index, ea, s_conv_Wg[i], s_conv_bg[i], s_conv_Wo[i], s_conv_Ws[i], n)
        out = sle
        s_out = le
        out_list.append(_normalize(out))
        out_list.append(_normalize(s_out))
        rel_list.append(_normalize(rel_all))
    last_ent = _normalize(jnp.concatenate(out_list[-2:], axis=1))
    last_rel = rel_list[-1]
    final = _normalize(jnp.concatenate(out_list, axis=1))
    rel_final = _normalize(jnp.concatenate(rel_list, axis=1))
    return (final, rel_final, last_ent, last_rel)


def reference(ent_emb, rel_emb, edge_index, cross_edge_index, edge_attr, rel_inv_W, rel_inv_b, bn_gamma, bn_beta, rel_lin_W, rel_lin_b, ent_lin_W, ent_lin_b, s_lin_W, s_lin_b, conv_Wg, conv_bg, conv_Wo, conv_Ws, s_conv_Wg, s_conv_bg, s_conv_Wo, s_conv_Ws):
    return _forward(ent_emb, rel_emb, edge_index, cross_edge_index, edge_attr, rel_inv_W, rel_inv_b, bn_gamma, bn_beta, rel_lin_W, rel_lin_b, ent_lin_W, ent_lin_b, s_lin_W, s_lin_b, conv_Wg, conv_bg, conv_Wo, conv_Ws, s_conv_Wg, s_conv_bg, s_conv_Wo, s_conv_Ws)

if __name__ == "__main__":
    import jax
    _d = setup_inputs()
    print(jax.jit(kernel)(*tuple(_d.values())))

</pallas_src>

<mosaic_0001>
#map = affine_map<(d0, d1) -> (0, 0, 0)>
#map1 = affine_map<(d0, d1) -> (0, 0)>
module attributes {stable_mosaic.version = 14 : i64} {
  func.func @deg(%arg0: i32, %arg1: i32, %arg2: memref<32x125x80xi32, #tpu.memory_space<hbm>>, %arg3: memref<32x10112xf32, #tpu.memory_space<hbm>>, %arg4: memref<125x80xi32, #tpu.memory_space<vmem>>, %arg5: memref<10112xf32, #tpu.memory_space<vmem>>) attributes {dimension_semantics = [#tpu.dimension_semantics<core_parallel>, #tpu.dimension_semantics<subcore_parallel>], iteration_bounds = array<i64: 2, 16>, scalar_prefetch = 0 : i64, scratch_operands = 2 : i64, tpu.core_type = #tpu.core_type<sc_vector_subcore>, window_params = [{transform_indices = #map}, {transform_indices = #map1}]} {
    %mul3A = arith.constant 16 : i32
    %mul3A_0 = arith.muli %arg0, %mul3A : i32
    %add3A = arith.addi %mul3A_0, %arg1 : i32
    "tpu.region"() ({
      %run_scoped3A = tpu.sem_alloc : memref<!tpu.dma_semaphore, #tpu.memory_space<semaphore_mem>>
      %dma_start3A = arith.constant 0 : i32
      %dma_start3A_17 = arith.constant 0 : i32
      %dma_start3A_18 = tpu.memref_slice %arg2[%add3A, %dma_start3A, %dma_start3A_17] : memref<32x125x80xi32, #tpu.memory_space<hbm>> -> memref<1x125x80xi32, #tpu.memory_space<hbm>>
      %dma_start3A_19 = tpu.memref_squeeze %dma_start3A_18 : memref<1x125x80xi32, #tpu.memory_space<hbm>> -> memref<125x80xi32, #tpu.memory_space<hbm>>
      %dma_start3A_20 = arith.constant 0 : i32
      %dma_start3A_21 = arith.constant 0 : i32
      %dma_start3A_22 = tpu.memref_slice %arg2[%add3A, %dma_start3A_20, %dma_start3A_21] : memref<32x125x80xi32, #tpu.memory_space<hbm>> -> memref<1x125x80xi32, #tpu.memory_space<hbm>>
      %dma_start3A_23 = tpu.memref_squeeze %dma_start3A_22 : memref<1x125x80xi32, #tpu.memory_space<hbm>> -> memref<125x80xi32, #tpu.memory_space<hbm>>
      tpu.enqueue_dma source(%dma_start3A_23 : memref<125x80xi32, #tpu.memory_space<hbm>>) target(%arg4 : memref<125x80xi32, #tpu.memory_space<vmem>>) target_semaphore(%run_scoped3A : memref<!tpu.dma_semaphore, #tpu.memory_space<semaphore_mem>>)
      %dma_wait3A = arith.constant 0 : i32
      %dma_wait3A_24 = arith.constant 0 : i32
      %dma_wait3A_25 = tpu.memref_slice %arg2[%add3A, %dma_wait3A, %dma_wait3A_24] : memref<32x125x80xi32, #tpu.memory_space<hbm>> -> memref<1x125x80xi32, #tpu.memory_space<hbm>>
      %dma_wait3A_26 = tpu.memref_squeeze %dma_wait3A_25 : memref<1x125x80xi32, #tpu.memory_space<hbm>> -> memref<125x80xi32, #tpu.memory_space<hbm>>
      %dma_wait3A_27 = arith.constant 0 : i32
      %dma_wait3A_28 = arith.constant 0 : i32
      %dma_wait3A_29 = tpu.memref_slice %arg2[%add3A, %dma_wait3A_27, %dma_wait3A_28] : memref<32x125x80xi32, #tpu.memory_space<hbm>> -> memref<1x125x80xi32, #tpu.memory_space<hbm>>
      %dma_wait3A_30 = tpu.memref_squeeze %dma_wait3A_29 : memref<1x125x80xi32, #tpu.memory_space<hbm>> -> memref<125x80xi32, #tpu.memory_space<hbm>>
      tpu.wait_dma2 semaphore(%run_scoped3A : memref<!tpu.dma_semaphore, #tpu.memory_space<semaphore_mem>>) src(%dma_wait3A_30 : memref<125x80xi32, #tpu.memory_space<hbm>>) dst(%arg4 : memref<125x80xi32, #tpu.memory_space<vmem>>)
      tpu.yield
    }) : () -> ()
    %broadcast_in_dim3A = arith.constant 0.000000e+00 : f32
    %broadcast_in_dim3A_1 = vector.broadcast %broadcast_in_dim3A : f32 to vector<16xf32>
    %scan3A = arith.constant 0 : i32
    %scan3A_2 = arith.constant 0 : i32
    %scan3A_3 = arith.constant 632 : i32
    %scan3A_4 = arith.addi %scan3A_2, %scan3A_3 : i32
    %scan3A_5 = arith.constant 1 : i32
    %scan3A_6 = scf.for %scan3A_17 = %scan3A_2 to %scan3A_4 step %scan3A_5 iter_args(%scan3A_18 = %scan3A) -> (i32)  : i32 {
      %mul3A_19 = arith.constant 16 : i32
      %mul3A_20 = arith.muli %scan3A_17, %mul3A_19 : i32
      %swap3A = arith.index_cast %mul3A_20 : i32 to index
      %swap3A_21 = tpu.vector_load %arg5[%swap3A] {strides = array<i32>} : memref<10112xf32, #tpu.memory_space<vmem>>, vector<16xf32>,
      tpu.vector_store %arg5[%swap3A], %broadcast_in_dim3A_1 {strides = array<i32>} : memref<10112xf32, #tpu.memory_space<vmem>>, vector<16xf32>,
      %scan3A_22 = arith.constant 0 : i32
      scf.yield %scan3A_22 : i32
    }
    %scan3A_7 = arith.constant 632 : i32
    %broadcast_in_dim3A_8 = arith.constant 1.000000e+00 : f32
    %broadcast_in_dim3A_9 = vector.broadcast %broadcast_in_dim3A_8 : f32 to vector<16xf32>
    %scan3A_10 = arith.constant 0 : i32
    %scan3A_11 = arith.constant 0 : i32
    %scan3A_12 = arith.constant 625 : i32
    %scan3A_13 = arith.addi %scan3A_11, %scan3A_12 : i32
    %scan3A_14 = arith.constant 1 : i32
    %scan3A_15 = scf.for %scan3A_17 = %scan3A_11 to %scan3A_13 step %scan3A_14 iter_args(%scan3A_18 = %scan3A_10) -> (i32)  : i32 {
      %jit3A = arith.constant 5 : i32
      %div3A = arith.divsi %scan3A_17, %jit3A : i32
      %sign3A = arith.constant 0 : i32
      %sign3A_19 = arith.cmpi sgt, %scan3A_17, %sign3A : i32
      %sign3A_20 = arith.extui %sign3A_19 : i1 to i32
      %sign3A_21 = arith.constant 0 : i32
      %sign3A_22 = arith.cmpi slt, %scan3A_17, %sign3A_21 : i32
      %sign3A_23 = arith.extui %sign3A_22 : i1 to i32
      %sign3A_24 = arith.subi %sign3A_20, %sign3A_23 : i32
      %sign3A_25 = arith.constant 0 : i32
      %sign3A_26 = arith.cmpi sgt, %jit3A, %sign3A_25 : i32
      %sign3A_27 = arith.extui %sign3A_26 : i1 to i32
      %sign3A_28 = arith.constant 0 : i32
      %sign3A_29 = arith.cmpi slt, %jit3A, %sign3A_28 : i32
      %sign3A_30 = arith.extui %sign3A_29 : i1 to i32
      %sign3A_31 = arith.subi %sign3A_27, %sign3A_30 : i32
      %ne3A = arith.cmpi ne, %sign3A_24, %sign3A_31 : i32
      %rem3A = arith.remsi %scan3A_17, %jit3A : i32
      %ne3A_32 = arith.constant 0 : i32
      %ne3A_33 = arith.cmpi ne, %rem3A, %ne3A_32 : i32
      %and3A = arith.andi %ne3A, %ne3A_33 : i1
      %sub3A = arith.constant 1 : i32
      %sub3A_34 = arith.subi %div3A, %sub3A : i32
      %select_n3A = arith.select %and3A, %sub3A_34, %div3A : i32
      %jit3A_35 = arith.constant 5 : i32
      %eq3A = arith.constant 0 : i32
      %eq3A_36 = arith.cmpi eq, %jit3A_35, %eq3A : i32
      %jit3A_37 = arith.constant 1 : i32
      %select_n3A_38 = arith.select %eq3A_36, %jit3A_37, %jit3A_35 : i32
      %rem3A_39 = arith.remsi %scan3A_17, %select_n3A_38 : i32
      %ne3A_40 = arith.constant 0 : i32
      %ne3A_41 = arith.cmpi ne, %rem3A_39, %ne3A_40 : i32
      %lt3A = arith.constant 0 : i32
      %lt3A_42 = arith.cmpi slt, %rem3A_39, %lt3A : i32
      %lt3A_43 = arith.constant 0 : i32
      %lt3A_44 = arith.cmpi slt, %select_n3A_38, %lt3A_43 : i32
      %ne3A_45 = arith.xori %lt3A_42, %lt3A_44 : i1
      %and3A_46 = arith.andi %ne3A_45, %ne3A_41 : i1
      %add3A_47 = arith.addi %rem3A_39, %select_n3A_38 : i32
      %select_n3A_48 = arith.select %and3A_46, %add3A_47, %rem3A_39 : i32
      %mul3A_49 = arith.constant 16 : i32
      %mul3A_50 = arith.muli %select_n3A_48, %mul3A_49 : i32
      %get3A = arith.index_cast %select_n3A : i32 to index
      %get3A_51 = arith.index_cast %mul3A_50 : i32 to index
      %get3A_52 = tpu.vector_load %arg4[%get3A, %get3A_51] {strides = array<i32>} : memref<125x80xi32, #tpu.memory_space<vmem>>, vector<16xi32>,
      tpu.vector_store_idx %arg5[%get3A_52], %broadcast_in_dim3A_9 {add = true} : memref<10112xf32, #tpu.memory_space<vmem>>[vector<16xi32>], vector<16xf32>,
      %scan3A_53 = arith.constant 0 : i32
      scf.yield %scan3A_53 : i32
    }
    %scan3A_16 = arith.constant 625 : i32
    "tpu.region"() ({
      %run_scoped3A = tpu.sem_alloc : memref<!tpu.dma_semaphore, #tpu.memory_space<semaphore_mem>>
      %dma_start3A = arith.constant 0 : i32
      %dma_start3A_17 = tpu.memref_slice %arg3[%add3A, %dma_start3A] : memref<32x10112xf32, #tpu.memory_space<hbm>> -> memref<1x10112xf32, #tpu.memory_space<hbm>>
      %dma_start3A_18 = tpu.memref_squeeze %dma_start3A_17 : memref<1x10112xf32, #tpu.memory_space<hbm>> -> memref<10112xf32, #tpu.memory_space<hbm>>
      %dma_start3A_19 = arith.constant 0 : i32
      %dma_start3A_20 = tpu.memref_slice %arg3[%add3A, %dma_start3A_19] : memref<32x10112xf32, #tpu.memory_space<hbm>> -> memref<1x10112xf32, #tpu.memory_space<hbm>>
      %dma_start3A_21 = tpu.memref_squeeze %dma_start3A_20 : memref<1x10112xf32, #tpu.memory_space<hbm>> -> memref<10112xf32, #tpu.memory_space<hbm>>
      tpu.enqueue_dma source(%arg5 : memref<10112xf32, #tpu.memory_space<vmem>>) target(%dma_start3A_21 : memref<10112xf32, #tpu.memory_space<hbm>>) target_semaphore(%run_scoped3A : memref<!tpu.dma_semaphore, #tpu.memory_space<semaphore_mem>>)
      %dma_wait3A = arith.constant 0 : i32
      %dma_wait3A_22 = tpu.memref_slice %arg3[%add3A, %dma_wait3A] : memref<32x10112xf32, #tpu.memory_space<hbm>> -> memref<1x10112xf32, #tpu.memory_space<hbm>>
      %dma_wait3A_23 = tpu.memref_squeeze %dma_wait3A_22 : memref<1x10112xf32, #tpu.memory_space<hbm>> -> memref<10112xf32, #tpu.memory_space<hbm>>
      %dma_wait3A_24 = arith.constant 0 : i32
      %dma_wait3A_25 = tpu.memref_slice %arg3[%add3A, %dma_wait3A_24] : memref<32x10112xf32, #tpu.memory_space<hbm>> -> memref<1x10112xf32, #tpu.memory_space<hbm>>
      %dma_wait3A_26 = tpu.memref_squeeze %dma_wait3A_25 : memref<1x10112xf32, #tpu.memory_space<hbm>> -> memref<10112xf32, #tpu.memory_space<hbm>>
      tpu.wait_dma2 semaphore(%run_scoped3A : memref<!tpu.dma_semaphore, #tpu.memory_space<semaphore_mem>>) src(%arg5 : memref<10112xf32, #tpu.memory_space<vmem>>) dst(%dma_wait3A_26 : memref<10112xf32, #tpu.memory_space<hbm>>)
      tpu.yield
    }) : () -> ()
    return
  }
}

#map = affine_map<(d0, d1) -> (0, 0, 0)>
#map1 = affine_map<(d0, d1) -> (0, 0)>
module attributes {stable_mosaic.version = 14 : i64} {
  func.func @deg(%arg0: i32, %arg1: i32, %arg2: memref<32x125x80xi32, #tpu.memory_space<hbm>>, %arg3: memref<32x10112xf32, #tpu.memory_space<hbm>>, %arg4: memref<125x80xi32, #tpu.memory_space<vmem>>, %arg5: memref<10112xf32, #tpu.memory_space<vmem>>) attributes {dimension_semantics = [#tpu.dimension_semantics<core_parallel>, #tpu.dimension_semantics<subcore_parallel>], iteration_bounds = array<i64: 2, 16>, scalar_prefetch = 0 : i64, scratch_operands = 2 : i64, tpu.core_type = #tpu.core_type<sc_vector_subcore>, window_params = [{transform_indices = #map}, {transform_indices = #map1}]} {
    %mul3A = arith.constant 16 : i32
    %mul3A_0 = arith.muli %arg0, %mul3A : i32
    %add3A = arith.addi %mul3A_0, %arg1 : i32
    "tpu.region"() ({
      %run_scoped3A = tpu.sem_alloc : memref<!tpu.dma_semaphore, #tpu.memory_space<semaphore_mem>>
      %dma_start3A = arith.constant 0 : i32
      %dma_start3A_17 = arith.constant 0 : i32
      %dma_start3A_18 = tpu.memref_slice %arg2[%add3A, %dma_start3A, %dma_start3A_17] : memref<32x125x80xi32, #tpu.memory_space<hbm>> -> memref<1x125x80xi32, #tpu.memory_space<hbm>>
      %dma_start3A_19 = tpu.memref_squeeze %dma_start3A_18 : memref<1x125x80xi32, #tpu.memory_space<hbm>> -> memref<125x80xi32, #tpu.memory_space<hbm>>
      %dma_start3A_20 = arith.constant 0 : i32
      %dma_start3A_21 = arith.constant 0 : i32
      %dma_start3A_22 = tpu.memref_slice %arg2[%add3A, %dma_start3A_20, %dma_start3A_21] : memref<32x125x80xi32, #tpu.memory_space<hbm>> -> memref<1x125x80xi32, #tpu.memory_space<hbm>>
      %dma_start3A_23 = tpu.memref_squeeze %dma_start3A_22 : memref<1x125x80xi32, #tpu.memory_space<hbm>> -> memref<125x80xi32, #tpu.memory_space<hbm>>
      tpu.enqueue_dma source(%dma_start3A_23 : memref<125x80xi32, #tpu.memory_space<hbm>>) target(%arg4 : memref<125x80xi32, #tpu.memory_space<vmem>>) target_semaphore(%run_scoped3A : memref<!tpu.dma_semaphore, #tpu.memory_space<semaphore_mem>>)
      %dma_wait3A = arith.constant 0 : i32
      %dma_wait3A_24 = arith.constant 0 : i32
      %dma_wait3A_25 = tpu.memref_slice %arg2[%add3A, %dma_wait3A, %dma_wait3A_24] : memref<32x125x80xi32, #tpu.memory_space<hbm>> -> memref<1x125x80xi32, #tpu.memory_space<hbm>>
      %dma_wait3A_26 = tpu.memref_squeeze %dma_wait3A_25 : memref<1x125x80xi32, #tpu.memory_space<hbm>> -> memref<125x80xi32, #tpu.memory_space<hbm>>
      %dma_wait3A_27 = arith.constant 0 : i32
      %dma_wait3A_28 = arith.constant 0 : i32
      %dma_wait3A_29 = tpu.memref_slice %arg2[%add3A, %dma_wait3A_27, %dma_wait3A_28] : memref<32x125x80xi32, #tpu.memory_space<hbm>> -> memref<1x125x80xi32, #tpu.memory_space<hbm>>
      %dma_wait3A_30 = tpu.memref_squeeze %dma_wait3A_29 : memref<1x125x80xi32, #tpu.memory_space<hbm>> -> memref<125x80xi32, #tpu.memory_space<hbm>>
      tpu.wait_dma2 semaphore(%run_scoped3A : memref<!tpu.dma_semaphore, #tpu.memory_space<semaphore_mem>>) src(%dma_wait3A_30 : memref<125x80xi32, #tpu.memory_space<hbm>>) dst(%arg4 : memref<125x80xi32, #tpu.memory_space<vmem>>)
      tpu.yield
    }) : () -> ()
    %broadcast_in_dim3A = arith.constant 0.000000e+00 : f32
    %broadcast_in_dim3A_1 = vector.broadcast %broadcast_in_dim3A : f32 to vector<16xf32>
    %scan3A = arith.constant 0 : i32
    %scan3A_2 = arith.constant 0 : i32
    %scan3A_3 = arith.constant 632 : i32
    %scan3A_4 = arith.addi %scan3A_2, %scan3A_3 : i32
    %scan3A_5 = arith.constant 1 : i32
    %scan3A_6 = scf.for %scan3A_17 = %scan3A_2 to %scan3A_4 step %scan3A_5 iter_args(%scan3A_18 = %scan3A) -> (i32)  : i32 {
      %mul3A_19 = arith.constant 16 : i32
      %mul3A_20 = arith.muli %scan3A_17, %mul3A_19 : i32
      %swap3A = arith.index_cast %mul3A_20 : i32 to index
      %swap3A_21 = tpu.vector_load %arg5[%swap3A] {strides = array<i32>} : memref<10112xf32, #tpu.memory_space<vmem>>, vector<16xf32>,
      tpu.vector_store %arg5[%swap3A], %broadcast_in_dim3A_1 {strides = array<i32>} : memref<10112xf32, #tpu.memory_space<vmem>>, vector<16xf32>,
      %scan3A_22 = arith.constant 0 : i32
      scf.yield %scan3A_22 : i32
    }
    %scan3A_7 = arith.constant 632 : i32
    %broadcast_in_dim3A_8 = arith.constant 1.000000e+00 : f32
    %broadcast_in_dim3A_9 = vector.broadcast %broadcast_in_dim3A_8 : f32 to vector<16xf32>
    %scan3A_10 = arith.constant 0 : i32
    %scan3A_11 = arith.constant 0 : i32
    %scan3A_12 = arith.constant 625 : i32
    %scan3A_13 = arith.addi %scan3A_11, %scan3A_12 : i32
    %scan3A_14 = arith.constant 1 : i32
    %scan3A_15 = scf.for %scan3A_17 = %scan3A_11 to %scan3A_13 step %scan3A_14 iter_args(%scan3A_18 = %scan3A_10) -> (i32)  : i32 {
      %jit3A = arith.constant 5 : i32
      %div3A = arith.divsi %scan3A_17, %jit3A : i32
      %sign3A = arith.constant 0 : i32
      %sign3A_19 = arith.cmpi sgt, %scan3A_17, %sign3A : i32
      %sign3A_20 = arith.extui %sign3A_19 : i1 to i32
      %sign3A_21 = arith.constant 0 : i32
      %sign3A_22 = arith.cmpi slt, %scan3A_17, %sign3A_21 : i32
      %sign3A_23 = arith.extui %sign3A_22 : i1 to i32
      %sign3A_24 = arith.subi %sign3A_20, %sign3A_23 : i32
      %sign3A_25 = arith.constant 0 : i32
      %sign3A_26 = arith.cmpi sgt, %jit3A, %sign3A_25 : i32
      %sign3A_27 = arith.extui %sign3A_26 : i1 to i32
      %sign3A_28 = arith.constant 0 : i32
      %sign3A_29 = arith.cmpi slt, %jit3A, %sign3A_28 : i32
      %sign3A_30 = arith.extui %sign3A_29 : i1 to i32
      %sign3A_31 = arith.subi %sign3A_27, %sign3A_30 : i32
      %ne3A = arith.cmpi ne, %sign3A_24, %sign3A_31 : i32
      %rem3A = arith.remsi %scan3A_17, %jit3A : i32
      %ne3A_32 = arith.constant 0 : i32
      %ne3A_33 = arith.cmpi ne, %rem3A, %ne3A_32 : i32
      %and3A = arith.andi %ne3A, %ne3A_33 : i1
      %sub3A = arith.constant 1 : i32
      %sub3A_34 = arith.subi %div3A, %sub3A : i32
      %select_n3A = arith.select %and3A, %sub3A_34, %div3A : i32
      %jit3A_35 = arith.constant 5 : i32
      %eq3A = arith.constant 0 : i32
      %eq3A_36 = arith.cmpi eq, %jit3A_35, %eq3A : i32
      %jit3A_37 = arith.constant 1 : i32
      %select_n3A_38 = arith.select %eq3A_36, %jit3A_37, %jit3A_35 : i32
      %rem3A_39 = arith.remsi %scan3A_17, %select_n3A_38 : i32
      %ne3A_40 = arith.constant 0 : i32
      %ne3A_41 = arith.cmpi ne, %rem3A_39, %ne3A_40 : i32
      %lt3A = arith.constant 0 : i32
      %lt3A_42 = arith.cmpi slt, %rem3A_39, %lt3A : i32
      %lt3A_43 = arith.constant 0 : i32
      %lt3A_44 = arith.cmpi slt, %select_n3A_38, %lt3A_43 : i32
      %ne3A_45 = arith.xori %lt3A_42, %lt3A_44 : i1
      %and3A_46 = arith.andi %ne3A_45, %ne3A_41 : i1
      %add3A_47 = arith.addi %rem3A_39, %select_n3A_38 : i32
      %select_n3A_48 = arith.select %and3A_46, %add3A_47, %rem3A_39 : i32
      %mul3A_49 = arith.constant 16 : i32
      %mul3A_50 = arith.muli %select_n3A_48, %mul3A_49 : i32
      %get3A = arith.index_cast %select_n3A : i32 to index
      %get3A_51 = arith.index_cast %mul3A_50 : i32 to index
      %get3A_52 = tpu.vector_load %arg4[%get3A, %get3A_51] {strides = array<i32>} : memref<125x80xi32, #tpu.memory_space<vmem>>, vector<16xi32>,
      tpu.vector_store_idx %arg5[%get3A_52], %broadcast_in_dim3A_9 {add = true} : memref<10112xf32, #tpu.memory_space<vmem>>[vector<16xi32>], vector<16xf32>,
      %scan3A_53 = arith.constant 0 : i32
      scf.yield %scan3A_53 : i32
    }
    %scan3A_16 = arith.constant 625 : i32
    "tpu.region"() ({
      %run_scoped3A = tpu.sem_alloc : memref<!tpu.dma_semaphore, #tpu.memory_space<semaphore_mem>>
      %dma_start3A = arith.constant 0 : i32
      %dma_start3A_17 = tpu.memref_slice %arg3[%add3A, %dma_start3A] : memref<32x10112xf32, #tpu.memory_space<hbm>> -> memref<1x10112xf32, #tpu.memory_space<hbm>>
      %dma_start3A_18 = tpu.memref_squeeze %dma_start3A_17 : memref<1x10112xf32, #tpu.memory_space<hbm>> -> memref<10112xf32, #tpu.memory_space<hbm>>
      %dma_start3A_19 = arith.constant 0 : i32
      %dma_start3A_20 = tpu.memref_slice %arg3[%add3A, %dma_start3A_19] : memref<32x10112xf32, #tpu.memory_space<hbm>> -> memref<1x10112xf32, #tpu.memory_space<hbm>>
      %dma_start3A_21 = tpu.memref_squeeze %dma_start3A_20 : memref<1x10112xf32, #tpu.memory_space<hbm>> -> memref<10112xf32, #tpu.memory_space<hbm>>
      tpu.enqueue_dma source(%arg5 : memref<10112xf32, #tpu.memory_space<vmem>>) target(%dma_start3A_21 : memref<10112xf32, #tpu.memory_space<hbm>>) target_semaphore(%run_scoped3A : memref<!tpu.dma_semaphore, #tpu.memory_space<semaphore_mem>>)
      %dma_wait3A = arith.constant 0 : i32
      %dma_wait3A_22 = tpu.memref_slice %arg3[%add3A, %dma_wait3A] : memref<32x10112xf32, #tpu.memory_space<hbm>> -> memref<1x10112xf32, #tpu.memory_space<hbm>>
      %dma_wait3A_23 = tpu.memref_squeeze %dma_wait3A_22 : memref<1x10112xf32, #tpu.memory_space<hbm>> -> memref<10112xf32, #tpu.memory_space<hbm>>
      %dma_wait3A_24 = arith.constant 0 : i32
      %dma_wait3A_25 = tpu.memref_slice %arg3[%add3A, %dma_wait3A_24] : memref<32x10112xf32, #tpu.memory_space<hbm>> -> memref<1x10112xf32, #tpu.memory_space<hbm>>
      %dma_wait3A_26 = tpu.memref_squeeze %dma_wait3A_25 : memref<1x10112xf32, #tpu.memory_space<hbm>> -> memref<10112xf32, #tpu.memory_space<hbm>>
      tpu.wait_dma2 semaphore(%run_scoped3A : memref<!tpu.dma_semaphore, #tpu.memory_space<semaphore_mem>>) src(%arg5 : memref<10112xf32, #tpu.memory_space<vmem>>) dst(%dma_wait3A_26 : memref<10112xf32, #tpu.memory_space<hbm>>)
      tpu.yield
    }) : () -> ()
    return
  }
}

#map = affine_map<(d0, d1) -> (0, 0)>
#map1 = affine_map<(d0, d1) -> (0, 0, 0, 0)>
#map2 = affine_map<(d0, d1) -> (0, 0, 0)>
module attributes {stable_mosaic.version = 14 : i64} {
  func.func @conv(%arg0: i32, %arg1: i32, %arg2: memref<10000x128xf32, #tpu.memory_space<hbm>>, %arg3: memref<400x128xf32, #tpu.memory_space<hbm>>, %arg4: memref<32x5x25x80xi32, #tpu.memory_space<hbm>>, %arg5: memref<32x5x25x80xi32, #tpu.memory_space<hbm>>, %arg6: memref<32x5x25x80xi32, #tpu.memory_space<hbm>>, %arg7: memref<2x10112x128xf32, #tpu.memory_space<hbm>>, %arg8: memref<25x80xi32, #tpu.memory_space<vmem>>, %arg9: memref<25x80xi32, #tpu.memory_space<vmem>>, %arg10: memref<25x80xi32, #tpu.memory_space<vmem>>, %arg11: memref<80x128xf32, #tpu.memory_space<vmem>>, %arg12: memref<80x128xf32, #tpu.memory_space<vmem>>, %arg13: memref<10112x128xf32, #tpu.memory_space<vmem_shared>>, %arg14: memref<!tpu.dma_semaphore, #tpu.memory_space<semaphore_mem>>, %arg15: memref<!tpu.dma_semaphore, #tpu.memory_space<semaphore_mem>>) attributes {dimension_semantics = [#tpu.dimension_semantics<core_parallel>, #tpu.dimension_semantics<subcore_parallel>], iteration_bounds = array<i64: 2, 16>, scalar_prefetch = 0 : i64, scratch_operands = 8 : i64, tpu.core_type = #tpu.core_type<sc_vector_subcore>, window_params = [{transform_indices = #map}, {transform_indices = #map}, {transform_indices = #map1}, {transform_indices = #map1}, {transform_indices = #map1}, {transform_indices = #map2}]} {
    %mul3A = arith.constant 16 : i32
    %mul3A_0 = arith.muli %arg0, %mul3A : i32
    %add3A = arith.addi %mul3A_0, %arg1 : i32
    %broadcast_in_dim3A = arith.constant 0.000000e+00 : f32
    %broadcast_in_dim3A_1 = vector.broadcast %broadcast_in_dim3A : f32 to vector<16xf32>
    %scan3A = arith.constant 0 : i32
    %scan3A_2 = arith.constant 0 : i32
    %scan3A_3 = arith.constant 80 : i32
    %scan3A_4 = arith.addi %scan3A_2, %scan3A_3 : i32
    %scan3A_5 = arith.constant 1 : i32
    %scan3A_6 = scf.for %scan3A_34 = %scan3A_2 to %scan3A_4 step %scan3A_5 iter_args(%scan3A_35 = %scan3A) -> (i32)  : i32 {
      %swap3A = arith.index_cast %scan3A_34 : i32 to index
      %swap3A_36 = arith.constant 0 : index
      %swap3A_37 = tpu.vector_load %arg11[%swap3A, %swap3A_36] {strides = array<i32>} : memref<80x128xf32, #tpu.memory_space<vmem>>, vector<1x16xf32>,
      %swap3A_38 = vector.shape_cast %swap3A_37 : vector<1x16xf32> to vector<16xf32>
      %swap3A_39 = vector.shape_cast %broadcast_in_dim3A_1 : vector<16xf32> to vector<1x16xf32>
      tpu.vector_store %arg11[%swap3A, %swap3A_36], %swap3A_39 {strides = array<i32>} : memref<80x128xf32, #tpu.memory_space<vmem>>, vector<1x16xf32>,
      %swap3A_40 = arith.index_cast %scan3A_34 : i32 to index
      %swap3A_41 = arith.constant 16 : index
      %swap3A_42 = tpu.vector_load %arg11[%swap3A_40, %swap3A_41] {strides = array<i32>} : memref<80x128xf32, #tpu.memory_space<vmem>>, vector<1x16xf32>,
      %swap3A_43 = vector.shape_cast %swap3A_42 : vector<1x16xf32> to vector<16xf32>
      %swap3A_44 = vector.shape_cast %broadcast_in_dim3A_1 : vector<16xf32> to vector<1x16xf32>
      tpu.vector_store %arg11[%swap3A_40, %swap3A_41], %swap3A_44 {strides = array<i32>} : memref<80x128xf32, #tpu.memory_space<vmem>>, vector<1x16xf32>,
      %swap3A_45 = arith.index_cast %scan3A_34 : i32 to index
      %swap3A_46 = arith.constant 32 : index
      %swap3A_47 = tpu.vector_load %arg11[%swap3A_45, %swap3A_46] {strides = array<i32>} : memref<80x128xf32, #tpu.memory_space<vmem>>, vector<1x16xf32>,
      %swap3A_48 = vector.shape_cast %swap3A_47 : vector<1x16xf32> to vector<16xf32>
      %swap3A_49 = vector.shape_cast %broadcast_in_dim3A_1 : vector<16xf32> to vector<1x16xf32>
      tpu.vector_store %arg11[%swap3A_45, %swap3A_46], %swap3A_49 {strides = array<i32>} : memref<80x128xf32, #tpu.memory_space<vmem>>, vector<1x16xf32>,
      %swap3A_50 = arith.index_cast %scan3A_34 : i32 to index
      %swap3A_51 = arith.constant 48 : index
      %swap3A_52 = tpu.vector_load %arg11[%swap3A_50, %swap3A_51] {strides = array<i32>} : memref<80x128xf32, #tpu.memory_space<vmem>>, vector<1x16xf32>,
      %swap3A_53 = vector.shape_cast %swap3A_52 : vector<1x16xf32> to vector<16xf32>
      %swap3A_54 = vector.shape_cast %broadcast_in_dim3A_1 : vector<16xf32> to vector<1x16xf32>
      tpu.vector_store %arg11[%swap3A_50, %swap3A_51], %swap3A_54 {strides = array<i32>} : memref<80x128xf32, #tpu.memory_space<vmem>>, vector<1x16xf32>,
      %swap3A_55 = arith.index_cast %scan3A_34 : i32 to index
      %swap3A_56 = arith.constant 64 : index
      %swap3A_57 = tpu.vector_load %arg11[%swap3A_55, %swap3A_56] {strides = array<i32>} : memref<80x128xf32, #tpu.memory_space<vmem>>, vector<1x16xf32>,
      %swap3A_58 = vector.shape_cast %swap3A_57 : vector<1x16xf32> to vector<16xf32>
      %swap3A_59 = vector.shape_cast %broadcast_in_dim3A_1 : vector<16xf32> to vector<1x16xf32>
      tpu.vector_store %arg11[%swap3A_55, %swap3A_56], %swap3A_59 {strides = array<i32>} : memref<80x128xf32, #tpu.memory_space<vmem>>, vector<1x16xf32>,
      %swap3A_60 = arith.index_cast %scan3A_34 : i32 to index
      %swap3A_61 = arith.constant 80 : index
      %swap3A_62 = tpu.vector_load %arg11[%swap3A_60, %swap3A_61] {strides = array<i32>} : memref<80x128xf32, #tpu.memory_space<vmem>>, vector<1x16xf32>,
      %swap3A_63 = vector.shape_cast %swap3A_62 : vector<1x16xf32> to vector<16xf32>
      %swap3A_64 = vector.shape_cast %broadcast_in_dim3A_1 : vector<16xf32> to vector<1x16xf32>
      tpu.vector_store %arg11[%swap3A_60, %swap3A_61], %swap3A_64 {strides = array<i32>} : memref<80x128xf32, #tpu.memory_space<vmem>>, vector<1x16xf32>,
      %swap3A_65 = arith.index_cast %scan3A_34 : i32 to index
      %swap3A_66 = arith.constant 96 : index
      %swap3A_67 = tpu.vector_load %arg11[%swap3A_65, %swap3A_66] {strides = array<i32>} : memref<80x128xf32, #tpu.memory_space<vmem>>, vector<1x16xf32>,
      %swap3A_68 = vector.shape_cast %swap3A_67 : vector<1x16xf32> to vector<16xf32>
      %swap3A_69 = vector.shape_cast %broadcast_in_dim3A_1 : vector<16xf32> to vector<1x16xf32>
      tpu.vector_store %arg11[%swap3A_65, %swap3A_66], %swap3A_69 {strides = array<i32>} : memref<80x128xf32, #tpu.memory_space<vmem>>, vector<1x16xf32>,
      %swap3A_70 = arith.index_cast %scan3A_34 : i32 to index
      %swap3A_71 = arith.constant 112 : index
      %swap3A_72 = tpu.vector_load %arg11[%swap3A_70, %swap3A_71] {strides = array<i32>} : memref<80x128xf32, #tpu.memory_space<vmem>>, vector<1x16xf32>,
      %swap3A_73 = vector.shape_cast %swap3A_72 : vector<1x16xf32> to vector<16xf32>
      %swap3A_74 = vector.shape_cast %broadcast_in_dim3A_1 : vector<16xf32> to vector<1x16xf32>
      tpu.vector_store %arg11[%swap3A_70, %swap3A_71], %swap3A_74 {strides = array<i32>} : memref<80x128xf32, #tpu.memory_space<vmem>>, vector<1x16xf32>,
      %scan3A_75 = arith.constant 0 : i32
      scf.yield %scan3A_75 : i32
    }
    %scan3A_7 = arith.constant 80 : i32
    %mul3A_8 = arith.constant 632 : i32
    %mul3A_9 = arith.muli %arg1, %mul3A_8 : i32
    %add3A_10 = arith.constant 0 : i32
    %add3A_11 = arith.addi %mul3A_9, %add3A_10 : i32
    "tpu.region"() ({
      %run_scoped3A = tpu.sem_alloc : memref<!tpu.dma_semaphore, #tpu.memory_space<semaphore_mem>>
      %dma_start3A = arith.constant 0 : i32
      %dma_start3A_34 = arith.constant 0 : i32
      %dma_start3A_35 = tpu.memref_slice %arg11[%dma_start3A, %dma_start3A_34] : memref<80x128xf32, #tpu.memory_space<vmem>> -> memref<80x128xf32, #tpu.memory_space<vmem>>
      %dma_start3A_36 = arith.constant 0 : i32
      %dma_start3A_37 = tpu.memref_slice %arg13[%add3A_11, %dma_start3A_36] : memref<10112x128xf32, #tpu.memory_space<vmem_shared>> -> memref<80x128xf32, #tpu.memory_space<vmem_shared>>
      %dma_start3A_38 = arith.constant 0 : i32
      %dma_start3A_39 = tpu.memref_slice %arg13[%add3A_11, %dma_start3A_38] : memref<10112x128xf32, #tpu.memory_space<vmem_shared>> -> memref<80x128xf32, #tpu.memory_space<vmem_shared>>
      %dma_start3A_40 = arith.constant 0 : i32
      %dma_start3A_41 = arith.constant 0 : i32
      %dma_start3A_42 = tpu.memref_slice %arg11[%dma_start3A_40, %dma_start3A_41] : memref<80x128xf32, #tpu.memory_space<vmem>> -> memref<80x128xf32, #tpu.memory_space<vmem>>
      tpu.enqueue_dma source(%dma_start3A_42 : memref<80x128xf32, #tpu.memory_space<vmem>>) target(%dma_start3A_39 : memref<80x128xf32, #tpu.memory_space<vmem_shared>>) target_semaphore(%run_scoped3A : memref<!tpu.dma_semaphore, #tpu.memory_space<semaphore_mem>>)
      %dma_wait3A = arith.constant 0 : i32
      %dma_wait3A_43 = arith.constant 0 : i32
      %dma_wait3A_44 = tpu.memref_slice %arg11[%dma_wait3A, %dma_wait3A_43] : memref<80x128xf32, #tpu.memory_space<vmem>> -> memref<80x128xf32, #tpu.memory_space<vmem>>
      %dma_wait3A_45 = arith.constant 0 : i32
      %dma_wait3A_46 = tpu.memref_slice %arg13[%add3A_11, %dma_wait3A_45] : memref<10112x128xf32, #tpu.memory_space<vmem_shared>> -> memref<80x128xf32, #tpu.memory_space<vmem_shared>>
      %dma_wait3A_47 = arith.constant 0 : i32
      %dma_wait3A_48 = tpu.memref_slice %arg13[%add3A_11, %dma_wait3A_47] : memref<10112x128xf32, #tpu.memory_space<vmem_shared>> -> memref<80x128xf32, #tpu.memory_space<vmem_shared>>
      %dma_wait3A_49 = arith.constant 0 : i32
      %dma_wait3A_50 = arith.constant 0 : i32
      %dma_wait3A_51 = tpu.memref_slice %arg11[%dma_wait3A_49, %dma_wait3A_50] : memref<80x128xf32, #tpu.memory_space<vmem>> -> memref<80x128xf32, #tpu.memory_space<vmem>>
      tpu.wait_dma2 semaphore(%run_scoped3A : memref<!tpu.dma_semaphore, #tpu.memory_space<semaphore_mem>>) src(%dma_wait3A_51 : memref<80x128xf32, #tpu.memory_space<vmem>>) dst(%dma_wait3A_48 : memref<80x128xf32, #tpu.memory_space<vmem_shared>>)
      tpu.yield
    }) : () -> ()
    %add3A_12 = arith.constant 80 : i32
    %add3A_13 = arith.addi %mul3A_9, %add3A_12 : i32
    "tpu.region"() ({
      %run_scoped3A = tpu.sem_alloc : memref<!tpu.dma_semaphore, #tpu.memory_space<semaphore_mem>>
      %dma_start3A = arith.constant 0 : i32
      %dma_start3A_34 = arith.constant 0 : i32
      %dma_start3A_35 = tpu.memref_slice %arg11[%dma_start3A, %dma_start3A_34] : memref<80x128xf32, #tpu.memory_space<vmem>> -> memref<80x128xf32, #tpu.memory_space<vmem>>
      %dma_start3A_36 = arith.constant 0 : i32
      %dma_start3A_37 = tpu.memref_slice %arg13[%add3A_13, %dma_start3A_36] : memref<10112x128xf32, #tpu.memory_space<vmem_shared>> -> memref<80x128xf32, #tpu.memory_space<vmem_shared>>
      %dma_start3A_38 = arith.constant 0 : i32
      %dma_start3A_39 = tpu.memref_slice %arg13[%add3A_13, %dma_start3A_38] : memref<10112x128xf32, #tpu.memory_space<vmem_shared>> -> memref<80x128xf32, #tpu.memory_space<vmem_shared>>
      %dma_start3A_40 = arith.constant 0 : i32
      %dma_start3A_41 = arith.constant 0 : i32
      %dma_start3A_42 = tpu.memref_slice %arg11[%dma_start3A_40, %dma_start3A_41] : memref<80x128xf32, #tpu.memory_space<vmem>> -> memref<80x128xf32, #tpu.memory_space<vmem>>
      tpu.enqueue_dma source(%dma_start3A_42 : memref<80x128xf32, #tpu.memory_space<vmem>>) target(%dma_start3A_39 : memref<80x128xf32, #tpu.memory_space<vmem_shared>>) target_semaphore(%run_scoped3A : memref<!tpu.dma_semaphore, #tpu.memory_space<semaphore_mem>>)
      %dma_wait3A = arith.constant 0 : i32
      %dma_wait3A_43 = arith.constant 0 : i32
      %dma_wait3A_44 = tpu.memref_slice %arg11[%dma_wait3A, %dma_wait3A_43] : memref<80x128xf32, #tpu.memory_space<vmem>> -> memref<80x128xf32, #tpu.memory_space<vmem>>
      %dma_wait3A_45 = arith.constant 0 : i32
      %dma_wait3A_46 = tpu.memref_slice %arg13[%add3A_13, %dma_wait3A_45] : memref<10112x128xf32, #tpu.memory_space<vmem_shared>> -> memref<80x128xf32, #tpu.memory_space<vmem_shared>>
      %dma_wait3A_47 = arith.constant 0 : i32
      %dma_wait3A_48 = tpu.memref_slice %arg13[%add3A_13, %dma_wait3A_47] : memref<10112x128xf32, #tpu.memory_space<vmem_shared>> -> memref<80x128xf32, #tpu.memory_space<vmem_shared>>
      %dma_wait3A_49 = arith.constant 0 : i32
      %dma_wait3A_50 = arith.constant 0 : i32
      %dma_wait3A_51 = tpu.memref_slice %arg11[%dma_wait3A_49, %dma_wait3A_50] : memref<80x128xf32, #tpu.memory_space<vmem>> -> memref<80x128xf32, #tpu.memory_space<vmem>>
      tpu.wait_dma2 semaphore(%run_scoped3A : memref<!tpu.dma_semaphore, #tpu.memory_space<semaphore_mem>>) src(%dma_wait3A_51 : memref<80x128xf32, #tpu.memory_space<vmem>>) dst(%dma_wait3A_48 : memref<80x128xf32, #tpu.memory_space<vmem_shared>>)
      tpu.yield
    }) : () -> ()
    %add3A_14 = arith.constant 160 : i32
    %add3A_15 = arith.addi %mul3A_9, %add3A_14 : i32
    "tpu.region"() ({
      %run_scoped3A = tpu.sem_alloc : memref<!tpu.dma_semaphore, #tpu.memory_space<semaphore_mem>>
      %dma_start3A = arith.constant 0 : i32
      %dma_start3A_34 = arith.constant 0 : i32
      %dma_start3A_35 = tpu.memref_slice %arg11[%dma_start3A, %dma_start3A_34] : memref<80x128xf32, #tpu.memory_space<vmem>> -> memref<80x128xf32, #tpu.memory_space<vmem>>
      %dma_start3A_36 = arith.constant 0 : i32
      %dma_start3A_37 = tpu.memref_slice %arg13[%add3A_15, %dma_start3A_36] : memref<10112x128xf32, #tpu.memory_space<vmem_shared>> -> memref<80x128xf32, #tpu.memory_space<vmem_shared>>
      %dma_start3A_38 = arith.constant 0 : i32
      %dma_start3A_39 = tpu.memref_slice %arg13[%add3A_15, %dma_start3A_38] : memref<10112x128xf32, #tpu.memory_space<vmem_shared>> -> memref<80x128xf32, #tpu.memory_space<vmem_shared>>
      %dma_start3A_40 = arith.constant 0 : i32
      %dma_start3A_41 = arith.constant 0 : i32
      %dma_start3A_42 = tpu.memref_slice %arg11[%dma_start3A_40, %dma_start3A_41] : memref<80x128xf32, #tpu.memory_space<vmem>> -> memref<80x128xf32, #tpu.memory_space<vmem>>
      tpu.enqueue_dma source(%dma_start3A_42 : memref<80x128xf32, #tpu.memory_space<vmem>>) target(%dma_start3A_39 : memref<80x128xf32, #tpu.memory_space<vmem_shared>>) target_semaphore(%run_scoped3A : memref<!tpu.dma_semaphore, #tpu.memory_space<semaphore_mem>>)
      %dma_wait3A = arith.constant 0 : i32
      %dma_wait3A_43 = arith.constant 0 : i32
      %dma_wait3A_44 = tpu.memref_slice %arg11[%dma_wait3A, %dma_wait3A_43] : memref<80x128xf32, #tpu.memory_space<vmem>> -> memref<80x128xf32, #tpu.memory_space<vmem>>
      %dma_wait3A_45 = arith.constant 0 : i32
      %dma_wait3A_46 = tpu.memref_slice %arg13[%add3A_15, %dma_wait3A_45] : memref<10112x128xf32, #tpu.memory_space<vmem_shared>> -> memref<80x128xf32, #tpu.memory_space<vmem_shared>>
      %dma_wait3A_47 = arith.constant 0 : i32
      %dma_wait3A_48 = tpu.memref_slice %arg13[%add3A_15, %dma_wait3A_47] : memref<10112x128xf32, #tpu.memory_space<vmem_shared>> -> memref<80x128xf32, #tpu.memory_space<vmem_shared>>
      %dma_wait3A_49 = arith.constant 0 : i32
      %dma_wait3A_50 = arith.constant 0 : i32
      %dma_wait3A_51 = tpu.memref_slice %arg11[%dma_wait3A_49, %dma_wait3A_50] : memref<80x128xf32, #tpu.memory_space<vmem>> -> memref<80x128xf32, #tpu.memory_space<vmem>>
      tpu.wait_dma2 semaphore(%run_scoped3A : memref<!tpu.dma_semaphore, #tpu.memory_space<semaphore_mem>>) src(%dma_wait3A_51 : memref<80x128xf32, #tpu.memory_space<vmem>>) dst(%dma_wait3A_48 : memref<80x128xf32, #tpu.memory_space<vmem_shared>>)
      tpu.yield
    }) : () -> ()
    %add3A_16 = arith.constant 240 : i32
    %add3A_17 = arith.addi %mul3A_9, %add3A_16 : i32
    "tpu.region"() ({
      %run_scoped3A = tpu.sem_alloc : memref<!tpu.dma_semaphore, #tpu.memory_space<semaphore_mem>>
      %dma_start3A = arith.constant 0 : i32
      %dma_start3A_34 = arith.constant 0 : i32
      %dma_start3A_35 = tpu.memref_slice %arg11[%dma_start3A, %dma_start3A_34] : memref<80x128xf32, #tpu.memory_space<vmem>> -> memref<80x128xf32, #tpu.memory_space<vmem>>
      %dma_start3A_36 = arith.constant 0 : i32
      %dma_start3A_37 = tpu.memref_slice %arg13[%add3A_17, %dma_start3A_36] : memref<10112x128xf32, #tpu.memory_space<vmem_shared>> -> memref<80x128xf32, #tpu.memory_space<vmem_shared>>
      %dma_start3A_38 = arith.constant 0 : i32
      %dma_start3A_39 = tpu.memref_slice %arg13[%add3A_17, %dma_start3A_38] : memref<10112x128xf32, #tpu.memory_space<vmem_shared>> -> memref<80x128xf32, #tpu.memory_space<vmem_shared>>
      %dma_start3A_40 = arith.constant 0 : i32
      %dma_start3A_41 = arith.constant 0 : i32
      %dma_start3A_42 = tpu.memref_slice %arg11[%dma_start3A_40, %dma_start3A_41] : memref<80x128xf32, #tpu.memory_space<vmem>> -> memref<80x128xf32, #tpu.memory_space<vmem>>
      tpu.enqueue_dma source(%dma_start3A_42 : memref<80x128xf32, #tpu.memory_space<vmem>>) target(%dma_start3A_39 : memref<80x128xf32, #tpu.memory_space<vmem_shared>>) target_semaphore(%run_scoped3A : memref<!tpu.dma_semaphore, #tpu.memory_space<semaphore_mem>>)
      %dma_wait3A = arith.constant 0 : i32
      %dma_wait3A_43 = arith.constant 0 : i32
      %dma_wait3A_44 = tpu.memref_slice %arg11[%dma_wait3A, %dma_wait3A_43] : memref<80x128xf32, #tpu.memory_space<vmem>> -> memref<80x128xf32, #tpu.memory_space<vmem>>
      %dma_wait3A_45 = arith.constant 0 : i32
      %dma_wait3A_46 = tpu.memref_slice %arg13[%add3A_17, %dma_wait3A_45] : memref<10112x128xf32, #tpu.memory_space<vmem_shared>> -> memref<80x128xf32, #tpu.memory_space<vmem_shared>>
      %dma_wait3A_47 = arith.constant 0 : i32
      %dma_wait3A_48 = tpu.memref_slice %arg13[%add3A_17, %dma_wait3A_47] : memref<10112x128xf32, #tpu.memory_space<vmem_shared>> -> memref<80x128xf32, #tpu.memory_space<vmem_shared>>
      %dma_wait3A_49 = arith.constant 0 : i32
      %dma_wait3A_50 = arith.constant 0 : i32
      %dma_wait3A_51 = tpu.memref_slice %arg11[%dma_wait3A_49, %dma_wait3A_50] : memref<80x128xf32, #tpu.memory_space<vmem>> -> memref<80x128xf32, #tpu.memory_space<vmem>>
      tpu.wait_dma2 semaphore(%run_scoped3A : memref<!tpu.dma_semaphore, #tpu.memory_space<semaphore_mem>>) src(%dma_wait3A_51 : memref<80x128xf32, #tpu.memory_space<vmem>>) dst(%dma_wait3A_48 : memref<80x128xf32, #tpu.memory_space<vmem_shared>>)
      tpu.yield
    }) : () -> ()
    %add3A_18 = arith.constant 320 : i32
    %add3A_19 = arith.addi %mul3A_9, %add3A_18 : i32
    "tpu.region"() ({
      %run_scoped3A = tpu.sem_alloc : memref<!tpu.dma_semaphore, #tpu.memory_space<semaphore_mem>>
      %dma_start3A = arith.constant 0 : i32
      %dma_start3A_34 = arith.constant 0 : i32
      %dma_start3A_35 = tpu.memref_slice %arg11[%dma_start3A, %dma_start3A_34] : memref<80x128xf32, #tpu.memory_space<vmem>> -> memref<80x128xf32, #tpu.memory_space<vmem>>
      %dma_start3A_36 = arith.constant 0 : i32
      %dma_start3A_37 = tpu.memref_slice %arg13[%add3A_19, %dma_start3A_36] : memref<10112x128xf32, #tpu.memory_space<vmem_shared>> -> memref<80x128xf32, #tpu.memory_space<vmem_shared>>
      %dma_start3A_38 = arith.constant 0 : i32
      %dma_start3A_39 = tpu.memref_slice %arg13[%add3A_19, %dma_start3A_38] : memref<10112x128xf32, #tpu.memory_space<vmem_shared>> -> memref<80x128xf32, #tpu.memory_space<vmem_shared>>
      %dma_start3A_40 = arith.constant 0 : i32
      %dma_start3A_41 = arith.constant 0 : i32
      %dma_start3A_42 = tpu.memref_slice %arg11[%dma_start3A_40, %dma_start3A_41] : memref<80x128xf32, #tpu.memory_space<vmem>> -> memref<80x128xf32, #tpu.memory_space<vmem>>
      tpu.enqueue_dma source(%dma_start3A_42 : memref<80x128xf32, #tpu.memory_space<vmem>>) target(%dma_start3A_39 : memref<80x128xf32, #tpu.memory_space<vmem_shared>>) target_semaphore(%run_scoped3A : memref<!tpu.dma_semaphore, #tpu.memory_space<semaphore_mem>>)
      %dma_wait3A = arith.constant 0 : i32
      %dma_wait3A_43 = arith.constant 0 : i32
      %dma_wait3A_44 = tpu.memref_slice %arg11[%dma_wait3A, %dma_wait3A_43] : memref<80x128xf32, #tpu.memory_space<vmem>> -> memref<80x128xf32, #tpu.memory_space<vmem>>
      %dma_wait3A_45 = arith.constant 0 : i32
      %dma_wait3A_46 = tpu.memref_slice %arg13[%add3A_19, %dma_wait3A_45] : memref<10112x128xf32, #tpu.memory_space<vmem_shared>> -> memref<80x128xf32, #tpu.memory_space<vmem_shared>>
      %dma_wait3A_47 = arith.constant 0 : i32
      %dma_wait3A_48 = tpu.memref_slice %arg13[%add3A_19, %dma_wait3A_47] : memref<10112x128xf32, #tpu.memory_space<vmem_shared>> -> memref<80x128xf32, #tpu.memory_space<vmem_shared>>
      %dma_wait3A_49 = arith.constant 0 : i32
      %dma_wait3A_50 = arith.constant 0 : i32
      %dma_wait3A_51 = tpu.memref_slice %arg11[%dma_wait3A_49, %dma_wait3A_50] : memref<80x128xf32, #tpu.memory_space<vmem>> -> memref<80x128xf32, #tpu.memory_space<vmem>>
      tpu.wait_dma2 semaphore(%run_scoped3A : memref<!tpu.dma_semaphore, #tpu.memory_space<semaphore_mem>>) src(%dma_wait3A_51 : memref<80x128xf32, #tpu.memory_space<vmem>>) dst(%dma_wait3A_48 : memref<80x128xf32, #tpu.memory_space<vmem_shared>>)
      tpu.yield
    }) : () -> ()
    %add3A_20 = arith.constant 400 : i32
    %add3A_21 = arith.addi %mul3A_9, %add3A_20 : i32
    "tpu.region"() ({
      %run_scoped3A = tpu.sem_alloc : memref<!tpu.dma_semaphore, #tpu.memory_space<semaphore_mem>>
      %dma_start3A = arith.constant 0 : i32
      %dma_start3A_34 = arith.constant 0 : i32
      %dma_start3A_35 = tpu.memref_slice %arg11[%dma_start3A, %dma_start3A_34] : memref<80x128xf32, #tpu.memory_space<vmem>> -> memref<80x128xf32, #tpu.memory_space<vmem>>
      %dma_start3A_36 = arith.constant 0 : i32
      %dma_start3A_37 = tpu.memref_slice %arg13[%add3A_21, %dma_start3A_36] : memref<10112x128xf32, #tpu.memory_space<vmem_shared>> -> memref<80x128xf32, #tpu.memory_space<vmem_shared>>
      %dma_start3A_38 = arith.constant 0 : i32
      %dma_start3A_39 = tpu.memref_slice %arg13[%add3A_21, %dma_start3A_38] : memref<10112x128xf32, #tpu.memory_space<vmem_shared>> -> memref<80x128xf32, #tpu.memory_space<vmem_shared>>
      %dma_start3A_40 = arith.constant 0 : i32
      %dma_start3A_41 = arith.constant 0 : i32
      %dma_start3A_42 = tpu.memref_slice %arg11[%dma_start3A_40, %dma_start3A_41] : memref<80x128xf32, #tpu.memory_space<vmem>> -> memref<80x128xf32, #tpu.memory_space<vmem>>
      tpu.enqueue_dma source(%dma_start3A_42 : memref<80x128xf32, #tpu.memory_space<vmem>>) target(%dma_start3A_39 : memref<80x128xf32, #tpu.memory_space<vmem_shared>>) target_semaphore(%run_scoped3A : memref<!tpu.dma_semaphore, #tpu.memory_space<semaphore_mem>>)
      %dma_wait3A = arith.constant 0 : i32
      %dma_wait3A_43 = arith.constant 0 : i32
      %dma_wait3A_44 = tpu.memref_slice %arg11[%dma_wait3A, %dma_wait3A_43] : memref<80x128xf32, #tpu.memory_space<vmem>> -> memref<80x128xf32, #tpu.memory_space<vmem>>
      %dma_wait3A_45 = arith.constant 0 : i32
      %dma_wait3A_46 = tpu.memref_slice %arg13[%add3A_21, %dma_wait3A_45] : memref<10112x128xf32, #tpu.memory_space<vmem_shared>> -> memref<80x128xf32, #tpu.memory_space<vmem_shared>>
      %dma_wait3A_47 = arith.constant 0 : i32
      %dma_wait3A_48 = tpu.memref_slice %arg13[%add3A_21, %dma_wait3A_47] : memref<10112x128xf32, #tpu.memory_space<vmem_shared>> -> memref<80x128xf32, #tpu.memory_space<vmem_shared>>
      %dma_wait3A_49 = arith.constant 0 : i32
      %dma_wait3A_50 = arith.constant 0 : i32
      %dma_wait3A_51 = tpu.memref_slice %arg11[%dma_wait3A_49, %dma_wait3A_50] : memref<80x128xf32, #tpu.memory_space<vmem>> -> memref<80x128xf32, #tpu.memory_space<vmem>>
      tpu.wait_dma2 semaphore(%run_scoped3A : memref<!tpu.dma_semaphore, #tpu.memory_space<semaphore_mem>>) src(%dma_wait3A_51 : memref<80x128xf32, #tpu.memory_space<vmem>>) dst(%dma_wait3A_48 : memref<80x128xf32, #tpu.memory_space<vmem_shared>>)
      tpu.yield
    }) : () -> ()
    %add3A_22 = arith.constant 480 : i32
    %add3A_23 = arith.addi %mul3A_9, %add3A_22 : i32
    "tpu.region"() ({
      %run_scoped3A = tpu.sem_alloc : memref<!tpu.dma_semaphore, #tpu.memory_space<semaphore_mem>>
      %dma_start3A = arith.constant 0 : i32
      %dma_start3A_34 = arith.constant 0 : i32
      %dma_start3A_35 = tpu.memref_slice %arg11[%dma_start3A, %dma_start3A_34] : memref<80x128xf32, #tpu.memory_space<vmem>> -> memref<80x128xf32, #tpu.memory_space<vmem>>
      %dma_start3A_36 = arith.constant 0 : i32
      %dma_start3A_37 = tpu.memref_slice %arg13[%add3A_23, %dma_start3A_36] : memref<10112x128xf32, #tpu.memory_space<vmem_shared>> -> memref<80x128xf32, #tpu.memory_space<vmem_shared>>
      %dma_start3A_38 = arith.constant 0 : i32
      %dma_start3A_39 = tpu.memref_slice %arg13[%add3A_23, %dma_start3A_38] : memref<10112x128xf32, #tpu.memory_space<vmem_shared>> -> memref<80x128xf32, #tpu.memory_space<vmem_shared>>
      %dma_start3A_40 = arith.constant 0 : i32
      %dma_start3A_41 = arith.constant 0 : i32
      %dma_start3A_42 = tpu.memref_slice %arg11[%dma_start3A_40, %dma_start3A_41] : memref<80x128xf32, #tpu.memory_space<vmem>> -> memref<80x128xf32, #tpu.memory_space<vmem>>
      tpu.enqueue_dma source(%dma_start3A_42 : memref<80x128xf32, #tpu.memory_space<vmem>>) target(%dma_start3A_39 : memref<80x128xf32, #tpu.memory_space<vmem_shared>>) target_semaphore(%run_scoped3A : memref<!tpu.dma_semaphore, #tpu.memory_space<semaphore_mem>>)
      %dma_wait3A = arith.constant 0 : i32
      %dma_wait3A_43 = arith.constant 0 : i32
      %dma_wait3A_44 = tpu.memref_slice %arg11[%dma_wait3A, %dma_wait3A_43] : memref<80x128xf32, #tpu.memory_space<vmem>> -> memref<80x128xf32, #tpu.memory_space<vmem>>
      %dma_wait3A_45 = arith.constant 0 : i32
      %dma_wait3A_46 = tpu.memref_slice %arg13[%add3A_23, %dma_wait3A_45] : memref<10112x128xf32, #tpu.memory_space<vmem_shared>> -> memref<80x128xf32, #tpu.memory_space<vmem_shared>>
      %dma_wait3A_47 = arith.constant 0 : i32
      %dma_wait3A_48 = tpu.memref_slice %arg13[%add3A_23, %dma_wait3A_47] : memref<10112x128xf32, #tpu.memory_space<vmem_shared>> -> memref<80x128xf32, #tpu.memory_space<vmem_shared>>
      %dma_wait3A_49 = arith.constant 0 : i32
      %dma_wait3A_50 = arith.constant 0 : i32
      %dma_wait3A_51 = tpu.memref_slice %arg11[%dma_wait3A_49, %dma_wait3A_50] : memref<80x128xf32, #tpu.memory_space<vmem>> -> memref<80x128xf32, #tpu.memory_space<vmem>>
      tpu.wait_dma2 semaphore(%run_scoped3A : memref<!tpu.dma_semaphore, #tpu.memory_space<semaphore_mem>>) src(%dma_wait3A_51 : memref<80x128xf32, #tpu.memory_space<vmem>>) dst(%dma_wait3A_48 : memref<80x128xf32, #tpu.memory_space<vmem_shared>>)
      tpu.yield
    }) : () -> ()
    %add3A_24 = arith.constant 560 : i32
    %add3A_25 = arith.addi %mul3A_9, %add3A_24 : i32
    "tpu.region"() ({
      %run_scoped3A = tpu.sem_alloc : memref<!tpu.dma_semaphore, #tpu.memory_space<semaphore_mem>>
      %dma_start3A = arith.constant 0 : i32
      %dma_start3A_34 = arith.constant 0 : i32
      %dma_start3A_35 = tpu.memref_slice %arg11[%dma_start3A, %dma_start3A_34] : memref<80x128xf32, #tpu.memory_space<vmem>> -> memref<72x128xf32, #tpu.memory_space<vmem>>
      %dma_start3A_36 = arith.constant 0 : i32
      %dma_start3A_37 = tpu.memref_slice %arg13[%add3A_25, %dma_start3A_36] : memref<10112x128xf32, #tpu.memory_space<vmem_shared>> -> memref<72x128xf32, #tpu.memory_space<vmem_shared>>
      %dma_start3A_38 = arith.constant 0 : i32
      %dma_start3A_39 = tpu.memref_slice %arg13[%add3A_25, %dma_start3A_38] : memref<10112x128xf32, #tpu.memory_space<vmem_shared>> -> memref<72x128xf32, #tpu.memory_space<vmem_shared>>
      %dma_start3A_40 = arith.constant 0 : i32
      %dma_start3A_41 = arith.constant 0 : i32
      %dma_start3A_42 = tpu.memref_slice %arg11[%dma_start3A_40, %dma_start3A_41] : memref<80x128xf32, #tpu.memory_space<vmem>> -> memref<72x128xf32, #tpu.memory_space<vmem>>
      tpu.enqueue_dma source(%dma_start3A_42 : memref<72x128xf32, #tpu.memory_space<vmem>>) target(%dma_start3A_39 : memref<72x128xf32, #tpu.memory_space<vmem_shared>>) target_semaphore(%run_scoped3A : memref<!tpu.dma_semaphore, #tpu.memory_space<semaphore_mem>>)
      %dma_wait3A = arith.constant 0 : i32
      %dma_wait3A_43 = arith.constant 0 : i32
      %dma_wait3A_44 = tpu.memref_slice %arg11[%dma_wait3A, %dma_wait3A_43] : memref<80x128xf32, #tpu.memory_space<vmem>> -> memref<72x128xf32, #tpu.memory_space<vmem>>
      %dma_wait3A_45 = arith.constant 0 : i32
      %dma_wait3A_46 = tpu.memref_slice %arg13[%add3A_25, %dma_wait3A_45] : memref<10112x128xf32, #tpu.memory_space<vmem_shared>> -> memref<72x128xf32, #tpu.memory_space<vmem_shared>>
      %dma_wait3A_47 = arith.constant 0 : i32
      %dma_wait3A_48 = tpu.memref_slice %arg13[%add3A_25, %dma_wait3A_47] : memref<10112x128xf32, #tpu.memory_space<vmem_shared>> -> memref<72x128xf32, #tpu.memory_space<vmem_shared>>
      %dma_wait3A_49 = arith.constant 0 : i32
      %dma_wait3A_50 = arith.constant 0 : i32
      %dma_wait3A_51 = tpu.memref_slice %arg11[%dma_wait3A_49, %dma_wait3A_50] : memref<80x128xf32, #tpu.memory_space<vmem>> -> memref<72x128xf32, #tpu.memory_space<vmem>>
      tpu.wait_dma2 semaphore(%run_scoped3A : memref<!tpu.dma_semaphore, #tpu.memory_space<semaphore_mem>>) src(%dma_wait3A_51 : memref<72x128xf32, #tpu.memory_space<vmem>>) dst(%dma_wait3A_48 : memref<72x128xf32, #tpu.memory_space<vmem_shared>>)
      tpu.yield
    }) : () -> ()
    %barrier3A = arith.constant 0 : index
    tpu.barrier barrier_id(%barrier3A)
    %scan3A_26 = arith.constant 0 : i32
    %scan3A_27 = arith.constant 0 : i32
    %scan3A_28 = arith.constant 5 : i32
    %scan3A_29 = arith.addi %scan3A_27, %scan3A_28 : i32
    %scan3A_30 = arith.constant 1 : i32
    %scan3A_31 = scf.for %scan3A_34 = %scan3A_27 to %scan3A_29 step %scan3A_30 iter_args(%scan3A_35 = %scan3A_26) -> (i32)  : i32 {
      "tpu.region"() ({
        %run_scoped3A = tpu.sem_alloc : memref<!tpu.dma_semaphore, #tpu.memory_space<semaphore_mem>>
        %dma_start3A = arith.constant 0 : i32
        %dma_start3A_44 = arith.constant 0 : i32
        %dma_start3A_45 = tpu.memref_slice %arg4[%add3A, %scan3A_34, %dma_start3A, %dma_start3A_44] : memref<32x5x25x80xi32, #tpu.memory_space<hbm>> -> memref<1x1x25x80xi32, #tpu.memory_space<hbm>>
        %dma_start3A_46 = tpu.memref_squeeze %dma_start3A_45 : memref<1x1x25x80xi32, #tpu.memory_space<hbm>> -> memref<25x80xi32, #tpu.memory_space<hbm>>
        %dma_start3A_47 = arith.constant 0 : i32
        %dma_start3A_48 = arith.constant 0 : i32
        %dma_start3A_49 = tpu.memref_slice %arg4[%add3A, %scan3A_34, %dma_start3A_47, %dma_start3A_48] : memref<32x5x25x80xi32, #tpu.memory_space<hbm>> -> memref<1x1x25x80xi32, #tpu.memory_space<hbm>>
        %dma_start3A_50 = tpu.memref_squeeze %dma_start3A_49 : memref<1x1x25x80xi32, #tpu.memory_space<hbm>> -> memref<25x80xi32, #tpu.memory_space<hbm>>
        tpu.enqueue_dma source(%dma_start3A_50 : memref<25x80xi32, #tpu.memory_space<hbm>>) target(%arg8 : memref<25x80xi32, #tpu.memory_space<vmem>>) target_semaphore(%run_scoped3A : memref<!tpu.dma_semaphore, #tpu.memory_space<semaphore_mem>>)
        %dma_wait3A = arith.constant 0 : i32
        %dma_wait3A_51 = arith.constant 0 : i32
        %dma_wait3A_52 = tpu.memref_slice %arg4[%add3A, %scan3A_34, %dma_wait3A, %dma_wait3A_51] : memref<32x5x25x80xi32, #tpu.memory_space<hbm>> -> memref<1x1x25x80xi32, #tpu.memory_space<hbm>>
        %dma_wait3A_53 = tpu.memref_squeeze %dma_wait3A_52 : memref<1x1x25x80xi32, #tpu.memory_space<hbm>> -> memref<25x80xi32, #tpu.memory_space<hbm>>
        %dma_wait3A_54 = arith.constant 0 : i32
        %dma_wait3A_55 = arith.constant 0 : i32
        %dma_wait3A_56 = tpu.memref_slice %arg4[%add3A, %scan3A_34, %dma_wait3A_54, %dma_wait3A_55] : memref<32x5x25x80xi32, #tpu.memory_space<hbm>> -> memref<1x1x25x80xi32, #tpu.memory_space<hbm>>
        %dma_wait3A_57 = tpu.memref_squeeze %dma_wait3A_56 : memref<1x1x25x80xi32, #tpu.memory_space<hbm>> -> memref<25x80xi32, #tpu.memory_space<hbm>>
        tpu.wait_dma2 semaphore(%run_scoped3A : memref<!tpu.dma_semaphore, #tpu.memory_space<semaphore_mem>>) src(%dma_wait3A_57 : memref<25x80xi32, #tpu.memory_space<hbm>>) dst(%arg8 : memref<25x80xi32, #tpu.memory_space<vmem>>)
        tpu.yield
      }) : () -> ()
      "tpu.region"() ({
        %run_scoped3A = tpu.sem_alloc : memref<!tpu.dma_semaphore, #tpu.memory_space<semaphore_mem>>
        %dma_start3A = arith.constant 0 : i32
        %dma_start3A_44 = arith.constant 0 : i32
        %dma_start3A_45 = tpu.memref_slice %arg5[%add3A, %scan3A_34, %dma_start3A, %dma_start3A_44] : memref<32x5x25x80xi32, #tpu.memory_space<hbm>> -> memref<1x1x25x80xi32, #tpu.memory_space<hbm>>
        %dma_start3A_46 = tpu.memref_squeeze %dma_start3A_45 : memref<1x1x25x80xi32, #tpu.memory_space<hbm>> -> memref<25x80xi32, #tpu.memory_space<hbm>>
        %dma_start3A_47 = arith.constant 0 : i32
        %dma_start3A_48 = arith.constant 0 : i32
        %dma_start3A_49 = tpu.memref_slice %arg5[%add3A, %scan3A_34, %dma_start3A_47, %dma_start3A_48] : memref<32x5x25x80xi32, #tpu.memory_space<hbm>> -> memref<1x1x25x80xi32, #tpu.memory_space<hbm>>
        %dma_start3A_50 = tpu.memref_squeeze %dma_start3A_49 : memref<1x1x25x80xi32, #tpu.memory_space<hbm>> -> memref<25x80xi32, #tpu.memory_space<hbm>>
        tpu.enqueue_dma source(%dma_start3A_50 : memref<25x80xi32, #tpu.memory_space<hbm>>) target(%arg9 : memref<25x80xi32, #tpu.memory_space<vmem>>) target_semaphore(%run_scoped3A : memref<!tpu.dma_semaphore, #tpu.memory_space<semaphore_mem>>)
        %dma_wait3A = arith.constant 0 : i32
        %dma_wait3A_51 = arith.constant 0 : i32
        %dma_wait3A_52 = tpu.memref_slice %arg5[%add3A, %scan3A_34, %dma_wait3A, %dma_wait3A_51] : memref<32x5x25x80xi32, #tpu.memory_space<hbm>> -> memref<1x1x25x80xi32, #tpu.memory_space<hbm>>
        %dma_wait3A_53 = tpu.memref_squeeze %dma_wait3A_52 : memref<1x1x25x80xi32, #tpu.memory_space<hbm>> -> memref<25x80xi32, #tpu.memory_space<hbm>>
        %dma_wait3A_54 = arith.constant 0 : i32
        %dma_wait3A_55 = arith.constant 0 : i32
        %dma_wait3A_56 = tpu.memref_slice %arg5[%add3A, %scan3A_34, %dma_wait3A_54, %dma_wait3A_55] : memref<32x5x25x80xi32, #tpu.memory_space<hbm>> -> memref<1x1x25x80xi32, #tpu.memory_space<hbm>>
        %dma_wait3A_57 = tpu.memref_squeeze %dma_wait3A_56 : memref<1x1x25x80xi32, #tpu.memory_space<hbm>> -> memref<25x80xi32, #tpu.memory_space<hbm>>
        tpu.wait_dma2 semaphore(%run_scoped3A : memref<!tpu.dma_semaphore, #tpu.memory_space<semaphore_mem>>) src(%dma_wait3A_57 : memref<25x80xi32, #tpu.memory_space<hbm>>) dst(%arg9 : memref<25x80xi32, #tpu.memory_space<vmem>>)
        tpu.yield
      }) : () -> ()
      "tpu.region"() ({
        %run_scoped3A = tpu.sem_alloc : memref<!tpu.dma_semaphore, #tpu.memory_space<semaphore_mem>>
        %dma_start3A = arith.constant 0 : i32
        %dma_start3A_44 = arith.constant 0 : i32
        %dma_start3A_45 = tpu.memref_slice %arg6[%add3A, %scan3A_34, %dma_start3A, %dma_start3A_44] : memref<32x5x25x80xi32, #tpu.memory_space<hbm>> -> memref<1x1x25x80xi32, #tpu.memory_space<hbm>>
        %dma_start3A_46 = tpu.memref_squeeze %dma_start3A_45 : memref<1x1x25x80xi32, #tpu.memory_space<hbm>> -> memref<25x80xi32, #tpu.memory_space<hbm>>
        %dma_start3A_47 = arith.constant 0 : i32
        %dma_start3A_48 = arith.constant 0 : i32
        %dma_start3A_49 = tpu.memref_slice %arg6[%add3A, %scan3A_34, %dma_start3A_47, %dma_start3A_48] : memref<32x5x25x80xi32, #tpu.memory_space<hbm>> -> memref<1x1x25x80xi32, #tpu.memory_space<hbm>>
        %dma_start3A_50 = tpu.memref_squeeze %dma_start3A_49 : memref<1x1x25x80xi32, #tpu.memory_space<hbm>> -> memref<25x80xi32, #tpu.memory_space<hbm>>
        tpu.enqueue_dma source(%dma_start3A_50 : memref<25x80xi32, #tpu.memory_space<hbm>>) target(%arg10 : memref<25x80xi32, #tpu.memory_space<vmem>>) target_semaphore(%run_scoped3A : memref<!tpu.dma_semaphore, #tpu.memory_space<semaphore_mem>>)
        %dma_wait3A = arith.constant 0 : i32
        %dma_wait3A_51 = arith.constant 0 : i32
        %dma_wait3A_52 = tpu.memref_slice %arg6[%add3A, %scan3A_34, %dma_wait3A, %dma_wait3A_51] : memref<32x5x25x80xi32, #tpu.memory_space<hbm>> -> memref<1x1x25x80xi32, #tpu.memory_space<hbm>>
        %dma_wait3A_53 = tpu.memref_squeeze %dma_wait3A_52 : memref<1x1x25x80xi32, #tpu.memory_space<hbm>> -> memref<25x80xi32, #tpu.memory_space<hbm>>
        %dma_wait3A_54 = arith.constant 0 : i32
        %dma_wait3A_55 = arith.constant 0 : i32
        %dma_wait3A_56 = tpu.memref_slice %arg6[%add3A, %scan3A_34, %dma_wait3A_54, %dma_wait3A_55] : memref<32x5x25x80xi32, #tpu.memory_space<hbm>> -> memref<1x1x25x80xi32, #tpu.memory_space<hbm>>
        %dma_wait3A_57 = tpu.memref_squeeze %dma_wait3A_56 : memref<1x1x25x80xi32, #tpu.memory_space<hbm>> -> memref<25x80xi32, #tpu.memory_space<hbm>>
        tpu.wait_dma2 semaphore(%run_scoped3A : memref<!tpu.dma_semaphore, #tpu.memory_space<semaphore_mem>>) src(%dma_wait3A_57 : memref<25x80xi32, #tpu.memory_space<hbm>>) dst(%arg10 : memref<25x80xi32, #tpu.memory_space<vmem>>)
        tpu.yield
      }) : () -> ()
      %scan3A_36 = arith.constant 0 : i32
      %scan3A_37 = arith.constant 0 : i32
      %scan3A_38 = arith.constant 25 : i32
      %scan3A_39 = arith.addi %scan3A_37, %scan3A_38 : i32
      %scan3A_40 = arith.constant 1 : i32
      %scan3A_41 = scf.for %scan3A_44 = %scan3A_37 to %scan3A_39 step %scan3A_40 iter_args(%scan3A_45 = %scan3A_36) -> (i32)  : i32 {
        %dma_start3A = arith.constant 0 : i32
        %dma_start3A_46 = tpu.memref_slice %arg8[%scan3A_44, %dma_start3A] : memref<25x80xi32, #tpu.memory_space<vmem>> -> memref<1x80xi32, #tpu.memory_space<vmem>>
        %dma_start3A_47 = tpu.memref_squeeze %dma_start3A_46 : memref<1x80xi32, #tpu.memory_space<vmem>> -> memref<80xi32, #tpu.memory_space<vmem>>
        %dma_start3A_48 = arith.constant 0 : i32
        %dma_start3A_49 = arith.constant 0 : i32
        %dma_start3A_50 = tpu.memref_slice %arg2[%dma_start3A_48, %dma_start3A_49] : memref<10000x128xf32, #tpu.memory_space<hbm>> -> memref<10000x128xf32, #tpu.memory_space<hbm>>
        tpu.enqueue_indirect_dma source(%dma_start3A_50 : memref<10000x128xf32, #tpu.memory_space<hbm>>) target(%arg11 : memref<80x128xf32, #tpu.memory_space<vmem>>) offsets(%dma_start3A_47 : memref<80xi32, #tpu.memory_space<vmem>>) semaphore(%arg14 : memref<!tpu.dma_semaphore, #tpu.memory_space<semaphore_mem>>)
        %dma_start3A_51 = arith.constant 0 : i32
        %dma_start3A_52 = tpu.memref_slice %arg10[%scan3A_44, %dma_start3A_51] : memref<25x80xi32, #tpu.memory_space<vmem>> -> memref<1x80xi32, #tpu.memory_space<vmem>>
        %dma_start3A_53 = tpu.memref_squeeze %dma_start3A_52 : memref<1x80xi32, #tpu.memory_space<vmem>> -> memref<80xi32, #tpu.memory_space<vmem>>
        %dma_start3A_54 = arith.constant 0 : i32
        %dma_start3A_55 = arith.constant 0 : i32
        %dma_start3A_56 = tpu.memref_slice %arg3[%dma_start3A_54, %dma_start3A_55] : memref<400x128xf32, #tpu.memory_space<hbm>> -> memref<400x128xf32, #tpu.memory_space<hbm>>
        tpu.enqueue_indirect_dma source(%dma_start3A_56 : memref<400x128xf32, #tpu.memory_space<hbm>>) target(%arg12 : memref<80x128xf32, #tpu.memory_space<vmem>>) offsets(%dma_start3A_53 : memref<80xi32, #tpu.memory_space<vmem>>) semaphore(%arg15 : memref<!tpu.dma_semaphore, #tpu.memory_space<semaphore_mem>>)
        %dma_wait3A = arith.constant 0 : i32
        %dma_wait3A_57 = tpu.memref_slice %arg8[%scan3A_44, %dma_wait3A] : memref<25x80xi32, #tpu.memory_space<vmem>> -> memref<1x80xi32, #tpu.memory_space<vmem>>
        %dma_wait3A_58 = tpu.memref_squeeze %dma_wait3A_57 : memref<1x80xi32, #tpu.memory_space<vmem>> -> memref<80xi32, #tpu.memory_space<vmem>>
        %dma_wait3A_59 = arith.constant 0 : i32
        %dma_wait3A_60 = arith.constant 0 : i32
        %dma_wait3A_61 = tpu.memref_slice %arg2[%dma_wait3A_59, %dma_wait3A_60] : memref<10000x128xf32, #tpu.memory_space<hbm>> -> memref<10000x128xf32, #tpu.memory_space<hbm>>
        tpu.wait_indirect_dma semaphore(%arg14 : memref<!tpu.dma_semaphore, #tpu.memory_space<semaphore_mem>>) src(%dma_wait3A_61 : memref<10000x128xf32, #tpu.memory_space<hbm>>) dst(%arg11 : memref<80x128xf32, #tpu.memory_space<vmem>>)
        %dma_wait3A_62 = arith.constant 0 : i32
        %dma_wait3A_63 = tpu.memref_slice %arg10[%scan3A_44, %dma_wait3A_62] : memref<25x80xi32, #tpu.memory_space<vmem>> -> memref<1x80xi32, #tpu.memory_space<vmem>>
        %dma_wait3A_64 = tpu.memref_squeeze %dma_wait3A_63 : memref<1x80xi32, #tpu.memory_space<vmem>> -> memref<80xi32, #tpu.memory_space<vmem>>
        %dma_wait3A_65 = arith.constant 0 : i32
        %dma_wait3A_66 = arith.constant 0 : i32
        %dma_wait3A_67 = tpu.memref_slice %arg3[%dma_wait3A_65, %dma_wait3A_66] : memref<400x128xf32, #tpu.memory_space<hbm>> -> memref<400x128xf32, #tpu.memory_space<hbm>>
        tpu.wait_indirect_dma semaphore(%arg15 : memref<!tpu.dma_semaphore, #tpu.memory_space<semaphore_mem>>) src(%dma_wait3A_67 : memref<400x128xf32, #tpu.memory_space<hbm>>) dst(%arg12 : memref<80x128xf32, #tpu.memory_space<vmem>>)
        %scan3A_68 = arith.constant 0 : i32
        %scan3A_69 = arith.constant 0 : i32
        %scan3A_70 = arith.constant 80 : i32
        %scan3A_71 = arith.addi %scan3A_69, %scan3A_70 : i32
        %scan3A_72 = arith.constant 1 : i32
        %scan3A_73 = scf.for %scan3A_76 = %scan3A_69 to %scan3A_71 step %scan3A_72 iter_args(%scan3A_77 = %scan3A_68) -> (i32)  : i32 {
          %get3A = arith.index_cast %scan3A_76 : i32 to index
          %get3A_78 = arith.constant 0 : index
          %get3A_79 = tpu.vector_load %arg11[%get3A, %get3A_78] {strides = array<i32>} : memref<80x128xf32, #tpu.memory_space<vmem>>, vector<1x16xf32>,
          %get3A_80 = vector.shape_cast %get3A_79 : vector<1x16xf32> to vector<16xf32>
          %get3A_81 = arith.index_cast %scan3A_76 : i32 to index
          %get3A_82 = arith.constant 0 : index
          %get3A_83 = tpu.vector_load %arg12[%get3A_81, %get3A_82] {strides = array<i32>} : memref<80x128xf32, #tpu.memory_space<vmem>>, vector<1x16xf32>,
          %get3A_84 = vector.shape_cast %get3A_83 : vector<1x16xf32> to vector<16xf32>
          %mul3A_85 = arith.mulf %get3A_80, %get3A_84 : vector<16xf32>
          %swap3A = arith.index_cast %scan3A_76 : i32 to index
          %swap3A_86 = arith.constant 0 : index
          %swap3A_87 = tpu.vector_load %arg11[%swap3A, %swap3A_86] {strides = array<i32>} : memref<80x128xf32, #tpu.memory_space<vmem>>, vector<1x16xf32>,
          %swap3A_88 = vector.shape_cast %swap3A_87 : vector<1x16xf32> to vector<16xf32>
          %swap3A_89 = vector.shape_cast %mul3A_85 : vector<16xf32> to vector<1x16xf32>
          tpu.vector_store %arg11[%swap3A, %swap3A_86], %swap3A_89 {strides = array<i32>} : memref<80x128xf32, #tpu.memory_space<vmem>>, vector<1x16xf32>,
          %get3A_90 = arith.index_cast %scan3A_76 : i32 to index
          %get3A_91 = arith.constant 16 : index
          %get3A_92 = tpu.vector_load %arg11[%get3A_90, %get3A_91] {strides = array<i32>} : memref<80x128xf32, #tpu.memory_space<vmem>>, vector<1x16xf32>,
          %get3A_93 = vector.shape_cast %get3A_92 : vector<1x16xf32> to vector<16xf32>
          %get3A_94 = arith.index_cast %scan3A_76 : i32 to index
          %get3A_95 = arith.constant 16 : index
          %get3A_96 = tpu.vector_load %arg12[%get3A_94, %get3A_95] {strides = array<i32>} : memref<80x128xf32, #tpu.memory_space<vmem>>, vector<1x16xf32>,
          %get3A_97 = vector.shape_cast %get3A_96 : vector<1x16xf32> to vector<16xf32>
          %mul3A_98 = arith.mulf %get3A_93, %get3A_97 : vector<16xf32>
          %swap3A_99 = arith.index_cast %scan3A_76 : i32 to index
          %swap3A_100 = arith.constant 16 : index
          %swap3A_101 = tpu.vector_load %arg11[%swap3A_99, %swap3A_100] {strides = array<i32>} : memref<80x128xf32, #tpu.memory_space<vmem>>, vector<1x16xf32>,
          %swap3A_102 = vector.shape_cast %swap3A_101 : vector<1x16xf32> to vector<16xf32>
          %swap3A_103 = vector.shape_cast %mul3A_98 : vector<16xf32> to vector<1x16xf32>
          tpu.vector_store %arg11[%swap3A_99, %swap3A_100], %swap3A_103 {strides = array<i32>} : memref<80x128xf32, #tpu.memory_space<vmem>>, vector<1x16xf32>,
          %get3A_104 = arith.index_cast %scan3A_76 : i32 to index
          %get3A_105 = arith.constant 32 : index
          %get3A_106 = tpu.vector_load %arg11[%get3A_104, %get3A_105] {strides = array<i32>} : memref<80x128xf32, #tpu.memory_space<vmem>>, vector<1x16xf32>,
          %get3A_107 = vector.shape_cast %get3A_106 : vector<1x16xf32> to vector<16xf32>
          %get3A_108 = arith.index_cast %scan3A_76 : i32 to index
          %get3A_109 = arith.constant 32 : index
          %get3A_110 = tpu.vector_load %arg12[%get3A_108, %get3A_109] {strides = array<i32>} : memref<80x128xf32, #tpu.memory_space<vmem>>, vector<1x16xf32>,
          %get3A_111 = vector.shape_cast %get3A_110 : vector<1x16xf32> to vector<16xf32>
          %mul3A_112 = arith.mulf %get3A_107, %get3A_111 : vector<16xf32>
          %swap3A_113 = arith.index_cast %scan3A_76 : i32 to index
          %swap3A_114 = arith.constant 32 : index
          %swap3A_115 = tpu.vector_load %arg11[%swap3A_113, %swap3A_114] {strides = array<i32>} : memref<80x128xf32, #tpu.memory_space<vmem>>, vector<1x16xf32>,
          %swap3A_116 = vector.shape_cast %swap3A_115 : vector<1x16xf32> to vector<16xf32>
          %swap3A_117 = vector.shape_cast %mul3A_112 : vector<16xf32> to vector<1x16xf32>
          tpu.vector_store %arg11[%swap3A_113, %swap3A_114], %swap3A_117 {strides = array<i32>} : memref<80x128xf32, #tpu.memory_space<vmem>>, vector<1x16xf32>,
          %get3A_118 = arith.index_cast %scan3A_76 : i32 to index
          %get3A_119 = arith.constant 48 : index
          %get3A_120 = tpu.vector_load %arg11[%get3A_118, %get3A_119] {strides = array<i32>} : memref<80x128xf32, #tpu.memory_space<vmem>>, vector<1x16xf32>,
          %get3A_121 = vector.shape_cast %get3A_120 : vector<1x16xf32> to vector<16xf32>
          %get3A_122 = arith.index_cast %scan3A_76 : i32 to index
          %get3A_123 = arith.constant 48 : index
          %get3A_124 = tpu.vector_load %arg12[%get3A_122, %get3A_123] {strides = array<i32>} : memref<80x128xf32, #tpu.memory_space<vmem>>, vector<1x16xf32>,
          %get3A_125 = vector.shape_cast %get3A_124 : vector<1x16xf32> to vector<16xf32>
          %mul3A_126 = arith.mulf %get3A_121, %get3A_125 : vector<16xf32>
          %swap3A_127 = arith.index_cast %scan3A_76 : i32 to index
          %swap3A_128 = arith.constant 48 : index
          %swap3A_129 = tpu.vector_load %arg11[%swap3A_127, %swap3A_128] {strides = array<i32>} : memref<80x128xf32, #tpu.memory_space<vmem>>, vector<1x16xf32>,
          %swap3A_130 = vector.shape_cast %swap3A_129 : vector<1x16xf32> to vector<16xf32>
          %swap3A_131 = vector.shape_cast %mul3A_126 : vector<16xf32> to vector<1x16xf32>
          tpu.vector_store %arg11[%swap3A_127, %swap3A_128], %swap3A_131 {strides = array<i32>} : memref<80x128xf32, #tpu.memory_space<vmem>>, vector<1x16xf32>,
          %get3A_132 = arith.index_cast %scan3A_76 : i32 to index
          %get3A_133 = arith.constant 64 : index
          %get3A_134 = tpu.vector_load %arg11[%get3A_132, %get3A_133] {strides = array<i32>} : memref<80x128xf32, #tpu.memory_space<vmem>>, vector<1x16xf32>,
          %get3A_135 = vector.shape_cast %get3A_134 : vector<1x16xf32> to vector<16xf32>
          %get3A_136 = arith.index_cast %scan3A_76 : i32 to index
          %get3A_137 = arith.constant 64 : index
          %get3A_138 = tpu.vector_load %arg12[%get3A_136, %get3A_137] {strides = array<i32>} : memref<80x128xf32, #tpu.memory_space<vmem>>, vector<1x16xf32>,
          %get3A_139 = vector.shape_cast %get3A_138 : vector<1x16xf32> to vector<16xf32>
          %mul3A_140 = arith.mulf %get3A_135, %get3A_139 : vector<16xf32>
          %swap3A_141 = arith.index_cast %scan3A_76 : i32 to index
          %swap3A_142 = arith.constant 64 : index
          %swap3A_143 = tpu.vector_load %arg11[%swap3A_141, %swap3A_142] {strides = array<i32>} : memref<80x128xf32, #tpu.memory_space<vmem>>, vector<1x16xf32>,
          %swap3A_144 = vector.shape_cast %swap3A_143 : vector<1x16xf32> to vector<16xf32>
          %swap3A_145 = vector.shape_cast %mul3A_140 : vector<16xf32> to vector<1x16xf32>
          tpu.vector_store %arg11[%swap3A_141, %swap3A_142], %swap3A_145 {strides = array<i32>} : memref<80x128xf32, #tpu.memory_space<vmem>>, vector<1x16xf32>,
          %get3A_146 = arith.index_cast %scan3A_76 : i32 to index
          %get3A_147 = arith.constant 80 : index
          %get3A_148 = tpu.vector_load %arg11[%get3A_146, %get3A_147] {strides = array<i32>} : memref<80x128xf32, #tpu.memory_space<vmem>>, vector<1x16xf32>,
          %get3A_149 = vector.shape_cast %get3A_148 : vector<1x16xf32> to vector<16xf32>
          %get3A_150 = arith.index_cast %scan3A_76 : i32 to index
          %get3A_151 = arith.constant 80 : index
          %get3A_152 = tpu.vector_load %arg12[%get3A_150, %get3A_151] {strides = array<i32>} : memref<80x128xf32, #tpu.memory_space<vmem>>, vector<1x16xf32>,
          %get3A_153 = vector.shape_cast %get3A_152 : vector<1x16xf32> to vector<16xf32>
          %mul3A_154 = arith.mulf %get3A_149, %get3A_153 : vector<16xf32>
          %swap3A_155 = arith.index_cast %scan3A_76 : i32 to index
          %swap3A_156 = arith.constant 80 : index
          %swap3A_157 = tpu.vector_load %arg11[%swap3A_155, %swap3A_156] {strides = array<i32>} : memref<80x128xf32, #tpu.memory_space<vmem>>, vector<1x16xf32>,
          %swap3A_158 = vector.shape_cast %swap3A_157 : vector<1x16xf32> to vector<16xf32>
          %swap3A_159 = vector.shape_cast %mul3A_154 : vector<16xf32> to vector<1x16xf32>
          tpu.vector_store %arg11[%swap3A_155, %swap3A_156], %swap3A_159 {strides = array<i32>} : memref<80x128xf32, #tpu.memory_space<vmem>>, vector<1x16xf32>,
          %get3A_160 = arith.index_cast %scan3A_76 : i32 to index
          %get3A_161 = arith.constant 96 : index
          %get3A_162 = tpu.vector_load %arg11[%get3A_160, %get3A_161] {strides = array<i32>} : memref<80x128xf32, #tpu.memory_space<vmem>>, vector<1x16xf32>,
          %get3A_163 = vector.shape_cast %get3A_162 : vector<1x16xf32> to vector<16xf32>
          %get3A_164 = arith.index_cast %scan3A_76 : i32 to index
          %get3A_165 = arith.constant 96 : index
          %get3A_166 = tpu.vector_load %arg12[%get3A_164, %get3A_165] {strides = array<i32>} : memref<80x128xf32, #tpu.memory_space<vmem>>, vector<1x16xf32>,
          %get3A_167 = vector.shape_cast %get3A_166 : vector<1x16xf32> to vector<16xf32>
          %mul3A_168 = arith.mulf %get3A_163, %get3A_167 : vector<16xf32>
          %swap3A_169 = arith.index_cast %scan3A_76 : i32 to index
          %swap3A_170 = arith.constant 96 : index
          %swap3A_171 = tpu.vector_load %arg11[%swap3A_169, %swap3A_170] {strides = array<i32>} : memref<80x128xf32, #tpu.memory_space<vmem>>, vector<1x16xf32>,
          %swap3A_172 = vector.shape_cast %swap3A_171 : vector<1x16xf32> to vector<16xf32>
          %swap3A_173 = vector.shape_cast %mul3A_168 : vector<16xf32> to vector<1x16xf32>
          tpu.vector_store %arg11[%swap3A_169, %swap3A_170], %swap3A_173 {strides = array<i32>} : memref<80x128xf32, #tpu.memory_space<vmem>>, vector<1x16xf32>,
          %get3A_174 = arith.index_cast %scan3A_76 : i32 to index
          %get3A_175 = arith.constant 112 : index
          %get3A_176 = tpu.vector_load %arg11[%get3A_174, %get3A_175] {strides = array<i32>} : memref<80x128xf32, #tpu.memory_space<vmem>>, vector<1x16xf32>,
          %get3A_177 = vector.shape_cast %get3A_176 : vector<1x16xf32> to vector<16xf32>
          %get3A_178 = arith.index_cast %scan3A_76 : i32 to index
          %get3A_179 = arith.constant 112 : index
          %get3A_180 = tpu.vector_load %arg12[%get3A_178, %get3A_179] {strides = array<i32>} : memref<80x128xf32, #tpu.memory_space<vmem>>, vector<1x16xf32>,
          %get3A_181 = vector.shape_cast %get3A_180 : vector<1x16xf32> to vector<16xf32>
          %mul3A_182 = arith.mulf %get3A_177, %get3A_181 : vector<16xf32>
          %swap3A_183 = arith.index_cast %scan3A_76 : i32 to index
          %swap3A_184 = arith.constant 112 : index
          %swap3A_185 = tpu.vector_load %arg11[%swap3A_183, %swap3A_184] {strides = array<i32>} : memref<80x128xf32, #tpu.memory_space<vmem>>, vector<1x16xf32>,
          %swap3A_186 = vector.shape_cast %swap3A_185 : vector<1x16xf32> to vector<16xf32>
          %swap3A_187 = vector.shape_cast %mul3A_182 : vector<16xf32> to vector<1x16xf32>
          tpu.vector_store %arg11[%swap3A_183, %swap3A_184], %swap3A_187 {strides = array<i32>} : memref<80x128xf32, #tpu.memory_space<vmem>>, vector<1x16xf32>,
          %scan3A_188 = arith.constant 0 : i32
          scf.yield %scan3A_188 : i32
        }
        %scan3A_74 = arith.constant 80 : i32
        "tpu.region"() ({
          %run_scoped3A = tpu.sem_alloc : memref<!tpu.dma_semaphore, #tpu.memory_space<semaphore_mem>>
          %dma_start3A_76 = arith.constant 0 : i32
          %dma_start3A_77 = tpu.memref_slice %arg9[%scan3A_44, %dma_start3A_76] : memref<25x80xi32, #tpu.memory_space<vmem>> -> memref<1x80xi32, #tpu.memory_space<vmem>>
          %dma_start3A_78 = tpu.memref_squeeze %dma_start3A_77 : memref<1x80xi32, #tpu.memory_space<vmem>> -> memref<80xi32, #tpu.memory_space<vmem>>
          %dma_start3A_79 = arith.constant 0 : i32
          %dma_start3A_80 = arith.constant 0 : i32
          %dma_start3A_81 = tpu.memref_slice %arg13[%dma_start3A_79, %dma_start3A_80] : memref<10112x128xf32, #tpu.memory_space<vmem_shared>> -> memref<10112x128xf32, #tpu.memory_space<vmem_shared>>
          tpu.enqueue_indirect_dma source(%arg11 : memref<80x128xf32, #tpu.memory_space<vmem>>) target(%dma_start3A_81 : memref<10112x128xf32, #tpu.memory_space<vmem_shared>>) offsets(%dma_start3A_78 : memref<80xi32, #tpu.memory_space<vmem>>) semaphore(%run_scoped3A : memref<!tpu.dma_semaphore, #tpu.memory_space<semaphore_mem>>) {add = true}
          %dma_wait3A_82 = arith.constant 0 : i32
          %dma_wait3A_83 = tpu.memref_slice %arg9[%scan3A_44, %dma_wait3A_82] : memref<25x80xi32, #tpu.memory_space<vmem>> -> memref<1x80xi32, #tpu.memory_space<vmem>>
          %dma_wait3A_84 = tpu.memref_squeeze %dma_wait3A_83 : memref<1x80xi32, #tpu.memory_space<vmem>> -> memref<80xi32, #tpu.memory_space<vmem>>
          %dma_wait3A_85 = arith.constant 0 : i32
          %dma_wait3A_86 = arith.constant 0 : i32
          %dma_wait3A_87 = tpu.memref_slice %arg13[%dma_wait3A_85, %dma_wait3A_86] : memref<10112x128xf32, #tpu.memory_space<vmem_shared>> -> memref<10112x128xf32, #tpu.memory_space<vmem_shared>>
          tpu.wait_indirect_dma semaphore(%run_scoped3A : memref<!tpu.dma_semaphore, #tpu.memory_space<semaphore_mem>>) src(%arg11 : memref<80x128xf32, #tpu.memory_space<vmem>>) dst(%dma_wait3A_87 : memref<10112x128xf32, #tpu.memory_space<vmem_shared>>)
          tpu.yield
        }) : () -> ()
        %scan3A_75 = arith.constant 0 : i32
        scf.yield %scan3A_75 : i32
      }
      %scan3A_42 = arith.constant 25 : i32
      %scan3A_43 = arith.constant 0 : i32
      scf.yield %scan3A_43 : i32
    }
    %scan3A_32 = arith.constant 5 : i32
    %barrier3A_33 = arith.constant 0 : index
    tpu.barrier barrier_id(%barrier3A_33)
    "tpu.region"() ({
      %run_scoped3A = tpu.sem_alloc : memref<!tpu.dma_semaphore, #tpu.memory_space<semaphore_mem>>
      %dma_start3A = arith.constant 0 : i32
      %dma_start3A_34 = tpu.memref_slice %arg7[%arg0, %mul3A_9, %dma_start3A] : memref<2x10112x128xf32, #tpu.memory_space<hbm>> -> memref<1x632x128xf32, #tpu.memory_space<hbm>>
      %dma_start3A_35 = tpu.memref_squeeze %dma_start3A_34 : memref<1x632x128xf32, #tpu.memory_space<hbm>> -> memref<632x128xf32, #tpu.memory_space<hbm>>
      %dma_start3A_36 = arith.constant 0 : i32
      %dma_start3A_37 = tpu.memref_slice %arg13[%mul3A_9, %dma_start3A_36] : memref<10112x128xf32, #tpu.memory_space<vmem_shared>> -> memref<632x128xf32, #tpu.memory_space<vmem_shared>>
      tpu.enqueue_dma source(%dma_start3A_37 : memref<632x128xf32, #tpu.memory_space<vmem_shared>>) target(%dma_start3A_35 : memref<632x128xf32, #tpu.memory_space<hbm>>) target_semaphore(%run_scoped3A : memref<!tpu.dma_semaphore, #tpu.memory_space<semaphore_mem>>)
      %dma_wait3A = arith.constant 0 : i32
      %dma_wait3A_38 = tpu.memref_slice %arg7[%arg0, %mul3A_9, %dma_wait3A] : memref<2x10112x128xf32, #tpu.memory_space<hbm>> -> memref<1x632x128xf32, #tpu.memory_space<hbm>>
      %dma_wait3A_39 = tpu.memref_squeeze %dma_wait3A_38 : memref<1x632x128xf32, #tpu.memory_space<hbm>> -> memref<632x128xf32, #tpu.memory_space<hbm>>
      %dma_wait3A_40 = arith.constant 0 : i32
      %dma_wait3A_41 = tpu.memref_slice %arg13[%mul3A_9, %dma_wait3A_40] : memref<10112x128xf32, #tpu.memory_space<vmem_shared>> -> memref<632x128xf32, #tpu.memory_space<vmem_shared>>
      tpu.wait_dma2 semaphore(%run_scoped3A : memref<!tpu.dma_semaphore, #tpu.memory_space<semaphore_mem>>) src(%dma_wait3A_41 : memref<632x128xf32, #tpu.memory_space<vmem_shared>>) dst(%dma_wait3A_39 : memref<632x128xf32, #tpu.memory_space<hbm>>)
      tpu.yield
    }) : () -> ()
    return
  }
}

#map = affine_map<(d0, d1) -> (0, 0)>
#map1 = affine_map<(d0, d1) -> (0, 0, 0, 0)>
#map2 = affine_map<(d0, d1) -> (0, 0, 0)>
module attributes {stable_mosaic.version = 14 : i64} {
  func.func @conv(%arg0: i32, %arg1: i32, %arg2: memref<10000x128xf32, #tpu.memory_space<hbm>>, %arg3: memref<400x128xf32, #tpu.memory_space<hbm>>, %arg4: memref<32x5x25x80xi32, #tpu.memory_space<hbm>>, %arg5: memref<32x5x25x80xi32, #tpu.memory_space<hbm>>, %arg6: memref<32x5x25x80xi32, #tpu.memory_space<hbm>>, %arg7: memref<2x10112x128xf32, #tpu.memory_space<hbm>>, %arg8: memref<25x80xi32, #tpu.memory_space<vmem>>, %arg9: memref<25x80xi32, #tpu.memory_space<vmem>>, %arg10: memref<25x80xi32, #tpu.memory_space<vmem>>, %arg11: memref<80x128xf32, #tpu.memory_space<vmem>>, %arg12: memref<80x128xf32, #tpu.memory_space<vmem>>, %arg13: memref<10112x128xf32, #tpu.memory_space<vmem_shared>>, %arg14: memref<!tpu.dma_semaphore, #tpu.memory_space<semaphore_mem>>, %arg15: memref<!tpu.dma_semaphore, #tpu.memory_space<semaphore_mem>>) attributes {dimension_semantics = [#tpu.dimension_semantics<core_parallel>, #tpu.dimension_semantics<subcore_parallel>], iteration_bounds = array<i64: 2, 16>, scalar_prefetch = 0 : i64, scratch_operands = 8 : i64, tpu.core_type = #tpu.core_type<sc_vector_subcore>, window_params = [{transform_indices = #map}, {transform_indices = #map}, {transform_indices = #map1}, {transform_indices = #map1}, {transform_indices = #map1}, {transform_indices = #map2}]} {
    %mul3A = arith.constant 16 : i32
    %mul3A_0 = arith.muli %arg0, %mul3A : i32
    %add3A = arith.addi %mul3A_0, %arg1 : i32
    %broadcast_in_dim3A = arith.constant 0.000000e+00 : f32
    %broadcast_in_dim3A_1 = vector.broadcast %broadcast_in_dim3A : f32 to vector<16xf32>
    %scan3A = arith.constant 0 : i32
    %scan3A_2 = arith.constant 0 : i32
    %scan3A_3 = arith.constant 80 : i32
    %scan3A_4 = arith.addi %scan3A_2, %scan3A_3 : i32
    %scan3A_5 = arith.constant 1 : i32
    %scan3A_6 = scf.for %scan3A_34 = %scan3A_2 to %scan3A_4 step %scan3A_5 iter_args(%scan3A_35 = %scan3A) -> (i32)  : i32 {
      %swap3A = arith.index_cast %scan3A_34 : i32 to index
      %swap3A_36 = arith.constant 0 : index
      %swap3A_37 = tpu.vector_load %arg11[%swap3A, %swap3A_36] {strides = array<i32>} : memref<80x128xf32, #tpu.memory_space<vmem>>, vector<1x16xf32>,
      %swap3A_38 = vector.shape_cast %swap3A_37 : vector<1x16xf32> to vector<16xf32>
      %swap3A_39 = vector.shape_cast %broadcast_in_dim3A_1 : vector<16xf32> to vector<1x16xf32>
      tpu.vector_store %arg11[%swap3A, %swap3A_36], %swap3A_39 {strides = array<i32>} : memref<80x128xf32, #tpu.memory_space<vmem>>, vector<1x16xf32>,
      %swap3A_40 = arith.index_cast %scan3A_34 : i32 to index
      %swap3A_41 = arith.constant 16 : index
      %swap3A_42 = tpu.vector_load %arg11[%swap3A_40, %swap3A_41] {strides = array<i32>} : memref<80x128xf32, #tpu.memory_space<vmem>>, vector<1x16xf32>,
      %swap3A_43 = vector.shape_cast %swap3A_42 : vector<1x16xf32> to vector<16xf32>
      %swap3A_44 = vector.shape_cast %broadcast_in_dim3A_1 : vector<16xf32> to vector<1x16xf32>
      tpu.vector_store %arg11[%swap3A_40, %swap3A_41], %swap3A_44 {strides = array<i32>} : memref<80x128xf32, #tpu.memory_space<vmem>>, vector<1x16xf32>,
      %swap3A_45 = arith.index_cast %scan3A_34 : i32 to index
      %swap3A_46 = arith.constant 32 : index
      %swap3A_47 = tpu.vector_load %arg11[%swap3A_45, %swap3A_46] {strides = array<i32>} : memref<80x128xf32, #tpu.memory_space<vmem>>, vector<1x16xf32>,
      %swap3A_48 = vector.shape_cast %swap3A_47 : vector<1x16xf32> to vector<16xf32>
      %swap3A_49 = vector.shape_cast %broadcast_in_dim3A_1 : vector<16xf32> to vector<1x16xf32>
      tpu.vector_store %arg11[%swap3A_45, %swap3A_46], %swap3A_49 {strides = array<i32>} : memref<80x128xf32, #tpu.memory_space<vmem>>, vector<1x16xf32>,
      %swap3A_50 = arith.index_cast %scan3A_34 : i32 to index
      %swap3A_51 = arith.constant 48 : index
      %swap3A_52 = tpu.vector_load %arg11[%swap3A_50, %swap3A_51] {strides = array<i32>} : memref<80x128xf32, #tpu.memory_space<vmem>>, vector<1x16xf32>,
      %swap3A_53 = vector.shape_cast %swap3A_52 : vector<1x16xf32> to vector<16xf32>
      %swap3A_54 = vector.shape_cast %broadcast_in_dim3A_1 : vector<16xf32> to vector<1x16xf32>
      tpu.vector_store %arg11[%swap3A_50, %swap3A_51], %swap3A_54 {strides = array<i32>} : memref<80x128xf32, #tpu.memory_space<vmem>>, vector<1x16xf32>,
      %swap3A_55 = arith.index_cast %scan3A_34 : i32 to index
      %swap3A_56 = arith.constant 64 : index
      %swap3A_57 = tpu.vector_load %arg11[%swap3A_55, %swap3A_56] {strides = array<i32>} : memref<80x128xf32, #tpu.memory_space<vmem>>, vector<1x16xf32>,
      %swap3A_58 = vector.shape_cast %swap3A_57 : vector<1x16xf32> to vector<16xf32>
      %swap3A_59 = vector.shape_cast %broadcast_in_dim3A_1 : vector<16xf32> to vector<1x16xf32>
      tpu.vector_store %arg11[%swap3A_55, %swap3A_56], %swap3A_59 {strides = array<i32>} : memref<80x128xf32, #tpu.memory_space<vmem>>, vector<1x16xf32>,
      %swap3A_60 = arith.index_cast %scan3A_34 : i32 to index
      %swap3A_61 = arith.constant 80 : index
      %swap3A_62 = tpu.vector_load %arg11[%swap3A_60, %swap3A_61] {strides = array<i32>} : memref<80x128xf32, #tpu.memory_space<vmem>>, vector<1x16xf32>,
      %swap3A_63 = vector.shape_cast %swap3A_62 : vector<1x16xf32> to vector<16xf32>
      %swap3A_64 = vector.shape_cast %broadcast_in_dim3A_1 : vector<16xf32> to vector<1x16xf32>
      tpu.vector_store %arg11[%swap3A_60, %swap3A_61], %swap3A_64 {strides = array<i32>} : memref<80x128xf32, #tpu.memory_space<vmem>>, vector<1x16xf32>,
      %swap3A_65 = arith.index_cast %scan3A_34 : i32 to index
      %swap3A_66 = arith.constant 96 : index
      %swap3A_67 = tpu.vector_load %arg11[%swap3A_65, %swap3A_66] {strides = array<i32>} : memref<80x128xf32, #tpu.memory_space<vmem>>, vector<1x16xf32>,
      %swap3A_68 = vector.shape_cast %swap3A_67 : vector<1x16xf32> to vector<16xf32>
      %swap3A_69 = vector.shape_cast %broadcast_in_dim3A_1 : vector<16xf32> to vector<1x16xf32>
      tpu.vector_store %arg11[%swap3A_65, %swap3A_66], %swap3A_69 {strides = array<i32>} : memref<80x128xf32, #tpu.memory_space<vmem>>, vector<1x16xf32>,
      %swap3A_70 = arith.index_cast %scan3A_34 : i32 to index
      %swap3A_71 = arith.constant 112 : index
      %swap3A_72 = tpu.vector_load %arg11[%swap3A_70, %swap3A_71] {strides = array<i32>} : memref<80x128xf32, #tpu.memory_space<vmem>>, vector<1x16xf32>,
      %swap3A_73 = vector.shape_cast %swap3A_72 : vector<1x16xf32> to vector<16xf32>
      %swap3A_74 = vector.shape_cast %broadcast_in_dim3A_1 : vector<16xf32> to vector<1x16xf32>
      tpu.vector_store %arg11[%swap3A_70, %swap3A_71], %swap3A_74 {strides = array<i32>} : memref<80x128xf32, #tpu.memory_space<vmem>>, vector<1x16xf32>,
      %scan3A_75 = arith.constant 0 : i32
      scf.yield %scan3A_75 : i32
    }
    %scan3A_7 = arith.constant 80 : i32
    %mul3A_8 = arith.constant 632 : i32
    %mul3A_9 = arith.muli %arg1, %mul3A_8 : i32
    %add3A_10 = arith.constant 0 : i32
    %add3A_11 = arith.addi %mul3A_9, %add3A_10 : i32
    "tpu.region"() ({
      %run_scoped3A = tpu.sem_alloc : memref<!tpu.dma_semaphore, #tpu.memory_space<semaphore_mem>>
      %dma_start3A = arith.constant 0 : i32
      %dma_start3A_34 = arith.constant 0 : i32
      %dma_start3A_35 = tpu.memref_slice %arg11[%dma_start3A, %dma_start3A_34] : memref<80x128xf32, #tpu.memory_space<vmem>> -> memref<80x128xf32, #tpu.memory_space<vmem>>
      %dma_start3A_36 = arith.constant 0 : i32
      %dma_start3A_37 = tpu.memref_slice %arg13[%add3A_11, %dma_start3A_36] : memref<10112x128xf32, #tpu.memory_space<vmem_shared>> -> memref<80x128xf32, #tpu.memory_space<vmem_shared>>
      %dma_start3A_38 = arith.constant 0 : i32
      %dma_start3A_39 = tpu.memref_slice %arg13[%add3A_11, %dma_start3A_38] : memref<10112x128xf32, #tpu.memory_space<vmem_shared>> -> memref<80x128xf32, #tpu.memory_space<vmem_shared>>
      %dma_start3A_40 = arith.constant 0 : i32
      %dma_start3A_41 = arith.constant 0 : i32
      %dma_start3A_42 = tpu.memref_slice %arg11[%dma_start3A_40, %dma_start3A_41] : memref<80x128xf32, #tpu.memory_space<vmem>> -> memref<80x128xf32, #tpu.memory_space<vmem>>
      tpu.enqueue_dma source(%dma_start3A_42 : memref<80x128xf32, #tpu.memory_space<vmem>>) target(%dma_start3A_39 : memref<80x128xf32, #tpu.memory_space<vmem_shared>>) target_semaphore(%run_scoped3A : memref<!tpu.dma_semaphore, #tpu.memory_space<semaphore_mem>>)
      %dma_wait3A = arith.constant 0 : i32
      %dma_wait3A_43 = arith.constant 0 : i32
      %dma_wait3A_44 = tpu.memref_slice %arg11[%dma_wait3A, %dma_wait3A_43] : memref<80x128xf32, #tpu.memory_space<vmem>> -> memref<80x128xf32, #tpu.memory_space<vmem>>
      %dma_wait3A_45 = arith.constant 0 : i32
      %dma_wait3A_46 = tpu.memref_slice %arg13[%add3A_11, %dma_wait3A_45] : memref<10112x128xf32, #tpu.memory_space<vmem_shared>> -> memref<80x128xf32, #tpu.memory_space<vmem_shared>>
      %dma_wait3A_47 = arith.constant 0 : i32
      %dma_wait3A_48 = tpu.memref_slice %arg13[%add3A_11, %dma_wait3A_47] : memref<10112x128xf32, #tpu.memory_space<vmem_shared>> -> memref<80x128xf32, #tpu.memory_space<vmem_shared>>
      %dma_wait3A_49 = arith.constant 0 : i32
      %dma_wait3A_50 = arith.constant 0 : i32
      %dma_wait3A_51 = tpu.memref_slice %arg11[%dma_wait3A_49, %dma_wait3A_50] : memref<80x128xf32, #tpu.memory_space<vmem>> -> memref<80x128xf32, #tpu.memory_space<vmem>>
      tpu.wait_dma2 semaphore(%run_scoped3A : memref<!tpu.dma_semaphore, #tpu.memory_space<semaphore_mem>>) src(%dma_wait3A_51 : memref<80x128xf32, #tpu.memory_space<vmem>>) dst(%dma_wait3A_48 : memref<80x128xf32, #tpu.memory_space<vmem_shared>>)
      tpu.yield
    }) : () -> ()
    %add3A_12 = arith.constant 80 : i32
    %add3A_13 = arith.addi %mul3A_9, %add3A_12 : i32
    "tpu.region"() ({
      %run_scoped3A = tpu.sem_alloc : memref<!tpu.dma_semaphore, #tpu.memory_space<semaphore_mem>>
      %dma_start3A = arith.constant 0 : i32
      %dma_start3A_34 = arith.constant 0 : i32
      %dma_start3A_35 = tpu.memref_slice %arg11[%dma_start3A, %dma_start3A_34] : memref<80x128xf32, #tpu.memory_space<vmem>> -> memref<80x128xf32, #tpu.memory_space<vmem>>
      %dma_start3A_36 = arith.constant 0 : i32
      %dma_start3A_37 = tpu.memref_slice %arg13[%add3A_13, %dma_start3A_36] : memref<10112x128xf32, #tpu.memory_space<vmem_shared>> -> memref<80x128xf32, #tpu.memory_space<vmem_shared>>
      %dma_start3A_38 = arith.constant 0 : i32
      %dma_start3A_39 = tpu.memref_slice %arg13[%add3A_13, %dma_start3A_38] : memref<10112x128xf32, #tpu.memory_space<vmem_shared>> -> memref<80x128xf32, #tpu.memory_space<vmem_shared>>
      %dma_start3A_40 = arith.constant 0 : i32
      %dma_start3A_41 = arith.constant 0 : i32
      %dma_start3A_42 = tpu.memref_slice %arg11[%dma_start3A_40, %dma_start3A_41] : memref<80x128xf32, #tpu.memory_space<vmem>> -> memref<80x128xf32, #tpu.memory_space<vmem>>
      tpu.enqueue_dma source(%dma_start3A_42 : memref<80x128xf32, #tpu.memory_space<vmem>>) target(%dma_start3A_39 : memref<80x128xf32, #tpu.memory_space<vmem_shared>>) target_semaphore(%run_scoped3A : memref<!tpu.dma_semaphore, #tpu.memory_space<semaphore_mem>>)
      %dma_wait3A = arith.constant 0 : i32
      %dma_wait3A_43 = arith.constant 0 : i32
      %dma_wait3A_44 = tpu.memref_slice %arg11[%dma_wait3A, %dma_wait3A_43] : memref<80x128xf32, #tpu.memory_space<vmem>> -> memref<80x128xf32, #tpu.memory_space<vmem>>
      %dma_wait3A_45 = arith.constant 0 : i32
      %dma_wait3A_46 = tpu.memref_slice %arg13[%add3A_13, %dma_wait3A_45] : memref<10112x128xf32, #tpu.memory_space<vmem_shared>> -> memref<80x128xf32, #tpu.memory_space<vmem_shared>>
      %dma_wait3A_47 = arith.constant 0 : i32
      %dma_wait3A_48 = tpu.memref_slice %arg13[%add3A_13, %dma_wait3A_47] : memref<10112x128xf32, #tpu.memory_space<vmem_shared>> -> memref<80x128xf32, #tpu.memory_space<vmem_shared>>
      %dma_wait3A_49 = arith.constant 0 : i32
      %dma_wait3A_50 = arith.constant 0 : i32
      %dma_wait3A_51 = tpu.memref_slice %arg11[%dma_wait3A_49, %dma_wait3A_50] : memref<80x128xf32, #tpu.memory_space<vmem>> -> memref<80x128xf32, #tpu.memory_space<vmem>>
      tpu.wait_dma2 semaphore(%run_scoped3A : memref<!tpu.dma_semaphore, #tpu.memory_space<semaphore_mem>>) src(%dma_wait3A_51 : memref<80x128xf32, #tpu.memory_space<vmem>>) dst(%dma_wait3A_48 : memref<80x128xf32, #tpu.memory_space<vmem_shared>>)
      tpu.yield
    }) : () -> ()
    %add3A_14 = arith.constant 160 : i32
    %add3A_15 = arith.addi %mul3A_9, %add3A_14 : i32
    "tpu.region"() ({
      %run_scoped3A = tpu.sem_alloc : memref<!tpu.dma_semaphore, #tpu.memory_space<semaphore_mem>>
      %dma_start3A = arith.constant 0 : i32
      %dma_start3A_34 = arith.constant 0 : i32
      %dma_start3A_35 = tpu.memref_slice %arg11[%dma_start3A, %dma_start3A_34] : memref<80x128xf32, #tpu.memory_space<vmem>> -> memref<80x128xf32, #tpu.memory_space<vmem>>
      %dma_start3A_36 = arith.constant 0 : i32
      %dma_start3A_37 = tpu.memref_slice %arg13[%add3A_15, %dma_start3A_36] : memref<10112x128xf32, #tpu.memory_space<vmem_shared>> -> memref<80x128xf32, #tpu.memory_space<vmem_shared>>
      %dma_start3A_38 = arith.constant 0 : i32
      %dma_start3A_39 = tpu.memref_slice %arg13[%add3A_15, %dma_start3A_38] : memref<10112x128xf32, #tpu.memory_space<vmem_shared>> -> memref<80x128xf32, #tpu.memory_space<vmem_shared>>
      %dma_start3A_40 = arith.constant 0 : i32
      %dma_start3A_41 = arith.constant 0 : i32
      %dma_start3A_42 = tpu.memref_slice %arg11[%dma_start3A_40, %dma_start3A_41] : memref<80x128xf32, #tpu.memory_space<vmem>> -> memref<80x128xf32, #tpu.memory_space<vmem>>
      tpu.enqueue_dma source(%dma_start3A_42 : memref<80x128xf32, #tpu.memory_space<vmem>>) target(%dma_start3A_39 : memref<80x128xf32, #tpu.memory_space<vmem_shared>>) target_semaphore(%run_scoped3A : memref<!tpu.dma_semaphore, #tpu.memory_space<semaphore_mem>>)
      %dma_wait3A = arith.constant 0 : i32
      %dma_wait3A_43 = arith.constant 0 : i32
      %dma_wait3A_44 = tpu.memref_slice %arg11[%dma_wait3A, %dma_wait3A_43] : memref<80x128xf32, #tpu.memory_space<vmem>> -> memref<80x128xf32, #tpu.memory_space<vmem>>
      %dma_wait3A_45 = arith.constant 0 : i32
      %dma_wait3A_46 = tpu.memref_slice %arg13[%add3A_15, %dma_wait3A_45] : memref<10112x128xf32, #tpu.memory_space<vmem_shared>> -> memref<80x128xf32, #tpu.memory_space<vmem_shared>>
      %dma_wait3A_47 = arith.constant 0 : i32
      %dma_wait3A_48 = tpu.memref_slice %arg13[%add3A_15, %dma_wait3A_47] : memref<10112x128xf32, #tpu.memory_space<vmem_shared>> -> memref<80x128xf32, #tpu.memory_space<vmem_shared>>
      %dma_wait3A_49 = arith.constant 0 : i32
      %dma_wait3A_50 = arith.constant 0 : i32
      %dma_wait3A_51 = tpu.memref_slice %arg11[%dma_wait3A_49, %dma_wait3A_50] : memref<80x128xf32, #tpu.memory_space<vmem>> -> memref<80x128xf32, #tpu.memory_space<vmem>>
      tpu.wait_dma2 semaphore(%run_scoped3A : memref<!tpu.dma_semaphore, #tpu.memory_space<semaphore_mem>>) src(%dma_wait3A_51 : memref<80x128xf32, #tpu.memory_space<vmem>>) dst(%dma_wait3A_48 : memref<80x128xf32, #tpu.memory_space<vmem_shared>>)
      tpu.yield
    }) : () -> ()
    %add3A_16 = arith.constant 240 : i32
    %add3A_17 = arith.addi %mul3A_9, %add3A_16 : i32
    "tpu.region"() ({
      %run_scoped3A = tpu.sem_alloc : memref<!tpu.dma_semaphore, #tpu.memory_space<semaphore_mem>>
      %dma_start3A = arith.constant 0 : i32
      %dma_start3A_34 = arith.constant 0 : i32
      %dma_start3A_35 = tpu.memref_slice %arg11[%dma_start3A, %dma_start3A_34] : memref<80x128xf32, #tpu.memory_space<vmem>> -> memref<80x128xf32, #tpu.memory_space<vmem>>
      %dma_start3A_36 = arith.constant 0 : i32
      %dma_start3A_37 = tpu.memref_slice %arg13[%add3A_17, %dma_start3A_36] : memref<10112x128xf32, #tpu.memory_space<vmem_shared>> -> memref<80x128xf32, #tpu.memory_space<vmem_shared>>
      %dma_start3A_38 = arith.constant 0 : i32
      %dma_start3A_39 = tpu.memref_slice %arg13[%add3A_17, %dma_start3A_38] : memref<10112x128xf32, #tpu.memory_space<vmem_shared>> -> memref<80x128xf32, #tpu.memory_space<vmem_shared>>
      %dma_start3A_40 = arith.constant 0 : i32
      %dma_start3A_41 = arith.constant 0 : i32
      %dma_start3A_42 = tpu.memref_slice %arg11[%dma_start3A_40, %dma_start3A_41] : memref<80x128xf32, #tpu.memory_space<vmem>> -> memref<80x128xf32, #tpu.memory_space<vmem>>
      tpu.enqueue_dma source(%dma_start3A_42 : memref<80x128xf32, #tpu.memory_space<vmem>>) target(%dma_start3A_39 : memref<80x128xf32, #tpu.memory_space<vmem_shared>>) target_semaphore(%run_scoped3A : memref<!tpu.dma_semaphore, #tpu.memory_space<semaphore_mem>>)
      %dma_wait3A = arith.constant 0 : i32
      %dma_wait3A_43 = arith.constant 0 : i32
      %dma_wait3A_44 = tpu.memref_slice %arg11[%dma_wait3A, %dma_wait3A_43] : memref<80x128xf32, #tpu.memory_space<vmem>> -> memref<80x128xf32, #tpu.memory_space<vmem>>
      %dma_wait3A_45 = arith.constant 0 : i32
      %dma_wait3A_46 = tpu.memref_slice %arg13[%add3A_17, %dma_wait3A_45] : memref<10112x128xf32, #tpu.memory_space<vmem_shared>> -> memref<80x128xf32, #tpu.memory_space<vmem_shared>>
      %dma_wait3A_47 = arith.constant 0 : i32
      %dma_wait3A_48 = tpu.memref_slice %arg13[%add3A_17, %dma_wait3A_47] : memref<10112x128xf32, #tpu.memory_space<vmem_shared>> -> memref<80x128xf32, #tpu.memory_space<vmem_shared>>
      %dma_wait3A_49 = arith.constant 0 : i32
      %dma_wait3A_50 = arith.constant 0 : i32
      %dma_wait3A_51 = tpu.memref_slice %arg11[%dma_wait3A_49, %dma_wait3A_50] : memref<80x128xf32, #tpu.memory_space<vmem>> -> memref<80x128xf32, #tpu.memory_space<vmem>>
      tpu.wait_dma2 semaphore(%run_scoped3A : memref<!tpu.dma_semaphore, #tpu.memory_space<semaphore_mem>>) src(%dma_wait3A_51 : memref<80x128xf32, #tpu.memory_space<vmem>>) dst(%dma_wait3A_48 : memref<80x128xf32, #tpu.memory_space<vmem_shared>>)
      tpu.yield
    }) : () -> ()
    %add3A_18 = arith.constant 320 : i32
    %add3A_19 = arith.addi %mul3A_9, %add3A_18 : i32
    "tpu.region"() ({
      %run_scoped3A = tpu.sem_alloc : memref<!tpu.dma_semaphore, #tpu.memory_space<semaphore_mem>>
      %dma_start3A = arith.constant 0 : i32
      %dma_start3A_34 = arith.constant 0 : i32
      %dma_start3A_35 = tpu.memref_slice %arg11[%dma_start3A, %dma_start3A_34] : memref<80x128xf32, #tpu.memory_space<vmem>> -> memref<80x128xf32, #tpu.memory_space<vmem>>
      %dma_start3A_36 = arith.constant 0 : i32
      %dma_start3A_37 = tpu.memref_slice %arg13[%add3A_19, %dma_start3A_36] : memref<10112x128xf32, #tpu.memory_space<vmem_shared>> -> memref<80x128xf32, #tpu.memory_space<vmem_shared>>
      %dma_start3A_38 = arith.constant 0 : i32
      %dma_start3A_39 = tpu.memref_slice %arg13[%add3A_19, %dma_start3A_38] : memref<10112x128xf32, #tpu.memory_space<vmem_shared>> -> memref<80x128xf32, #tpu.memory_space<vmem_shared>>
      %dma_start3A_40 = arith.constant 0 : i32
      %dma_start3A_41 = arith.constant 0 : i32
      %dma_start3A_42 = tpu.memref_slice %arg11[%dma_start3A_40, %dma_start3A_41] : memref<80x128xf32, #tpu.memory_space<vmem>> -> memref<80x128xf32, #tpu.memory_space<vmem>>
      tpu.enqueue_dma source(%dma_start3A_42 : memref<80x128xf32, #tpu.memory_space<vmem>>) target(%dma_start3A_39 : memref<80x128xf32, #tpu.memory_space<vmem_shared>>) target_semaphore(%run_scoped3A : memref<!tpu.dma_semaphore, #tpu.memory_space<semaphore_mem>>)
      %dma_wait3A = arith.constant 0 : i32
      %dma_wait3A_43 = arith.constant 0 : i32
      %dma_wait3A_44 = tpu.memref_slice %arg11[%dma_wait3A, %dma_wait3A_43] : memref<80x128xf32, #tpu.memory_space<vmem>> -> memref<80x128xf32, #tpu.memory_space<vmem>>
      %dma_wait3A_45 = arith.constant 0 : i32
      %dma_wait3A_46 = tpu.memref_slice %arg13[%add3A_19, %dma_wait3A_45] : memref<10112x128xf32, #tpu.memory_space<vmem_shared>> -> memref<80x128xf32, #tpu.memory_space<vmem_shared>>
      %dma_wait3A_47 = arith.constant 0 : i32
      %dma_wait3A_48 = tpu.memref_slice %arg13[%add3A_19, %dma_wait3A_47] : memref<10112x128xf32, #tpu.memory_space<vmem_shared>> -> memref<80x128xf32, #tpu.memory_space<vmem_shared>>
      %dma_wait3A_49 = arith.constant 0 : i32
      %dma_wait3A_50 = arith.constant 0 : i32
      %dma_wait3A_51 = tpu.memref_slice %arg11[%dma_wait3A_49, %dma_wait3A_50] : memref<80x128xf32, #tpu.memory_space<vmem>> -> memref<80x128xf32, #tpu.memory_space<vmem>>
      tpu.wait_dma2 semaphore(%run_scoped3A : memref<!tpu.dma_semaphore, #tpu.memory_space<semaphore_mem>>) src(%dma_wait3A_51 : memref<80x128xf32, #tpu.memory_space<vmem>>) dst(%dma_wait3A_48 : memref<80x128xf32, #tpu.memory_space<vmem_shared>>)
      tpu.yield
    }) : () -> ()
    %add3A_20 = arith.constant 400 : i32
    %add3A_21 = arith.addi %mul3A_9, %add3A_20 : i32
    "tpu.region"() ({
      %run_scoped3A = tpu.sem_alloc : memref<!tpu.dma_semaphore, #tpu.memory_space<semaphore_mem>>
      %dma_start3A = arith.constant 0 : i32
      %dma_start3A_34 = arith.constant 0 : i32
      %dma_start3A_35 = tpu.memref_slice %arg11[%dma_start3A, %dma_start3A_34] : memref<80x128xf32, #tpu.memory_space<vmem>> -> memref<80x128xf32, #tpu.memory_space<vmem>>
      %dma_start3A_36 = arith.constant 0 : i32
      %dma_start3A_37 = tpu.memref_slice %arg13[%add3A_21, %dma_start3A_36] : memref<10112x128xf32, #tpu.memory_space<vmem_shared>> -> memref<80x128xf32, #tpu.memory_space<vmem_shared>>
      %dma_start3A_38 = arith.constant 0 : i32
      %dma_start3A_39 = tpu.memref_slice %arg13[%add3A_21, %dma_start3A_38] : memref<10112x128xf32, #tpu.memory_space<vmem_shared>> -> memref<80x128xf32, #tpu.memory_space<vmem_shared>>
      %dma_start3A_40 = arith.constant 0 : i32
      %dma_start3A_41 = arith.constant 0 : i32
      %dma_start3A_42 = tpu.memref_slice %arg11[%dma_start3A_40, %dma_start3A_41] : memref<80x128xf32, #tpu.memory_space<vmem>> -> memref<80x128xf32, #tpu.memory_space<vmem>>
      tpu.enqueue_dma source(%dma_start3A_42 : memref<80x128xf32, #tpu.memory_space<vmem>>) target(%dma_start3A_39 : memref<80x128xf32, #tpu.memory_space<vmem_shared>>) target_semaphore(%run_scoped3A : memref<!tpu.dma_semaphore, #tpu.memory_space<semaphore_mem>>)
      %dma_wait3A = arith.constant 0 : i32
      %dma_wait3A_43 = arith.constant 0 : i32
      %dma_wait3A_44 = tpu.memref_slice %arg11[%dma_wait3A, %dma_wait3A_43] : memref<80x128xf32, #tpu.memory_space<vmem>> -> memref<80x128xf32, #tpu.memory_space<vmem>>
      %dma_wait3A_45 = arith.constant 0 : i32
      %dma_wait3A_46 = tpu.memref_slice %arg13[%add3A_21, %dma_wait3A_45] : memref<10112x128xf32, #tpu.memory_space<vmem_shared>> -> memref<80x128xf32, #tpu.memory_space<vmem_shared>>
      %dma_wait3A_47 = arith.constant 0 : i32
      %dma_wait3A_48 = tpu.memref_slice %arg13[%add3A_21, %dma_wait3A_47] : memref<10112x128xf32, #tpu.memory_space<vmem_shared>> -> memref<80x128xf32, #tpu.memory_space<vmem_shared>>
      %dma_wait3A_49 = arith.constant 0 : i32
      %dma_wait3A_50 = arith.constant 0 : i32
      %dma_wait3A_51 = tpu.memref_slice %arg11[%dma_wait3A_49, %dma_wait3A_50] : memref<80x128xf32, #tpu.memory_space<vmem>> -> memref<80x128xf32, #tpu.memory_space<vmem>>
      tpu.wait_dma2 semaphore(%run_scoped3A : memref<!tpu.dma_semaphore, #tpu.memory_space<semaphore_mem>>) src(%dma_wait3A_51 : memref<80x128xf32, #tpu.memory_space<vmem>>) dst(%dma_wait3A_48 : memref<80x128xf32, #tpu.memory_space<vmem_shared>>)
      tpu.yield
    }) : () -> ()
    %add3A_22 = arith.constant 480 : i32
    %add3A_23 = arith.addi %mul3A_9, %add3A_22 : i32
    "tpu.region"() ({
      %run_scoped3A = tpu.sem_alloc : memref<!tpu.dma_semaphore, #tpu.memory_space<semaphore_mem>>
      %dma_start3A = arith.constant 0 : i32
      %dma_start3A_34 = arith.constant 0 : i32
      %dma_start3A_35 = tpu.memref_slice %arg11[%dma_start3A, %dma_start3A_34] : memref<80x128xf32, #tpu.memory_space<vmem>> -> memref<80x128xf32, #tpu.memory_space<vmem>>
      %dma_start3A_36 = arith.constant 0 : i32
      %dma_start3A_37 = tpu.memref_slice %arg13[%add3A_23, %dma_start3A_36] : memref<10112x128xf32, #tpu.memory_space<vmem_shared>> -> memref<80x128xf32, #tpu.memory_space<vmem_shared>>
      %dma_start3A_38 = arith.constant 0 : i32
      %dma_start3A_39 = tpu.memref_slice %arg13[%add3A_23, %dma_start3A_38] : memref<10112x128xf32, #tpu.memory_space<vmem_shared>> -> memref<80x128xf32, #tpu.memory_space<vmem_shared>>
      %dma_start3A_40 = arith.constant 0 : i32
      %dma_start3A_41 = arith.constant 0 : i32
      %dma_start3A_42 = tpu.memref_slice %arg11[%dma_start3A_40, %dma_start3A_41] : memref<80x128xf32, #tpu.memory_space<vmem>> -> memref<80x128xf32, #tpu.memory_space<vmem>>
      tpu.enqueue_dma source(%dma_start3A_42 : memref<80x128xf32, #tpu.memory_space<vmem>>) target(%dma_start3A_39 : memref<80x128xf32, #tpu.memory_space<vmem_shared>>) target_semaphore(%run_scoped3A : memref<!tpu.dma_semaphore, #tpu.memory_space<semaphore_mem>>)
      %dma_wait3A = arith.constant 0 : i32
      %dma_wait3A_43 = arith.constant 0 : i32
      %dma_wait3A_44 = tpu.memref_slice %arg11[%dma_wait3A, %dma_wait3A_43] : memref<80x128xf32, #tpu.memory_space<vmem>> -> memref<80x128xf32, #tpu.memory_space<vmem>>
      %dma_wait3A_45 = arith.constant 0 : i32
      %dma_wait3A_46 = tpu.memref_slice %arg13[%add3A_23, %dma_wait3A_45] : memref<10112x128xf32, #tpu.memory_space<vmem_shared>> -> memref<80x128xf32, #tpu.memory_space<vmem_shared>>
      %dma_wait3A_47 = arith.constant 0 : i32
      %dma_wait3A_48 = tpu.memref_slice %arg13[%add3A_23, %dma_wait3A_47] : memref<10112x128xf32, #tpu.memory_space<vmem_shared>> -> memref<80x128xf32, #tpu.memory_space<vmem_shared>>
      %dma_wait3A_49 = arith.constant 0 : i32
      %dma_wait3A_50 = arith.constant 0 : i32
      %dma_wait3A_51 = tpu.memref_slice %arg11[%dma_wait3A_49, %dma_wait3A_50] : memref<80x128xf32, #tpu.memory_space<vmem>> -> memref<80x128xf32, #tpu.memory_space<vmem>>
      tpu.wait_dma2 semaphore(%run_scoped3A : memref<!tpu.dma_semaphore, #tpu.memory_space<semaphore_mem>>) src(%dma_wait3A_51 : memref<80x128xf32, #tpu.memory_space<vmem>>) dst(%dma_wait3A_48 : memref<80x128xf32, #tpu.memory_space<vmem_shared>>)
      tpu.yield
    }) : () -> ()
    %add3A_24 = arith.constant 560 : i32
    %add3A_25 = arith.addi %mul3A_9, %add3A_24 : i32
    "tpu.region"() ({
      %run_scoped3A = tpu.sem_alloc : memref<!tpu.dma_semaphore, #tpu.memory_space<semaphore_mem>>
      %dma_start3A = arith.constant 0 : i32
      %dma_start3A_34 = arith.constant 0 : i32
      %dma_start3A_35 = tpu.memref_slice %arg11[%dma_start3A, %dma_start3A_34] : memref<80x128xf32, #tpu.memory_space<vmem>> -> memref<72x128xf32, #tpu.memory_space<vmem>>
      %dma_start3A_36 = arith.constant 0 : i32
      %dma_start3A_37 = tpu.memref_slice %arg13[%add3A_25, %dma_start3A_36] : memref<10112x128xf32, #tpu.memory_space<vmem_shared>> -> memref<72x128xf32, #tpu.memory_space<vmem_shared>>
      %dma_start3A_38 = arith.constant 0 : i32
      %dma_start3A_39 = tpu.memref_slice %arg13[%add3A_25, %dma_start3A_38] : memref<10112x128xf32, #tpu.memory_space<vmem_shared>> -> memref<72x128xf32, #tpu.memory_space<vmem_shared>>
      %dma_start3A_40 = arith.constant 0 : i32
      %dma_start3A_41 = arith.constant 0 : i32
      %dma_start3A_42 = tpu.memref_slice %arg11[%dma_start3A_40, %dma_start3A_41] : memref<80x128xf32, #tpu.memory_space<vmem>> -> memref<72x128xf32, #tpu.memory_space<vmem>>
      tpu.enqueue_dma source(%dma_start3A_42 : memref<72x128xf32, #tpu.memory_space<vmem>>) target(%dma_start3A_39 : memref<72x128xf32, #tpu.memory_space<vmem_shared>>) target_semaphore(%run_scoped3A : memref<!tpu.dma_semaphore, #tpu.memory_space<semaphore_mem>>)
      %dma_wait3A = arith.constant 0 : i32
      %dma_wait3A_43 = arith.constant 0 : i32
      %dma_wait3A_44 = tpu.memref_slice %arg11[%dma_wait3A, %dma_wait3A_43] : memref<80x128xf32, #tpu.memory_space<vmem>> -> memref<72x128xf32, #tpu.memory_space<vmem>>
      %dma_wait3A_45 = arith.constant 0 : i32
      %dma_wait3A_46 = tpu.memref_slice %arg13[%add3A_25, %dma_wait3A_45] : memref<10112x128xf32, #tpu.memory_space<vmem_shared>> -> memref<72x128xf32, #tpu.memory_space<vmem_shared>>
      %dma_wait3A_47 = arith.constant 0 : i32
      %dma_wait3A_48 = tpu.memref_slice %arg13[%add3A_25, %dma_wait3A_47] : memref<10112x128xf32, #tpu.memory_space<vmem_shared>> -> memref<72x128xf32, #tpu.memory_space<vmem_shared>>
      %dma_wait3A_49 = arith.constant 0 : i32
      %dma_wait3A_50 = arith.constant 0 : i32
      %dma_wait3A_51 = tpu.memref_slice %arg11[%dma_wait3A_49, %dma_wait3A_50] : memref<80x128xf32, #tpu.memory_space<vmem>> -> memref<72x128xf32, #tpu.memory_space<vmem>>
      tpu.wait_dma2 semaphore(%run_scoped3A : memref<!tpu.dma_semaphore, #tpu.memory_space<semaphore_mem>>) src(%dma_wait3A_51 : memref<72x128xf32, #tpu.memory_space<vmem>>) dst(%dma_wait3A_48 : memref<72x128xf32, #tpu.memory_space<vmem_shared>>)
      tpu.yield
    }) : () -> ()
    %barrier3A = arith.constant 0 : index
    tpu.barrier barrier_id(%barrier3A)
    %scan3A_26 = arith.constant 0 : i32
    %scan3A_27 = arith.constant 0 : i32
    %scan3A_28 = arith.constant 5 : i32
    %scan3A_29 = arith.addi %scan3A_27, %scan3A_28 : i32
    %scan3A_30 = arith.constant 1 : i32
    %scan3A_31 = scf.for %scan3A_34 = %scan3A_27 to %scan3A_29 step %scan3A_30 iter_args(%scan3A_35 = %scan3A_26) -> (i32)  : i32 {
      "tpu.region"() ({
        %run_scoped3A = tpu.sem_alloc : memref<!tpu.dma_semaphore, #tpu.memory_space<semaphore_mem>>
        %dma_start3A = arith.constant 0 : i32
        %dma_start3A_44 = arith.constant 0 : i32
        %dma_start3A_45 = tpu.memref_slice %arg4[%add3A, %scan3A_34, %dma_start3A, %dma_start3A_44] : memref<32x5x25x80xi32, #tpu.memory_space<hbm>> -> memref<1x1x25x80xi32, #tpu.memory_space<hbm>>
        %dma_start3A_46 = tpu.memref_squeeze %dma_start3A_45 : memref<1x1x25x80xi32, #tpu.memory_space<hbm>> -> memref<25x80xi32, #tpu.memory_space<hbm>>
        %dma_start3A_47 = arith.constant 0 : i32
        %dma_start3A_48 = arith.constant 0 : i32
        %dma_start3A_49 = tpu.memref_slice %arg4[%add3A, %scan3A_34, %dma_start3A_47, %dma_start3A_48] : memref<32x5x25x80xi32, #tpu.memory_space<hbm>> -> memref<1x1x25x80xi32, #tpu.memory_space<hbm>>
        %dma_start3A_50 = tpu.memref_squeeze %dma_start3A_49 : memref<1x1x25x80xi32, #tpu.memory_space<hbm>> -> memref<25x80xi32, #tpu.memory_space<hbm>>
        tpu.enqueue_dma source(%dma_start3A_50 : memref<25x80xi32, #tpu.memory_space<hbm>>) target(%arg8 : memref<25x80xi32, #tpu.memory_space<vmem>>) target_semaphore(%run_scoped3A : memref<!tpu.dma_semaphore, #tpu.memory_space<semaphore_mem>>)
        %dma_wait3A = arith.constant 0 : i32
        %dma_wait3A_51 = arith.constant 0 : i32
        %dma_wait3A_52 = tpu.memref_slice %arg4[%add3A, %scan3A_34, %dma_wait3A, %dma_wait3A_51] : memref<32x5x25x80xi32, #tpu.memory_space<hbm>> -> memref<1x1x25x80xi32, #tpu.memory_space<hbm>>
        %dma_wait3A_53 = tpu.memref_squeeze %dma_wait3A_52 : memref<1x1x25x80xi32, #tpu.memory_space<hbm>> -> memref<25x80xi32, #tpu.memory_space<hbm>>
        %dma_wait3A_54 = arith.constant 0 : i32
        %dma_wait3A_55 = arith.constant 0 : i32
        %dma_wait3A_56 = tpu.memref_slice %arg4[%add3A, %scan3A_34, %dma_wait3A_54, %dma_wait3A_55] : memref<32x5x25x80xi32, #tpu.memory_space<hbm>> -> memref<1x1x25x80xi32, #tpu.memory_space<hbm>>
        %dma_wait3A_57 = tpu.memref_squeeze %dma_wait3A_56 : memref<1x1x25x80xi32, #tpu.memory_space<hbm>> -> memref<25x80xi32, #tpu.memory_space<hbm>>
        tpu.wait_dma2 semaphore(%run_scoped3A : memref<!tpu.dma_semaphore, #tpu.memory_space<semaphore_mem>>) src(%dma_wait3A_57 : memref<25x80xi32, #tpu.memory_space<hbm>>) dst(%arg8 : memref<25x80xi32, #tpu.memory_space<vmem>>)
        tpu.yield
      }) : () -> ()
      "tpu.region"() ({
        %run_scoped3A = tpu.sem_alloc : memref<!tpu.dma_semaphore, #tpu.memory_space<semaphore_mem>>
        %dma_start3A = arith.constant 0 : i32
        %dma_start3A_44 = arith.constant 0 : i32
        %dma_start3A_45 = tpu.memref_slice %arg5[%add3A, %scan3A_34, %dma_start3A, %dma_start3A_44] : memref<32x5x25x80xi32, #tpu.memory_space<hbm>> -> memref<1x1x25x80xi32, #tpu.memory_space<hbm>>
        %dma_start3A_46 = tpu.memref_squeeze %dma_start3A_45 : memref<1x1x25x80xi32, #tpu.memory_space<hbm>> -> memref<25x80xi32, #tpu.memory_space<hbm>>
        %dma_start3A_47 = arith.constant 0 : i32
        %dma_start3A_48 = arith.constant 0 : i32
        %dma_start3A_49 = tpu.memref_slice %arg5[%add3A, %scan3A_34, %dma_start3A_47, %dma_start3A_48] : memref<32x5x25x80xi32, #tpu.memory_space<hbm>> -> memref<1x1x25x80xi32, #tpu.memory_space<hbm>>
        %dma_start3A_50 = tpu.memref_squeeze %dma_start3A_49 : memref<1x1x25x80xi32, #tpu.memory_space<hbm>> -> memref<25x80xi32, #tpu.memory_space<hbm>>
        tpu.enqueue_dma source(%dma_start3A_50 : memref<25x80xi32, #tpu.memory_space<hbm>>) target(%arg9 : memref<25x80xi32, #tpu.memory_space<vmem>>) target_semaphore(%run_scoped3A : memref<!tpu.dma_semaphore, #tpu.memory_space<semaphore_mem>>)
        %dma_wait3A = arith.constant 0 : i32
        %dma_wait3A_51 = arith.constant 0 : i32
        %dma_wait3A_52 = tpu.memref_slice %arg5[%add3A, %scan3A_34, %dma_wait3A, %dma_wait3A_51] : memref<32x5x25x80xi32, #tpu.memory_space<hbm>> -> memref<1x1x25x80xi32, #tpu.memory_space<hbm>>
        %dma_wait3A_53 = tpu.memref_squeeze %dma_wait3A_52 : memref<1x1x25x80xi32, #tpu.memory_space<hbm>> -> memref<25x80xi32, #tpu.memory_space<hbm>>
        %dma_wait3A_54 = arith.constant 0 : i32
        %dma_wait3A_55 = arith.constant 0 : i32
        %dma_wait3A_56 = tpu.memref_slice %arg5[%add3A, %scan3A_34, %dma_wait3A_54, %dma_wait3A_55] : memref<32x5x25x80xi32, #tpu.memory_space<hbm>> -> memref<1x1x25x80xi32, #tpu.memory_space<hbm>>
        %dma_wait3A_57 = tpu.memref_squeeze %dma_wait3A_56 : memref<1x1x25x80xi32, #tpu.memory_space<hbm>> -> memref<25x80xi32, #tpu.memory_space<hbm>>
        tpu.wait_dma2 semaphore(%run_scoped3A : memref<!tpu.dma_semaphore, #tpu.memory_space<semaphore_mem>>) src(%dma_wait3A_57 : memref<25x80xi32, #tpu.memory_space<hbm>>) dst(%arg9 : memref<25x80xi32, #tpu.memory_space<vmem>>)
        tpu.yield
      }) : () -> ()
      "tpu.region"() ({
        %run_scoped3A = tpu.sem_alloc : memref<!tpu.dma_semaphore, #tpu.memory_space<semaphore_mem>>
        %dma_start3A = arith.constant 0 : i32
        %dma_start3A_44 = arith.constant 0 : i32
        %dma_start3A_45 = tpu.memref_slice %arg6[%add3A, %scan3A_34, %dma_start3A, %dma_start3A_44] : memref<32x5x25x80xi32, #tpu.memory_space<hbm>> -> memref<1x1x25x80xi32, #tpu.memory_space<hbm>>
        %dma_start3A_46 = tpu.memref_squeeze %dma_start3A_45 : memref<1x1x25x80xi32, #tpu.memory_space<hbm>> -> memref<25x80xi32, #tpu.memory_space<hbm>>
        %dma_start3A_47 = arith.constant 0 : i32
        %dma_start3A_48 = arith.constant 0 : i32
        %dma_start3A_49 = tpu.memref_slice %arg6[%add3A, %scan3A_34, %dma_start3A_47, %dma_start3A_48] : memref<32x5x25x80xi32, #tpu.memory_space<hbm>> -> memref<1x1x25x80xi32, #tpu.memory_space<hbm>>
        %dma_start3A_50 = tpu.memref_squeeze %dma_start3A_49 : memref<1x1x25x80xi32, #tpu.memory_space<hbm>> -> memref<25x80xi32, #tpu.memory_space<hbm>>
        tpu.enqueue_dma source(%dma_start3A_50 : memref<25x80xi32, #tpu.memory_space<hbm>>) target(%arg10 : memref<25x80xi32, #tpu.memory_space<vmem>>) target_semaphore(%run_scoped3A : memref<!tpu.dma_semaphore, #tpu.memory_space<semaphore_mem>>)
        %dma_wait3A = arith.constant 0 : i32
        %dma_wait3A_51 = arith.constant 0 : i32
        %dma_wait3A_52 = tpu.memref_slice %arg6[%add3A, %scan3A_34, %dma_wait3A, %dma_wait3A_51] : memref<32x5x25x80xi32, #tpu.memory_space<hbm>> -> memref<1x1x25x80xi32, #tpu.memory_space<hbm>>
        %dma_wait3A_53 = tpu.memref_squeeze %dma_wait3A_52 : memref<1x1x25x80xi32, #tpu.memory_space<hbm>> -> memref<25x80xi32, #tpu.memory_space<hbm>>
        %dma_wait3A_54 = arith.constant 0 : i32
        %dma_wait3A_55 = arith.constant 0 : i32
        %dma_wait3A_56 = tpu.memref_slice %arg6[%add3A, %scan3A_34, %dma_wait3A_54, %dma_wait3A_55] : memref<32x5x25x80xi32, #tpu.memory_space<hbm>> -> memref<1x1x25x80xi32, #tpu.memory_space<hbm>>
        %dma_wait3A_57 = tpu.memref_squeeze %dma_wait3A_56 : memref<1x1x25x80xi32, #tpu.memory_space<hbm>> -> memref<25x80xi32, #tpu.memory_space<hbm>>
        tpu.wait_dma2 semaphore(%run_scoped3A : memref<!tpu.dma_semaphore, #tpu.memory_space<semaphore_mem>>) src(%dma_wait3A_57 : memref<25x80xi32, #tpu.memory_space<hbm>>) dst(%arg10 : memref<25x80xi32, #tpu.memory_space<vmem>>)
        tpu.yield
      }) : () -> ()
      %scan3A_36 = arith.constant 0 : i32
      %scan3A_37 = arith.constant 0 : i32
      %scan3A_38 = arith.constant 25 : i32
      %scan3A_39 = arith.addi %scan3A_37, %scan3A_38 : i32
      %scan3A_40 = arith.constant 1 : i32
      %scan3A_41 = scf.for %scan3A_44 = %scan3A_37 to %scan3A_39 step %scan3A_40 iter_args(%scan3A_45 = %scan3A_36) -> (i32)  : i32 {
        %dma_start3A = arith.constant 0 : i32
        %dma_start3A_46 = tpu.memref_slice %arg8[%scan3A_44, %dma_start3A] : memref<25x80xi32, #tpu.memory_space<vmem>> -> memref<1x80xi32, #tpu.memory_space<vmem>>
        %dma_start3A_47 = tpu.memref_squeeze %dma_start3A_46 : memref<1x80xi32, #tpu.memory_space<vmem>> -> memref<80xi32, #tpu.memory_space<vmem>>
        %dma_start3A_48 = arith.constant 0 : i32
        %dma_start3A_49 = arith.constant 0 : i32
        %dma_start3A_50 = tpu.memref_slice %arg2[%dma_start3A_48, %dma_start3A_49] : memref<10000x128xf32, #tpu.memory_space<hbm>> -> memref<10000x128xf32, #tpu.memory_space<hbm>>
        tpu.enqueue_indirect_dma source(%dma_start3A_50 : memref<10000x128xf32, #tpu.memory_space<hbm>>) target(%arg11 : memref<80x128xf32, #tpu.memory_space<vmem>>) offsets(%dma_start3A_47 : memref<80xi32, #tpu.memory_space<vmem>>) semaphore(%arg14 : memref<!tpu.dma_semaphore, #tpu.memory_space<semaphore_mem>>)
        %dma_start3A_51 = arith.constant 0 : i32
        %dma_start3A_52 = tpu.memref_slice %arg10[%scan3A_44, %dma_start3A_51] : memref<25x80xi32, #tpu.memory_space<vmem>> -> memref<1x80xi32, #tpu.memory_space<vmem>>
        %dma_start3A_53 = tpu.memref_squeeze %dma_start3A_52 : memref<1x80xi32, #tpu.memory_space<vmem>> -> memref<80xi32, #tpu.memory_space<vmem>>
        %dma_start3A_54 = arith.constant 0 : i32
        %dma_start3A_55 = arith.constant 0 : i32
        %dma_start3A_56 = tpu.memref_slice %arg3[%dma_start3A_54, %dma_start3A_55] : memref<400x128xf32, #tpu.memory_space<hbm>> -> memref<400x128xf32, #tpu.memory_space<hbm>>
        tpu.enqueue_indirect_dma source(%dma_start3A_56 : memref<400x128xf32, #tpu.memory_space<hbm>>) target(%arg12 : memref<80x128xf32, #tpu.memory_space<vmem>>) offsets(%dma_start3A_53 : memref<80xi32, #tpu.memory_space<vmem>>) semaphore(%arg15 : memref<!tpu.dma_semaphore, #tpu.memory_space<semaphore_mem>>)
        %dma_wait3A = arith.constant 0 : i32
        %dma_wait3A_57 = tpu.memref_slice %arg8[%scan3A_44, %dma_wait3A] : memref<25x80xi32, #tpu.memory_space<vmem>> -> memref<1x80xi32, #tpu.memory_space<vmem>>
        %dma_wait3A_58 = tpu.memref_squeeze %dma_wait3A_57 : memref<1x80xi32, #tpu.memory_space<vmem>> -> memref<80xi32, #tpu.memory_space<vmem>>
        %dma_wait3A_59 = arith.constant 0 : i32
        %dma_wait3A_60 = arith.constant 0 : i32
        %dma_wait3A_61 = tpu.memref_slice %arg2[%dma_wait3A_59, %dma_wait3A_60] : memref<10000x128xf32, #tpu.memory_space<hbm>> -> memref<10000x128xf32, #tpu.memory_space<hbm>>
        tpu.wait_indirect_dma semaphore(%arg14 : memref<!tpu.dma_semaphore, #tpu.memory_space<semaphore_mem>>) src(%dma_wait3A_61 : memref<10000x128xf32, #tpu.memory_space<hbm>>) dst(%arg11 : memref<80x128xf32, #tpu.memory_space<vmem>>)
        %dma_wait3A_62 = arith.constant 0 : i32
        %dma_wait3A_63 = tpu.memref_slice %arg10[%scan3A_44, %dma_wait3A_62] : memref<25x80xi32, #tpu.memory_space<vmem>> -> memref<1x80xi32, #tpu.memory_space<vmem>>
        %dma_wait3A_64 = tpu.memref_squeeze %dma_wait3A_63 : memref<1x80xi32, #tpu.memory_space<vmem>> -> memref<80xi32, #tpu.memory_space<vmem>>
        %dma_wait3A_65 = arith.constant 0 : i32
        %dma_wait3A_66 = arith.constant 0 : i32
        %dma_wait3A_67 = tpu.memref_slice %arg3[%dma_wait3A_65, %dma_wait3A_66] : memref<400x128xf32, #tpu.memory_space<hbm>> -> memref<400x128xf32, #tpu.memory_space<hbm>>
        tpu.wait_indirect_dma semaphore(%arg15 : memref<!tpu.dma_semaphore, #tpu.memory_space<semaphore_mem>>) src(%dma_wait3A_67 : memref<400x128xf32, #tpu.memory_space<hbm>>) dst(%arg12 : memref<80x128xf32, #tpu.memory_space<vmem>>)
        %scan3A_68 = arith.constant 0 : i32
        %scan3A_69 = arith.constant 0 : i32
        %scan3A_70 = arith.constant 80 : i32
        %scan3A_71 = arith.addi %scan3A_69, %scan3A_70 : i32
        %scan3A_72 = arith.constant 1 : i32
        %scan3A_73 = scf.for %scan3A_76 = %scan3A_69 to %scan3A_71 step %scan3A_72 iter_args(%scan3A_77 = %scan3A_68) -> (i32)  : i32 {
          %get3A = arith.index_cast %scan3A_76 : i32 to index
          %get3A_78 = arith.constant 0 : index
          %get3A_79 = tpu.vector_load %arg11[%get3A, %get3A_78] {strides = array<i32>} : memref<80x128xf32, #tpu.memory_space<vmem>>, vector<1x16xf32>,
          %get3A_80 = vector.shape_cast %get3A_79 : vector<1x16xf32> to vector<16xf32>
          %get3A_81 = arith.index_cast %scan3A_76 : i32 to index
          %get3A_82 = arith.constant 0 : index
          %get3A_83 = tpu.vector_load %arg12[%get3A_81, %get3A_82] {strides = array<i32>} : memref<80x128xf32, #tpu.memory_space<vmem>>, vector<1x16xf32>,
          %get3A_84 = vector.shape_cast %get3A_83 : vector<1x16xf32> to vector<16xf32>
          %mul3A_85 = arith.mulf %get3A_80, %get3A_84 : vector<16xf32>
          %swap3A = arith.index_cast %scan3A_76 : i32 to index
          %swap3A_86 = arith.constant 0 : index
          %swap3A_87 = tpu.vector_load %arg11[%swap3A, %swap3A_86] {strides = array<i32>} : memref<80x128xf32, #tpu.memory_space<vmem>>, vector<1x16xf32>,
          %swap3A_88 = vector.shape_cast %swap3A_87 : vector<1x16xf32> to vector<16xf32>
          %swap3A_89 = vector.shape_cast %mul3A_85 : vector<16xf32> to vector<1x16xf32>
          tpu.vector_store %arg11[%swap3A, %swap3A_86], %swap3A_89 {strides = array<i32>} : memref<80x128xf32, #tpu.memory_space<vmem>>, vector<1x16xf32>,
          %get3A_90 = arith.index_cast %scan3A_76 : i32 to index
          %get3A_91 = arith.constant 16 : index
          %get3A_92 = tpu.vector_load %arg11[%get3A_90, %get3A_91] {strides = array<i32>} : memref<80x128xf32, #tpu.memory_space<vmem>>, vector<1x16xf32>,
          %get3A_93 = vector.shape_cast %get3A_92 : vector<1x16xf32> to vector<16xf32>
          %get3A_94 = arith.index_cast %scan3A_76 : i32 to index
          %get3A_95 = arith.constant 16 : index
          %get3A_96 = tpu.vector_load %arg12[%get3A_94, %get3A_95] {strides = array<i32>} : memref<80x128xf32, #tpu.memory_space<vmem>>, vector<1x16xf32>,
          %get3A_97 = vector.shape_cast %get3A_96 : vector<1x16xf32> to vector<16xf32>
          %mul3A_98 = arith.mulf %get3A_93, %get3A_97 : vector<16xf32>
          %swap3A_99 = arith.index_cast %scan3A_76 : i32 to index
          %swap3A_100 = arith.constant 16 : index
          %swap3A_101 = tpu.vector_load %arg11[%swap3A_99, %swap3A_100] {strides = array<i32>} : memref<80x128xf32, #tpu.memory_space<vmem>>, vector<1x16xf32>,
          %swap3A_102 = vector.shape_cast %swap3A_101 : vector<1x16xf32> to vector<16xf32>
          %swap3A_103 = vector.shape_cast %mul3A_98 : vector<16xf32> to vector<1x16xf32>
          tpu.vector_store %arg11[%swap3A_99, %swap3A_100], %swap3A_103 {strides = array<i32>} : memref<80x128xf32, #tpu.memory_space<vmem>>, vector<1x16xf32>,
          %get3A_104 = arith.index_cast %scan3A_76 : i32 to index
          %get3A_105 = arith.constant 32 : index
          %get3A_106 = tpu.vector_load %arg11[%get3A_104, %get3A_105] {strides = array<i32>} : memref<80x128xf32, #tpu.memory_space<vmem>>, vector<1x16xf32>,
          %get3A_107 = vector.shape_cast %get3A_106 : vector<1x16xf32> to vector<16xf32>
          %get3A_108 = arith.index_cast %scan3A_76 : i32 to index
          %get3A_109 = arith.constant 32 : index
          %get3A_110 = tpu.vector_load %arg12[%get3A_108, %get3A_109] {strides = array<i32>} : memref<80x128xf32, #tpu.memory_space<vmem>>, vector<1x16xf32>,
          %get3A_111 = vector.shape_cast %get3A_110 : vector<1x16xf32> to vector<16xf32>
          %mul3A_112 = arith.mulf %get3A_107, %get3A_111 : vector<16xf32>
          %swap3A_113 = arith.index_cast %scan3A_76 : i32 to index
          %swap3A_114 = arith.constant 32 : index
          %swap3A_115 = tpu.vector_load %arg11[%swap3A_113, %swap3A_114] {strides = array<i32>} : memref<80x128xf32, #tpu.memory_space<vmem>>, vector<1x16xf32>,
          %swap3A_116 = vector.shape_cast %swap3A_115 : vector<1x16xf32> to vector<16xf32>
          %swap3A_117 = vector.shape_cast %mul3A_112 : vector<16xf32> to vector<1x16xf32>
          tpu.vector_store %arg11[%swap3A_113, %swap3A_114], %swap3A_117 {strides = array<i32>} : memref<80x128xf32, #tpu.memory_space<vmem>>, vector<1x16xf32>,
          %get3A_118 = arith.index_cast %scan3A_76 : i32 to index
          %get3A_119 = arith.constant 48 : index
          %get3A_120 = tpu.vector_load %arg11[%get3A_118, %get3A_119] {strides = array<i32>} : memref<80x128xf32, #tpu.memory_space<vmem>>, vector<1x16xf32>,
          %get3A_121 = vector.shape_cast %get3A_120 : vector<1x16xf32> to vector<16xf32>
          %get3A_122 = arith.index_cast %scan3A_76 : i32 to index
          %get3A_123 = arith.constant 48 : index
          %get3A_124 = tpu.vector_load %arg12[%get3A_122, %get3A_123] {strides = array<i32>} : memref<80x128xf32, #tpu.memory_space<vmem>>, vector<1x16xf32>,
          %get3A_125 = vector.shape_cast %get3A_124 : vector<1x16xf32> to vector<16xf32>
          %mul3A_126 = arith.mulf %get3A_121, %get3A_125 : vector<16xf32>
          %swap3A_127 = arith.index_cast %scan3A_76 : i32 to index
          %swap3A_128 = arith.constant 48 : index
          %swap3A_129 = tpu.vector_load %arg11[%swap3A_127, %swap3A_128] {strides = array<i32>} : memref<80x128xf32, #tpu.memory_space<vmem>>, vector<1x16xf32>,
          %swap3A_130 = vector.shape_cast %swap3A_129 : vector<1x16xf32> to vector<16xf32>
          %swap3A_131 = vector.shape_cast %mul3A_126 : vector<16xf32> to vector<1x16xf32>
          tpu.vector_store %arg11[%swap3A_127, %swap3A_128], %swap3A_131 {strides = array<i32>} : memref<80x128xf32, #tpu.memory_space<vmem>>, vector<1x16xf32>,
          %get3A_132 = arith.index_cast %scan3A_76 : i32 to index
          %get3A_133 = arith.constant 64 : index
          %get3A_134 = tpu.vector_load %arg11[%get3A_132, %get3A_133] {strides = array<i32>} : memref<80x128xf32, #tpu.memory_space<vmem>>, vector<1x16xf32>,
          %get3A_135 = vector.shape_cast %get3A_134 : vector<1x16xf32> to vector<16xf32>
          %get3A_136 = arith.index_cast %scan3A_76 : i32 to index
          %get3A_137 = arith.constant 64 : index
          %get3A_138 = tpu.vector_load %arg12[%get3A_136, %get3A_137] {strides = array<i32>} : memref<80x128xf32, #tpu.memory_space<vmem>>, vector<1x16xf32>,
          %get3A_139 = vector.shape_cast %get3A_138 : vector<1x16xf32> to vector<16xf32>
          %mul3A_140 = arith.mulf %get3A_135, %get3A_139 : vector<16xf32>
          %swap3A_141 = arith.index_cast %scan3A_76 : i32 to index
          %swap3A_142 = arith.constant 64 : index
          %swap3A_143 = tpu.vector_load %arg11[%swap3A_141, %swap3A_142] {strides = array<i32>} : memref<80x128xf32, #tpu.memory_space<vmem>>, vector<1x16xf32>,
          %swap3A_144 = vector.shape_cast %swap3A_143 : vector<1x16xf32> to vector<16xf32>
          %swap3A_145 = vector.shape_cast %mul3A_140 : vector<16xf32> to vector<1x16xf32>
          tpu.vector_store %arg11[%swap3A_141, %swap3A_142], %swap3A_145 {strides = array<i32>} : memref<80x128xf32, #tpu.memory_space<vmem>>, vector<1x16xf32>,
          %get3A_146 = arith.index_cast %scan3A_76 : i32 to index
          %get3A_147 = arith.constant 80 : index
          %get3A_148 = tpu.vector_load %arg11[%get3A_146, %get3A_147] {strides = array<i32>} : memref<80x128xf32, #tpu.memory_space<vmem>>, vector<1x16xf32>,
          %get3A_149 = vector.shape_cast %get3A_148 : vector<1x16xf32> to vector<16xf32>
          %get3A_150 = arith.index_cast %scan3A_76 : i32 to index
          %get3A_151 = arith.constant 80 : index
          %get3A_152 = tpu.vector_load %arg12[%get3A_150, %get3A_151] {strides = array<i32>} : memref<80x128xf32, #tpu.memory_space<vmem>>, vector<1x16xf32>,
          %get3A_153 = vector.shape_cast %get3A_152 : vector<1x16xf32> to vector<16xf32>
          %mul3A_154 = arith.mulf %get3A_149, %get3A_153 : vector<16xf32>
          %swap3A_155 = arith.index_cast %scan3A_76 : i32 to index
          %swap3A_156 = arith.constant 80 : index
          %swap3A_157 = tpu.vector_load %arg11[%swap3A_155, %swap3A_156] {strides = array<i32>} : memref<80x128xf32, #tpu.memory_space<vmem>>, vector<1x16xf32>,
          %swap3A_158 = vector.shape_cast %swap3A_157 : vector<1x16xf32> to vector<16xf32>
          %swap3A_159 = vector.shape_cast %mul3A_154 : vector<16xf32> to vector<1x16xf32>
          tpu.vector_store %arg11[%swap3A_155, %swap3A_156], %swap3A_159 {strides = array<i32>} : memref<80x128xf32, #tpu.memory_space<vmem>>, vector<1x16xf32>,
          %get3A_160 = arith.index_cast %scan3A_76 : i32 to index
          %get3A_161 = arith.constant 96 : index
          %get3A_162 = tpu.vector_load %arg11[%get3A_160, %get3A_161] {strides = array<i32>} : memref<80x128xf32, #tpu.memory_space<vmem>>, vector<1x16xf32>,
          %get3A_163 = vector.shape_cast %get3A_162 : vector<1x16xf32> to vector<16xf32>
          %get3A_164 = arith.index_cast %scan3A_76 : i32 to index
          %get3A_165 = arith.constant 96 : index
          %get3A_166 = tpu.vector_load %arg12[%get3A_164, %get3A_165] {strides = array<i32>} : memref<80x128xf32, #tpu.memory_space<vmem>>, vector<1x16xf32>,
          %get3A_167 = vector.shape_cast %get3A_166 : vector<1x16xf32> to vector<16xf32>
          %mul3A_168 = arith.mulf %get3A_163, %get3A_167 : vector<16xf32>
          %swap3A_169 = arith.index_cast %scan3A_76 : i32 to index
          %swap3A_170 = arith.constant 96 : index
          %swap3A_171 = tpu.vector_load %arg11[%swap3A_169, %swap3A_170] {strides = array<i32>} : memref<80x128xf32, #tpu.memory_space<vmem>>, vector<1x16xf32>,
          %swap3A_172 = vector.shape_cast %swap3A_171 : vector<1x16xf32> to vector<16xf32>
          %swap3A_173 = vector.shape_cast %mul3A_168 : vector<16xf32> to vector<1x16xf32>
          tpu.vector_store %arg11[%swap3A_169, %swap3A_170], %swap3A_173 {strides = array<i32>} : memref<80x128xf32, #tpu.memory_space<vmem>>, vector<1x16xf32>,
          %get3A_174 = arith.index_cast %scan3A_76 : i32 to index
          %get3A_175 = arith.constant 112 : index
          %get3A_176 = tpu.vector_load %arg11[%get3A_174, %get3A_175] {strides = array<i32>} : memref<80x128xf32, #tpu.memory_space<vmem>>, vector<1x16xf32>,
          %get3A_177 = vector.shape_cast %get3A_176 : vector<1x16xf32> to vector<16xf32>
          %get3A_178 = arith.index_cast %scan3A_76 : i32 to index
          %get3A_179 = arith.constant 112 : index
          %get3A_180 = tpu.vector_load %arg12[%get3A_178, %get3A_179] {strides = array<i32>} : memref<80x128xf32, #tpu.memory_space<vmem>>, vector<1x16xf32>,
          %get3A_181 = vector.shape_cast %get3A_180 : vector<1x16xf32> to vector<16xf32>
          %mul3A_182 = arith.mulf %get3A_177, %get3A_181 : vector<16xf32>
          %swap3A_183 = arith.index_cast %scan3A_76 : i32 to index
          %swap3A_184 = arith.constant 112 : index
          %swap3A_185 = tpu.vector_load %arg11[%swap3A_183, %swap3A_184] {strides = array<i32>} : memref<80x128xf32, #tpu.memory_space<vmem>>, vector<1x16xf32>,
          %swap3A_186 = vector.shape_cast %swap3A_185 : vector<1x16xf32> to vector<16xf32>
          %swap3A_187 = vector.shape_cast %mul3A_182 : vector<16xf32> to vector<1x16xf32>
          tpu.vector_store %arg11[%swap3A_183, %swap3A_184], %swap3A_187 {strides = array<i32>} : memref<80x128xf32, #tpu.memory_space<vmem>>, vector<1x16xf32>,
          %scan3A_188 = arith.constant 0 : i32
          scf.yield %scan3A_188 : i32
        }
        %scan3A_74 = arith.constant 80 : i32
        "tpu.region"() ({
          %run_scoped3A = tpu.sem_alloc : memref<!tpu.dma_semaphore, #tpu.memory_space<semaphore_mem>>
          %dma_start3A_76 = arith.constant 0 : i32
          %dma_start3A_77 = tpu.memref_slice %arg9[%scan3A_44, %dma_start3A_76] : memref<25x80xi32, #tpu.memory_space<vmem>> -> memref<1x80xi32, #tpu.memory_space<vmem>>
          %dma_start3A_78 = tpu.memref_squeeze %dma_start3A_77 : memref<1x80xi32, #tpu.memory_space<vmem>> -> memref<80xi32, #tpu.memory_space<vmem>>
          %dma_start3A_79 = arith.constant 0 : i32
          %dma_start3A_80 = arith.constant 0 : i32
          %dma_start3A_81 = tpu.memref_slice %arg13[%dma_start3A_79, %dma_start3A_80] : memref<10112x128xf32, #tpu.memory_space<vmem_shared>> -> memref<10112x128xf32, #tpu.memory_space<vmem_shared>>
          tpu.enqueue_indirect_dma source(%arg11 : memref<80x128xf32, #tpu.memory_space<vmem>>) target(%dma_start3A_81 : memref<10112x128xf32, #tpu.memory_space<vmem_shared>>) offsets(%dma_start3A_78 : memref<80xi32, #tpu.memory_space<vmem>>) semaphore(%run_scoped3A : memref<!tpu.dma_semaphore, #tpu.memory_space<semaphore_mem>>) {add = true}
          %dma_wait3A_82 = arith.constant 0 : i32
          %dma_wait3A_83 = tpu.memref_slice %arg9[%scan3A_44, %dma_wait3A_82] : memref<25x80xi32, #tpu.memory_space<vmem>> -> memref<1x80xi32, #tpu.memory_space<vmem>>
          %dma_wait3A_84 = tpu.memref_squeeze %dma_wait3A_83 : memref<1x80xi32, #tpu.memory_space<vmem>> -> memref<80xi32, #tpu.memory_space<vmem>>
          %dma_wait3A_85 = arith.constant 0 : i32
          %dma_wait3A_86 = arith.constant 0 : i32
          %dma_wait3A_87 = tpu.memref_slice %arg13[%dma_wait3A_85, %dma_wait3A_86] : memref<10112x128xf32, #tpu.memory_space<vmem_shared>> -> memref<10112x128xf32, #tpu.memory_space<vmem_shared>>
          tpu.wait_indirect_dma semaphore(%run_scoped3A : memref<!tpu.dma_semaphore, #tpu.memory_space<semaphore_mem>>) src(%arg11 : memref<80x128xf32, #tpu.memory_space<vmem>>) dst(%dma_wait3A_87 : memref<10112x128xf32, #tpu.memory_space<vmem_shared>>)
          tpu.yield
        }) : () -> ()
        %scan3A_75 = arith.constant 0 : i32
        scf.yield %scan3A_75 : i32
      }
      %scan3A_42 = arith.constant 25 : i32
      %scan3A_43 = arith.constant 0 : i32
      scf.yield %scan3A_43 : i32
    }
    %scan3A_32 = arith.constant 5 : i32
    %barrier3A_33 = arith.constant 0 : index
    tpu.barrier barrier_id(%barrier3A_33)
    "tpu.region"() ({
      %run_scoped3A = tpu.sem_alloc : memref<!tpu.dma_semaphore, #tpu.memory_space<semaphore_mem>>
      %dma_start3A = arith.constant 0 : i32
      %dma_start3A_34 = tpu.memref_slice %arg7[%arg0, %mul3A_9, %dma_start3A] : memref<2x10112x128xf32, #tpu.memory_space<hbm>> -> memref<1x632x128xf32, #tpu.memory_space<hbm>>
      %dma_start3A_35 = tpu.memref_squeeze %dma_start3A_34 : memref<1x632x128xf32, #tpu.memory_space<hbm>> -> memref<632x128xf32, #tpu.memory_space<hbm>>
      %dma_start3A_36 = arith.constant 0 : i32
      %dma_start3A_37 = tpu.memref_slice %arg13[%mul3A_9, %dma_start3A_36] : memref<10112x128xf32, #tpu.memory_space<vmem_shared>> -> memref<632x128xf32, #tpu.memory_space<vmem_shared>>
      tpu.enqueue_dma source(%dma_start3A_37 : memref<632x128xf32, #tpu.memory_space<vmem_shared>>) target(%dma_start3A_35 : memref<632x128xf32, #tpu.memory_space<hbm>>) target_semaphore(%run_scoped3A : memref<!tpu.dma_semaphore, #tpu.memory_space<semaphore_mem>>)
      %dma_wait3A = arith.constant 0 : i32
      %dma_wait3A_38 = tpu.memref_slice %arg7[%arg0, %mul3A_9, %dma_wait3A] : memref<2x10112x128xf32, #tpu.memory_space<hbm>> -> memref<1x632x128xf32, #tpu.memory_space<hbm>>
      %dma_wait3A_39 = tpu.memref_squeeze %dma_wait3A_38 : memref<1x632x128xf32, #tpu.memory_space<hbm>> -> memref<632x128xf32, #tpu.memory_space<hbm>>
      %dma_wait3A_40 = arith.constant 0 : i32
      %dma_wait3A_41 = tpu.memref_slice %arg13[%mul3A_9, %dma_wait3A_40] : memref<10112x128xf32, #tpu.memory_space<vmem_shared>> -> memref<632x128xf32, #tpu.memory_space<vmem_shared>>
      tpu.wait_dma2 semaphore(%run_scoped3A : memref<!tpu.dma_semaphore, #tpu.memory_space<semaphore_mem>>) src(%dma_wait3A_41 : memref<632x128xf32, #tpu.memory_space<vmem_shared>>) dst(%dma_wait3A_39 : memref<632x128xf32, #tpu.memory_space<hbm>>)
      tpu.yield
    }) : () -> ()
    return
  }
}

#map = affine_map<(d0, d1) -> (0, 0)>
#map1 = affine_map<(d0, d1) -> (0, 0, 0, 0)>
#map2 = affine_map<(d0, d1) -> (0, 0, 0)>
module attributes {stable_mosaic.version = 14 : i64} {
  func.func @conv(%arg0: i32, %arg1: i32, %arg2: memref<10000x128xf32, #tpu.memory_space<hbm>>, %arg3: memref<400x128xf32, #tpu.memory_space<hbm>>, %arg4: memref<32x5x25x80xi32, #tpu.memory_space<hbm>>, %arg5: memref<32x5x25x80xi32, #tpu.memory_space<hbm>>, %arg6: memref<32x5x25x80xi32, #tpu.memory_space<hbm>>, %arg7: memref<2x10112x128xf32, #tpu.memory_space<hbm>>, %arg8: memref<25x80xi32, #tpu.memory_space<vmem>>, %arg9: memref<25x80xi32, #tpu.memory_space<vmem>>, %arg10: memref<25x80xi32, #tpu.memory_space<vmem>>, %arg11: memref<80x128xf32, #tpu.memory_space<vmem>>, %arg12: memref<80x128xf32, #tpu.memory_space<vmem>>, %arg13: memref<10112x128xf32, #tpu.memory_space<vmem_shared>>, %arg14: memref<!tpu.dma_semaphore, #tpu.memory_space<semaphore_mem>>, %arg15: memref<!tpu.dma_semaphore, #tpu.memory_space<semaphore_mem>>) attributes {dimension_semantics = [#tpu.dimension_semantics<core_parallel>, #tpu.dimension_semantics<subcore_parallel>], iteration_bounds = array<i64: 2, 16>, scalar_prefetch = 0 : i64, scratch_operands = 8 : i64, tpu.core_type = #tpu.core_type<sc_vector_subcore>, window_params = [{transform_indices = #map}, {transform_indices = #map}, {transform_indices = #map1}, {transform_indices = #map1}, {transform_indices = #map1}, {transform_indices = #map2}]} {
    %mul3A = arith.constant 16 : i32
    %mul3A_0 = arith.muli %arg0, %mul3A : i32
    %add3A = arith.addi %mul3A_0, %arg1 : i32
    %broadcast_in_dim3A = arith.constant 0.000000e+00 : f32
    %broadcast_in_dim3A_1 = vector.broadcast %broadcast_in_dim3A : f32 to vector<16xf32>
    %scan3A = arith.constant 0 : i32
    %scan3A_2 = arith.constant 0 : i32
    %scan3A_3 = arith.constant 80 : i32
    %scan3A_4 = arith.addi %scan3A_2, %scan3A_3 : i32
    %scan3A_5 = arith.constant 1 : i32
    %scan3A_6 = scf.for %scan3A_34 = %scan3A_2 to %scan3A_4 step %scan3A_5 iter_args(%scan3A_35 = %scan3A) -> (i32)  : i32 {
      %swap3A = arith.index_cast %scan3A_34 : i32 to index
      %swap3A_36 = arith.constant 0 : index
      %swap3A_37 = tpu.vector_load %arg11[%swap3A, %swap3A_36] {strides = array<i32>} : memref<80x128xf32, #tpu.memory_space<vmem>>, vector<1x16xf32>,
      %swap3A_38 = vector.shape_cast %swap3A_37 : vector<1x16xf32> to vector<16xf32>
      %swap3A_39 = vector.shape_cast %broadcast_in_dim3A_1 : vector<16xf32> to vector<1x16xf32>
      tpu.vector_store %arg11[%swap3A, %swap3A_36], %swap3A_39 {strides = array<i32>} : memref<80x128xf32, #tpu.memory_space<vmem>>, vector<1x16xf32>,
      %swap3A_40 = arith.index_cast %scan3A_34 : i32 to index
      %swap3A_41 = arith.constant 16 : index
      %swap3A_42 = tpu.vector_load %arg11[%swap3A_40, %swap3A_41] {strides = array<i32>} : memref<80x128xf32, #tpu.memory_space<vmem>>, vector<1x16xf32>,
      %swap3A_43 = vector.shape_cast %swap3A_42 : vector<1x16xf32> to vector<16xf32>
      %swap3A_44 = vector.shape_cast %broadcast_in_dim3A_1 : vector<16xf32> to vector<1x16xf32>
      tpu.vector_store %arg11[%swap3A_40, %swap3A_41], %swap3A_44 {strides = array<i32>} : memref<80x128xf32, #tpu.memory_space<vmem>>, vector<1x16xf32>,
      %swap3A_45 = arith.index_cast %scan3A_34 : i32 to index
      %swap3A_46 = arith.constant 32 : index
      %swap3A_47 = tpu.vector_load %arg11[%swap3A_45, %swap3A_46] {strides = array<i32>} : memref<80x128xf32, #tpu.memory_space<vmem>>, vector<1x16xf32>,
      %swap3A_48 = vector.shape_cast %swap3A_47 : vector<1x16xf32> to vector<16xf32>
      %swap3A_49 = vector.shape_cast %broadcast_in_dim3A_1 : vector<16xf32> to vector<1x16xf32>
      tpu.vector_store %arg11[%swap3A_45, %swap3A_46], %swap3A_49 {strides = array<i32>} : memref<80x128xf32, #tpu.memory_space<vmem>>, vector<1x16xf32>,
      %swap3A_50 = arith.index_cast %scan3A_34 : i32 to index
      %swap3A_51 = arith.constant 48 : index
      %swap3A_52 = tpu.vector_load %arg11[%swap3A_50, %swap3A_51] {strides = array<i32>} : memref<80x128xf32, #tpu.memory_space<vmem>>, vector<1x16xf32>,
      %swap3A_53 = vector.shape_cast %swap3A_52 : vector<1x16xf32> to vector<16xf32>
      %swap3A_54 = vector.shape_cast %broadcast_in_dim3A_1 : vector<16xf32> to vector<1x16xf32>
      tpu.vector_store %arg11[%swap3A_50, %swap3A_51], %swap3A_54 {strides = array<i32>} : memref<80x128xf32, #tpu.memory_space<vmem>>, vector<1x16xf32>,
      %swap3A_55 = arith.index_cast %scan3A_34 : i32 to index
      %swap3A_56 = arith.constant 64 : index
      %swap3A_57 = tpu.vector_load %arg11[%swap3A_55, %swap3A_56] {strides = array<i32>} : memref<80x128xf32, #tpu.memory_space<vmem>>, vector<1x16xf32>,
      %swap3A_58 = vector.shape_cast %swap3A_57 : vector<1x16xf32> to vector<16xf32>
      %swap3A_59 = vector.shape_cast %broadcast_in_dim3A_1 : vector<16xf32> to vector<1x16xf32>
      tpu.vector_store %arg11[%swap3A_55, %swap3A_56], %swap3A_59 {strides = array<i32>} : memref<80x128xf32, #tpu.memory_space<vmem>>, vector<1x16xf32>,
      %swap3A_60 = arith.index_cast %scan3A_34 : i32 to index
      %swap3A_61 = arith.constant 80 : index
      %swap3A_62 = tpu.vector_load %arg11[%swap3A_60, %swap3A_61] {strides = array<i32>} : memref<80x128xf32, #tpu.memory_space<vmem>>, vector<1x16xf32>,
      %swap3A_63 = vector.shape_cast %swap3A_62 : vector<1x16xf32> to vector<16xf32>
      %swap3A_64 = vector.shape_cast %broadcast_in_dim3A_1 : vector<16xf32> to vector<1x16xf32>
      tpu.vector_store %arg11[%swap3A_60, %swap3A_61], %swap3A_64 {strides = array<i32>} : memref<80x128xf32, #tpu.memory_space<vmem>>, vector<1x16xf32>,
      %swap3A_65 = arith.index_cast %scan3A_34 : i32 to index
      %swap3A_66 = arith.constant 96 : index
      %swap3A_67 = tpu.vector_load %arg11[%swap3A_65, %swap3A_66] {strides = array<i32>} : memref<80x128xf32, #tpu.memory_space<vmem>>, vector<1x16xf32>,
      %swap3A_68 = vector.shape_cast %swap3A_67 : vector<1x16xf32> to vector<16xf32>
      %swap3A_69 = vector.shape_cast %broadcast_in_dim3A_1 : vector<16xf32> to vector<1x16xf32>
      tpu.vector_store %arg11[%swap3A_65, %swap3A_66], %swap3A_69 {strides = array<i32>} : memref<80x128xf32, #tpu.memory_space<vmem>>, vector<1x16xf32>,
      %swap3A_70 = arith.index_cast %scan3A_34 : i32 to index
      %swap3A_71 = arith.constant 112 : index
      %swap3A_72 = tpu.vector_load %arg11[%swap3A_70, %swap3A_71] {strides = array<i32>} : memref<80x128xf32, #tpu.memory_space<vmem>>, vector<1x16xf32>,
      %swap3A_73 = vector.shape_cast %swap3A_72 : vector<1x16xf32> to vector<16xf32>
      %swap3A_74 = vector.shape_cast %broadcast_in_dim3A_1 : vector<16xf32> to vector<1x16xf32>
      tpu.vector_store %arg11[%swap3A_70, %swap3A_71], %swap3A_74 {strides = array<i32>} : memref<80x128xf32, #tpu.memory_space<vmem>>, vector<1x16xf32>,
      %scan3A_75 = arith.constant 0 : i32
      scf.yield %scan3A_75 : i32
    }
    %scan3A_7 = arith.constant 80 : i32
    %mul3A_8 = arith.constant 632 : i32
    %mul3A_9 = arith.muli %arg1, %mul3A_8 : i32
    %add3A_10 = arith.constant 0 : i32
    %add3A_11 = arith.addi %mul3A_9, %add3A_10 : i32
    "tpu.region"() ({
      %run_scoped3A = tpu.sem_alloc : memref<!tpu.dma_semaphore, #tpu.memory_space<semaphore_mem>>
      %dma_start3A = arith.constant 0 : i32
      %dma_start3A_34 = arith.constant 0 : i32
      %dma_start3A_35 = tpu.memref_slice %arg11[%dma_start3A, %dma_start3A_34] : memref<80x128xf32, #tpu.memory_space<vmem>> -> memref<80x128xf32, #tpu.memory_space<vmem>>
      %dma_start3A_36 = arith.constant 0 : i32
      %dma_start3A_37 = tpu.memref_slice %arg13[%add3A_11, %dma_start3A_36] : memref<10112x128xf32, #tpu.memory_space<vmem_shared>> -> memref<80x128xf32, #tpu.memory_space<vmem_shared>>
      %dma_start3A_38 = arith.constant 0 : i32
      %dma_start3A_39 = tpu.memref_slice %arg13[%add3A_11, %dma_start3A_38] : memref<10112x128xf32, #tpu.memory_space<vmem_shared>> -> memref<80x128xf32, #tpu.memory_space<vmem_shared>>
      %dma_start3A_40 = arith.constant 0 : i32
      %dma_start3A_41 = arith.constant 0 : i32
      %dma_start3A_42 = tpu.memref_slice %arg11[%dma_start3A_40, %dma_start3A_41] : memref<80x128xf32, #tpu.memory_space<vmem>> -> memref<80x128xf32, #tpu.memory_space<vmem>>
      tpu.enqueue_dma source(%dma_start3A_42 : memref<80x128xf32, #tpu.memory_space<vmem>>) target(%dma_start3A_39 : memref<80x128xf32, #tpu.memory_space<vmem_shared>>) target_semaphore(%run_scoped3A : memref<!tpu.dma_semaphore, #tpu.memory_space<semaphore_mem>>)
      %dma_wait3A = arith.constant 0 : i32
      %dma_wait3A_43 = arith.constant 0 : i32
      %dma_wait3A_44 = tpu.memref_slice %arg11[%dma_wait3A, %dma_wait3A_43] : memref<80x128xf32, #tpu.memory_space<vmem>> -> memref<80x128xf32, #tpu.memory_space<vmem>>
      %dma_wait3A_45 = arith.constant 0 : i32
      %dma_wait3A_46 = tpu.memref_slice %arg13[%add3A_11, %dma_wait3A_45] : memref<10112x128xf32, #tpu.memory_space<vmem_shared>> -> memref<80x128xf32, #tpu.memory_space<vmem_shared>>
      %dma_wait3A_47 = arith.constant 0 : i32
      %dma_wait3A_48 = tpu.memref_slice %arg13[%add3A_11, %dma_wait3A_47] : memref<10112x128xf32, #tpu.memory_space<vmem_shared>> -> memref<80x128xf32, #tpu.memory_space<vmem_shared>>
      %dma_wait3A_49 = arith.constant 0 : i32
      %dma_wait3A_50 = arith.constant 0 : i32
      %dma_wait3A_51 = tpu.memref_slice %arg11[%dma_wait3A_49, %dma_wait3A_50] : memref<80x128xf32, #tpu.memory_space<vmem>> -> memref<80x128xf32, #tpu.memory_space<vmem>>
      tpu.wait_dma2 semaphore(%run_scoped3A : memref<!tpu.dma_semaphore, #tpu.memory_space<semaphore_mem>>) src(%dma_wait3A_51 : memref<80x128xf32, #tpu.memory_space<vmem>>) dst(%dma_wait3A_48 : memref<80x128xf32, #tpu.memory_space<vmem_shared>>)
      tpu.yield
    }) : () -> ()
    %add3A_12 = arith.constant 80 : i32
    %add3A_13 = arith.addi %mul3A_9, %add3A_12 : i32
    "tpu.region"() ({
      %run_scoped3A = tpu.sem_alloc : memref<!tpu.dma_semaphore, #tpu.memory_space<semaphore_mem>>
      %dma_start3A = arith.constant 0 : i32
      %dma_start3A_34 = arith.constant 0 : i32
      %dma_start3A_35 = tpu.memref_slice %arg11[%dma_start3A, %dma_start3A_34] : memref<80x128xf32, #tpu.memory_space<vmem>> -> memref<80x128xf32, #tpu.memory_space<vmem>>
      %dma_start3A_36 = arith.constant 0 : i32
      %dma_start3A_37 = tpu.memref_slice %arg13[%add3A_13, %dma_start3A_36] : memref<10112x128xf32, #tpu.memory_space<vmem_shared>> -> memref<80x128xf32, #tpu.memory_space<vmem_shared>>
      %dma_start3A_38 = arith.constant 0 : i32
      %dma_start3A_39 = tpu.memref_slice %arg13[%add3A_13, %dma_start3A_38] : memref<10112x128xf32, #tpu.memory_space<vmem_shared>> -> memref<80x128xf32, #tpu.memory_space<vmem_shared>>
      %dma_start3A_40 = arith.constant 0 : i32
      %dma_start3A_41 = arith.constant 0 : i32
      %dma_start3A_42 = tpu.memref_slice %arg11[%dma_start3A_40, %dma_start3A_41] : memref<80x128xf32, #tpu.memory_space<vmem>> -> memref<80x128xf32, #tpu.memory_space<vmem>>
      tpu.enqueue_dma source(%dma_start3A_42 : memref<80x128xf32, #tpu.memory_space<vmem>>) target(%dma_start3A_39 : memref<80x128xf32, #tpu.memory_space<vmem_shared>>) target_semaphore(%run_scoped3A : memref<!tpu.dma_semaphore, #tpu.memory_space<semaphore_mem>>)
      %dma_wait3A = arith.constant 0 : i32
      %dma_wait3A_43 = arith.constant 0 : i32
      %dma_wait3A_44 = tpu.memref_slice %arg11[%dma_wait3A, %dma_wait3A_43] : memref<80x128xf32, #tpu.memory_space<vmem>> -> memref<80x128xf32, #tpu.memory_space<vmem>>
      %dma_wait3A_45 = arith.constant 0 : i32
      %dma_wait3A_46 = tpu.memref_slice %arg13[%add3A_13, %dma_wait3A_45] : memref<10112x128xf32, #tpu.memory_space<vmem_shared>> -> memref<80x128xf32, #tpu.memory_space<vmem_shared>>
      %dma_wait3A_47 = arith.constant 0 : i32
      %dma_wait3A_48 = tpu.memref_slice %arg13[%add3A_13, %dma_wait3A_47] : memref<10112x128xf32, #tpu.memory_space<vmem_shared>> -> memref<80x128xf32, #tpu.memory_space<vmem_shared>>
      %dma_wait3A_49 = arith.constant 0 : i32
      %dma_wait3A_50 = arith.constant 0 : i32
      %dma_wait3A_51 = tpu.memref_slice %arg11[%dma_wait3A_49, %dma_wait3A_50] : memref<80x128xf32, #tpu.memory_space<vmem>> -> memref<80x128xf32, #tpu.memory_space<vmem>>
      tpu.wait_dma2 semaphore(%run_scoped3A : memref<!tpu.dma_semaphore, #tpu.memory_space<semaphore_mem>>) src(%dma_wait3A_51 : memref<80x128xf32, #tpu.memory_space<vmem>>) dst(%dma_wait3A_48 : memref<80x128xf32, #tpu.memory_space<vmem_shared>>)
      tpu.yield
    }) : () -> ()
    %add3A_14 = arith.constant 160 : i32
    %add3A_15 = arith.addi %mul3A_9, %add3A_14 : i32
    "tpu.region"() ({
      %run_scoped3A = tpu.sem_alloc : memref<!tpu.dma_semaphore, #tpu.memory_space<semaphore_mem>>
      %dma_start3A = arith.constant 0 : i32
      %dma_start3A_34 = arith.constant 0 : i32
      %dma_start3A_35 = tpu.memref_slice %arg11[%dma_start3A, %dma_start3A_34] : memref<80x128xf32, #tpu.memory_space<vmem>> -> memref<80x128xf32, #tpu.memory_space<vmem>>
      %dma_start3A_36 = arith.constant 0 : i32
      %dma_start3A_37 = tpu.memref_slice %arg13[%add3A_15, %dma_start3A_36] : memref<10112x128xf32, #tpu.memory_space<vmem_shared>> -> memref<80x128xf32, #tpu.memory_space<vmem_shared>>
      %dma_start3A_38 = arith.constant 0 : i32
      %dma_start3A_39 = tpu.memref_slice %arg13[%add3A_15, %dma_start3A_38] : memref<10112x128xf32, #tpu.memory_space<vmem_shared>> -> memref<80x128xf32, #tpu.memory_space<vmem_shared>>
      %dma_start3A_40 = arith.constant 0 : i32
      %dma_start3A_41 = arith.constant 0 : i32
      %dma_start3A_42 = tpu.memref_slice %arg11[%dma_start3A_40, %dma_start3A_41] : memref<80x128xf32, #tpu.memory_space<vmem>> -> memref<80x128xf32, #tpu.memory_space<vmem>>
      tpu.enqueue_dma source(%dma_start3A_42 : memref<80x128xf32, #tpu.memory_space<vmem>>) target(%dma_start3A_39 : memref<80x128xf32, #tpu.memory_space<vmem_shared>>) target_semaphore(%run_scoped3A : memref<!tpu.dma_semaphore, #tpu.memory_space<semaphore_mem>>)
      %dma_wait3A = arith.constant 0 : i32
      %dma_wait3A_43 = arith.constant 0 : i32
      %dma_wait3A_44 = tpu.memref_slice %arg11[%dma_wait3A, %dma_wait3A_43] : memref<80x128xf32, #tpu.memory_space<vmem>> -> memref<80x128xf32, #tpu.memory_space<vmem>>
      %dma_wait3A_45 = arith.constant 0 : i32
      %dma_wait3A_46 = tpu.memref_slice %arg13[%add3A_15, %dma_wait3A_45] : memref<10112x128xf32, #tpu.memory_space<vmem_shared>> -> memref<80x128xf32, #tpu.memory_space<vmem_shared>>
      %dma_wait3A_47 = arith.constant 0 : i32
      %dma_wait3A_48 = tpu.memref_slice %arg13[%add3A_15, %dma_wait3A_47] : memref<10112x128xf32, #tpu.memory_space<vmem_shared>> -> memref<80x128xf32, #tpu.memory_space<vmem_shared>>
      %dma_wait3A_49 = arith.constant 0 : i32
      %dma_wait3A_50 = arith.constant 0 : i32
      %dma_wait3A_51 = tpu.memref_slice %arg11[%dma_wait3A_49, %dma_wait3A_50] : memref<80x128xf32, #tpu.memory_space<vmem>> -> memref<80x128xf32, #tpu.memory_space<vmem>>
      tpu.wait_dma2 semaphore(%run_scoped3A : memref<!tpu.dma_semaphore, #tpu.memory_space<semaphore_mem>>) src(%dma_wait3A_51 : memref<80x128xf32, #tpu.memory_space<vmem>>) dst(%dma_wait3A_48 : memref<80x128xf32, #tpu.memory_space<vmem_shared>>)
      tpu.yield
    }) : () -> ()
    %add3A_16 = arith.constant 240 : i32
    %add3A_17 = arith.addi %mul3A_9, %add3A_16 : i32
    "tpu.region"() ({
      %run_scoped3A = tpu.sem_alloc : memref<!tpu.dma_semaphore, #tpu.memory_space<semaphore_mem>>
      %dma_start3A = arith.constant 0 : i32
      %dma_start3A_34 = arith.constant 0 : i32
      %dma_start3A_35 = tpu.memref_slice %arg11[%dma_start3A, %dma_start3A_34] : memref<80x128xf32, #tpu.memory_space<vmem>> -> memref<80x128xf32, #tpu.memory_space<vmem>>
      %dma_start3A_36 = arith.constant 0 : i32
      %dma_start3A_37 = tpu.memref_slice %arg13[%add3A_17, %dma_start3A_36] : memref<10112x128xf32, #tpu.memory_space<vmem_shared>> -> memref<80x128xf32, #tpu.memory_space<vmem_shared>>
      %dma_start3A_38 = arith.constant 0 : i32
      %dma_start3A_39 = tpu.memref_slice %arg13[%add3A_17, %dma_start3A_38] : memref<10112x128xf32, #tpu.memory_space<vmem_shared>> -> memref<80x128xf32, #tpu.memory_space<vmem_shared>>
      %dma_start3A_40 = arith.constant 0 : i32
      %dma_start3A_41 = arith.constant 0 : i32
      %dma_start3A_42 = tpu.memref_slice %arg11[%dma_start3A_40, %dma_start3A_41] : memref<80x128xf32, #tpu.memory_space<vmem>> -> memref<80x128xf32, #tpu.memory_space<vmem>>
      tpu.enqueue_dma source(%dma_start3A_42 : memref<80x128xf32, #tpu.memory_space<vmem>>) target(%dma_start3A_39 : memref<80x128xf32, #tpu.memory_space<vmem_shared>>) target_semaphore(%run_scoped3A : memref<!tpu.dma_semaphore, #tpu.memory_space<semaphore_mem>>)
      %dma_wait3A = arith.constant 0 : i32
      %dma_wait3A_43 = arith.constant 0 : i32
      %dma_wait3A_44 = tpu.memref_slice %arg11[%dma_wait3A, %dma_wait3A_43] : memref<80x128xf32, #tpu.memory_space<vmem>> -> memref<80x128xf32, #tpu.memory_space<vmem>>
      %dma_wait3A_45 = arith.constant 0 : i32
      %dma_wait3A_46 = tpu.memref_slice %arg13[%add3A_17, %dma_wait3A_45] : memref<10112x128xf32, #tpu.memory_space<vmem_shared>> -> memref<80x128xf32, #tpu.memory_space<vmem_shared>>
      %dma_wait3A_47 = arith.constant 0 : i32
      %dma_wait3A_48 = tpu.memref_slice %arg13[%add3A_17, %dma_wait3A_47] : memref<10112x128xf32, #tpu.memory_space<vmem_shared>> -> memref<80x128xf32, #tpu.memory_space<vmem_shared>>
      %dma_wait3A_49 = arith.constant 0 : i32
      %dma_wait3A_50 = arith.constant 0 : i32
      %dma_wait3A_51 = tpu.memref_slice %arg11[%dma_wait3A_49, %dma_wait3A_50] : memref<80x128xf32, #tpu.memory_space<vmem>> -> memref<80x128xf32, #tpu.memory_space<vmem>>
      tpu.wait_dma2 semaphore(%run_scoped3A : memref<!tpu.dma_semaphore, #tpu.memory_space<semaphore_mem>>) src(%dma_wait3A_51 : memref<80x128xf32, #tpu.memory_space<vmem>>) dst(%dma_wait3A_48 : memref<80x128xf32, #tpu.memory_space<vmem_shared>>)
      tpu.yield
    }) : () -> ()
    %add3A_18 = arith.constant 320 : i32
    %add3A_19 = arith.addi %mul3A_9, %add3A_18 : i32
    "tpu.region"() ({
      %run_scoped3A = tpu.sem_alloc : memref<!tpu.dma_semaphore, #tpu.memory_space<semaphore_mem>>
      %dma_start3A = arith.constant 0 : i32
      %dma_start3A_34 = arith.constant 0 : i32
      %dma_start3A_35 = tpu.memref_slice %arg11[%dma_start3A, %dma_start3A_34] : memref<80x128xf32, #tpu.memory_space<vmem>> -> memref<80x128xf32, #tpu.memory_space<vmem>>
      %dma_start3A_36 = arith.constant 0 : i32
      %dma_start3A_37 = tpu.memref_slice %arg13[%add3A_19, %dma_start3A_36] : memref<10112x128xf32, #tpu.memory_space<vmem_shared>> -> memref<80x128xf32, #tpu.memory_space<vmem_shared>>
      %dma_start3A_38 = arith.constant 0 : i32
      %dma_start3A_39 = tpu.memref_slice %arg13[%add3A_19, %dma_start3A_38] : memref<10112x128xf32, #tpu.memory_space<vmem_shared>> -> memref<80x128xf32, #tpu.memory_space<vmem_shared>>
      %dma_start3A_40 = arith.constant 0 : i32
      %dma_start3A_41 = arith.constant 0 : i32
      %dma_start3A_42 = tpu.memref_slice %arg11[%dma_start3A_40, %dma_start3A_41] : memref<80x128xf32, #tpu.memory_space<vmem>> -> memref<80x128xf32, #tpu.memory_space<vmem>>
      tpu.enqueue_dma source(%dma_start3A_42 : memref<80x128xf32, #tpu.memory_space<vmem>>) target(%dma_start3A_39 : memref<80x128xf32, #tpu.memory_space<vmem_shared>>) target_semaphore(%run_scoped3A : memref<!tpu.dma_semaphore, #tpu.memory_space<semaphore_mem>>)
      %dma_wait3A = arith.constant 0 : i32
      %dma_wait3A_43 = arith.constant 0 : i32
      %dma_wait3A_44 = tpu.memref_slice %arg11[%dma_wait3A, %dma_wait3A_43] : memref<80x128xf32, #tpu.memory_space<vmem>> -> memref<80x128xf32, #tpu.memory_space<vmem>>
      %dma_wait3A_45 = arith.constant 0 : i32
      %dma_wait3A_46 = tpu.memref_slice %arg13[%add3A_19, %dma_wait3A_45] : memref<10112x128xf32, #tpu.memory_space<vmem_shared>> -> memref<80x128xf32, #tpu.memory_space<vmem_shared>>
      %dma_wait3A_47 = arith.constant 0 : i32
      %dma_wait3A_48 = tpu.memref_slice %arg13[%add3A_19, %dma_wait3A_47] : memref<10112x128xf32, #tpu.memory_space<vmem_shared>> -> memref<80x128xf32, #tpu.memory_space<vmem_shared>>
      %dma_wait3A_49 = arith.constant 0 : i32
      %dma_wait3A_50 = arith.constant 0 : i32
      %dma_wait3A_51 = tpu.memref_slice %arg11[%dma_wait3A_49, %dma_wait3A_50] : memref<80x128xf32, #tpu.memory_space<vmem>> -> memref<80x128xf32, #tpu.memory_space<vmem>>
      tpu.wait_dma2 semaphore(%run_scoped3A : memref<!tpu.dma_semaphore, #tpu.memory_space<semaphore_mem>>) src(%dma_wait3A_51 : memref<80x128xf32, #tpu.memory_space<vmem>>) dst(%dma_wait3A_48 : memref<80x128xf32, #tpu.memory_space<vmem_shared>>)
      tpu.yield
    }) : () -> ()
    %add3A_20 = arith.constant 400 : i32
    %add3A_21 = arith.addi %mul3A_9, %add3A_20 : i32
    "tpu.region"() ({
      %run_scoped3A = tpu.sem_alloc : memref<!tpu.dma_semaphore, #tpu.memory_space<semaphore_mem>>
      %dma_start3A = arith.constant 0 : i32
      %dma_start3A_34 = arith.constant 0 : i32
      %dma_start3A_35 = tpu.memref_slice %arg11[%dma_start3A, %dma_start3A_34] : memref<80x128xf32, #tpu.memory_space<vmem>> -> memref<80x128xf32, #tpu.memory_space<vmem>>
      %dma_start3A_36 = arith.constant 0 : i32
      %dma_start3A_37 = tpu.memref_slice %arg13[%add3A_21, %dma_start3A_36] : memref<10112x128xf32, #tpu.memory_space<vmem_shared>> -> memref<80x128xf32, #tpu.memory_space<vmem_shared>>
      %dma_start3A_38 = arith.constant 0 : i32
      %dma_start3A_39 = tpu.memref_slice %arg13[%add3A_21, %dma_start3A_38] : memref<10112x128xf32, #tpu.memory_space<vmem_shared>> -> memref<80x128xf32, #tpu.memory_space<vmem_shared>>
      %dma_start3A_40 = arith.constant 0 : i32
      %dma_start3A_41 = arith.constant 0 : i32
      %dma_start3A_42 = tpu.memref_slice %arg11[%dma_start3A_40, %dma_start3A_41] : memref<80x128xf32, #tpu.memory_space<vmem>> -> memref<80x128xf32, #tpu.memory_space<vmem>>
      tpu.enqueue_dma source(%dma_start3A_42 : memref<80x128xf32, #tpu.memory_space<vmem>>) target(%dma_start3A_39 : memref<80x128xf32, #tpu.memory_space<vmem_shared>>) target_semaphore(%run_scoped3A : memref<!tpu.dma_semaphore, #tpu.memory_space<semaphore_mem>>)
      %dma_wait3A = arith.constant 0 : i32
      %dma_wait3A_43 = arith.constant 0 : i32
      %dma_wait3A_44 = tpu.memref_slice %arg11[%dma_wait3A, %dma_wait3A_43] : memref<80x128xf32, #tpu.memory_space<vmem>> -> memref<80x128xf32, #tpu.memory_space<vmem>>
      %dma_wait3A_45 = arith.constant 0 : i32
      %dma_wait3A_46 = tpu.memref_slice %arg13[%add3A_21, %dma_wait3A_45] : memref<10112x128xf32, #tpu.memory_space<vmem_shared>> -> memref<80x128xf32, #tpu.memory_space<vmem_shared>>
      %dma_wait3A_47 = arith.constant 0 : i32
      %dma_wait3A_48 = tpu.memref_slice %arg13[%add3A_21, %dma_wait3A_47] : memref<10112x128xf32, #tpu.memory_space<vmem_shared>> -> memref<80x128xf32, #tpu.memory_space<vmem_shared>>
      %dma_wait3A_49 = arith.constant 0 : i32
      %dma_wait3A_50 = arith.constant 0 : i32
      %dma_wait3A_51 = tpu.memref_slice %arg11[%dma_wait3A_49, %dma_wait3A_50] : memref<80x128xf32, #tpu.memory_space<vmem>> -> memref<80x128xf32, #tpu.memory_space<vmem>>
      tpu.wait_dma2 semaphore(%run_scoped3A : memref<!tpu.dma_semaphore, #tpu.memory_space<semaphore_mem>>) src(%dma_wait3A_51 : memref<80x128xf32, #tpu.memory_space<vmem>>) dst(%dma_wait3A_48 : memref<80x128xf32, #tpu.memory_space<vmem_shared>>)
      tpu.yield
    }) : () -> ()
    %add3A_22 = arith.constant 480 : i32
    %add3A_23 = arith.addi %mul3A_9, %add3A_22 : i32
    "tpu.region"() ({
      %run_scoped3A = tpu.sem_alloc : memref<!tpu.dma_semaphore, #tpu.memory_space<semaphore_mem>>
      %dma_start3A = arith.constant 0 : i32
      %dma_start3A_34 = arith.constant 0 : i32
      %dma_start3A_35 = tpu.memref_slice %arg11[%dma_start3A, %dma_start3A_34] : memref<80x128xf32, #tpu.memory_space<vmem>> -> memref<80x128xf32, #tpu.memory_space<vmem>>
      %dma_start3A_36 = arith.constant 0 : i32
      %dma_start3A_37 = tpu.memref_slice %arg13[%add3A_23, %dma_start3A_36] : memref<10112x128xf32, #tpu.memory_space<vmem_shared>> -> memref<80x128xf32, #tpu.memory_space<vmem_shared>>
      %dma_start3A_38 = arith.constant 0 : i32
      %dma_start3A_39 = tpu.memref_slice %arg13[%add3A_23, %dma_start3A_38] : memref<10112x128xf32, #tpu.memory_space<vmem_shared>> -> memref<80x128xf32, #tpu.memory_space<vmem_shared>>
      %dma_start3A_40 = arith.constant 0 : i32
      %dma_start3A_41 = arith.constant 0 : i32
      %dma_start3A_42 = tpu.memref_slice %arg11[%dma_start3A_40, %dma_start3A_41] : memref<80x128xf32, #tpu.memory_space<vmem>> -> memref<80x128xf32, #tpu.memory_space<vmem>>
      tpu.enqueue_dma source(%dma_start3A_42 : memref<80x128xf32, #tpu.memory_space<vmem>>) target(%dma_start3A_39 : memref<80x128xf32, #tpu.memory_space<vmem_shared>>) target_semaphore(%run_scoped3A : memref<!tpu.dma_semaphore, #tpu.memory_space<semaphore_mem>>)
      %dma_wait3A = arith.constant 0 : i32
      %dma_wait3A_43 = arith.constant 0 : i32
      %dma_wait3A_44 = tpu.memref_slice %arg11[%dma_wait3A, %dma_wait3A_43] : memref<80x128xf32, #tpu.memory_space<vmem>> -> memref<80x128xf32, #tpu.memory_space<vmem>>
      %dma_wait3A_45 = arith.constant 0 : i32
      %dma_wait3A_46 = tpu.memref_slice %arg13[%add3A_23, %dma_wait3A_45] : memref<10112x128xf32, #tpu.memory_space<vmem_shared>> -> memref<80x128xf32, #tpu.memory_space<vmem_shared>>
      %dma_wait3A_47 = arith.constant 0 : i32
      %dma_wait3A_48 = tpu.memref_slice %arg13[%add3A_23, %dma_wait3A_47] : memref<10112x128xf32, #tpu.memory_space<vmem_shared>> -> memref<80x128xf32, #tpu.memory_space<vmem_shared>>
      %dma_wait3A_49 = arith.constant 0 : i32
      %dma_wait3A_50 = arith.constant 0 : i32
      %dma_wait3A_51 = tpu.memref_slice %arg11[%dma_wait3A_49, %dma_wait3A_50] : memref<80x128xf32, #tpu.memory_space<vmem>> -> memref<80x128xf32, #tpu.memory_space<vmem>>
      tpu.wait_dma2 semaphore(%run_scoped3A : memref<!tpu.dma_semaphore, #tpu.memory_space<semaphore_mem>>) src(%dma_wait3A_51 : memref<80x128xf32, #tpu.memory_space<vmem>>) dst(%dma_wait3A_48 : memref<80x128xf32, #tpu.memory_space<vmem_shared>>)
      tpu.yield
    }) : () -> ()
    %add3A_24 = arith.constant 560 : i32
    %add3A_25 = arith.addi %mul3A_9, %add3A_24 : i32
    "tpu.region"() ({
      %run_scoped3A = tpu.sem_alloc : memref<!tpu.dma_semaphore, #tpu.memory_space<semaphore_mem>>
      %dma_start3A = arith.constant 0 : i32
      %dma_start3A_34 = arith.constant 0 : i32
      %dma_start3A_35 = tpu.memref_slice %arg11[%dma_start3A, %dma_start3A_34] : memref<80x128xf32, #tpu.memory_space<vmem>> -> memref<72x128xf32, #tpu.memory_space<vmem>>
      %dma_start3A_36 = arith.constant 0 : i32
      %dma_start3A_37 = tpu.memref_slice %arg13[%add3A_25, %dma_start3A_36] : memref<10112x128xf32, #tpu.memory_space<vmem_shared>> -> memref<72x128xf32, #tpu.memory_space<vmem_shared>>
      %dma_start3A_38 = arith.constant 0 : i32
      %dma_start3A_39 = tpu.memref_slice %arg13[%add3A_25, %dma_start3A_38] : memref<10112x128xf32, #tpu.memory_space<vmem_shared>> -> memref<72x128xf32, #tpu.memory_space<vmem_shared>>
      %dma_start3A_40 = arith.constant 0 : i32
      %dma_start3A_41 = arith.constant 0 : i32
      %dma_start3A_42 = tpu.memref_slice %arg11[%dma_start3A_40, %dma_start3A_41] : memref<80x128xf32, #tpu.memory_space<vmem>> -> memref<72x128xf32, #tpu.memory_space<vmem>>
      tpu.enqueue_dma source(%dma_start3A_42 : memref<72x128xf32, #tpu.memory_space<vmem>>) target(%dma_start3A_39 : memref<72x128xf32, #tpu.memory_space<vmem_shared>>) target_semaphore(%run_scoped3A : memref<!tpu.dma_semaphore, #tpu.memory_space<semaphore_mem>>)
      %dma_wait3A = arith.constant 0 : i32
      %dma_wait3A_43 = arith.constant 0 : i32
      %dma_wait3A_44 = tpu.memref_slice %arg11[%dma_wait3A, %dma_wait3A_43] : memref<80x128xf32, #tpu.memory_space<vmem>> -> memref<72x128xf32, #tpu.memory_space<vmem>>
      %dma_wait3A_45 = arith.constant 0 : i32
      %dma_wait3A_46 = tpu.memref_slice %arg13[%add3A_25, %dma_wait3A_45] : memref<10112x128xf32, #tpu.memory_space<vmem_shared>> -> memref<72x128xf32, #tpu.memory_space<vmem_shared>>
      %dma_wait3A_47 = arith.constant 0 : i32
      %dma_wait3A_48 = tpu.memref_slice %arg13[%add3A_25, %dma_wait3A_47] : memref<10112x128xf32, #tpu.memory_space<vmem_shared>> -> memref<72x128xf32, #tpu.memory_space<vmem_shared>>
      %dma_wait3A_49 = arith.constant 0 : i32
      %dma_wait3A_50 = arith.constant 0 : i32
      %dma_wait3A_51 = tpu.memref_slice %arg11[%dma_wait3A_49, %dma_wait3A_50] : memref<80x128xf32, #tpu.memory_space<vmem>> -> memref<72x128xf32, #tpu.memory_space<vmem>>
      tpu.wait_dma2 semaphore(%run_scoped3A : memref<!tpu.dma_semaphore, #tpu.memory_space<semaphore_mem>>) src(%dma_wait3A_51 : memref<72x128xf32, #tpu.memory_space<vmem>>) dst(%dma_wait3A_48 : memref<72x128xf32, #tpu.memory_space<vmem_shared>>)
      tpu.yield
    }) : () -> ()
    %barrier3A = arith.constant 0 : index
    tpu.barrier barrier_id(%barrier3A)
    %scan3A_26 = arith.constant 0 : i32
    %scan3A_27 = arith.constant 0 : i32
    %scan3A_28 = arith.constant 5 : i32
    %scan3A_29 = arith.addi %scan3A_27, %scan3A_28 : i32
    %scan3A_30 = arith.constant 1 : i32
    %scan3A_31 = scf.for %scan3A_34 = %scan3A_27 to %scan3A_29 step %scan3A_30 iter_args(%scan3A_35 = %scan3A_26) -> (i32)  : i32 {
      "tpu.region"() ({
        %run_scoped3A = tpu.sem_alloc : memref<!tpu.dma_semaphore, #tpu.memory_space<semaphore_mem>>
        %dma_start3A = arith.constant 0 : i32
        %dma_start3A_44 = arith.constant 0 : i32
        %dma_start3A_45 = tpu.memref_slice %arg4[%add3A, %scan3A_34, %dma_start3A, %dma_start3A_44] : memref<32x5x25x80xi32, #tpu.memory_space<hbm>> -> memref<1x1x25x80xi32, #tpu.memory_space<hbm>>
        %dma_start3A_46 = tpu.memref_squeeze %dma_start3A_45 : memref<1x1x25x80xi32, #tpu.memory_space<hbm>> -> memref<25x80xi32, #tpu.memory_space<hbm>>
        %dma_start3A_47 = arith.constant 0 : i32
        %dma_start3A_48 = arith.constant 0 : i32
        %dma_start3A_49 = tpu.memref_slice %arg4[%add3A, %scan3A_34, %dma_start3A_47, %dma_start3A_48] : memref<32x5x25x80xi32, #tpu.memory_space<hbm>> -> memref<1x1x25x80xi32, #tpu.memory_space<hbm>>
        %dma_start3A_50 = tpu.memref_squeeze %dma_start3A_49 : memref<1x1x25x80xi32, #tpu.memory_space<hbm>> -> memref<25x80xi32, #tpu.memory_space<hbm>>
        tpu.enqueue_dma source(%dma_start3A_50 : memref<25x80xi32, #tpu.memory_space<hbm>>) target(%arg8 : memref<25x80xi32, #tpu.memory_space<vmem>>) target_semaphore(%run_scoped3A : memref<!tpu.dma_semaphore, #tpu.memory_space<semaphore_mem>>)
        %dma_wait3A = arith.constant 0 : i32
        %dma_wait3A_51 = arith.constant 0 : i32
        %dma_wait3A_52 = tpu.memref_slice %arg4[%add3A, %scan3A_34, %dma_wait3A, %dma_wait3A_51] : memref<32x5x25x80xi32, #tpu.memory_space<hbm>> -> memref<1x1x25x80xi32, #tpu.memory_space<hbm>>
        %dma_wait3A_53 = tpu.memref_squeeze %dma_wait3A_52 : memref<1x1x25x80xi32, #tpu.memory_space<hbm>> -> memref<25x80xi32, #tpu.memory_space<hbm>>
        %dma_wait3A_54 = arith.constant 0 : i32
        %dma_wait3A_55 = arith.constant 0 : i32
        %dma_wait3A_56 = tpu.memref_slice %arg4[%add3A, %scan3A_34, %dma_wait3A_54, %dma_wait3A_55] : memref<32x5x25x80xi32, #tpu.memory_space<hbm>> -> memref<1x1x25x80xi32, #tpu.memory_space<hbm>>
        %dma_wait3A_57 = tpu.memref_squeeze %dma_wait3A_56 : memref<1x1x25x80xi32, #tpu.memory_space<hbm>> -> memref<25x80xi32, #tpu.memory_space<hbm>>
        tpu.wait_dma2 semaphore(%run_scoped3A : memref<!tpu.dma_semaphore, #tpu.memory_space<semaphore_mem>>) src(%dma_wait3A_57 : memref<25x80xi32, #tpu.memory_space<hbm>>) dst(%arg8 : memref<25x80xi32, #tpu.memory_space<vmem>>)
        tpu.yield
      }) : () -> ()
      "tpu.region"() ({
        %run_scoped3A = tpu.sem_alloc : memref<!tpu.dma_semaphore, #tpu.memory_space<semaphore_mem>>
        %dma_start3A = arith.constant 0 : i32
        %dma_start3A_44 = arith.constant 0 : i32
        %dma_start3A_45 = tpu.memref_slice %arg5[%add3A, %scan3A_34, %dma_start3A, %dma_start3A_44] : memref<32x5x25x80xi32, #tpu.memory_space<hbm>> -> memref<1x1x25x80xi32, #tpu.memory_space<hbm>>
        %dma_start3A_46 = tpu.memref_squeeze %dma_start3A_45 : memref<1x1x25x80xi32, #tpu.memory_space<hbm>> -> memref<25x80xi32, #tpu.memory_space<hbm>>
        %dma_start3A_47 = arith.constant 0 : i32
        %dma_start3A_48 = arith.constant 0 : i32
        %dma_start3A_49 = tpu.memref_slice %arg5[%add3A, %scan3A_34, %dma_start3A_47, %dma_start3A_48] : memref<32x5x25x80xi32, #tpu.memory_space<hbm>> -> memref<1x1x25x80xi32, #tpu.memory_space<hbm>>
        %dma_start3A_50 = tpu.memref_squeeze %dma_start3A_49 : memref<1x1x25x80xi32, #tpu.memory_space<hbm>> -> memref<25x80xi32, #tpu.memory_space<hbm>>
        tpu.enqueue_dma source(%dma_start3A_50 : memref<25x80xi32, #tpu.memory_space<hbm>>) target(%arg9 : memref<25x80xi32, #tpu.memory_space<vmem>>) target_semaphore(%run_scoped3A : memref<!tpu.dma_semaphore, #tpu.memory_space<semaphore_mem>>)
        %dma_wait3A = arith.constant 0 : i32
        %dma_wait3A_51 = arith.constant 0 : i32
        %dma_wait3A_52 = tpu.memref_slice %arg5[%add3A, %scan3A_34, %dma_wait3A, %dma_wait3A_51] : memref<32x5x25x80xi32, #tpu.memory_space<hbm>> -> memref<1x1x25x80xi32, #tpu.memory_space<hbm>>
        %dma_wait3A_53 = tpu.memref_squeeze %dma_wait3A_52 : memref<1x1x25x80xi32, #tpu.memory_space<hbm>> -> memref<25x80xi32, #tpu.memory_space<hbm>>
        %dma_wait3A_54 = arith.constant 0 : i32
        %dma_wait3A_55 = arith.constant 0 : i32
        %dma_wait3A_56 = tpu.memref_slice %arg5[%add3A, %scan3A_34, %dma_wait3A_54, %dma_wait3A_55] : memref<32x5x25x80xi32, #tpu.memory_space<hbm>> -> memref<1x1x25x80xi32, #tpu.memory_space<hbm>>
        %dma_wait3A_57 = tpu.memref_squeeze %dma_wait3A_56 : memref<1x1x25x80xi32, #tpu.memory_space<hbm>> -> memref<25x80xi32, #tpu.memory_space<hbm>>
        tpu.wait_dma2 semaphore(%run_scoped3A : memref<!tpu.dma_semaphore, #tpu.memory_space<semaphore_mem>>) src(%dma_wait3A_57 : memref<25x80xi32, #tpu.memory_space<hbm>>) dst(%arg9 : memref<25x80xi32, #tpu.memory_space<vmem>>)
        tpu.yield
      }) : () -> ()
      "tpu.region"() ({
        %run_scoped3A = tpu.sem_alloc : memref<!tpu.dma_semaphore, #tpu.memory_space<semaphore_mem>>
        %dma_start3A = arith.constant 0 : i32
        %dma_start3A_44 = arith.constant 0 : i32
        %dma_start3A_45 = tpu.memref_slice %arg6[%add3A, %scan3A_34, %dma_start3A, %dma_start3A_44] : memref<32x5x25x80xi32, #tpu.memory_space<hbm>> -> memref<1x1x25x80xi32, #tpu.memory_space<hbm>>
        %dma_start3A_46 = tpu.memref_squeeze %dma_start3A_45 : memref<1x1x25x80xi32, #tpu.memory_space<hbm>> -> memref<25x80xi32, #tpu.memory_space<hbm>>
        %dma_start3A_47 = arith.constant 0 : i32
        %dma_start3A_48 = arith.constant 0 : i32
        %dma_start3A_49 = tpu.memref_slice %arg6[%add3A, %scan3A_34, %dma_start3A_47, %dma_start3A_48] : memref<32x5x25x80xi32, #tpu.memory_space<hbm>> -> memref<1x1x25x80xi32, #tpu.memory_space<hbm>>
        %dma_start3A_50 = tpu.memref_squeeze %dma_start3A_49 : memref<1x1x25x80xi32, #tpu.memory_space<hbm>> -> memref<25x80xi32, #tpu.memory_space<hbm>>
        tpu.enqueue_dma source(%dma_start3A_50 : memref<25x80xi32, #tpu.memory_space<hbm>>) target(%arg10 : memref<25x80xi32, #tpu.memory_space<vmem>>) target_semaphore(%run_scoped3A : memref<!tpu.dma_semaphore, #tpu.memory_space<semaphore_mem>>)
        %dma_wait3A = arith.constant 0 : i32
        %dma_wait3A_51 = arith.constant 0 : i32
        %dma_wait3A_52 = tpu.memref_slice %arg6[%add3A, %scan3A_34, %dma_wait3A, %dma_wait3A_51] : memref<32x5x25x80xi32, #tpu.memory_space<hbm>> -> memref<1x1x25x80xi32, #tpu.memory_space<hbm>>
        %dma_wait3A_53 = tpu.memref_squeeze %dma_wait3A_52 : memref<1x1x25x80xi32, #tpu.memory_space<hbm>> -> memref<25x80xi32, #tpu.memory_space<hbm>>
        %dma_wait3A_54 = arith.constant 0 : i32
        %dma_wait3A_55 = arith.constant 0 : i32
        %dma_wait3A_56 = tpu.memref_slice %arg6[%add3A, %scan3A_34, %dma_wait3A_54, %dma_wait3A_55] : memref<32x5x25x80xi32, #tpu.memory_space<hbm>> -> memref<1x1x25x80xi32, #tpu.memory_space<hbm>>
        %dma_wait3A_57 = tpu.memref_squeeze %dma_wait3A_56 : memref<1x1x25x80xi32, #tpu.memory_space<hbm>> -> memref<25x80xi32, #tpu.memory_space<hbm>>
        tpu.wait_dma2 semaphore(%run_scoped3A : memref<!tpu.dma_semaphore, #tpu.memory_space<semaphore_mem>>) src(%dma_wait3A_57 : memref<25x80xi32, #tpu.memory_space<hbm>>) dst(%arg10 : memref<25x80xi32, #tpu.memory_space<vmem>>)
        tpu.yield
      }) : () -> ()
      %scan3A_36 = arith.constant 0 : i32
      %scan3A_37 = arith.constant 0 : i32
      %scan3A_38 = arith.constant 25 : i32
      %scan3A_39 = arith.addi %scan3A_37, %scan3A_38 : i32
      %scan3A_40 = arith.constant 1 : i32
      %scan3A_41 = scf.for %scan3A_44 = %scan3A_37 to %scan3A_39 step %scan3A_40 iter_args(%scan3A_45 = %scan3A_36) -> (i32)  : i32 {
        %dma_start3A = arith.constant 0 : i32
        %dma_start3A_46 = tpu.memref_slice %arg8[%scan3A_44, %dma_start3A] : memref<25x80xi32, #tpu.memory_space<vmem>> -> memref<1x80xi32, #tpu.memory_space<vmem>>
        %dma_start3A_47 = tpu.memref_squeeze %dma_start3A_46 : memref<1x80xi32, #tpu.memory_space<vmem>> -> memref<80xi32, #tpu.memory_space<vmem>>
        %dma_start3A_48 = arith.constant 0 : i32
        %dma_start3A_49 = arith.constant 0 : i32
        %dma_start3A_50 = tpu.memref_slice %arg2[%dma_start3A_48, %dma_start3A_49] : memref<10000x128xf32, #tpu.memory_space<hbm>> -> memref<10000x128xf32, #tpu.memory_space<hbm>>
        tpu.enqueue_indirect_dma source(%dma_start3A_50 : memref<10000x128xf32, #tpu.memory_space<hbm>>) target(%arg11 : memref<80x128xf32, #tpu.memory_space<vmem>>) offsets(%dma_start3A_47 : memref<80xi32, #tpu.memory_space<vmem>>) semaphore(%arg14 : memref<!tpu.dma_semaphore, #tpu.memory_space<semaphore_mem>>)
        %dma_start3A_51 = arith.constant 0 : i32
        %dma_start3A_52 = tpu.memref_slice %arg10[%scan3A_44, %dma_start3A_51] : memref<25x80xi32, #tpu.memory_space<vmem>> -> memref<1x80xi32, #tpu.memory_space<vmem>>
        %dma_start3A_53 = tpu.memref_squeeze %dma_start3A_52 : memref<1x80xi32, #tpu.memory_space<vmem>> -> memref<80xi32, #tpu.memory_space<vmem>>
        %dma_start3A_54 = arith.constant 0 : i32
        %dma_start3A_55 = arith.constant 0 : i32
        %dma_start3A_56 = tpu.memref_slice %arg3[%dma_start3A_54, %dma_start3A_55] : memref<400x128xf32, #tpu.memory_space<hbm>> -> memref<400x128xf32, #tpu.memory_space<hbm>>
        tpu.enqueue_indirect_dma source(%dma_start3A_56 : memref<400x128xf32, #tpu.memory_space<hbm>>) target(%arg12 : memref<80x128xf32, #tpu.memory_space<vmem>>) offsets(%dma_start3A_53 : memref<80xi32, #tpu.memory_space<vmem>>) semaphore(%arg15 : memref<!tpu.dma_semaphore, #tpu.memory_space<semaphore_mem>>)
        %dma_wait3A = arith.constant 0 : i32
        %dma_wait3A_57 = tpu.memref_slice %arg8[%scan3A_44, %dma_wait3A] : memref<25x80xi32, #tpu.memory_space<vmem>> -> memref<1x80xi32, #tpu.memory_space<vmem>>
        %dma_wait3A_58 = tpu.memref_squeeze %dma_wait3A_57 : memref<1x80xi32, #tpu.memory_space<vmem>> -> memref<80xi32, #tpu.memory_space<vmem>>
        %dma_wait3A_59 = arith.constant 0 : i32
        %dma_wait3A_60 = arith.constant 0 : i32
        %dma_wait3A_61 = tpu.memref_slice %arg2[%dma_wait3A_59, %dma_wait3A_60] : memref<10000x128xf32, #tpu.memory_space<hbm>> -> memref<10000x128xf32, #tpu.memory_space<hbm>>
        tpu.wait_indirect_dma semaphore(%arg14 : memref<!tpu.dma_semaphore, #tpu.memory_space<semaphore_mem>>) src(%dma_wait3A_61 : memref<10000x128xf32, #tpu.memory_space<hbm>>) dst(%arg11 : memref<80x128xf32, #tpu.memory_space<vmem>>)
        %dma_wait3A_62 = arith.constant 0 : i32
        %dma_wait3A_63 = tpu.memref_slice %arg10[%scan3A_44, %dma_wait3A_62] : memref<25x80xi32, #tpu.memory_space<vmem>> -> memref<1x80xi32, #tpu.memory_space<vmem>>
        %dma_wait3A_64 = tpu.memref_squeeze %dma_wait3A_63 : memref<1x80xi32, #tpu.memory_space<vmem>> -> memref<80xi32, #tpu.memory_space<vmem>>
        %dma_wait3A_65 = arith.constant 0 : i32
        %dma_wait3A_66 = arith.constant 0 : i32
        %dma_wait3A_67 = tpu.memref_slice %arg3[%dma_wait3A_65, %dma_wait3A_66] : memref<400x128xf32, #tpu.memory_space<hbm>> -> memref<400x128xf32, #tpu.memory_space<hbm>>
        tpu.wait_indirect_dma semaphore(%arg15 : memref<!tpu.dma_semaphore, #tpu.memory_space<semaphore_mem>>) src(%dma_wait3A_67 : memref<400x128xf32, #tpu.memory_space<hbm>>) dst(%arg12 : memref<80x128xf32, #tpu.memory_space<vmem>>)
        %scan3A_68 = arith.constant 0 : i32
        %scan3A_69 = arith.constant 0 : i32
        %scan3A_70 = arith.constant 80 : i32
        %scan3A_71 = arith.addi %scan3A_69, %scan3A_70 : i32
        %scan3A_72 = arith.constant 1 : i32
        %scan3A_73 = scf.for %scan3A_76 = %scan3A_69 to %scan3A_71 step %scan3A_72 iter_args(%scan3A_77 = %scan3A_68) -> (i32)  : i32 {
          %get3A = arith.index_cast %scan3A_76 : i32 to index
          %get3A_78 = arith.constant 0 : index
          %get3A_79 = tpu.vector_load %arg11[%get3A, %get3A_78] {strides = array<i32>} : memref<80x128xf32, #tpu.memory_space<vmem>>, vector<1x16xf32>,
          %get3A_80 = vector.shape_cast %get3A_79 : vector<1x16xf32> to vector<16xf32>
          %get3A_81 = arith.index_cast %scan3A_76 : i32 to index
          %get3A_82 = arith.constant 0 : index
          %get3A_83 = tpu.vector_load %arg12[%get3A_81, %get3A_82] {strides = array<i32>} : memref<80x128xf32, #tpu.memory_space<vmem>>, vector<1x16xf32>,
          %get3A_84 = vector.shape_cast %get3A_83 : vector<1x16xf32> to vector<16xf32>
          %mul3A_85 = arith.mulf %get3A_80, %get3A_84 : vector<16xf32>
          %swap3A = arith.index_cast %scan3A_76 : i32 to index
          %swap3A_86 = arith.constant 0 : index
          %swap3A_87 = tpu.vector_load %arg11[%swap3A, %swap3A_86] {strides = array<i32>} : memref<80x128xf32, #tpu.memory_space<vmem>>, vector<1x16xf32>,
          %swap3A_88 = vector.shape_cast %swap3A_87 : vector<1x16xf32> to vector<16xf32>
          %swap3A_89 = vector.shape_cast %mul3A_85 : vector<16xf32> to vector<1x16xf32>
          tpu.vector_store %arg11[%swap3A, %swap3A_86], %swap3A_89 {strides = array<i32>} : memref<80x128xf32, #tpu.memory_space<vmem>>, vector<1x16xf32>,
          %get3A_90 = arith.index_cast %scan3A_76 : i32 to index
          %get3A_91 = arith.constant 16 : index
          %get3A_92 = tpu.vector_load %arg11[%get3A_90, %get3A_91] {strides = array<i32>} : memref<80x128xf32, #tpu.memory_space<vmem>>, vector<1x16xf32>,
          %get3A_93 = vector.shape_cast %get3A_92 : vector<1x16xf32> to vector<16xf32>
          %get3A_94 = arith.index_cast %scan3A_76 : i32 to index
          %get3A_95 = arith.constant 16 : index
          %get3A_96 = tpu.vector_load %arg12[%get3A_94, %get3A_95] {strides = array<i32>} : memref<80x128xf32, #tpu.memory_space<vmem>>, vector<1x16xf32>,
          %get3A_97 = vector.shape_cast %get3A_96 : vector<1x16xf32> to vector<16xf32>
          %mul3A_98 = arith.mulf %get3A_93, %get3A_97 : vector<16xf32>
          %swap3A_99 = arith.index_cast %scan3A_76 : i32 to index
          %swap3A_100 = arith.constant 16 : index
          %swap3A_101 = tpu.vector_load %arg11[%swap3A_99, %swap3A_100] {strides = array<i32>} : memref<80x128xf32, #tpu.memory_space<vmem>>, vector<1x16xf32>,
          %swap3A_102 = vector.shape_cast %swap3A_101 : vector<1x16xf32> to vector<16xf32>
          %swap3A_103 = vector.shape_cast %mul3A_98 : vector<16xf32> to vector<1x16xf32>
          tpu.vector_store %arg11[%swap3A_99, %swap3A_100], %swap3A_103 {strides = array<i32>} : memref<80x128xf32, #tpu.memory_space<vmem>>, vector<1x16xf32>,
          %get3A_104 = arith.index_cast %scan3A_76 : i32 to index
          %get3A_105 = arith.constant 32 : index
          %get3A_106 = tpu.vector_load %arg11[%get3A_104, %get3A_105] {strides = array<i32>} : memref<80x128xf32, #tpu.memory_space<vmem>>, vector<1x16xf32>,
          %get3A_107 = vector.shape_cast %get3A_106 : vector<1x16xf32> to vector<16xf32>
          %get3A_108 = arith.index_cast %scan3A_76 : i32 to index
          %get3A_109 = arith.constant 32 : index
          %get3A_110 = tpu.vector_load %arg12[%get3A_108, %get3A_109] {strides = array<i32>} : memref<80x128xf32, #tpu.memory_space<vmem>>, vector<1x16xf32>,
          %get3A_111 = vector.shape_cast %get3A_110 : vector<1x16xf32> to vector<16xf32>
          %mul3A_112 = arith.mulf %get3A_107, %get3A_111 : vector<16xf32>
          %swap3A_113 = arith.index_cast %scan3A_76 : i32 to index
          %swap3A_114 = arith.constant 32 : index
          %swap3A_115 = tpu.vector_load %arg11[%swap3A_113, %swap3A_114] {strides = array<i32>} : memref<80x128xf32, #tpu.memory_space<vmem>>, vector<1x16xf32>,
          %swap3A_116 = vector.shape_cast %swap3A_115 : vector<1x16xf32> to vector<16xf32>
          %swap3A_117 = vector.shape_cast %mul3A_112 : vector<16xf32> to vector<1x16xf32>
          tpu.vector_store %arg11[%swap3A_113, %swap3A_114], %swap3A_117 {strides = array<i32>} : memref<80x128xf32, #tpu.memory_space<vmem>>, vector<1x16xf32>,
          %get3A_118 = arith.index_cast %scan3A_76 : i32 to index
          %get3A_119 = arith.constant 48 : index
          %get3A_120 = tpu.vector_load %arg11[%get3A_118, %get3A_119] {strides = array<i32>} : memref<80x128xf32, #tpu.memory_space<vmem>>, vector<1x16xf32>,
          %get3A_121 = vector.shape_cast %get3A_120 : vector<1x16xf32> to vector<16xf32>
          %get3A_122 = arith.index_cast %scan3A_76 : i32 to index
          %get3A_123 = arith.constant 48 : index
          %get3A_124 = tpu.vector_load %arg12[%get3A_122, %get3A_123] {strides = array<i32>} : memref<80x128xf32, #tpu.memory_space<vmem>>, vector<1x16xf32>,
          %get3A_125 = vector.shape_cast %get3A_124 : vector<1x16xf32> to vector<16xf32>
          %mul3A_126 = arith.mulf %get3A_121, %get3A_125 : vector<16xf32>
          %swap3A_127 = arith.index_cast %scan3A_76 : i32 to index
          %swap3A_128 = arith.constant 48 : index
          %swap3A_129 = tpu.vector_load %arg11[%swap3A_127, %swap3A_128] {strides = array<i32>} : memref<80x128xf32, #tpu.memory_space<vmem>>, vector<1x16xf32>,
          %swap3A_130 = vector.shape_cast %swap3A_129 : vector<1x16xf32> to vector<16xf32>
          %swap3A_131 = vector.shape_cast %mul3A_126 : vector<16xf32> to vector<1x16xf32>
          tpu.vector_store %arg11[%swap3A_127, %swap3A_128], %swap3A_131 {strides = array<i32>} : memref<80x128xf32, #tpu.memory_space<vmem>>, vector<1x16xf32>,
          %get3A_132 = arith.index_cast %scan3A_76 : i32 to index
          %get3A_133 = arith.constant 64 : index
          %get3A_134 = tpu.vector_load %arg11[%get3A_132, %get3A_133] {strides = array<i32>} : memref<80x128xf32, #tpu.memory_space<vmem>>, vector<1x16xf32>,
          %get3A_135 = vector.shape_cast %get3A_134 : vector<1x16xf32> to vector<16xf32>
          %get3A_136 = arith.index_cast %scan3A_76 : i32 to index
          %get3A_137 = arith.constant 64 : index
          %get3A_138 = tpu.vector_load %arg12[%get3A_136, %get3A_137] {strides = array<i32>} : memref<80x128xf32, #tpu.memory_space<vmem>>, vector<1x16xf32>,
          %get3A_139 = vector.shape_cast %get3A_138 : vector<1x16xf32> to vector<16xf32>
          %mul3A_140 = arith.mulf %get3A_135, %get3A_139 : vector<16xf32>
          %swap3A_141 = arith.index_cast %scan3A_76 : i32 to index
          %swap3A_142 = arith.constant 64 : index
          %swap3A_143 = tpu.vector_load %arg11[%swap3A_141, %swap3A_142] {strides = array<i32>} : memref<80x128xf32, #tpu.memory_space<vmem>>, vector<1x16xf32>,
          %swap3A_144 = vector.shape_cast %swap3A_143 : vector<1x16xf32> to vector<16xf32>
          %swap3A_145 = vector.shape_cast %mul3A_140 : vector<16xf32> to vector<1x16xf32>
          tpu.vector_store %arg11[%swap3A_141, %swap3A_142], %swap3A_145 {strides = array<i32>} : memref<80x128xf32, #tpu.memory_space<vmem>>, vector<1x16xf32>,
          %get3A_146 = arith.index_cast %scan3A_76 : i32 to index
          %get3A_147 = arith.constant 80 : index
          %get3A_148 = tpu.vector_load %arg11[%get3A_146, %get3A_147] {strides = array<i32>} : memref<80x128xf32, #tpu.memory_space<vmem>>, vector<1x16xf32>,
          %get3A_149 = vector.shape_cast %get3A_148 : vector<1x16xf32> to vector<16xf32>
          %get3A_150 = arith.index_cast %scan3A_76 : i32 to index
          %get3A_151 = arith.constant 80 : index
          %get3A_152 = tpu.vector_load %arg12[%get3A_150, %get3A_151] {strides = array<i32>} : memref<80x128xf32, #tpu.memory_space<vmem>>, vector<1x16xf32>,
          %get3A_153 = vector.shape_cast %get3A_152 : vector<1x16xf32> to vector<16xf32>
          %mul3A_154 = arith.mulf %get3A_149, %get3A_153 : vector<16xf32>
          %swap3A_155 = arith.index_cast %scan3A_76 : i32 to index
          %swap3A_156 = arith.constant 80 : index
          %swap3A_157 = tpu.vector_load %arg11[%swap3A_155, %swap3A_156] {strides = array<i32>} : memref<80x128xf32, #tpu.memory_space<vmem>>, vector<1x16xf32>,
          %swap3A_158 = vector.shape_cast %swap3A_157 : vector<1x16xf32> to vector<16xf32>
          %swap3A_159 = vector.shape_cast %mul3A_154 : vector<16xf32> to vector<1x16xf32>
          tpu.vector_store %arg11[%swap3A_155, %swap3A_156], %swap3A_159 {strides = array<i32>} : memref<80x128xf32, #tpu.memory_space<vmem>>, vector<1x16xf32>,
          %get3A_160 = arith.index_cast %scan3A_76 : i32 to index
          %get3A_161 = arith.constant 96 : index
          %get3A_162 = tpu.vector_load %arg11[%get3A_160, %get3A_161] {strides = array<i32>} : memref<80x128xf32, #tpu.memory_space<vmem>>, vector<1x16xf32>,
          %get3A_163 = vector.shape_cast %get3A_162 : vector<1x16xf32> to vector<16xf32>
          %get3A_164 = arith.index_cast %scan3A_76 : i32 to index
          %get3A_165 = arith.constant 96 : index
          %get3A_166 = tpu.vector_load %arg12[%get3A_164, %get3A_165] {strides = array<i32>} : memref<80x128xf32, #tpu.memory_space<vmem>>, vector<1x16xf32>,
          %get3A_167 = vector.shape_cast %get3A_166 : vector<1x16xf32> to vector<16xf32>
          %mul3A_168 = arith.mulf %get3A_163, %get3A_167 : vector<16xf32>
          %swap3A_169 = arith.index_cast %scan3A_76 : i32 to index
          %swap3A_170 = arith.constant 96 : index
          %swap3A_171 = tpu.vector_load %arg11[%swap3A_169, %swap3A_170] {strides = array<i32>} : memref<80x128xf32, #tpu.memory_space<vmem>>, vector<1x16xf32>,
          %swap3A_172 = vector.shape_cast %swap3A_171 : vector<1x16xf32> to vector<16xf32>
          %swap3A_173 = vector.shape_cast %mul3A_168 : vector<16xf32> to vector<1x16xf32>
          tpu.vector_store %arg11[%swap3A_169, %swap3A_170], %swap3A_173 {strides = array<i32>} : memref<80x128xf32, #tpu.memory_space<vmem>>, vector<1x16xf32>,
          %get3A_174 = arith.index_cast %scan3A_76 : i32 to index
          %get3A_175 = arith.constant 112 : index
          %get3A_176 = tpu.vector_load %arg11[%get3A_174, %get3A_175] {strides = array<i32>} : memref<80x128xf32, #tpu.memory_space<vmem>>, vector<1x16xf32>,
          %get3A_177 = vector.shape_cast %get3A_176 : vector<1x16xf32> to vector<16xf32>
          %get3A_178 = arith.index_cast %scan3A_76 : i32 to index
          %get3A_179 = arith.constant 112 : index
          %get3A_180 = tpu.vector_load %arg12[%get3A_178, %get3A_179] {strides = array<i32>} : memref<80x128xf32, #tpu.memory_space<vmem>>, vector<1x16xf32>,
          %get3A_181 = vector.shape_cast %get3A_180 : vector<1x16xf32> to vector<16xf32>
          %mul3A_182 = arith.mulf %get3A_177, %get3A_181 : vector<16xf32>
          %swap3A_183 = arith.index_cast %scan3A_76 : i32 to index
          %swap3A_184 = arith.constant 112 : index
          %swap3A_185 = tpu.vector_load %arg11[%swap3A_183, %swap3A_184] {strides = array<i32>} : memref<80x128xf32, #tpu.memory_space<vmem>>, vector<1x16xf32>,
          %swap3A_186 = vector.shape_cast %swap3A_185 : vector<1x16xf32> to vector<16xf32>
          %swap3A_187 = vector.shape_cast %mul3A_182 : vector<16xf32> to vector<1x16xf32>
          tpu.vector_store %arg11[%swap3A_183, %swap3A_184], %swap3A_187 {strides = array<i32>} : memref<80x128xf32, #tpu.memory_space<vmem>>, vector<1x16xf32>,
          %scan3A_188 = arith.constant 0 : i32
          scf.yield %scan3A_188 : i32
        }
        %scan3A_74 = arith.constant 80 : i32
        "tpu.region"() ({
          %run_scoped3A = tpu.sem_alloc : memref<!tpu.dma_semaphore, #tpu.memory_space<semaphore_mem>>
          %dma_start3A_76 = arith.constant 0 : i32
          %dma_start3A_77 = tpu.memref_slice %arg9[%scan3A_44, %dma_start3A_76] : memref<25x80xi32, #tpu.memory_space<vmem>> -> memref<1x80xi32, #tpu.memory_space<vmem>>
          %dma_start3A_78 = tpu.memref_squeeze %dma_start3A_77 : memref<1x80xi32, #tpu.memory_space<vmem>> -> memref<80xi32, #tpu.memory_space<vmem>>
          %dma_start3A_79 = arith.constant 0 : i32
          %dma_start3A_80 = arith.constant 0 : i32
          %dma_start3A_81 = tpu.memref_slice %arg13[%dma_start3A_79, %dma_start3A_80] : memref<10112x128xf32, #tpu.memory_space<vmem_shared>> -> memref<10112x128xf32, #tpu.memory_space<vmem_shared>>
          tpu.enqueue_indirect_dma source(%arg11 : memref<80x128xf32, #tpu.memory_space<vmem>>) target(%dma_start3A_81 : memref<10112x128xf32, #tpu.memory_space<vmem_shared>>) offsets(%dma_start3A_78 : memref<80xi32, #tpu.memory_space<vmem>>) semaphore(%run_scoped3A : memref<!tpu.dma_semaphore, #tpu.memory_space<semaphore_mem>>) {add = true}
          %dma_wait3A_82 = arith.constant 0 : i32
          %dma_wait3A_83 = tpu.memref_slice %arg9[%scan3A_44, %dma_wait3A_82] : memref<25x80xi32, #tpu.memory_space<vmem>> -> memref<1x80xi32, #tpu.memory_space<vmem>>
          %dma_wait3A_84 = tpu.memref_squeeze %dma_wait3A_83 : memref<1x80xi32, #tpu.memory_space<vmem>> -> memref<80xi32, #tpu.memory_space<vmem>>
          %dma_wait3A_85 = arith.constant 0 : i32
          %dma_wait3A_86 = arith.constant 0 : i32
          %dma_wait3A_87 = tpu.memref_slice %arg13[%dma_wait3A_85, %dma_wait3A_86] : memref<10112x128xf32, #tpu.memory_space<vmem_shared>> -> memref<10112x128xf32, #tpu.memory_space<vmem_shared>>
          tpu.wait_indirect_dma semaphore(%run_scoped3A : memref<!tpu.dma_semaphore, #tpu.memory_space<semaphore_mem>>) src(%arg11 : memref<80x128xf32, #tpu.memory_space<vmem>>) dst(%dma_wait3A_87 : memref<10112x128xf32, #tpu.memory_space<vmem_shared>>)
          tpu.yield
        }) : () -> ()
        %scan3A_75 = arith.constant 0 : i32
        scf.yield %scan3A_75 : i32
      }
      %scan3A_42 = arith.constant 25 : i32
      %scan3A_43 = arith.constant 0 : i32
      scf.yield %scan3A_43 : i32
    }
    %scan3A_32 = arith.constant 5 : i32
    %barrier3A_33 = arith.constant 0 : index
    tpu.barrier barrier_id(%barrier3A_33)
    "tpu.region"() ({
      %run_scoped3A = tpu.sem_alloc : memref<!tpu.dma_semaphore, #tpu.memory_space<semaphore_mem>>
      %dma_start3A = arith.constant 0 : i32
      %dma_start3A_34 = tpu.memref_slice %arg7[%arg0, %mul3A_9, %dma_start3A] : memref<2x10112x128xf32, #tpu.memory_space<hbm>> -> memref<1x632x128xf32, #tpu.memory_space<hbm>>
      %dma_start3A_35 = tpu.memref_squeeze %dma_start3A_34 : memref<1x632x128xf32, #tpu.memory_space<hbm>> -> memref<632x128xf32, #tpu.memory_space<hbm>>
      %dma_start3A_36 = arith.constant 0 : i32
      %dma_start3A_37 = tpu.memref_slice %arg13[%mul3A_9, %dma_start3A_36] : memref<10112x128xf32, #tpu.memory_space<vmem_shared>> -> memref<632x128xf32, #tpu.memory_space<vmem_shared>>
      tpu.enqueue_dma source(%dma_start3A_37 : memref<632x128xf32, #tpu.memory_space<vmem_shared>>) target(%dma_start3A_35 : memref<632x128xf32, #tpu.memory_space<hbm>>) target_semaphore(%run_scoped3A : memref<!tpu.dma_semaphore, #tpu.memory_space<semaphore_mem>>)
      %dma_wait3A = arith.constant 0 : i32
      %dma_wait3A_38 = tpu.memref_slice %arg7[%arg0, %mul3A_9, %dma_wait3A] : memref<2x10112x128xf32, #tpu.memory_space<hbm>> -> memref<1x632x128xf32, #tpu.memory_space<hbm>>
      %dma_wait3A_39 = tpu.memref_squeeze %dma_wait3A_38 : memref<1x632x128xf32, #tpu.memory_space<hbm>> -> memref<632x128xf32, #tpu.memory_space<hbm>>
      %dma_wait3A_40 = arith.constant 0 : i32
      %dma_wait3A_41 = tpu.memref_slice %arg13[%mul3A_9, %dma_wait3A_40] : memref<10112x128xf32, #tpu.memory_space<vmem_shared>> -> memref<632x128xf32, #tpu.memory_space<vmem_shared>>
      tpu.wait_dma2 semaphore(%run_scoped3A : memref<!tpu.dma_semaphore, #tpu.memory_space<semaphore_mem>>) src(%dma_wait3A_41 : memref<632x128xf32, #tpu.memory_space<vmem_shared>>) dst(%dma_wait3A_39 : memref<632x128xf32, #tpu.memory_space<hbm>>)
      tpu.yield
    }) : () -> ()
    return
  }
}

#map = affine_map<(d0, d1) -> (0, 0)>
#map1 = affine_map<(d0, d1) -> (0, 0, 0, 0)>
#map2 = affine_map<(d0, d1) -> (0, 0, 0)>
module attributes {stable_mosaic.version = 14 : i64} {
  func.func @conv(%arg0: i32, %arg1: i32, %arg2: memref<10000x128xf32, #tpu.memory_space<hbm>>, %arg3: memref<400x128xf32, #tpu.memory_space<hbm>>, %arg4: memref<32x5x25x80xi32, #tpu.memory_space<hbm>>, %arg5: memref<32x5x25x80xi32, #tpu.memory_space<hbm>>, %arg6: memref<32x5x25x80xi32, #tpu.memory_space<hbm>>, %arg7: memref<2x10112x128xf32, #tpu.memory_space<hbm>>, %arg8: memref<25x80xi32, #tpu.memory_space<vmem>>, %arg9: memref<25x80xi32, #tpu.memory_space<vmem>>, %arg10: memref<25x80xi32, #tpu.memory_space<vmem>>, %arg11: memref<80x128xf32, #tpu.memory_space<vmem>>, %arg12: memref<80x128xf32, #tpu.memory_space<vmem>>, %arg13: memref<10112x128xf32, #tpu.memory_space<vmem_shared>>, %arg14: memref<!tpu.dma_semaphore, #tpu.memory_space<semaphore_mem>>, %arg15: memref<!tpu.dma_semaphore, #tpu.memory_space<semaphore_mem>>) attributes {dimension_semantics = [#tpu.dimension_semantics<core_parallel>, #tpu.dimension_semantics<subcore_parallel>], iteration_bounds = array<i64: 2, 16>, scalar_prefetch = 0 : i64, scratch_operands = 8 : i64, tpu.core_type = #tpu.core_type<sc_vector_subcore>, window_params = [{transform_indices = #map}, {transform_indices = #map}, {transform_indices = #map1}, {transform_indices = #map1}, {transform_indices = #map1}, {transform_indices = #map2}]} {
    %mul3A = arith.constant 16 : i32
    %mul3A_0 = arith.muli %arg0, %mul3A : i32
    %add3A = arith.addi %mul3A_0, %arg1 : i32
    %broadcast_in_dim3A = arith.constant 0.000000e+00 : f32
    %broadcast_in_dim3A_1 = vector.broadcast %broadcast_in_dim3A : f32 to vector<16xf32>
    %scan3A = arith.constant 0 : i32
    %scan3A_2 = arith.constant 0 : i32
    %scan3A_3 = arith.constant 80 : i32
    %scan3A_4 = arith.addi %scan3A_2, %scan3A_3 : i32
    %scan3A_5 = arith.constant 1 : i32
    %scan3A_6 = scf.for %scan3A_34 = %scan3A_2 to %scan3A_4 step %scan3A_5 iter_args(%scan3A_35 = %scan3A) -> (i32)  : i32 {
      %swap3A = arith.index_cast %scan3A_34 : i32 to index
      %swap3A_36 = arith.constant 0 : index
      %swap3A_37 = tpu.vector_load %arg11[%swap3A, %swap3A_36] {strides = array<i32>} : memref<80x128xf32, #tpu.memory_space<vmem>>, vector<1x16xf32>,
      %swap3A_38 = vector.shape_cast %swap3A_37 : vector<1x16xf32> to vector<16xf32>
      %swap3A_39 = vector.shape_cast %broadcast_in_dim3A_1 : vector<16xf32> to vector<1x16xf32>
      tpu.vector_store %arg11[%swap3A, %swap3A_36], %swap3A_39 {strides = array<i32>} : memref<80x128xf32, #tpu.memory_space<vmem>>, vector<1x16xf32>,
      %swap3A_40 = arith.index_cast %scan3A_34 : i32 to index
      %swap3A_41 = arith.constant 16 : index
      %swap3A_42 = tpu.vector_load %arg11[%swap3A_40, %swap3A_41] {strides = array<i32>} : memref<80x128xf32, #tpu.memory_space<vmem>>, vector<1x16xf32>,
      %swap3A_43 = vector.shape_cast %swap3A_42 : vector<1x16xf32> to vector<16xf32>
      %swap3A_44 = vector.shape_cast %broadcast_in_dim3A_1 : vector<16xf32> to vector<1x16xf32>
      tpu.vector_store %arg11[%swap3A_40, %swap3A_41], %swap3A_44 {strides = array<i32>} : memref<80x128xf32, #tpu.memory_space<vmem>>, vector<1x16xf32>,
      %swap3A_45 = arith.index_cast %scan3A_34 : i32 to index
      %swap3A_46 = arith.constant 32 : index
      %swap3A_47 = tpu.vector_load %arg11[%swap3A_45, %swap3A_46] {strides = array<i32>} : memref<80x128xf32, #tpu.memory_space<vmem>>, vector<1x16xf32>,
      %swap3A_48 = vector.shape_cast %swap3A_47 : vector<1x16xf32> to vector<16xf32>
      %swap3A_49 = vector.shape_cast %broadcast_in_dim3A_1 : vector<16xf32> to vector<1x16xf32>
      tpu.vector_store %arg11[%swap3A_45, %swap3A_46], %swap3A_49 {strides = array<i32>} : memref<80x128xf32, #tpu.memory_space<vmem>>, vector<1x16xf32>,
      %swap3A_50 = arith.index_cast %scan3A_34 : i32 to index
      %swap3A_51 = arith.constant 48 : index
      %swap3A_52 = tpu.vector_load %arg11[%swap3A_50, %swap3A_51] {strides = array<i32>} : memref<80x128xf32, #tpu.memory_space<vmem>>, vector<1x16xf32>,
      %swap3A_53 = vector.shape_cast %swap3A_52 : vector<1x16xf32> to vector<16xf32>
      %swap3A_54 = vector.shape_cast %broadcast_in_dim3A_1 : vector<16xf32> to vector<1x16xf32>
      tpu.vector_store %arg11[%swap3A_50, %swap3A_51], %swap3A_54 {strides = array<i32>} : memref<80x128xf32, #tpu.memory_space<vmem>>, vector<1x16xf32>,
      %swap3A_55 = arith.index_cast %scan3A_34 : i32 to index
      %swap3A_56 = arith.constant 64 : index
      %swap3A_57 = tpu.vector_load %arg11[%swap3A_55, %swap3A_56] {strides = array<i32>} : memref<80x128xf32, #tpu.memory_space<vmem>>, vector<1x16xf32>,
      %swap3A_58 = vector.shape_cast %swap3A_57 : vector<1x16xf32> to vector<16xf32>
      %swap3A_59 = vector.shape_cast %broadcast_in_dim3A_1 : vector<16xf32> to vector<1x16xf32>
      tpu.vector_store %arg11[%swap3A_55, %swap3A_56], %swap3A_59 {strides = array<i32>} : memref<80x128xf32, #tpu.memory_space<vmem>>, vector<1x16xf32>,
      %swap3A_60 = arith.index_cast %scan3A_34 : i32 to index
      %swap3A_61 = arith.constant 80 : index
      %swap3A_62 = tpu.vector_load %arg11[%swap3A_60, %swap3A_61] {strides = array<i32>} : memref<80x128xf32, #tpu.memory_space<vmem>>, vector<1x16xf32>,
      %swap3A_63 = vector.shape_cast %swap3A_62 : vector<1x16xf32> to vector<16xf32>
      %swap3A_64 = vector.shape_cast %broadcast_in_dim3A_1 : vector<16xf32> to vector<1x16xf32>
      tpu.vector_store %arg11[%swap3A_60, %swap3A_61], %swap3A_64 {strides = array<i32>} : memref<80x128xf32, #tpu.memory_space<vmem>>, vector<1x16xf32>,
      %swap3A_65 = arith.index_cast %scan3A_34 : i32 to index
      %swap3A_66 = arith.constant 96 : index
      %swap3A_67 = tpu.vector_load %arg11[%swap3A_65, %swap3A_66] {strides = array<i32>} : memref<80x128xf32, #tpu.memory_space<vmem>>, vector<1x16xf32>,
      %swap3A_68 = vector.shape_cast %swap3A_67 : vector<1x16xf32> to vector<16xf32>
      %swap3A_69 = vector.shape_cast %broadcast_in_dim3A_1 : vector<16xf32> to vector<1x16xf32>
      tpu.vector_store %arg11[%swap3A_65, %swap3A_66], %swap3A_69 {strides = array<i32>} : memref<80x128xf32, #tpu.memory_space<vmem>>, vector<1x16xf32>,
      %swap3A_70 = arith.index_cast %scan3A_34 : i32 to index
      %swap3A_71 = arith.constant 112 : index
      %swap3A_72 = tpu.vector_load %arg11[%swap3A_70, %swap3A_71] {strides = array<i32>} : memref<80x128xf32, #tpu.memory_space<vmem>>, vector<1x16xf32>,
      %swap3A_73 = vector.shape_cast %swap3A_72 : vector<1x16xf32> to vector<16xf32>
      %swap3A_74 = vector.shape_cast %broadcast_in_dim3A_1 : vector<16xf32> to vector<1x16xf32>
      tpu.vector_store %arg11[%swap3A_70, %swap3A_71], %swap3A_74 {strides = array<i32>} : memref<80x128xf32, #tpu.memory_space<vmem>>, vector<1x16xf32>,
      %scan3A_75 = arith.constant 0 : i32
      scf.yield %scan3A_75 : i32
    }
    %scan3A_7 = arith.constant 80 : i32
    %mul3A_8 = arith.constant 632 : i32
    %mul3A_9 = arith.muli %arg1, %mul3A_8 : i32
    %add3A_10 = arith.constant 0 : i32
    %add3A_11 = arith.addi %mul3A_9, %add3A_10 : i32
    "tpu.region"() ({
      %run_scoped3A = tpu.sem_alloc : memref<!tpu.dma_semaphore, #tpu.memory_space<semaphore_mem>>
      %dma_start3A = arith.constant 0 : i32
      %dma_start3A_34 = arith.constant 0 : i32
      %dma_start3A_35 = tpu.memref_slice %arg11[%dma_start3A, %dma_start3A_34] : memref<80x128xf32, #tpu.memory_space<vmem>> -> memref<80x128xf32, #tpu.memory_space<vmem>>
      %dma_start3A_36 = arith.constant 0 : i32
      %dma_start3A_37 = tpu.memref_slice %arg13[%add3A_11, %dma_start3A_36] : memref<10112x128xf32, #tpu.memory_space<vmem_shared>> -> memref<80x128xf32, #tpu.memory_space<vmem_shared>>
      %dma_start3A_38 = arith.constant 0 : i32
      %dma_start3A_39 = tpu.memref_slice %arg13[%add3A_11, %dma_start3A_38] : memref<10112x128xf32, #tpu.memory_space<vmem_shared>> -> memref<80x128xf32, #tpu.memory_space<vmem_shared>>
      %dma_start3A_40 = arith.constant 0 : i32
      %dma_start3A_41 = arith.constant 0 : i32
      %dma_start3A_42 = tpu.memref_slice %arg11[%dma_start3A_40, %dma_start3A_41] : memref<80x128xf32, #tpu.memory_space<vmem>> -> memref<80x128xf32, #tpu.memory_space<vmem>>
      tpu.enqueue_dma source(%dma_start3A_42 : memref<80x128xf32, #tpu.memory_space<vmem>>) target(%dma_start3A_39 : memref<80x128xf32, #tpu.memory_space<vmem_shared>>) target_semaphore(%run_scoped3A : memref<!tpu.dma_semaphore, #tpu.memory_space<semaphore_mem>>)
      %dma_wait3A = arith.constant 0 : i32
      %dma_wait3A_43 = arith.constant 0 : i32
      %dma_wait3A_44 = tpu.memref_slice %arg11[%dma_wait3A, %dma_wait3A_43] : memref<80x128xf32, #tpu.memory_space<vmem>> -> memref<80x128xf32, #tpu.memory_space<vmem>>
      %dma_wait3A_45 = arith.constant 0 : i32
      %dma_wait3A_46 = tpu.memref_slice %arg13[%add3A_11, %dma_wait3A_45] : memref<10112x128xf32, #tpu.memory_space<vmem_shared>> -> memref<80x128xf32, #tpu.memory_space<vmem_shared>>
      %dma_wait3A_47 = arith.constant 0 : i32
      %dma_wait3A_48 = tpu.memref_slice %arg13[%add3A_11, %dma_wait3A_47] : memref<10112x128xf32, #tpu.memory_space<vmem_shared>> -> memref<80x128xf32, #tpu.memory_space<vmem_shared>>
      %dma_wait3A_49 = arith.constant 0 : i32
      %dma_wait3A_50 = arith.constant 0 : i32
      %dma_wait3A_51 = tpu.memref_slice %arg11[%dma_wait3A_49, %dma_wait3A_50] : memref<80x128xf32, #tpu.memory_space<vmem>> -> memref<80x128xf32, #tpu.memory_space<vmem>>
      tpu.wait_dma2 semaphore(%run_scoped3A : memref<!tpu.dma_semaphore, #tpu.memory_space<semaphore_mem>>) src(%dma_wait3A_51 : memref<80x128xf32, #tpu.memory_space<vmem>>) dst(%dma_wait3A_48 : memref<80x128xf32, #tpu.memory_space<vmem_shared>>)
      tpu.yield
    }) : () -> ()
    %add3A_12 = arith.constant 80 : i32
    %add3A_13 = arith.addi %mul3A_9, %add3A_12 : i32
    "tpu.region"() ({
      %run_scoped3A = tpu.sem_alloc : memref<!tpu.dma_semaphore, #tpu.memory_space<semaphore_mem>>
      %dma_start3A = arith.constant 0 : i32
      %dma_start3A_34 = arith.constant 0 : i32
      %dma_start3A_35 = tpu.memref_slice %arg11[%dma_start3A, %dma_start3A_34] : memref<80x128xf32, #tpu.memory_space<vmem>> -> memref<80x128xf32, #tpu.memory_space<vmem>>
      %dma_start3A_36 = arith.constant 0 : i32
      %dma_start3A_37 = tpu.memref_slice %arg13[%add3A_13, %dma_start3A_36] : memref<10112x128xf32, #tpu.memory_space<vmem_shared>> -> memref<80x128xf32, #tpu.memory_space<vmem_shared>>
      %dma_start3A_38 = arith.constant 0 : i32
      %dma_start3A_39 = tpu.memref_slice %arg13[%add3A_13, %dma_start3A_38] : memref<10112x128xf32, #tpu.memory_space<vmem_shared>> -> memref<80x128xf32, #tpu.memory_space<vmem_shared>>
      %dma_start3A_40 = arith.constant 0 : i32
      %dma_start3A_41 = arith.constant 0 : i32
      %dma_start3A_42 = tpu.memref_slice %arg11[%dma_start3A_40, %dma_start3A_41] : memref<80x128xf32, #tpu.memory_space<vmem>> -> memref<80x128xf32, #tpu.memory_space<vmem>>
      tpu.enqueue_dma source(%dma_start3A_42 : memref<80x128xf32, #tpu.memory_space<vmem>>) target(%dma_start3A_39 : memref<80x128xf32, #tpu.memory_space<vmem_shared>>) target_semaphore(%run_scoped3A : memref<!tpu.dma_semaphore, #tpu.memory_space<semaphore_mem>>)
      %dma_wait3A = arith.constant 0 : i32
      %dma_wait3A_43 = arith.constant 0 : i32
      %dma_wait3A_44 = tpu.memref_slice %arg11[%dma_wait3A, %dma_wait3A_43] : memref<80x128xf32, #tpu.memory_space<vmem>> -> memref<80x128xf32, #tpu.memory_space<vmem>>
      %dma_wait3A_45 = arith.constant 0 : i32
      %dma_wait3A_46 = tpu.memref_slice %arg13[%add3A_13, %dma_wait3A_45] : memref<10112x128xf32, #tpu.memory_space<vmem_shared>> -> memref<80x128xf32, #tpu.memory_space<vmem_shared>>
      %dma_wait3A_47 = arith.constant 0 : i32
      %dma_wait3A_48 = tpu.memref_slice %arg13[%add3A_13, %dma_wait3A_47] : memref<10112x128xf32, #tpu.memory_space<vmem_shared>> -> memref<80x128xf32, #tpu.memory_space<vmem_shared>>
      %dma_wait3A_49 = arith.constant 0 : i32
      %dma_wait3A_50 = arith.constant 0 : i32
      %dma_wait3A_51 = tpu.memref_slice %arg11[%dma_wait3A_49, %dma_wait3A_50] : memref<80x128xf32, #tpu.memory_space<vmem>> -> memref<80x128xf32, #tpu.memory_space<vmem>>
      tpu.wait_dma2 semaphore(%run_scoped3A : memref<!tpu.dma_semaphore, #tpu.memory_space<semaphore_mem>>) src(%dma_wait3A_51 : memref<80x128xf32, #tpu.memory_space<vmem>>) dst(%dma_wait3A_48 : memref<80x128xf32, #tpu.memory_space<vmem_shared>>)
      tpu.yield
    }) : () -> ()
    %add3A_14 = arith.constant 160 : i32
    %add3A_15 = arith.addi %mul3A_9, %add3A_14 : i32
    "tpu.region"() ({
      %run_scoped3A = tpu.sem_alloc : memref<!tpu.dma_semaphore, #tpu.memory_space<semaphore_mem>>
      %dma_start3A = arith.constant 0 : i32
      %dma_start3A_34 = arith.constant 0 : i32
      %dma_start3A_35 = tpu.memref_slice %arg11[%dma_start3A, %dma_start3A_34] : memref<80x128xf32, #tpu.memory_space<vmem>> -> memref<80x128xf32, #tpu.memory_space<vmem>>
      %dma_start3A_36 = arith.constant 0 : i32
      %dma_start3A_37 = tpu.memref_slice %arg13[%add3A_15, %dma_start3A_36] : memref<10112x128xf32, #tpu.memory_space<vmem_shared>> -> memref<80x128xf32, #tpu.memory_space<vmem_shared>>
      %dma_start3A_38 = arith.constant 0 : i32
      %dma_start3A_39 = tpu.memref_slice %arg13[%add3A_15, %dma_start3A_38] : memref<10112x128xf32, #tpu.memory_space<vmem_shared>> -> memref<80x128xf32, #tpu.memory_space<vmem_shared>>
      %dma_start3A_40 = arith.constant 0 : i32
      %dma_start3A_41 = arith.constant 0 : i32
      %dma_start3A_42 = tpu.memref_slice %arg11[%dma_start3A_40, %dma_start3A_41] : memref<80x128xf32, #tpu.memory_space<vmem>> -> memref<80x128xf32, #tpu.memory_space<vmem>>
      tpu.enqueue_dma source(%dma_start3A_42 : memref<80x128xf32, #tpu.memory_space<vmem>>) target(%dma_start3A_39 : memref<80x128xf32, #tpu.memory_space<vmem_shared>>) target_semaphore(%run_scoped3A : memref<!tpu.dma_semaphore, #tpu.memory_space<semaphore_mem>>)
      %dma_wait3A = arith.constant 0 : i32
      %dma_wait3A_43 = arith.constant 0 : i32
      %dma_wait3A_44 = tpu.memref_slice %arg11[%dma_wait3A, %dma_wait3A_43] : memref<80x128xf32, #tpu.memory_space<vmem>> -> memref<80x128xf32, #tpu.memory_space<vmem>>
      %dma_wait3A_45 = arith.constant 0 : i32
      %dma_wait3A_46 = tpu.memref_slice %arg13[%add3A_15, %dma_wait3A_45] : memref<10112x128xf32, #tpu.memory_space<vmem_shared>> -> memref<80x128xf32, #tpu.memory_space<vmem_shared>>
      %dma_wait3A_47 = arith.constant 0 : i32
      %dma_wait3A_48 = tpu.memref_slice %arg13[%add3A_15, %dma_wait3A_47] : memref<10112x128xf32, #tpu.memory_space<vmem_shared>> -> memref<80x128xf32, #tpu.memory_space<vmem_shared>>
      %dma_wait3A_49 = arith.constant 0 : i32
      %dma_wait3A_50 = arith.constant 0 : i32
      %dma_wait3A_51 = tpu.memref_slice %arg11[%dma_wait3A_49, %dma_wait3A_50] : memref<80x128xf32, #tpu.memory_space<vmem>> -> memref<80x128xf32, #tpu.memory_space<vmem>>
      tpu.wait_dma2 semaphore(%run_scoped3A : memref<!tpu.dma_semaphore, #tpu.memory_space<semaphore_mem>>) src(%dma_wait3A_51 : memref<80x128xf32, #tpu.memory_space<vmem>>) dst(%dma_wait3A_48 : memref<80x128xf32, #tpu.memory_space<vmem_shared>>)
      tpu.yield
    }) : () -> ()
    %add3A_16 = arith.constant 240 : i32
    %add3A_17 = arith.addi %mul3A_9, %add3A_16 : i32
    "tpu.region"() ({
      %run_scoped3A = tpu.sem_alloc : memref<!tpu.dma_semaphore, #tpu.memory_space<semaphore_mem>>
      %dma_start3A = arith.constant 0 : i32
      %dma_start3A_34 = arith.constant 0 : i32
      %dma_start3A_35 = tpu.memref_slice %arg11[%dma_start3A, %dma_start3A_34] : memref<80x128xf32, #tpu.memory_space<vmem>> -> memref<80x128xf32, #tpu.memory_space<vmem>>
      %dma_start3A_36 = arith.constant 0 : i32
      %dma_start3A_37 = tpu.memref_slice %arg13[%add3A_17, %dma_start3A_36] : memref<10112x128xf32, #tpu.memory_space<vmem_shared>> -> memref<80x128xf32, #tpu.memory_space<vmem_shared>>
      %dma_start3A_38 = arith.constant 0 : i32
      %dma_start3A_39 = tpu.memref_slice %arg13[%add3A_17, %dma_start3A_38] : memref<10112x128xf32, #tpu.memory_space<vmem_shared>> -> memref<80x128xf32, #tpu.memory_space<vmem_shared>>
      %dma_start3A_40 = arith.constant 0 : i32
      %dma_start3A_41 = arith.constant 0 : i32
      %dma_start3A_42 = tpu.memref_slice %arg11[%dma_start3A_40, %dma_start3A_41] : memref<80x128xf32, #tpu.memory_space<vmem>> -> memref<80x128xf32, #tpu.memory_space<vmem>>
      tpu.enqueue_dma source(%dma_start3A_42 : memref<80x128xf32, #tpu.memory_space<vmem>>) target(%dma_start3A_39 : memref<80x128xf32, #tpu.memory_space<vmem_shared>>) target_semaphore(%run_scoped3A : memref<!tpu.dma_semaphore, #tpu.memory_space<semaphore_mem>>)
      %dma_wait3A = arith.constant 0 : i32
      %dma_wait3A_43 = arith.constant 0 : i32
      %dma_wait3A_44 = tpu.memref_slice %arg11[%dma_wait3A, %dma_wait3A_43] : memref<80x128xf32, #tpu.memory_space<vmem>> -> memref<80x128xf32, #tpu.memory_space<vmem>>
      %dma_wait3A_45 = arith.constant 0 : i32
      %dma_wait3A_46 = tpu.memref_slice %arg13[%add3A_17, %dma_wait3A_45] : memref<10112x128xf32, #tpu.memory_space<vmem_shared>> -> memref<80x128xf32, #tpu.memory_space<vmem_shared>>
      %dma_wait3A_47 = arith.constant 0 : i32
      %dma_wait3A_48 = tpu.memref_slice %arg13[%add3A_17, %dma_wait3A_47] : memref<10112x128xf32, #tpu.memory_space<vmem_shared>> -> memref<80x128xf32, #tpu.memory_space<vmem_shared>>
      %dma_wait3A_49 = arith.constant 0 : i32
      %dma_wait3A_50 = arith.constant 0 : i32
      %dma_wait3A_51 = tpu.memref_slice %arg11[%dma_wait3A_49, %dma_wait3A_50] : memref<80x128xf32, #tpu.memory_space<vmem>> -> memref<80x128xf32, #tpu.memory_space<vmem>>
      tpu.wait_dma2 semaphore(%run_scoped3A : memref<!tpu.dma_semaphore, #tpu.memory_space<semaphore_mem>>) src(%dma_wait3A_51 : memref<80x128xf32, #tpu.memory_space<vmem>>) dst(%dma_wait3A_48 : memref<80x128xf32, #tpu.memory_space<vmem_shared>>)
      tpu.yield
    }) : () -> ()
    %add3A_18 = arith.constant 320 : i32
    %add3A_19 = arith.addi %mul3A_9, %add3A_18 : i32
    "tpu.region"() ({
      %run_scoped3A = tpu.sem_alloc : memref<!tpu.dma_semaphore, #tpu.memory_space<semaphore_mem>>
      %dma_start3A = arith.constant 0 : i32
      %dma_start3A_34 = arith.constant 0 : i32
      %dma_start3A_35 = tpu.memref_slice %arg11[%dma_start3A, %dma_start3A_34] : memref<80x128xf32, #tpu.memory_space<vmem>> -> memref<80x128xf32, #tpu.memory_space<vmem>>
      %dma_start3A_36 = arith.constant 0 : i32
      %dma_start3A_37 = tpu.memref_slice %arg13[%add3A_19, %dma_start3A_36] : memref<10112x128xf32, #tpu.memory_space<vmem_shared>> -> memref<80x128xf32, #tpu.memory_space<vmem_shared>>
      %dma_start3A_38 = arith.constant 0 : i32
      %dma_start3A_39 = tpu.memref_slice %arg13[%add3A_19, %dma_start3A_38] : memref<10112x128xf32, #tpu.memory_space<vmem_shared>> -> memref<80x128xf32, #tpu.memory_space<vmem_shared>>
      %dma_start3A_40 = arith.constant 0 : i32
      %dma_start3A_41 = arith.constant 0 : i32
      %dma_start3A_42 = tpu.memref_slice %arg11[%dma_start3A_40, %dma_start3A_41] : memref<80x128xf32, #tpu.memory_space<vmem>> -> memref<80x128xf32, #tpu.memory_space<vmem>>
      tpu.enqueue_dma source(%dma_start3A_42 : memref<80x128xf32, #tpu.memory_space<vmem>>) target(%dma_start3A_39 : memref<80x128xf32, #tpu.memory_space<vmem_shared>>) target_semaphore(%run_scoped3A : memref<!tpu.dma_semaphore, #tpu.memory_space<semaphore_mem>>)
      %dma_wait3A = arith.constant 0 : i32
      %dma_wait3A_43 = arith.constant 0 : i32
      %dma_wait3A_44 = tpu.memref_slice %arg11[%dma_wait3A, %dma_wait3A_43] : memref<80x128xf32, #tpu.memory_space<vmem>> -> memref<80x128xf32, #tpu.memory_space<vmem>>
      %dma_wait3A_45 = arith.constant 0 : i32
      %dma_wait3A_46 = tpu.memref_slice %arg13[%add3A_19, %dma_wait3A_45] : memref<10112x128xf32, #tpu.memory_space<vmem_shared>> -> memref<80x128xf32, #tpu.memory_space<vmem_shared>>
      %dma_wait3A_47 = arith.constant 0 : i32
      %dma_wait3A_48 = tpu.memref_slice %arg13[%add3A_19, %dma_wait3A_47] : memref<10112x128xf32, #tpu.memory_space<vmem_shared>> -> memref<80x128xf32, #tpu.memory_space<vmem_shared>>
      %dma_wait3A_49 = arith.constant 0 : i32
      %dma_wait3A_50 = arith.constant 0 : i32
      %dma_wait3A_51 = tpu.memref_slice %arg11[%dma_wait3A_49, %dma_wait3A_50] : memref<80x128xf32, #tpu.memory_space<vmem>> -> memref<80x128xf32, #tpu.memory_space<vmem>>
      tpu.wait_dma2 semaphore(%run_scoped3A : memref<!tpu.dma_semaphore, #tpu.memory_space<semaphore_mem>>) src(%dma_wait3A_51 : memref<80x128xf32, #tpu.memory_space<vmem>>) dst(%dma_wait3A_48 : memref<80x128xf32, #tpu.memory_space<vmem_shared>>)
      tpu.yield
    }) : () -> ()
    %add3A_20 = arith.constant 400 : i32
    %add3A_21 = arith.addi %mul3A_9, %add3A_20 : i32
    "tpu.region"() ({
      %run_scoped3A = tpu.sem_alloc : memref<!tpu.dma_semaphore, #tpu.memory_space<semaphore_mem>>
      %dma_start3A = arith.constant 0 : i32
      %dma_start3A_34 = arith.constant 0 : i32
      %dma_start3A_35 = tpu.memref_slice %arg11[%dma_start3A, %dma_start3A_34] : memref<80x128xf32, #tpu.memory_space<vmem>> -> memref<80x128xf32, #tpu.memory_space<vmem>>
      %dma_start3A_36 = arith.constant 0 : i32
      %dma_start3A_37 = tpu.memref_slice %arg13[%add3A_21, %dma_start3A_36] : memref<10112x128xf32, #tpu.memory_space<vmem_shared>> -> memref<80x128xf32, #tpu.memory_space<vmem_shared>>
      %dma_start3A_38 = arith.constant 0 : i32
      %dma_start3A_39 = tpu.memref_slice %arg13[%add3A_21, %dma_start3A_38] : memref<10112x128xf32, #tpu.memory_space<vmem_shared>> -> memref<80x128xf32, #tpu.memory_space<vmem_shared>>
      %dma_start3A_40 = arith.constant 0 : i32
      %dma_start3A_41 = arith.constant 0 : i32
      %dma_start3A_42 = tpu.memref_slice %arg11[%dma_start3A_40, %dma_start3A_41] : memref<80x128xf32, #tpu.memory_space<vmem>> -> memref<80x128xf32, #tpu.memory_space<vmem>>
      tpu.enqueue_dma source(%dma_start3A_42 : memref<80x128xf32, #tpu.memory_space<vmem>>) target(%dma_start3A_39 : memref<80x128xf32, #tpu.memory_space<vmem_shared>>) target_semaphore(%run_scoped3A : memref<!tpu.dma_semaphore, #tpu.memory_space<semaphore_mem>>)
      %dma_wait3A = arith.constant 0 : i32
      %dma_wait3A_43 = arith.constant 0 : i32
      %dma_wait3A_44 = tpu.memref_slice %arg11[%dma_wait3A, %dma_wait3A_43] : memref<80x128xf32, #tpu.memory_space<vmem>> -> memref<80x128xf32, #tpu.memory_space<vmem>>
      %dma_wait3A_45 = arith.constant 0 : i32
      %dma_wait3A_46 = tpu.memref_slice %arg13[%add3A_21, %dma_wait3A_45] : memref<10112x128xf32, #tpu.memory_space<vmem_shared>> -> memref<80x128xf32, #tpu.memory_space<vmem_shared>>
      %dma_wait3A_47 = arith.constant 0 : i32
      %dma_wait3A_48 = tpu.memref_slice %arg13[%add3A_21, %dma_wait3A_47] : memref<10112x128xf32, #tpu.memory_space<vmem_shared>> -> memref<80x128xf32, #tpu.memory_space<vmem_shared>>
      %dma_wait3A_49 = arith.constant 0 : i32
      %dma_wait3A_50 = arith.constant 0 : i32
      %dma_wait3A_51 = tpu.memref_slice %arg11[%dma_wait3A_49, %dma_wait3A_50] : memref<80x128xf32, #tpu.memory_space<vmem>> -> memref<80x128xf32, #tpu.memory_space<vmem>>
      tpu.wait_dma2 semaphore(%run_scoped3A : memref<!tpu.dma_semaphore, #tpu.memory_space<semaphore_mem>>) src(%dma_wait3A_51 : memref<80x128xf32, #tpu.memory_space<vmem>>) dst(%dma_wait3A_48 : memref<80x128xf32, #tpu.memory_space<vmem_shared>>)
      tpu.yield
    }) : () -> ()
    %add3A_22 = arith.constant 480 : i32
    %add3A_23 = arith.addi %mul3A_9, %add3A_22 : i32
    "tpu.region"() ({
      %run_scoped3A = tpu.sem_alloc : memref<!tpu.dma_semaphore, #tpu.memory_space<semaphore_mem>>
      %dma_start3A = arith.constant 0 : i32
      %dma_start3A_34 = arith.constant 0 : i32
      %dma_start3A_35 = tpu.memref_slice %arg11[%dma_start3A, %dma_start3A_34] : memref<80x128xf32, #tpu.memory_space<vmem>> -> memref<80x128xf32, #tpu.memory_space<vmem>>
      %dma_start3A_36 = arith.constant 0 : i32
      %dma_start3A_37 = tpu.memref_slice %arg13[%add3A_23, %dma_start3A_36] : memref<10112x128xf32, #tpu.memory_space<vmem_shared>> -> memref<80x128xf32, #tpu.memory_space<vmem_shared>>
      %dma_start3A_38 = arith.constant 0 : i32
      %dma_start3A_39 = tpu.memref_slice %arg13[%add3A_23, %dma_start3A_38] : memref<10112x128xf32, #tpu.memory_space<vmem_shared>> -> memref<80x128xf32, #tpu.memory_space<vmem_shared>>
      %dma_start3A_40 = arith.constant 0 : i32
      %dma_start3A_41 = arith.constant 0 : i32
      %dma_start3A_42 = tpu.memref_slice %arg11[%dma_start3A_40, %dma_start3A_41] : memref<80x128xf32, #tpu.memory_space<vmem>> -> memref<80x128xf32, #tpu.memory_space<vmem>>
      tpu.enqueue_dma source(%dma_start3A_42 : memref<80x128xf32, #tpu.memory_space<vmem>>) target(%dma_start3A_39 : memref<80x128xf32, #tpu.memory_space<vmem_shared>>) target_semaphore(%run_scoped3A : memref<!tpu.dma_semaphore, #tpu.memory_space<semaphore_mem>>)
      %dma_wait3A = arith.constant 0 : i32
      %dma_wait3A_43 = arith.constant 0 : i32
      %dma_wait3A_44 = tpu.memref_slice %arg11[%dma_wait3A, %dma_wait3A_43] : memref<80x128xf32, #tpu.memory_space<vmem>> -> memref<80x128xf32, #tpu.memory_space<vmem>>
      %dma_wait3A_45 = arith.constant 0 : i32
      %dma_wait3A_46 = tpu.memref_slice %arg13[%add3A_23, %dma_wait3A_45] : memref<10112x128xf32, #tpu.memory_space<vmem_shared>> -> memref<80x128xf32, #tpu.memory_space<vmem_shared>>
      %dma_wait3A_47 = arith.constant 0 : i32
      %dma_wait3A_48 = tpu.memref_slice %arg13[%add3A_23, %dma_wait3A_47] : memref<10112x128xf32, #tpu.memory_space<vmem_shared>> -> memref<80x128xf32, #tpu.memory_space<vmem_shared>>
      %dma_wait3A_49 = arith.constant 0 : i32
      %dma_wait3A_50 = arith.constant 0 : i32
      %dma_wait3A_51 = tpu.memref_slice %arg11[%dma_wait3A_49, %dma_wait3A_50] : memref<80x128xf32, #tpu.memory_space<vmem>> -> memref<80x128xf32, #tpu.memory_space<vmem>>
      tpu.wait_dma2 semaphore(%run_scoped3A : memref<!tpu.dma_semaphore, #tpu.memory_space<semaphore_mem>>) src(%dma_wait3A_51 : memref<80x128xf32, #tpu.memory_space<vmem>>) dst(%dma_wait3A_48 : memref<80x128xf32, #tpu.memory_space<vmem_shared>>)
      tpu.yield
    }) : () -> ()
    %add3A_24 = arith.constant 560 : i32
    %add3A_25 = arith.addi %mul3A_9, %add3A_24 : i32
    "tpu.region"() ({
      %run_scoped3A = tpu.sem_alloc : memref<!tpu.dma_semaphore, #tpu.memory_space<semaphore_mem>>
      %dma_start3A = arith.constant 0 : i32
      %dma_start3A_34 = arith.constant 0 : i32
      %dma_start3A_35 = tpu.memref_slice %arg11[%dma_start3A, %dma_start3A_34] : memref<80x128xf32, #tpu.memory_space<vmem>> -> memref<72x128xf32, #tpu.memory_space<vmem>>
      %dma_start3A_36 = arith.constant 0 : i32
      %dma_start3A_37 = tpu.memref_slice %arg13[%add3A_25, %dma_start3A_36] : memref<10112x128xf32, #tpu.memory_space<vmem_shared>> -> memref<72x128xf32, #tpu.memory_space<vmem_shared>>
      %dma_start3A_38 = arith.constant 0 : i32
      %dma_start3A_39 = tpu.memref_slice %arg13[%add3A_25, %dma_start3A_38] : memref<10112x128xf32, #tpu.memory_space<vmem_shared>> -> memref<72x128xf32, #tpu.memory_space<vmem_shared>>
      %dma_start3A_40 = arith.constant 0 : i32
      %dma_start3A_41 = arith.constant 0 : i32
      %dma_start3A_42 = tpu.memref_slice %arg11[%dma_start3A_40, %dma_start3A_41] : memref<80x128xf32, #tpu.memory_space<vmem>> -> memref<72x128xf32, #tpu.memory_space<vmem>>
      tpu.enqueue_dma source(%dma_start3A_42 : memref<72x128xf32, #tpu.memory_space<vmem>>) target(%dma_start3A_39 : memref<72x128xf32, #tpu.memory_space<vmem_shared>>) target_semaphore(%run_scoped3A : memref<!tpu.dma_semaphore, #tpu.memory_space<semaphore_mem>>)
      %dma_wait3A = arith.constant 0 : i32
      %dma_wait3A_43 = arith.constant 0 : i32
      %dma_wait3A_44 = tpu.memref_slice %arg11[%dma_wait3A, %dma_wait3A_43] : memref<80x128xf32, #tpu.memory_space<vmem>> -> memref<72x128xf32, #tpu.memory_space<vmem>>
      %dma_wait3A_45 = arith.constant 0 : i32
      %dma_wait3A_46 = tpu.memref_slice %arg13[%add3A_25, %dma_wait3A_45] : memref<10112x128xf32, #tpu.memory_space<vmem_shared>> -> memref<72x128xf32, #tpu.memory_space<vmem_shared>>
      %dma_wait3A_47 = arith.constant 0 : i32
      %dma_wait3A_48 = tpu.memref_slice %arg13[%add3A_25, %dma_wait3A_47] : memref<10112x128xf32, #tpu.memory_space<vmem_shared>> -> memref<72x128xf32, #tpu.memory_space<vmem_shared>>
      %dma_wait3A_49 = arith.constant 0 : i32
      %dma_wait3A_50 = arith.constant 0 : i32
      %dma_wait3A_51 = tpu.memref_slice %arg11[%dma_wait3A_49, %dma_wait3A_50] : memref<80x128xf32, #tpu.memory_space<vmem>> -> memref<72x128xf32, #tpu.memory_space<vmem>>
      tpu.wait_dma2 semaphore(%run_scoped3A : memref<!tpu.dma_semaphore, #tpu.memory_space<semaphore_mem>>) src(%dma_wait3A_51 : memref<72x128xf32, #tpu.memory_space<vmem>>) dst(%dma_wait3A_48 : memref<72x128xf32, #tpu.memory_space<vmem_shared>>)
      tpu.yield
    }) : () -> ()
    %barrier3A = arith.constant 0 : index
    tpu.barrier barrier_id(%barrier3A)
    %scan3A_26 = arith.constant 0 : i32
    %scan3A_27 = arith.constant 0 : i32
    %scan3A_28 = arith.constant 5 : i32
    %scan3A_29 = arith.addi %scan3A_27, %scan3A_28 : i32
    %scan3A_30 = arith.constant 1 : i32
    %scan3A_31 = scf.for %scan3A_34 = %scan3A_27 to %scan3A_29 step %scan3A_30 iter_args(%scan3A_35 = %scan3A_26) -> (i32)  : i32 {
      "tpu.region"() ({
        %run_scoped3A = tpu.sem_alloc : memref<!tpu.dma_semaphore, #tpu.memory_space<semaphore_mem>>
        %dma_start3A = arith.constant 0 : i32
        %dma_start3A_44 = arith.constant 0 : i32
        %dma_start3A_45 = tpu.memref_slice %arg4[%add3A, %scan3A_34, %dma_start3A, %dma_start3A_44] : memref<32x5x25x80xi32, #tpu.memory_space<hbm>> -> memref<1x1x25x80xi32, #tpu.memory_space<hbm>>
        %dma_start3A_46 = tpu.memref_squeeze %dma_start3A_45 : memref<1x1x25x80xi32, #tpu.memory_space<hbm>> -> memref<25x80xi32, #tpu.memory_space<hbm>>
        %dma_start3A_47 = arith.constant 0 : i32
        %dma_start3A_48 = arith.constant 0 : i32
        %dma_start3A_49 = tpu.memref_slice %arg4[%add3A, %scan3A_34, %dma_start3A_47, %dma_start3A_48] : memref<32x5x25x80xi32, #tpu.memory_space<hbm>> -> memref<1x1x25x80xi32, #tpu.memory_space<hbm>>
        %dma_start3A_50 = tpu.memref_squeeze %dma_start3A_49 : memref<1x1x25x80xi32, #tpu.memory_space<hbm>> -> memref<25x80xi32, #tpu.memory_space<hbm>>
        tpu.enqueue_dma source(%dma_start3A_50 : memref<25x80xi32, #tpu.memory_space<hbm>>) target(%arg8 : memref<25x80xi32, #tpu.memory_space<vmem>>) target_semaphore(%run_scoped3A : memref<!tpu.dma_semaphore, #tpu.memory_space<semaphore_mem>>)
        %dma_wait3A = arith.constant 0 : i32
        %dma_wait3A_51 = arith.constant 0 : i32
        %dma_wait3A_52 = tpu.memref_slice %arg4[%add3A, %scan3A_34, %dma_wait3A, %dma_wait3A_51] : memref<32x5x25x80xi32, #tpu.memory_space<hbm>> -> memref<1x1x25x80xi32, #tpu.memory_space<hbm>>
        %dma_wait3A_53 = tpu.memref_squeeze %dma_wait3A_52 : memref<1x1x25x80xi32, #tpu.memory_space<hbm>> -> memref<25x80xi32, #tpu.memory_space<hbm>>
        %dma_wait3A_54 = arith.constant 0 : i32
        %dma_wait3A_55 = arith.constant 0 : i32
        %dma_wait3A_56 = tpu.memref_slice %arg4[%add3A, %scan3A_34, %dma_wait3A_54, %dma_wait3A_55] : memref<32x5x25x80xi32, #tpu.memory_space<hbm>> -> memref<1x1x25x80xi32, #tpu.memory_space<hbm>>
        %dma_wait3A_57 = tpu.memref_squeeze %dma_wait3A_56 : memref<1x1x25x80xi32, #tpu.memory_space<hbm>> -> memref<25x80xi32, #tpu.memory_space<hbm>>
        tpu.wait_dma2 semaphore(%run_scoped3A : memref<!tpu.dma_semaphore, #tpu.memory_space<semaphore_mem>>) src(%dma_wait3A_57 : memref<25x80xi32, #tpu.memory_space<hbm>>) dst(%arg8 : memref<25x80xi32, #tpu.memory_space<vmem>>)
        tpu.yield
      }) : () -> ()
      "tpu.region"() ({
        %run_scoped3A = tpu.sem_alloc : memref<!tpu.dma_semaphore, #tpu.memory_space<semaphore_mem>>
        %dma_start3A = arith.constant 0 : i32
        %dma_start3A_44 = arith.constant 0 : i32
        %dma_start3A_45 = tpu.memref_slice %arg5[%add3A, %scan3A_34, %dma_start3A, %dma_start3A_44] : memref<32x5x25x80xi32, #tpu.memory_space<hbm>> -> memref<1x1x25x80xi32, #tpu.memory_space<hbm>>
        %dma_start3A_46 = tpu.memref_squeeze %dma_start3A_45 : memref<1x1x25x80xi32, #tpu.memory_space<hbm>> -> memref<25x80xi32, #tpu.memory_space<hbm>>
        %dma_start3A_47 = arith.constant 0 : i32
        %dma_start3A_48 = arith.constant 0 : i32
        %dma_start3A_49 = tpu.memref_slice %arg5[%add3A, %scan3A_34, %dma_start3A_47, %dma_start3A_48] : memref<32x5x25x80xi32, #tpu.memory_space<hbm>> -> memref<1x1x25x80xi32, #tpu.memory_space<hbm>>
        %dma_start3A_50 = tpu.memref_squeeze %dma_start3A_49 : memref<1x1x25x80xi32, #tpu.memory_space<hbm>> -> memref<25x80xi32, #tpu.memory_space<hbm>>
        tpu.enqueue_dma source(%dma_start3A_50 : memref<25x80xi32, #tpu.memory_space<hbm>>) target(%arg9 : memref<25x80xi32, #tpu.memory_space<vmem>>) target_semaphore(%run_scoped3A : memref<!tpu.dma_semaphore, #tpu.memory_space<semaphore_mem>>)
        %dma_wait3A = arith.constant 0 : i32
        %dma_wait3A_51 = arith.constant 0 : i32
        %dma_wait3A_52 = tpu.memref_slice %arg5[%add3A, %scan3A_34, %dma_wait3A, %dma_wait3A_51] : memref<32x5x25x80xi32, #tpu.memory_space<hbm>> -> memref<1x1x25x80xi32, #tpu.memory_space<hbm>>
        %dma_wait3A_53 = tpu.memref_squeeze %dma_wait3A_52 : memref<1x1x25x80xi32, #tpu.memory_space<hbm>> -> memref<25x80xi32, #tpu.memory_space<hbm>>
        %dma_wait3A_54 = arith.constant 0 : i32
        %dma_wait3A_55 = arith.constant 0 : i32
        %dma_wait3A_56 = tpu.memref_slice %arg5[%add3A, %scan3A_34, %dma_wait3A_54, %dma_wait3A_55] : memref<32x5x25x80xi32, #tpu.memory_space<hbm>> -> memref<1x1x25x80xi32, #tpu.memory_space<hbm>>
        %dma_wait3A_57 = tpu.memref_squeeze %dma_wait3A_56 : memref<1x1x25x80xi32, #tpu.memory_space<hbm>> -> memref<25x80xi32, #tpu.memory_space<hbm>>
        tpu.wait_dma2 semaphore(%run_scoped3A : memref<!tpu.dma_semaphore, #tpu.memory_space<semaphore_mem>>) src(%dma_wait3A_57 : memref<25x80xi32, #tpu.memory_space<hbm>>) dst(%arg9 : memref<25x80xi32, #tpu.memory_space<vmem>>)
        tpu.yield
      }) : () -> ()
      "tpu.region"() ({
        %run_scoped3A = tpu.sem_alloc : memref<!tpu.dma_semaphore, #tpu.memory_space<semaphore_mem>>
        %dma_start3A = arith.constant 0 : i32
        %dma_start3A_44 = arith.constant 0 : i32
        %dma_start3A_45 = tpu.memref_slice %arg6[%add3A, %scan3A_34, %dma_start3A, %dma_start3A_44] : memref<32x5x25x80xi32, #tpu.memory_space<hbm>> -> memref<1x1x25x80xi32, #tpu.memory_space<hbm>>
        %dma_start3A_46 = tpu.memref_squeeze %dma_start3A_45 : memref<1x1x25x80xi32, #tpu.memory_space<hbm>> -> memref<25x80xi32, #tpu.memory_space<hbm>>
        %dma_start3A_47 = arith.constant 0 : i32
        %dma_start3A_48 = arith.constant 0 : i32
        %dma_start3A_49 = tpu.memref_slice %arg6[%add3A, %scan3A_34, %dma_start3A_47, %dma_start3A_48] : memref<32x5x25x80xi32, #tpu.memory_space<hbm>> -> memref<1x1x25x80xi32, #tpu.memory_space<hbm>>
        %dma_start3A_50 = tpu.memref_squeeze %dma_start3A_49 : memref<1x1x25x80xi32, #tpu.memory_space<hbm>> -> memref<25x80xi32, #tpu.memory_space<hbm>>
        tpu.enqueue_dma source(%dma_start3A_50 : memref<25x80xi32, #tpu.memory_space<hbm>>) target(%arg10 : memref<25x80xi32, #tpu.memory_space<vmem>>) target_semaphore(%run_scoped3A : memref<!tpu.dma_semaphore, #tpu.memory_space<semaphore_mem>>)
        %dma_wait3A = arith.constant 0 : i32
        %dma_wait3A_51 = arith.constant 0 : i32
        %dma_wait3A_52 = tpu.memref_slice %arg6[%add3A, %scan3A_34, %dma_wait3A, %dma_wait3A_51] : memref<32x5x25x80xi32, #tpu.memory_space<hbm>> -> memref<1x1x25x80xi32, #tpu.memory_space<hbm>>
        %dma_wait3A_53 = tpu.memref_squeeze %dma_wait3A_52 : memref<1x1x25x80xi32, #tpu.memory_space<hbm>> -> memref<25x80xi32, #tpu.memory_space<hbm>>
        %dma_wait3A_54 = arith.constant 0 : i32
        %dma_wait3A_55 = arith.constant 0 : i32
        %dma_wait3A_56 = tpu.memref_slice %arg6[%add3A, %scan3A_34, %dma_wait3A_54, %dma_wait3A_55] : memref<32x5x25x80xi32, #tpu.memory_space<hbm>> -> memref<1x1x25x80xi32, #tpu.memory_space<hbm>>
        %dma_wait3A_57 = tpu.memref_squeeze %dma_wait3A_56 : memref<1x1x25x80xi32, #tpu.memory_space<hbm>> -> memref<25x80xi32, #tpu.memory_space<hbm>>
        tpu.wait_dma2 semaphore(%run_scoped3A : memref<!tpu.dma_semaphore, #tpu.memory_space<semaphore_mem>>) src(%dma_wait3A_57 : memref<25x80xi32, #tpu.memory_space<hbm>>) dst(%arg10 : memref<25x80xi32, #tpu.memory_space<vmem>>)
        tpu.yield
      }) : () -> ()
      %scan3A_36 = arith.constant 0 : i32
      %scan3A_37 = arith.constant 0 : i32
      %scan3A_38 = arith.constant 25 : i32
      %scan3A_39 = arith.addi %scan3A_37, %scan3A_38 : i32
      %scan3A_40 = arith.constant 1 : i32
      %scan3A_41 = scf.for %scan3A_44 = %scan3A_37 to %scan3A_39 step %scan3A_40 iter_args(%scan3A_45 = %scan3A_36) -> (i32)  : i32 {
        %dma_start3A = arith.constant 0 : i32
        %dma_start3A_46 = tpu.memref_slice %arg8[%scan3A_44, %dma_start3A] : memref<25x80xi32, #tpu.memory_space<vmem>> -> memref<1x80xi32, #tpu.memory_space<vmem>>
        %dma_start3A_47 = tpu.memref_squeeze %dma_start3A_46 : memref<1x80xi32, #tpu.memory_space<vmem>> -> memref<80xi32, #tpu.memory_space<vmem>>
        %dma_start3A_48 = arith.constant 0 : i32
        %dma_start3A_49 = arith.constant 0 : i32
        %dma_start3A_50 = tpu.memref_slice %arg2[%dma_start3A_48, %dma_start3A_49] : memref<10000x128xf32, #tpu.memory_space<hbm>> -> memref<10000x128xf32, #tpu.memory_space<hbm>>
        tpu.enqueue_indirect_dma source(%dma_start3A_50 : memref<10000x128xf32, #tpu.memory_space<hbm>>) target(%arg11 : memref<80x128xf32, #tpu.memory_space<vmem>>) offsets(%dma_start3A_47 : memref<80xi32, #tpu.memory_space<vmem>>) semaphore(%arg14 : memref<!tpu.dma_semaphore, #tpu.memory_space<semaphore_mem>>)
        %dma_start3A_51 = arith.constant 0 : i32
        %dma_start3A_52 = tpu.memref_slice %arg10[%scan3A_44, %dma_start3A_51] : memref<25x80xi32, #tpu.memory_space<vmem>> -> memref<1x80xi32, #tpu.memory_space<vmem>>
        %dma_start3A_53 = tpu.memref_squeeze %dma_start3A_52 : memref<1x80xi32, #tpu.memory_space<vmem>> -> memref<80xi32, #tpu.memory_space<vmem>>
        %dma_start3A_54 = arith.constant 0 : i32
        %dma_start3A_55 = arith.constant 0 : i32
        %dma_start3A_56 = tpu.memref_slice %arg3[%dma_start3A_54, %dma_start3A_55] : memref<400x128xf32, #tpu.memory_space<hbm>> -> memref<400x128xf32, #tpu.memory_space<hbm>>
        tpu.enqueue_indirect_dma source(%dma_start3A_56 : memref<400x128xf32, #tpu.memory_space<hbm>>) target(%arg12 : memref<80x128xf32, #tpu.memory_space<vmem>>) offsets(%dma_start3A_53 : memref<80xi32, #tpu.memory_space<vmem>>) semaphore(%arg15 : memref<!tpu.dma_semaphore, #tpu.memory_space<semaphore_mem>>)
        %dma_wait3A = arith.constant 0 : i32
        %dma_wait3A_57 = tpu.memref_slice %arg8[%scan3A_44, %dma_wait3A] : memref<25x80xi32, #tpu.memory_space<vmem>> -> memref<1x80xi32, #tpu.memory_space<vmem>>
        %dma_wait3A_58 = tpu.memref_squeeze %dma_wait3A_57 : memref<1x80xi32, #tpu.memory_space<vmem>> -> memref<80xi32, #tpu.memory_space<vmem>>
        %dma_wait3A_59 = arith.constant 0 : i32
        %dma_wait3A_60 = arith.constant 0 : i32
        %dma_wait3A_61 = tpu.memref_slice %arg2[%dma_wait3A_59, %dma_wait3A_60] : memref<10000x128xf32, #tpu.memory_space<hbm>> -> memref<10000x128xf32, #tpu.memory_space<hbm>>
        tpu.wait_indirect_dma semaphore(%arg14 : memref<!tpu.dma_semaphore, #tpu.memory_space<semaphore_mem>>) src(%dma_wait3A_61 : memref<10000x128xf32, #tpu.memory_space<hbm>>) dst(%arg11 : memref<80x128xf32, #tpu.memory_space<vmem>>)
        %dma_wait3A_62 = arith.constant 0 : i32
        %dma_wait3A_63 = tpu.memref_slice %arg10[%scan3A_44, %dma_wait3A_62] : memref<25x80xi32, #tpu.memory_space<vmem>> -> memref<1x80xi32, #tpu.memory_space<vmem>>
        %dma_wait3A_64 = tpu.memref_squeeze %dma_wait3A_63 : memref<1x80xi32, #tpu.memory_space<vmem>> -> memref<80xi32, #tpu.memory_space<vmem>>
        %dma_wait3A_65 = arith.constant 0 : i32
        %dma_wait3A_66 = arith.constant 0 : i32
        %dma_wait3A_67 = tpu.memref_slice %arg3[%dma_wait3A_65, %dma_wait3A_66] : memref<400x128xf32, #tpu.memory_space<hbm>> -> memref<400x128xf32, #tpu.memory_space<hbm>>
        tpu.wait_indirect_dma semaphore(%arg15 : memref<!tpu.dma_semaphore, #tpu.memory_space<semaphore_mem>>) src(%dma_wait3A_67 : memref<400x128xf32, #tpu.memory_space<hbm>>) dst(%arg12 : memref<80x128xf32, #tpu.memory_space<vmem>>)
        %scan3A_68 = arith.constant 0 : i32
        %scan3A_69 = arith.constant 0 : i32
        %scan3A_70 = arith.constant 80 : i32
        %scan3A_71 = arith.addi %scan3A_69, %scan3A_70 : i32
        %scan3A_72 = arith.constant 1 : i32
        %scan3A_73 = scf.for %scan3A_76 = %scan3A_69 to %scan3A_71 step %scan3A_72 iter_args(%scan3A_77 = %scan3A_68) -> (i32)  : i32 {
          %get3A = arith.index_cast %scan3A_76 : i32 to index
          %get3A_78 = arith.constant 0 : index
          %get3A_79 = tpu.vector_load %arg11[%get3A, %get3A_78] {strides = array<i32>} : memref<80x128xf32, #tpu.memory_space<vmem>>, vector<1x16xf32>,
          %get3A_80 = vector.shape_cast %get3A_79 : vector<1x16xf32> to vector<16xf32>
          %get3A_81 = arith.index_cast %scan3A_76 : i32 to index
          %get3A_82 = arith.constant 0 : index
          %get3A_83 = tpu.vector_load %arg12[%get3A_81, %get3A_82] {strides = array<i32>} : memref<80x128xf32, #tpu.memory_space<vmem>>, vector<1x16xf32>,
          %get3A_84 = vector.shape_cast %get3A_83 : vector<1x16xf32> to vector<16xf32>
          %mul3A_85 = arith.mulf %get3A_80, %get3A_84 : vector<16xf32>
          %swap3A = arith.index_cast %scan3A_76 : i32 to index
          %swap3A_86 = arith.constant 0 : index
          %swap3A_87 = tpu.vector_load %arg11[%swap3A, %swap3A_86] {strides = array<i32>} : memref<80x128xf32, #tpu.memory_space<vmem>>, vector<1x16xf32>,
          %swap3A_88 = vector.shape_cast %swap3A_87 : vector<1x16xf32> to vector<16xf32>
          %swap3A_89 = vector.shape_cast %mul3A_85 : vector<16xf32> to vector<1x16xf32>
          tpu.vector_store %arg11[%swap3A, %swap3A_86], %swap3A_89 {strides = array<i32>} : memref<80x128xf32, #tpu.memory_space<vmem>>, vector<1x16xf32>,
          %get3A_90 = arith.index_cast %scan3A_76 : i32 to index
          %get3A_91 = arith.constant 16 : index
          %get3A_92 = tpu.vector_load %arg11[%get3A_90, %get3A_91] {strides = array<i32>} : memref<80x128xf32, #tpu.memory_space<vmem>>, vector<1x16xf32>,
          %get3A_93 = vector.shape_cast %get3A_92 : vector<1x16xf32> to vector<16xf32>
          %get3A_94 = arith.index_cast %scan3A_76 : i32 to index
          %get3A_95 = arith.constant 16 : index
          %get3A_96 = tpu.vector_load %arg12[%get3A_94, %get3A_95] {strides = array<i32>} : memref<80x128xf32, #tpu.memory_space<vmem>>, vector<1x16xf32>,
          %get3A_97 = vector.shape_cast %get3A_96 : vector<1x16xf32> to vector<16xf32>
          %mul3A_98 = arith.mulf %get3A_93, %get3A_97 : vector<16xf32>
          %swap3A_99 = arith.index_cast %scan3A_76 : i32 to index
          %swap3A_100 = arith.constant 16 : index
          %swap3A_101 = tpu.vector_load %arg11[%swap3A_99, %swap3A_100] {strides = array<i32>} : memref<80x128xf32, #tpu.memory_space<vmem>>, vector<1x16xf32>,
          %swap3A_102 = vector.shape_cast %swap3A_101 : vector<1x16xf32> to vector<16xf32>
          %swap3A_103 = vector.shape_cast %mul3A_98 : vector<16xf32> to vector<1x16xf32>
          tpu.vector_store %arg11[%swap3A_99, %swap3A_100], %swap3A_103 {strides = array<i32>} : memref<80x128xf32, #tpu.memory_space<vmem>>, vector<1x16xf32>,
          %get3A_104 = arith.index_cast %scan3A_76 : i32 to index
          %get3A_105 = arith.constant 32 : index
          %get3A_106 = tpu.vector_load %arg11[%get3A_104, %get3A_105] {strides = array<i32>} : memref<80x128xf32, #tpu.memory_space<vmem>>, vector<1x16xf32>,
          %get3A_107 = vector.shape_cast %get3A_106 : vector<1x16xf32> to vector<16xf32>
          %get3A_108 = arith.index_cast %scan3A_76 : i32 to index
          %get3A_109 = arith.constant 32 : index
          %get3A_110 = tpu.vector_load %arg12[%get3A_108, %get3A_109] {strides = array<i32>} : memref<80x128xf32, #tpu.memory_space<vmem>>, vector<1x16xf32>,
          %get3A_111 = vector.shape_cast %get3A_110 : vector<1x16xf32> to vector<16xf32>
          %mul3A_112 = arith.mulf %get3A_107, %get3A_111 : vector<16xf32>
          %swap3A_113 = arith.index_cast %scan3A_76 : i32 to index
          %swap3A_114 = arith.constant 32 : index
          %swap3A_115 = tpu.vector_load %arg11[%swap3A_113, %swap3A_114] {strides = array<i32>} : memref<80x128xf32, #tpu.memory_space<vmem>>, vector<1x16xf32>,
          %swap3A_116 = vector.shape_cast %swap3A_115 : vector<1x16xf32> to vector<16xf32>
          %swap3A_117 = vector.shape_cast %mul3A_112 : vector<16xf32> to vector<1x16xf32>
          tpu.vector_store %arg11[%swap3A_113, %swap3A_114], %swap3A_117 {strides = array<i32>} : memref<80x128xf32, #tpu.memory_space<vmem>>, vector<1x16xf32>,
          %get3A_118 = arith.index_cast %scan3A_76 : i32 to index
          %get3A_119 = arith.constant 48 : index
          %get3A_120 = tpu.vector_load %arg11[%get3A_118, %get3A_119] {strides = array<i32>} : memref<80x128xf32, #tpu.memory_space<vmem>>, vector<1x16xf32>,
          %get3A_121 = vector.shape_cast %get3A_120 : vector<1x16xf32> to vector<16xf32>
          %get3A_122 = arith.index_cast %scan3A_76 : i32 to index
          %get3A_123 = arith.constant 48 : index
          %get3A_124 = tpu.vector_load %arg12[%get3A_122, %get3A_123] {strides = array<i32>} : memref<80x128xf32, #tpu.memory_space<vmem>>, vector<1x16xf32>,
          %get3A_125 = vector.shape_cast %get3A_124 : vector<1x16xf32> to vector<16xf32>
          %mul3A_126 = arith.mulf %get3A_121, %get3A_125 : vector<16xf32>
          %swap3A_127 = arith.index_cast %scan3A_76 : i32 to index
          %swap3A_128 = arith.constant 48 : index
          %swap3A_129 = tpu.vector_load %arg11[%swap3A_127, %swap3A_128] {strides = array<i32>} : memref<80x128xf32, #tpu.memory_space<vmem>>, vector<1x16xf32>,
          %swap3A_130 = vector.shape_cast %swap3A_129 : vector<1x16xf32> to vector<16xf32>
          %swap3A_131 = vector.shape_cast %mul3A_126 : vector<16xf32> to vector<1x16xf32>
          tpu.vector_store %arg11[%swap3A_127, %swap3A_128], %swap3A_131 {strides = array<i32>} : memref<80x128xf32, #tpu.memory_space<vmem>>, vector<1x16xf32>,
          %get3A_132 = arith.index_cast %scan3A_76 : i32 to index
          %get3A_133 = arith.constant 64 : index
          %get3A_134 = tpu.vector_load %arg11[%get3A_132, %get3A_133] {strides = array<i32>} : memref<80x128xf32, #tpu.memory_space<vmem>>, vector<1x16xf32>,
          %get3A_135 = vector.shape_cast %get3A_134 : vector<1x16xf32> to vector<16xf32>
          %get3A_136 = arith.index_cast %scan3A_76 : i32 to index
          %get3A_137 = arith.constant 64 : index
          %get3A_138 = tpu.vector_load %arg12[%get3A_136, %get3A_137] {strides = array<i32>} : memref<80x128xf32, #tpu.memory_space<vmem>>, vector<1x16xf32>,
          %get3A_139 = vector.shape_cast %get3A_138 : vector<1x16xf32> to vector<16xf32>
          %mul3A_140 = arith.mulf %get3A_135, %get3A_139 : vector<16xf32>
          %swap3A_141 = arith.index_cast %scan3A_76 : i32 to index
          %swap3A_142 = arith.constant 64 : index
          %swap3A_143 = tpu.vector_load %arg11[%swap3A_141, %swap3A_142] {strides = array<i32>} : memref<80x128xf32, #tpu.memory_space<vmem>>, vector<1x16xf32>,
          %swap3A_144 = vector.shape_cast %swap3A_143 : vector<1x16xf32> to vector<16xf32>
          %swap3A_145 = vector.shape_cast %mul3A_140 : vector<16xf32> to vector<1x16xf32>
          tpu.vector_store %arg11[%swap3A_141, %swap3A_142], %swap3A_145 {strides = array<i32>} : memref<80x128xf32, #tpu.memory_space<vmem>>, vector<1x16xf32>,
          %get3A_146 = arith.index_cast %scan3A_76 : i32 to index
          %get3A_147 = arith.constant 80 : index
          %get3A_148 = tpu.vector_load %arg11[%get3A_146, %get3A_147] {strides = array<i32>} : memref<80x128xf32, #tpu.memory_space<vmem>>, vector<1x16xf32>,
          %get3A_149 = vector.shape_cast %get3A_148 : vector<1x16xf32> to vector<16xf32>
          %get3A_150 = arith.index_cast %scan3A_76 : i32 to index
          %get3A_151 = arith.constant 80 : index
          %get3A_152 = tpu.vector_load %arg12[%get3A_150, %get3A_151] {strides = array<i32>} : memref<80x128xf32, #tpu.memory_space<vmem>>, vector<1x16xf32>,
          %get3A_153 = vector.shape_cast %get3A_152 : vector<1x16xf32> to vector<16xf32>
          %mul3A_154 = arith.mulf %get3A_149, %get3A_153 : vector<16xf32>
          %swap3A_155 = arith.index_cast %scan3A_76 : i32 to index
          %swap3A_156 = arith.constant 80 : index
          %swap3A_157 = tpu.vector_load %arg11[%swap3A_155, %swap3A_156] {strides = array<i32>} : memref<80x128xf32, #tpu.memory_space<vmem>>, vector<1x16xf32>,
          %swap3A_158 = vector.shape_cast %swap3A_157 : vector<1x16xf32> to vector<16xf32>
          %swap3A_159 = vector.shape_cast %mul3A_154 : vector<16xf32> to vector<1x16xf32>
          tpu.vector_store %arg11[%swap3A_155, %swap3A_156], %swap3A_159 {strides = array<i32>} : memref<80x128xf32, #tpu.memory_space<vmem>>, vector<1x16xf32>,
          %get3A_160 = arith.index_cast %scan3A_76 : i32 to index
          %get3A_161 = arith.constant 96 : index
          %get3A_162 = tpu.vector_load %arg11[%get3A_160, %get3A_161] {strides = array<i32>} : memref<80x128xf32, #tpu.memory_space<vmem>>, vector<1x16xf32>,
          %get3A_163 = vector.shape_cast %get3A_162 : vector<1x16xf32> to vector<16xf32>
          %get3A_164 = arith.index_cast %scan3A_76 : i32 to index
          %get3A_165 = arith.constant 96 : index
          %get3A_166 = tpu.vector_load %arg12[%get3A_164, %get3A_165] {strides = array<i32>} : memref<80x128xf32, #tpu.memory_space<vmem>>, vector<1x16xf32>,
          %get3A_167 = vector.shape_cast %get3A_166 : vector<1x16xf32> to vector<16xf32>
          %mul3A_168 = arith.mulf %get3A_163, %get3A_167 : vector<16xf32>
          %swap3A_169 = arith.index_cast %scan3A_76 : i32 to index
          %swap3A_170 = arith.constant 96 : index
          %swap3A_171 = tpu.vector_load %arg11[%swap3A_169, %swap3A_170] {strides = array<i32>} : memref<80x128xf32, #tpu.memory_space<vmem>>, vector<1x16xf32>,
          %swap3A_172 = vector.shape_cast %swap3A_171 : vector<1x16xf32> to vector<16xf32>
          %swap3A_173 = vector.shape_cast %mul3A_168 : vector<16xf32> to vector<1x16xf32>
          tpu.vector_store %arg11[%swap3A_169, %swap3A_170], %swap3A_173 {strides = array<i32>} : memref<80x128xf32, #tpu.memory_space<vmem>>, vector<1x16xf32>,
          %get3A_174 = arith.index_cast %scan3A_76 : i32 to index
          %get3A_175 = arith.constant 112 : index
          %get3A_176 = tpu.vector_load %arg11[%get3A_174, %get3A_175] {strides = array<i32>} : memref<80x128xf32, #tpu.memory_space<vmem>>, vector<1x16xf32>,
          %get3A_177 = vector.shape_cast %get3A_176 : vector<1x16xf32> to vector<16xf32>
          %get3A_178 = arith.index_cast %scan3A_76 : i32 to index
          %get3A_179 = arith.constant 112 : index
          %get3A_180 = tpu.vector_load %arg12[%get3A_178, %get3A_179] {strides = array<i32>} : memref<80x128xf32, #tpu.memory_space<vmem>>, vector<1x16xf32>,
          %get3A_181 = vector.shape_cast %get3A_180 : vector<1x16xf32> to vector<16xf32>
          %mul3A_182 = arith.mulf %get3A_177, %get3A_181 : vector<16xf32>
          %swap3A_183 = arith.index_cast %scan3A_76 : i32 to index
          %swap3A_184 = arith.constant 112 : index
          %swap3A_185 = tpu.vector_load %arg11[%swap3A_183, %swap3A_184] {strides = array<i32>} : memref<80x128xf32, #tpu.memory_space<vmem>>, vector<1x16xf32>,
          %swap3A_186 = vector.shape_cast %swap3A_185 : vector<1x16xf32> to vector<16xf32>
          %swap3A_187 = vector.shape_cast %mul3A_182 : vector<16xf32> to vector<1x16xf32>
          tpu.vector_store %arg11[%swap3A_183, %swap3A_184], %swap3A_187 {strides = array<i32>} : memref<80x128xf32, #tpu.memory_space<vmem>>, vector<1x16xf32>,
          %scan3A_188 = arith.constant 0 : i32
          scf.yield %scan3A_188 : i32
        }
        %scan3A_74 = arith.constant 80 : i32
        "tpu.region"() ({
          %run_scoped3A = tpu.sem_alloc : memref<!tpu.dma_semaphore, #tpu.memory_space<semaphore_mem>>
          %dma_start3A_76 = arith.constant 0 : i32
          %dma_start3A_77 = tpu.memref_slice %arg9[%scan3A_44, %dma_start3A_76] : memref<25x80xi32, #tpu.memory_space<vmem>> -> memref<1x80xi32, #tpu.memory_space<vmem>>
          %dma_start3A_78 = tpu.memref_squeeze %dma_start3A_77 : memref<1x80xi32, #tpu.memory_space<vmem>> -> memref<80xi32, #tpu.memory_space<vmem>>
          %dma_start3A_79 = arith.constant 0 : i32
          %dma_start3A_80 = arith.constant 0 : i32
          %dma_start3A_81 = tpu.memref_slice %arg13[%dma_start3A_79, %dma_start3A_80] : memref<10112x128xf32, #tpu.memory_space<vmem_shared>> -> memref<10112x128xf32, #tpu.memory_space<vmem_shared>>
          tpu.enqueue_indirect_dma source(%arg11 : memref<80x128xf32, #tpu.memory_space<vmem>>) target(%dma_start3A_81 : memref<10112x128xf32, #tpu.memory_space<vmem_shared>>) offsets(%dma_start3A_78 : memref<80xi32, #tpu.memory_space<vmem>>) semaphore(%run_scoped3A : memref<!tpu.dma_semaphore, #tpu.memory_space<semaphore_mem>>) {add = true}
          %dma_wait3A_82 = arith.constant 0 : i32
          %dma_wait3A_83 = tpu.memref_slice %arg9[%scan3A_44, %dma_wait3A_82] : memref<25x80xi32, #tpu.memory_space<vmem>> -> memref<1x80xi32, #tpu.memory_space<vmem>>
          %dma_wait3A_84 = tpu.memref_squeeze %dma_wait3A_83 : memref<1x80xi32, #tpu.memory_space<vmem>> -> memref<80xi32, #tpu.memory_space<vmem>>
          %dma_wait3A_85 = arith.constant 0 : i32
          %dma_wait3A_86 = arith.constant 0 : i32
          %dma_wait3A_87 = tpu.memref_slice %arg13[%dma_wait3A_85, %dma_wait3A_86] : memref<10112x128xf32, #tpu.memory_space<vmem_shared>> -> memref<10112x128xf32, #tpu.memory_space<vmem_shared>>
          tpu.wait_indirect_dma semaphore(%run_scoped3A : memref<!tpu.dma_semaphore, #tpu.memory_space<semaphore_mem>>) src(%arg11 : memref<80x128xf32, #tpu.memory_space<vmem>>) dst(%dma_wait3A_87 : memref<10112x128xf32, #tpu.memory_space<vmem_shared>>)
          tpu.yield
        }) : () -> ()
        %scan3A_75 = arith.constant 0 : i32
        scf.yield %scan3A_75 : i32
      }
      %scan3A_42 = arith.constant 25 : i32
      %scan3A_43 = arith.constant 0 : i32
      scf.yield %scan3A_43 : i32
    }
    %scan3A_32 = arith.constant 5 : i32
    %barrier3A_33 = arith.constant 0 : index
    tpu.barrier barrier_id(%barrier3A_33)
    "tpu.region"() ({
      %run_scoped3A = tpu.sem_alloc : memref<!tpu.dma_semaphore, #tpu.memory_space<semaphore_mem>>
      %dma_start3A = arith.constant 0 : i32
      %dma_start3A_34 = tpu.memref_slice %arg7[%arg0, %mul3A_9, %dma_start3A] : memref<2x10112x128xf32, #tpu.memory_space<hbm>> -> memref<1x632x128xf32, #tpu.memory_space<hbm>>
      %dma_start3A_35 = tpu.memref_squeeze %dma_start3A_34 : memref<1x632x128xf32, #tpu.memory_space<hbm>> -> memref<632x128xf32, #tpu.memory_space<hbm>>
      %dma_start3A_36 = arith.constant 0 : i32
      %dma_start3A_37 = tpu.memref_slice %arg13[%mul3A_9, %dma_start3A_36] : memref<10112x128xf32, #tpu.memory_space<vmem_shared>> -> memref<632x128xf32, #tpu.memory_space<vmem_shared>>
      tpu.enqueue_dma source(%dma_start3A_37 : memref<632x128xf32, #tpu.memory_space<vmem_shared>>) target(%dma_start3A_35 : memref<632x128xf32, #tpu.memory_space<hbm>>) target_semaphore(%run_scoped3A : memref<!tpu.dma_semaphore, #tpu.memory_space<semaphore_mem>>)
      %dma_wait3A = arith.constant 0 : i32
      %dma_wait3A_38 = tpu.memref_slice %arg7[%arg0, %mul3A_9, %dma_wait3A] : memref<2x10112x128xf32, #tpu.memory_space<hbm>> -> memref<1x632x128xf32, #tpu.memory_space<hbm>>
      %dma_wait3A_39 = tpu.memref_squeeze %dma_wait3A_38 : memref<1x632x128xf32, #tpu.memory_space<hbm>> -> memref<632x128xf32, #tpu.memory_space<hbm>>
      %dma_wait3A_40 = arith.constant 0 : i32
      %dma_wait3A_41 = tpu.memref_slice %arg13[%mul3A_9, %dma_wait3A_40] : memref<10112x128xf32, #tpu.memory_space<vmem_shared>> -> memref<632x128xf32, #tpu.memory_space<vmem_shared>>
      tpu.wait_dma2 semaphore(%run_scoped3A : memref<!tpu.dma_semaphore, #tpu.memory_space<semaphore_mem>>) src(%dma_wait3A_41 : memref<632x128xf32, #tpu.memory_space<vmem_shared>>) dst(%dma_wait3A_39 : memref<632x128xf32, #tpu.memory_space<hbm>>)
      tpu.yield
    }) : () -> ()
    return
  }
}

module attributes {stable_mosaic.version = 14 : i64} {
  func.func @_bnlin_kernel(%arg0: memref<10000x128xf32, #tpu.memory_space<vmem>>, %arg1: memref<10000x128xf32, #tpu.memory_space<vmem>>, %arg2: memref<128xf32, #tpu.memory_space<vmem>>, %arg3: memref<128xf32, #tpu.memory_space<vmem>>, %arg4: memref<128x128xf32, #tpu.memory_space<vmem>>, %arg5: memref<128xf32, #tpu.memory_space<vmem>>, %arg6: memref<128x128xf32, #tpu.memory_space<vmem>>, %arg7: memref<128xf32, #tpu.memory_space<vmem>>, %arg8: memref<10000x128xf32, #tpu.memory_space<vmem>>, %arg9: memref<10000x128xf32, #tpu.memory_space<vmem>>) attributes {dimension_semantics = [], scalar_prefetch = 0 : i64, scratch_operands = 0 : i64, tpu.core_type = #tpu.core_type<tc>} {
    %get3A = arith.constant 0 : index
    %get3A_0 = arith.constant 0 : index
    %get3A_1 = vector.load %arg0[%get3A, %get3A_0] : memref<10000x128xf32, #tpu.memory_space<vmem>>, vector<10000x128xf32>
    %reduce_sum3A = arith.constant dense<0.000000e+00> : vector<128xf32>
    %reduce_sum3A_2 = vector.multi_reduction <add>, %get3A_1, %reduce_sum3A [0] : vector<10000x128xf32> to vector<128xf32>
    %div3A = arith.constant 1.000000e+04 : f32
    %div3A_3 = vector.broadcast %div3A : f32 to vector<128xf32>
    %div3A_4 = arith.divf %reduce_sum3A_2, %div3A_3 : vector<128xf32>
    %broadcast_in_dim3A = vector.shape_cast %div3A_4 : vector<128xf32> to vector<1x128xf32>
    %sub3A = vector.broadcast %broadcast_in_dim3A : vector<1x128xf32> to vector<10000x128xf32>
    %sub3A_5 = arith.subf %get3A_1, %sub3A : vector<10000x128xf32>
    %integer_pow3A = arith.mulf %sub3A_5, %sub3A_5 : vector<10000x128xf32>
    %reduce_sum3A_6 = arith.constant dense<0.000000e+00> : vector<128xf32>
    %reduce_sum3A_7 = vector.multi_reduction <add>, %integer_pow3A, %reduce_sum3A_6 [0] : vector<10000x128xf32> to vector<128xf32>
    %div3A_8 = arith.constant 1.000000e+04 : f32
    %div3A_9 = vector.broadcast %div3A_8 : f32 to vector<128xf32>
    %div3A_10 = arith.divf %reduce_sum3A_7, %div3A_9 : vector<128xf32>
    %broadcast_in_dim3A_11 = vector.shape_cast %div3A_4 : vector<128xf32> to vector<1x128xf32>
    %sub3A_12 = vector.broadcast %broadcast_in_dim3A_11 : vector<1x128xf32> to vector<10000x128xf32>
    %sub3A_13 = arith.subf %get3A_1, %sub3A_12 : vector<10000x128xf32>
    %add3A = arith.constant 9.99999974E-6 : f32
    %add3A_14 = vector.broadcast %add3A : f32 to vector<128xf32>
    %add3A_15 = arith.addf %div3A_10, %add3A_14 : vector<128xf32>
    %sqrt3A = math.sqrt %add3A_15 : vector<128xf32>
    %broadcast_in_dim3A_16 = vector.shape_cast %sqrt3A : vector<128xf32> to vector<1x128xf32>
    %div3A_17 = vector.broadcast %broadcast_in_dim3A_16 : vector<1x128xf32> to vector<10000x128xf32>
    %div3A_18 = arith.divf %sub3A_13, %div3A_17 : vector<10000x128xf32>
    %get3A_19 = arith.constant 0 : index
    %get3A_20 = vector.load %arg2[%get3A_19] : memref<128xf32, #tpu.memory_space<vmem>>, vector<128xf32>
    %broadcast_in_dim3A_21 = vector.shape_cast %get3A_20 : vector<128xf32> to vector<1x128xf32>
    %mul3A = vector.broadcast %broadcast_in_dim3A_21 : vector<1x128xf32> to vector<10000x128xf32>
    %mul3A_22 = arith.mulf %div3A_18, %mul3A : vector<10000x128xf32>
    %get3A_23 = arith.constant 0 : index
    %get3A_24 = vector.load %arg3[%get3A_23] : memref<128xf32, #tpu.memory_space<vmem>>, vector<128xf32>
    %broadcast_in_dim3A_25 = vector.shape_cast %get3A_24 : vector<128xf32> to vector<1x128xf32>
    %add3A_26 = vector.broadcast %broadcast_in_dim3A_25 : vector<1x128xf32> to vector<10000x128xf32>
    %add3A_27 = arith.addf %mul3A_22, %add3A_26 : vector<10000x128xf32>
    %get3A_28 = arith.constant 0 : index
    %get3A_29 = arith.constant 0 : index
    %get3A_30 = vector.load %arg4[%get3A_28, %get3A_29] : memref<128x128xf32, #tpu.memory_space<vmem>>, vector<128x128xf32>
    %dot_general3A = arith.constant dense<0.000000e+00> : vector<10000x128xf32>
    %dot_general3A_31 = tpu.matmul %add3A_27, %get3A_30, %dot_general3A {dimension_numbers = #tpu.dot_dimension_numbers<[1], [1], [0], [0], [0, 0, 1, 0], [], []>, transpose_lhs_hint = false} : vector<10000x128xf32>, vector<128x128xf32>, vector<10000x128xf32> -> vector<10000x128xf32>
    %get3A_32 = arith.constant 0 : index
    %get3A_33 = vector.load %arg5[%get3A_32] : memref<128xf32, #tpu.memory_space<vmem>>, vector<128xf32>
    %broadcast_in_dim3A_34 = vector.shape_cast %get3A_33 : vector<128xf32> to vector<1x128xf32>
    %add3A_35 = vector.broadcast %broadcast_in_dim3A_34 : vector<1x128xf32> to vector<10000x128xf32>
    %add3A_36 = arith.addf %dot_general3A_31, %add3A_35 : vector<10000x128xf32>
    %swap3A = arith.constant 0 : index
    %swap3A_37 = arith.constant 0 : index
    %swap3A_38 = vector.load %arg8[%swap3A, %swap3A_37] : memref<10000x128xf32, #tpu.memory_space<vmem>>, vector<10000x128xf32>
    tpu.vector_store %arg8[%swap3A, %swap3A_37], %add3A_36 {strides = array<i32>} : memref<10000x128xf32, #tpu.memory_space<vmem>>, vector<10000x128xf32>,
    %get3A_39 = arith.constant 0 : index
    %get3A_40 = arith.constant 0 : index
    %get3A_41 = vector.load %arg1[%get3A_39, %get3A_40] : memref<10000x128xf32, #tpu.memory_space<vmem>>, vector<10000x128xf32>
    %reduce_sum3A_42 = arith.constant dense<0.000000e+00> : vector<128xf32>
    %reduce_sum3A_43 = vector.multi_reduction <add>, %get3A_41, %reduce_sum3A_42 [0] : vector<10000x128xf32> to vector<128xf32>
    %div3A_44 = arith.constant 1.000000e+04 : f32
    %div3A_45 = vector.broadcast %div3A_44 : f32 to vector<128xf32>
    %div3A_46 = arith.divf %reduce_sum3A_43, %div3A_45 : vector<128xf32>
    %broadcast_in_dim3A_47 = vector.shape_cast %div3A_46 : vector<128xf32> to vector<1x128xf32>
    %sub3A_48 = vector.broadcast %broadcast_in_dim3A_47 : vector<1x128xf32> to vector<10000x128xf32>
    %sub3A_49 = arith.subf %get3A_41, %sub3A_48 : vector<10000x128xf32>
    %integer_pow3A_50 = arith.mulf %sub3A_49, %sub3A_49 : vector<10000x128xf32>
    %reduce_sum3A_51 = arith.constant dense<0.000000e+00> : vector<128xf32>
    %reduce_sum3A_52 = vector.multi_reduction <add>, %integer_pow3A_50, %reduce_sum3A_51 [0] : vector<10000x128xf32> to vector<128xf32>
    %div3A_53 = arith.constant 1.000000e+04 : f32
    %div3A_54 = vector.broadcast %div3A_53 : f32 to vector<128xf32>
    %div3A_55 = arith.divf %reduce_sum3A_52, %div3A_54 : vector<128xf32>
    %broadcast_in_dim3A_56 = vector.shape_cast %div3A_46 : vector<128xf32> to vector<1x128xf32>
    %sub3A_57 = vector.broadcast %broadcast_in_dim3A_56 : vector<1x128xf32> to vector<10000x128xf32>
    %sub3A_58 = arith.subf %get3A_41, %sub3A_57 : vector<10000x128xf32>
    %add3A_59 = arith.constant 9.99999974E-6 : f32
    %add3A_60 = vector.broadcast %add3A_59 : f32 to vector<128xf32>
    %add3A_61 = arith.addf %div3A_55, %add3A_60 : vector<128xf32>
    %sqrt3A_62 = math.sqrt %add3A_61 : vector<128xf32>
    %broadcast_in_dim3A_63 = vector.shape_cast %sqrt3A_62 : vector<128xf32> to vector<1x128xf32>
    %div3A_64 = vector.broadcast %broadcast_in_dim3A_63 : vector<1x128xf32> to vector<10000x128xf32>
    %div3A_65 = arith.divf %sub3A_58, %div3A_64 : vector<10000x128xf32>
    %get3A_66 = arith.constant 0 : index
    %get3A_67 = vector.load %arg2[%get3A_66] : memref<128xf32, #tpu.memory_space<vmem>>, vector<128xf32>
    %broadcast_in_dim3A_68 = vector.shape_cast %get3A_67 : vector<128xf32> to vector<1x128xf32>
    %mul3A_69 = vector.broadcast %broadcast_in_dim3A_68 : vector<1x128xf32> to vector<10000x128xf32>
    %mul3A_70 = arith.mulf %div3A_65, %mul3A_69 : vector<10000x128xf32>
    %get3A_71 = arith.constant 0 : index
    %get3A_72 = vector.load %arg3[%get3A_71] : memref<128xf32, #tpu.memory_space<vmem>>, vector<128xf32>
    %broadcast_in_dim3A_73 = vector.shape_cast %get3A_72 : vector<128xf32> to vector<1x128xf32>
    %add3A_74 = vector.broadcast %broadcast_in_dim3A_73 : vector<1x128xf32> to vector<10000x128xf32>
    %add3A_75 = arith.addf %mul3A_70, %add3A_74 : vector<10000x128xf32>
    %get3A_76 = arith.constant 0 : index
    %get3A_77 = arith.constant 0 : index
    %get3A_78 = vector.load %arg6[%get3A_76, %get3A_77] : memref<128x128xf32, #tpu.memory_space<vmem>>, vector<128x128xf32>
    %dot_general3A_79 = arith.constant dense<0.000000e+00> : vector<10000x128xf32>
    %dot_general3A_80 = tpu.matmul %add3A_75, %get3A_78, %dot_general3A_79 {dimension_numbers = #tpu.dot_dimension_numbers<[1], [1], [0], [0], [0, 0, 1, 0], [], []>, transpose_lhs_hint = false} : vector<10000x128xf32>, vector<128x128xf32>, vector<10000x128xf32> -> vector<10000x128xf32>
    %get3A_81 = arith.constant 0 : index
    %get3A_82 = vector.load %arg7[%get3A_81] : memref<128xf32, #tpu.memory_space<vmem>>, vector<128xf32>
    %broadcast_in_dim3A_83 = vector.shape_cast %get3A_82 : vector<128xf32> to vector<1x128xf32>
    %add3A_84 = vector.broadcast %broadcast_in_dim3A_83 : vector<1x128xf32> to vector<10000x128xf32>
    %add3A_85 = arith.addf %dot_general3A_80, %add3A_84 : vector<10000x128xf32>
    %swap3A_86 = arith.constant 0 : index
    %swap3A_87 = arith.constant 0 : index
    %swap3A_88 = vector.load %arg9[%swap3A_86, %swap3A_87] : memref<10000x128xf32, #tpu.memory_space<vmem>>, vector<10000x128xf32>
    tpu.vector_store %arg9[%swap3A_86, %swap3A_87], %add3A_85 {strides = array<i32>} : memref<10000x128xf32, #tpu.memory_space<vmem>>, vector<10000x128xf32>,
    return
  }
}

module attributes {stable_mosaic.version = 14 : i64} {
  func.func @_rel_kernel(%arg0: memref<200x128xf32, #tpu.memory_space<vmem>>, %arg1: memref<128x128xf32, #tpu.memory_space<vmem>>, %arg2: memref<128xf32, #tpu.memory_space<vmem>>, %arg3: memref<2x128x128xf32, #tpu.memory_space<vmem>>, %arg4: memref<2x128xf32, #tpu.memory_space<vmem>>, %arg5: memref<2x128x128xf32, #tpu.memory_space<vmem>>, %arg6: memref<2x128xf32, #tpu.memory_space<vmem>>, %arg7: memref<2x128x128xf32, #tpu.memory_space<vmem>>, %arg8: memref<2x128xf32, #tpu.memory_space<vmem>>, %arg9: memref<4x400x128xf32, #tpu.memory_space<vmem>>, %arg10: memref<400x384xf32, #tpu.memory_space<vmem>>, %arg11: memref<400x128xf32, #tpu.memory_space<vmem>>) attributes {dimension_semantics = [], scalar_prefetch = 0 : i64, scratch_operands = 0 : i64, tpu.core_type = #tpu.core_type<tc>} {
    %get3A = arith.constant 0 : index
    %get3A_0 = arith.constant 0 : index
    %get3A_1 = vector.load %arg0[%get3A, %get3A_0] : memref<200x128xf32, #tpu.memory_space<vmem>>, vector<200x128xf32>
    %get3A_2 = arith.constant 0 : index
    %get3A_3 = arith.constant 0 : index
    %get3A_4 = vector.load %arg1[%get3A_2, %get3A_3] : memref<128x128xf32, #tpu.memory_space<vmem>>, vector<128x128xf32>
    %dot_general3A = arith.constant dense<0.000000e+00> : vector<200x128xf32>
    %dot_general3A_5 = tpu.matmul %get3A_1, %get3A_4, %dot_general3A {dimension_numbers = #tpu.dot_dimension_numbers<[1], [1], [0], [0], [0, 0, 1, 0], [], []>, transpose_lhs_hint = false} : vector<200x128xf32>, vector<128x128xf32>, vector<200x128xf32> -> vector<200x128xf32>
    %get3A_6 = arith.constant 0 : index
    %get3A_7 = vector.load %arg2[%get3A_6] : memref<128xf32, #tpu.memory_space<vmem>>, vector<128xf32>
    %broadcast_in_dim3A = vector.shape_cast %get3A_7 : vector<128xf32> to vector<1x128xf32>
    %add3A = vector.broadcast %broadcast_in_dim3A : vector<1x128xf32> to vector<200x128xf32>
    %add3A_8 = arith.addf %dot_general3A_5, %add3A : vector<200x128xf32>
    %concatenate3A = tpu.concatenate %get3A_1, %add3A_8 in 0 : vector<200x128xf32>, vector<200x128xf32> -> vector<400x128xf32>
    %get3A_9 = arith.constant 0 : index
    %get3A_10 = arith.constant 0 : index
    %get3A_11 = arith.constant 0 : index
    %get3A_12 = vector.load %arg3[%get3A_9, %get3A_10, %get3A_11] : memref<2x128x128xf32, #tpu.memory_space<vmem>>, vector<1x128x128xf32>
    %get3A_13 = vector.shape_cast %get3A_12 : vector<1x128x128xf32> to vector<128x128xf32>
    %dot_general3A_14 = arith.constant dense<0.000000e+00> : vector<400x128xf32>
    %dot_general3A_15 = tpu.matmul %concatenate3A, %get3A_13, %dot_general3A_14 {dimension_numbers = #tpu.dot_dimension_numbers<[1], [1], [0], [0], [0, 0, 1, 0], [], []>, transpose_lhs_hint = false} : vector<400x128xf32>, vector<128x128xf32>, vector<400x128xf32> -> vector<400x128xf32>
    %get3A_16 = arith.constant 0 : index
    %get3A_17 = arith.constant 0 : index
    %get3A_18 = vector.load %arg4[%get3A_16, %get3A_17] : memref<2x128xf32, #tpu.memory_space<vmem>>, vector<1x128xf32>
    %get3A_19 = vector.shape_cast %get3A_18 : vector<1x128xf32> to vector<128xf32>
    %broadcast_in_dim3A_20 = vector.shape_cast %get3A_19 : vector<128xf32> to vector<1x128xf32>
    %add3A_21 = vector.broadcast %broadcast_in_dim3A_20 : vector<1x128xf32> to vector<400x128xf32>
    %add3A_22 = arith.addf %dot_general3A_15, %add3A_21 : vector<400x128xf32>
    %get3A_23 = arith.constant 1 : index
    %get3A_24 = arith.constant 0 : index
    %get3A_25 = arith.constant 0 : index
    %get3A_26 = vector.load %arg3[%get3A_23, %get3A_24, %get3A_25] : memref<2x128x128xf32, #tpu.memory_space<vmem>>, vector<1x128x128xf32>
    %get3A_27 = vector.shape_cast %get3A_26 : vector<1x128x128xf32> to vector<128x128xf32>
    %dot_general3A_28 = arith.constant dense<0.000000e+00> : vector<400x128xf32>
    %dot_general3A_29 = tpu.matmul %add3A_22, %get3A_27, %dot_general3A_28 {dimension_numbers = #tpu.dot_dimension_numbers<[1], [1], [0], [0], [0, 0, 1, 0], [], []>, transpose_lhs_hint = false} : vector<400x128xf32>, vector<128x128xf32>, vector<400x128xf32> -> vector<400x128xf32>
    %get3A_30 = arith.constant 1 : index
    %get3A_31 = arith.constant 0 : index
    %get3A_32 = vector.load %arg4[%get3A_30, %get3A_31] : memref<2x128xf32, #tpu.memory_space<vmem>>, vector<1x128xf32>
    %get3A_33 = vector.shape_cast %get3A_32 : vector<1x128xf32> to vector<128xf32>
    %broadcast_in_dim3A_34 = vector.shape_cast %get3A_33 : vector<128xf32> to vector<1x128xf32>
    %add3A_35 = vector.broadcast %broadcast_in_dim3A_34 : vector<1x128xf32> to vector<400x128xf32>
    %add3A_36 = arith.addf %dot_general3A_29, %add3A_35 : vector<400x128xf32>
    %get3A_37 = arith.constant 0 : index
    %get3A_38 = arith.constant 0 : index
    %get3A_39 = arith.constant 0 : index
    %get3A_40 = vector.load %arg5[%get3A_37, %get3A_38, %get3A_39] : memref<2x128x128xf32, #tpu.memory_space<vmem>>, vector<1x128x128xf32>
    %get3A_41 = vector.shape_cast %get3A_40 : vector<1x128x128xf32> to vector<128x128xf32>
    %dot_general3A_42 = arith.constant dense<0.000000e+00> : vector<400x128xf32>
    %dot_general3A_43 = tpu.matmul %add3A_22, %get3A_41, %dot_general3A_42 {dimension_numbers = #tpu.dot_dimension_numbers<[1], [1], [0], [0], [0, 0, 1, 0], [], []>, transpose_lhs_hint = false} : vector<400x128xf32>, vector<128x128xf32>, vector<400x128xf32> -> vector<400x128xf32>
    %get3A_44 = arith.constant 0 : index
    %get3A_45 = arith.constant 0 : index
    %get3A_46 = vector.load %arg6[%get3A_44, %get3A_45] : memref<2x128xf32, #tpu.memory_space<vmem>>, vector<1x128xf32>
    %get3A_47 = vector.shape_cast %get3A_46 : vector<1x128xf32> to vector<128xf32>
    %broadcast_in_dim3A_48 = vector.shape_cast %get3A_47 : vector<128xf32> to vector<1x128xf32>
    %add3A_49 = vector.broadcast %broadcast_in_dim3A_48 : vector<1x128xf32> to vector<400x128xf32>
    %add3A_50 = arith.addf %dot_general3A_43, %add3A_49 : vector<400x128xf32>
    %logistic3A = arith.negf %add3A_50 : vector<400x128xf32>
    %logistic3A_51 = math.exp %logistic3A : vector<400x128xf32>
    %logistic3A_52 = arith.constant 1.000000e+00 : f32
    %logistic3A_53 = vector.broadcast %logistic3A_52 : f32 to vector<400x128xf32>
    %logistic3A_54 = arith.addf %logistic3A_53, %logistic3A_51 : vector<400x128xf32>
    %logistic3A_55 = arith.divf %logistic3A_53, %logistic3A_54 : vector<400x128xf32>
    %swap3A = arith.constant 0 : index
    %swap3A_56 = arith.constant 0 : index
    %swap3A_57 = arith.constant 0 : index
    %swap3A_58 = vector.load %arg9[%swap3A, %swap3A_56, %swap3A_57] : memref<4x400x128xf32, #tpu.memory_space<vmem>>, vector<1x400x128xf32>
    %swap3A_59 = vector.shape_cast %swap3A_58 : vector<1x400x128xf32> to vector<400x128xf32>
    %swap3A_60 = vector.shape_cast %logistic3A_55 : vector<400x128xf32> to vector<1x400x128xf32>
    tpu.vector_store %arg9[%swap3A, %swap3A_56, %swap3A_57], %swap3A_60 {strides = array<i32>} : memref<4x400x128xf32, #tpu.memory_space<vmem>>, vector<1x400x128xf32>,
    %get3A_61 = arith.constant 0 : index
    %get3A_62 = arith.constant 0 : index
    %get3A_63 = arith.constant 0 : index
    %get3A_64 = vector.load %arg7[%get3A_61, %get3A_62, %get3A_63] : memref<2x128x128xf32, #tpu.memory_space<vmem>>, vector<1x128x128xf32>
    %get3A_65 = vector.shape_cast %get3A_64 : vector<1x128x128xf32> to vector<128x128xf32>
    %dot_general3A_66 = arith.constant dense<0.000000e+00> : vector<400x128xf32>
    %dot_general3A_67 = tpu.matmul %add3A_22, %get3A_65, %dot_general3A_66 {dimension_numbers = #tpu.dot_dimension_numbers<[1], [1], [0], [0], [0, 0, 1, 0], [], []>, transpose_lhs_hint = false} : vector<400x128xf32>, vector<128x128xf32>, vector<400x128xf32> -> vector<400x128xf32>
    %get3A_68 = arith.constant 0 : index
    %get3A_69 = arith.constant 0 : index
    %get3A_70 = vector.load %arg8[%get3A_68, %get3A_69] : memref<2x128xf32, #tpu.memory_space<vmem>>, vector<1x128xf32>
    %get3A_71 = vector.shape_cast %get3A_70 : vector<1x128xf32> to vector<128xf32>
    %broadcast_in_dim3A_72 = vector.shape_cast %get3A_71 : vector<128xf32> to vector<1x128xf32>
    %add3A_73 = vector.broadcast %broadcast_in_dim3A_72 : vector<1x128xf32> to vector<400x128xf32>
    %add3A_74 = arith.addf %dot_general3A_67, %add3A_73 : vector<400x128xf32>
    %logistic3A_75 = arith.negf %add3A_74 : vector<400x128xf32>
    %logistic3A_76 = math.exp %logistic3A_75 : vector<400x128xf32>
    %logistic3A_77 = arith.constant 1.000000e+00 : f32
    %logistic3A_78 = vector.broadcast %logistic3A_77 : f32 to vector<400x128xf32>
    %logistic3A_79 = arith.addf %logistic3A_78, %logistic3A_76 : vector<400x128xf32>
    %logistic3A_80 = arith.divf %logistic3A_78, %logistic3A_79 : vector<400x128xf32>
    %swap3A_81 = arith.constant 1 : index
    %swap3A_82 = arith.constant 0 : index
    %swap3A_83 = arith.constant 0 : index
    %swap3A_84 = vector.load %arg9[%swap3A_81, %swap3A_82, %swap3A_83] : memref<4x400x128xf32, #tpu.memory_space<vmem>>, vector<1x400x128xf32>
    %swap3A_85 = vector.shape_cast %swap3A_84 : vector<1x400x128xf32> to vector<400x128xf32>
    %swap3A_86 = vector.shape_cast %logistic3A_80 : vector<400x128xf32> to vector<1x400x128xf32>
    tpu.vector_store %arg9[%swap3A_81, %swap3A_82, %swap3A_83], %swap3A_86 {strides = array<i32>} : memref<4x400x128xf32, #tpu.memory_space<vmem>>, vector<1x400x128xf32>,
    %get3A_87 = arith.constant 1 : index
    %get3A_88 = arith.constant 0 : index
    %get3A_89 = arith.constant 0 : index
    %get3A_90 = vector.load %arg5[%get3A_87, %get3A_88, %get3A_89] : memref<2x128x128xf32, #tpu.memory_space<vmem>>, vector<1x128x128xf32>
    %get3A_91 = vector.shape_cast %get3A_90 : vector<1x128x128xf32> to vector<128x128xf32>
    %dot_general3A_92 = arith.constant dense<0.000000e+00> : vector<400x128xf32>
    %dot_general3A_93 = tpu.matmul %add3A_36, %get3A_91, %dot_general3A_92 {dimension_numbers = #tpu.dot_dimension_numbers<[1], [1], [0], [0], [0, 0, 1, 0], [], []>, transpose_lhs_hint = false} : vector<400x128xf32>, vector<128x128xf32>, vector<400x128xf32> -> vector<400x128xf32>
    %get3A_94 = arith.constant 1 : index
    %get3A_95 = arith.constant 0 : index
    %get3A_96 = vector.load %arg6[%get3A_94, %get3A_95] : memref<2x128xf32, #tpu.memory_space<vmem>>, vector<1x128xf32>
    %get3A_97 = vector.shape_cast %get3A_96 : vector<1x128xf32> to vector<128xf32>
    %broadcast_in_dim3A_98 = vector.shape_cast %get3A_97 : vector<128xf32> to vector<1x128xf32>
    %add3A_99 = vector.broadcast %broadcast_in_dim3A_98 : vector<1x128xf32> to vector<400x128xf32>
    %add3A_100 = arith.addf %dot_general3A_93, %add3A_99 : vector<400x128xf32>
    %logistic3A_101 = arith.negf %add3A_100 : vector<400x128xf32>
    %logistic3A_102 = math.exp %logistic3A_101 : vector<400x128xf32>
    %logistic3A_103 = arith.constant 1.000000e+00 : f32
    %logistic3A_104 = vector.broadcast %logistic3A_103 : f32 to vector<400x128xf32>
    %logistic3A_105 = arith.addf %logistic3A_104, %logistic3A_102 : vector<400x128xf32>
    %logistic3A_106 = arith.divf %logistic3A_104, %logistic3A_105 : vector<400x128xf32>
    %swap3A_107 = arith.constant 2 : index
    %swap3A_108 = arith.constant 0 : index
    %swap3A_109 = arith.constant 0 : index
    %swap3A_110 = vector.load %arg9[%swap3A_107, %swap3A_108, %swap3A_109] : memref<4x400x128xf32, #tpu.memory_space<vmem>>, vector<1x400x128xf32>
    %swap3A_111 = vector.shape_cast %swap3A_110 : vector<1x400x128xf32> to vector<400x128xf32>
    %swap3A_112 = vector.shape_cast %logistic3A_106 : vector<400x128xf32> to vector<1x400x128xf32>
    tpu.vector_store %arg9[%swap3A_107, %swap3A_108, %swap3A_109], %swap3A_112 {strides = array<i32>} : memref<4x400x128xf32, #tpu.memory_space<vmem>>, vector<1x400x128xf32>,
    %get3A_113 = arith.constant 1 : index
    %get3A_114 = arith.constant 0 : index
    %get3A_115 = arith.constant 0 : index
    %get3A_116 = vector.load %arg7[%get3A_113, %get3A_114, %get3A_115] : memref<2x128x128xf32, #tpu.memory_space<vmem>>, vector<1x128x128xf32>
    %get3A_117 = vector.shape_cast %get3A_116 : vector<1x128x128xf32> to vector<128x128xf32>
    %dot_general3A_118 = arith.constant dense<0.000000e+00> : vector<400x128xf32>
    %dot_general3A_119 = tpu.matmul %add3A_36, %get3A_117, %dot_general3A_118 {dimension_numbers = #tpu.dot_dimension_numbers<[1], [1], [0], [0], [0, 0, 1, 0], [], []>, transpose_lhs_hint = false} : vector<400x128xf32>, vector<128x128xf32>, vector<400x128xf32> -> vector<400x128xf32>
    %get3A_120 = arith.constant 1 : index
    %get3A_121 = arith.constant 0 : index
    %get3A_122 = vector.load %arg8[%get3A_120, %get3A_121] : memref<2x128xf32, #tpu.memory_space<vmem>>, vector<1x128xf32>
    %get3A_123 = vector.shape_cast %get3A_122 : vector<1x128xf32> to vector<128xf32>
    %broadcast_in_dim3A_124 = vector.shape_cast %get3A_123 : vector<128xf32> to vector<1x128xf32>
    %add3A_125 = vector.broadcast %broadcast_in_dim3A_124 : vector<1x128xf32> to vector<400x128xf32>
    %add3A_126 = arith.addf %dot_general3A_119, %add3A_125 : vector<400x128xf32>
    %logistic3A_127 = arith.negf %add3A_126 : vector<400x128xf32>
    %logistic3A_128 = math.exp %logistic3A_127 : vector<400x128xf32>
    %logistic3A_129 = arith.constant 1.000000e+00 : f32
    %logistic3A_130 = vector.broadcast %logistic3A_129 : f32 to vector<400x128xf32>
    %logistic3A_131 = arith.addf %logistic3A_130, %logistic3A_128 : vector<400x128xf32>
    %logistic3A_132 = arith.divf %logistic3A_130, %logistic3A_131 : vector<400x128xf32>
    %swap3A_133 = arith.constant 3 : index
    %swap3A_134 = arith.constant 0 : index
    %swap3A_135 = arith.constant 0 : index
    %swap3A_136 = vector.load %arg9[%swap3A_133, %swap3A_134, %swap3A_135] : memref<4x400x128xf32, #tpu.memory_space<vmem>>, vector<1x400x128xf32>
    %swap3A_137 = vector.shape_cast %swap3A_136 : vector<1x400x128xf32> to vector<400x128xf32>
    %swap3A_138 = vector.shape_cast %logistic3A_132 : vector<400x128xf32> to vector<1x400x128xf32>
    tpu.vector_store %arg9[%swap3A_133, %swap3A_134, %swap3A_135], %swap3A_138 {strides = array<i32>} : memref<4x400x128xf32, #tpu.memory_space<vmem>>, vector<1x400x128xf32>,
    %mul3A = arith.mulf %concatenate3A, %concatenate3A : vector<400x128xf32>
    %reduce_sum3A = arith.constant dense<0.000000e+00> : vector<400xf32>
    %reduce_sum3A_139 = vector.multi_reduction <add>, %mul3A, %reduce_sum3A [1] : vector<400x128xf32> to vector<400xf32>
    %broadcast_in_dim3A_140 = vector.shape_cast %reduce_sum3A_139 : vector<400xf32> to vector<400x1xf32>
    %sqrt3A = math.sqrt %broadcast_in_dim3A_140 : vector<400x1xf32>
    %add3A_141 = arith.constant 9.99999996E-13 : f32
    %add3A_142 = vector.broadcast %add3A_141 : f32 to vector<400x1xf32>
    %add3A_143 = arith.addf %sqrt3A, %add3A_142 : vector<400x1xf32>
    %div3A = vector.broadcast %add3A_143 : vector<400x1xf32> to vector<400x128xf32>
    %div3A_144 = arith.divf %concatenate3A, %div3A : vector<400x128xf32>
    %mul3A_145 = arith.mulf %add3A_22, %add3A_22 : vector<400x128xf32>
    %reduce_sum3A_146 = arith.constant dense<0.000000e+00> : vector<400xf32>
    %reduce_sum3A_147 = vector.multi_reduction <add>, %mul3A_145, %reduce_sum3A_146 [1] : vector<400x128xf32> to vector<400xf32>
    %broadcast_in_dim3A_148 = vector.shape_cast %reduce_sum3A_147 : vector<400xf32> to vector<400x1xf32>
    %sqrt3A_149 = math.sqrt %broadcast_in_dim3A_148 : vector<400x1xf32>
    %add3A_150 = arith.constant 9.99999996E-13 : f32
    %add3A_151 = vector.broadcast %add3A_150 : f32 to vector<400x1xf32>
    %add3A_152 = arith.addf %sqrt3A_149, %add3A_151 : vector<400x1xf32>
    %div3A_153 = vector.broadcast %add3A_152 : vector<400x1xf32> to vector<400x128xf32>
    %div3A_154 = arith.divf %add3A_22, %div3A_153 : vector<400x128xf32>
    %mul3A_155 = arith.mulf %add3A_36, %add3A_36 : vector<400x128xf32>
    %reduce_sum3A_156 = arith.constant dense<0.000000e+00> : vector<400xf32>
    %reduce_sum3A_157 = vector.multi_reduction <add>, %mul3A_155, %reduce_sum3A_156 [1] : vector<400x128xf32> to vector<400xf32>
    %broadcast_in_dim3A_158 = vector.shape_cast %reduce_sum3A_157 : vector<400xf32> to vector<400x1xf32>
    %sqrt3A_159 = math.sqrt %broadcast_in_dim3A_158 : vector<400x1xf32>
    %add3A_160 = arith.constant 9.99999996E-13 : f32
    %add3A_161 = vector.broadcast %add3A_160 : f32 to vector<400x1xf32>
    %add3A_162 = arith.addf %sqrt3A_159, %add3A_161 : vector<400x1xf32>
    %div3A_163 = vector.broadcast %add3A_162 : vector<400x1xf32> to vector<400x128xf32>
    %div3A_164 = arith.divf %add3A_36, %div3A_163 : vector<400x128xf32>
    %concatenate3A_165 = tpu.concatenate %div3A_144, %div3A_154, %div3A_164 in 1 : vector<400x128xf32>, vector<400x128xf32>, vector<400x128xf32> -> vector<400x384xf32>
    %mul3A_166 = arith.mulf %concatenate3A_165, %concatenate3A_165 : vector<400x384xf32>
    %reduce_sum3A_167 = arith.constant dense<0.000000e+00> : vector<400xf32>
    %reduce_sum3A_168 = vector.multi_reduction <add>, %mul3A_166, %reduce_sum3A_167 [1] : vector<400x384xf32> to vector<400xf32>
    %broadcast_in_dim3A_169 = vector.shape_cast %reduce_sum3A_168 : vector<400xf32> to vector<400x1xf32>
    %sqrt3A_170 = math.sqrt %broadcast_in_dim3A_169 : vector<400x1xf32>
    %add3A_171 = arith.constant 9.99999996E-13 : f32
    %add3A_172 = vector.broadcast %add3A_171 : f32 to vector<400x1xf32>
    %add3A_173 = arith.addf %sqrt3A_170, %add3A_172 : vector<400x1xf32>
    %div3A_174 = vector.broadcast %add3A_173 : vector<400x1xf32> to vector<400x384xf32>
    %div3A_175 = arith.divf %concatenate3A_165, %div3A_174 : vector<400x384xf32>
    %swap3A_176 = arith.constant 0 : index
    %swap3A_177 = arith.constant 0 : index
    %swap3A_178 = vector.load %arg10[%swap3A_176, %swap3A_177] : memref<400x384xf32, #tpu.memory_space<vmem>>, vector<400x384xf32>
    tpu.vector_store %arg10[%swap3A_176, %swap3A_177], %div3A_175 {strides = array<i32>} : memref<400x384xf32, #tpu.memory_space<vmem>>, vector<400x384xf32>,
    %swap3A_179 = arith.constant 0 : index
    %swap3A_180 = arith.constant 0 : index
    %swap3A_181 = vector.load %arg11[%swap3A_179, %swap3A_180] : memref<400x128xf32, #tpu.memory_space<vmem>>, vector<400x128xf32>
    tpu.vector_store %arg11[%swap3A_179, %swap3A_180], %div3A_164 {strides = array<i32>} : memref<400x128xf32, #tpu.memory_space<vmem>>, vector<400x128xf32>,
    return
  }
}

module attributes {stable_mosaic.version = 14 : i64} {
  func.func @_deginv_kernel(%arg0: memref<32x10000xf32, #tpu.memory_space<vmem>>, %arg1: memref<32x10000xf32, #tpu.memory_space<vmem>>, %arg2: memref<10000x1xf32, #tpu.memory_space<vmem>>, %arg3: memref<10000x1xf32, #tpu.memory_space<vmem>>) attributes {dimension_semantics = [], scalar_prefetch = 0 : i64, scratch_operands = 0 : i64, tpu.core_type = #tpu.core_type<tc>} {
    %get3A = arith.constant 0 : index
    %get3A_0 = arith.constant 0 : index
    %get3A_1 = vector.load %arg0[%get3A, %get3A_0] : memref<32x10000xf32, #tpu.memory_space<vmem>>, vector<32x10000xf32>
    %reduce_sum3A = arith.constant dense<0.000000e+00> : vector<10000xf32>
    %reduce_sum3A_2 = vector.multi_reduction <add>, %get3A_1, %reduce_sum3A [0] : vector<32x10000xf32> to vector<10000xf32>
    %max3A = arith.constant 1.000000e+00 : f32
    %max3A_3 = vector.broadcast %max3A : f32 to vector<10000xf32>
    %max3A_4 = arith.maximumf %reduce_sum3A_2, %max3A_3 : vector<10000xf32>
    %broadcast_in_dim3A = vector.shape_cast %max3A_4 : vector<10000xf32> to vector<10000x1xf32>
    %div3A = arith.constant 1.000000e+00 : f32
    %div3A_5 = vector.broadcast %div3A : f32 to vector<10000x1xf32>
    %div3A_6 = arith.divf %div3A_5, %broadcast_in_dim3A : vector<10000x1xf32>
    %swap3A = arith.constant 0 : index
    %swap3A_7 = arith.constant 0 : index
    %swap3A_8 = vector.load %arg2[%swap3A, %swap3A_7] : memref<10000x1xf32, #tpu.memory_space<vmem>>, vector<10000x1xf32>
    tpu.vector_store %arg2[%swap3A, %swap3A_7], %div3A_6 {strides = array<i32>} : memref<10000x1xf32, #tpu.memory_space<vmem>>, vector<10000x1xf32>,
    %get3A_9 = arith.constant 0 : index
    %get3A_10 = arith.constant 0 : index
    %get3A_11 = vector.load %arg1[%get3A_9, %get3A_10] : memref<32x10000xf32, #tpu.memory_space<vmem>>, vector<32x10000xf32>
    %reduce_sum3A_12 = arith.constant dense<0.000000e+00> : vector<10000xf32>
    %reduce_sum3A_13 = vector.multi_reduction <add>, %get3A_11, %reduce_sum3A_12 [0] : vector<32x10000xf32> to vector<10000xf32>
    %max3A_14 = arith.constant 1.000000e+00 : f32
    %max3A_15 = vector.broadcast %max3A_14 : f32 to vector<10000xf32>
    %max3A_16 = arith.maximumf %reduce_sum3A_13, %max3A_15 : vector<10000xf32>
    %broadcast_in_dim3A_17 = vector.shape_cast %max3A_16 : vector<10000xf32> to vector<10000x1xf32>
    %div3A_18 = arith.constant 1.000000e+00 : f32
    %div3A_19 = vector.broadcast %div3A_18 : f32 to vector<10000x1xf32>
    %div3A_20 = arith.divf %div3A_19, %broadcast_in_dim3A_17 : vector<10000x1xf32>
    %swap3A_21 = arith.constant 0 : index
    %swap3A_22 = arith.constant 0 : index
    %swap3A_23 = vector.load %arg3[%swap3A_21, %swap3A_22] : memref<10000x1xf32, #tpu.memory_space<vmem>>, vector<10000x1xf32>
    tpu.vector_store %arg3[%swap3A_21, %swap3A_22], %div3A_20 {strides = array<i32>} : memref<10000x1xf32, #tpu.memory_space<vmem>>, vector<10000x1xf32>,
    return
  }
}

module attributes {stable_mosaic.version = 14 : i64} {
  func.func @_comb_kernel(%arg0: i32, %arg1: memref<2x1000x128xf32, #tpu.memory_space<vmem>>, %arg2: memref<2x1000x128xf32, #tpu.memory_space<vmem>>, %arg3: memref<1000x1xf32, #tpu.memory_space<vmem>>, %arg4: memref<1000x1xf32, #tpu.memory_space<vmem>>, %arg5: memref<1000x128xf32, #tpu.memory_space<vmem>>, %arg6: memref<1000x128xf32, #tpu.memory_space<vmem>>, %arg7: memref<128x128xf32, #tpu.memory_space<vmem>>, %arg8: memref<128x128xf32, #tpu.memory_space<vmem>>, %arg9: memref<128x128xf32, #tpu.memory_space<vmem>>, %arg10: memref<128x128xf32, #tpu.memory_space<vmem>>, %arg11: memref<1000x128xf32, #tpu.memory_space<vmem>>, %arg12: memref<1000x128xf32, #tpu.memory_space<vmem>>, %arg13: memref<1000x128xf32, #tpu.memory_space<vmem>>, %arg14: memref<1000x128xf32, #tpu.memory_space<vmem>>) attributes {dimension_semantics = [#tpu.dimension_semantics<arbitrary>], iteration_bounds = array<i64: 10>, scalar_prefetch = 0 : i64, scratch_operands = 0 : i64, tpu.core_type = #tpu.core_type<tc>, window_params = [{transform_indices = @transform_0, window_bounds = array<i64: 2, 1000, 128>}, {transform_indices = @transform_1, window_bounds = array<i64: 2, 1000, 128>}, {transform_indices = @transform_2, window_bounds = array<i64: 1000, 1>}, {transform_indices = @transform_3, window_bounds = array<i64: 1000, 1>}, {transform_indices = @transform_4, window_bounds = array<i64: 1000, 128>}, {transform_indices = @transform_5, window_bounds = array<i64: 1000, 128>}, {pipeline_mode = #tpu.pipeline_mode<synchronous>, transform_indices = @transform_6, window_bounds = array<i64: 128, 128>}, {pipeline_mode = #tpu.pipeline_mode<synchronous>, transform_indices = @transform_7, window_bounds = array<i64: 128, 128>}, {pipeline_mode = #tpu.pipeline_mode<synchronous>, transform_indices = @transform_8, window_bounds = array<i64: 128, 128>}, {pipeline_mode = #tpu.pipeline_mode<synchronous>, transform_indices = @transform_9, window_bounds = array<i64: 128, 128>}, {transform_indices = @transform_10, window_bounds = array<i64: 1000, 128>}, {transform_indices = @transform_11, window_bounds = array<i64: 1000, 128>}, {transform_indices = @transform_12, window_bounds = array<i64: 1000, 128>}, {transform_indices = @transform_13, window_bounds = array<i64: 1000, 128>}]} {
    %get3A = arith.constant 0 : index
    %get3A_0 = arith.constant 0 : index
    %get3A_1 = arith.constant 0 : index
    %get3A_2 = vector.load %arg1[%get3A, %get3A_0, %get3A_1] : memref<2x1000x128xf32, #tpu.memory_space<vmem>>, vector<1x1000x128xf32>
    %get3A_3 = vector.shape_cast %get3A_2 : vector<1x1000x128xf32> to vector<1000x128xf32>
    %get3A_4 = arith.constant 1 : index
    %get3A_5 = arith.constant 0 : index
    %get3A_6 = arith.constant 0 : index
    %get3A_7 = vector.load %arg1[%get3A_4, %get3A_5, %get3A_6] : memref<2x1000x128xf32, #tpu.memory_space<vmem>>, vector<1x1000x128xf32>
    %get3A_8 = vector.shape_cast %get3A_7 : vector<1x1000x128xf32> to vector<1000x128xf32>
    %add3A = arith.addf %get3A_3, %get3A_8 : vector<1000x128xf32>
    %get3A_9 = arith.constant 0 : index
    %get3A_10 = arith.constant 0 : index
    %get3A_11 = vector.load %arg3[%get3A_9, %get3A_10] : memref<1000x1xf32, #tpu.memory_space<vmem>>, vector<1000x1xf32>
    %mul3A = vector.broadcast %get3A_11 : vector<1000x1xf32> to vector<1000x128xf32>
    %mul3A_12 = arith.mulf %add3A, %mul3A : vector<1000x128xf32>
    %get3A_13 = arith.constant 0 : index
    %get3A_14 = arith.constant 0 : index
    %get3A_15 = vector.load %arg7[%get3A_13, %get3A_14] : memref<128x128xf32, #tpu.memory_space<vmem>>, vector<128x128xf32>
    %dot_general3A = arith.constant dense<0.000000e+00> : vector<1000x128xf32>
    %dot_general3A_16 = tpu.matmul %mul3A_12, %get3A_15, %dot_general3A {dimension_numbers = #tpu.dot_dimension_numbers<[1], [1], [0], [0], [0, 0, 1, 0], [], []>, transpose_lhs_hint = false} : vector<1000x128xf32>, vector<128x128xf32>, vector<1000x128xf32> -> vector<1000x128xf32>
    %get3A_17 = arith.constant 0 : index
    %get3A_18 = arith.constant 0 : index
    %get3A_19 = vector.load %arg5[%get3A_17, %get3A_18] : memref<1000x128xf32, #tpu.memory_space<vmem>>, vector<1000x128xf32>
    %get3A_20 = arith.constant 0 : index
    %get3A_21 = arith.constant 0 : index
    %get3A_22 = vector.load %arg8[%get3A_20, %get3A_21] : memref<128x128xf32, #tpu.memory_space<vmem>>, vector<128x128xf32>
    %dot_general3A_23 = arith.constant dense<0.000000e+00> : vector<1000x128xf32>
    %dot_general3A_24 = tpu.matmul %get3A_19, %get3A_22, %dot_general3A_23 {dimension_numbers = #tpu.dot_dimension_numbers<[1], [1], [0], [0], [0, 0, 1, 0], [], []>, transpose_lhs_hint = false} : vector<1000x128xf32>, vector<128x128xf32>, vector<1000x128xf32> -> vector<1000x128xf32>
    %add3A_25 = arith.addf %dot_general3A_16, %dot_general3A_24 : vector<1000x128xf32>
    %get3A_26 = arith.constant 0 : index
    %get3A_27 = arith.constant 0 : index
    %get3A_28 = arith.constant 0 : index
    %get3A_29 = vector.load %arg2[%get3A_26, %get3A_27, %get3A_28] : memref<2x1000x128xf32, #tpu.memory_space<vmem>>, vector<1x1000x128xf32>
    %get3A_30 = vector.shape_cast %get3A_29 : vector<1x1000x128xf32> to vector<1000x128xf32>
    %get3A_31 = arith.constant 1 : index
    %get3A_32 = arith.constant 0 : index
    %get3A_33 = arith.constant 0 : index
    %get3A_34 = vector.load %arg2[%get3A_31, %get3A_32, %get3A_33] : memref<2x1000x128xf32, #tpu.memory_space<vmem>>, vector<1x1000x128xf32>
    %get3A_35 = vector.shape_cast %get3A_34 : vector<1x1000x128xf32> to vector<1000x128xf32>
    %add3A_36 = arith.addf %get3A_30, %get3A_35 : vector<1000x128xf32>
    %get3A_37 = arith.constant 0 : index
    %get3A_38 = arith.constant 0 : index
    %get3A_39 = vector.load %arg4[%get3A_37, %get3A_38] : memref<1000x1xf32, #tpu.memory_space<vmem>>, vector<1000x1xf32>
    %mul3A_40 = vector.broadcast %get3A_39 : vector<1000x1xf32> to vector<1000x128xf32>
    %mul3A_41 = arith.mulf %add3A_36, %mul3A_40 : vector<1000x128xf32>
    %get3A_42 = arith.constant 0 : index
    %get3A_43 = arith.constant 0 : index
    %get3A_44 = vector.load %arg9[%get3A_42, %get3A_43] : memref<128x128xf32, #tpu.memory_space<vmem>>, vector<128x128xf32>
    %dot_general3A_45 = arith.constant dense<0.000000e+00> : vector<1000x128xf32>
    %dot_general3A_46 = tpu.matmul %mul3A_41, %get3A_44, %dot_general3A_45 {dimension_numbers = #tpu.dot_dimension_numbers<[1], [1], [0], [0], [0, 0, 1, 0], [], []>, transpose_lhs_hint = false} : vector<1000x128xf32>, vector<128x128xf32>, vector<1000x128xf32> -> vector<1000x128xf32>
    %get3A_47 = arith.constant 0 : index
    %get3A_48 = arith.constant 0 : index
    %get3A_49 = vector.load %arg6[%get3A_47, %get3A_48] : memref<1000x128xf32, #tpu.memory_space<vmem>>, vector<1000x128xf32>
    %get3A_50 = arith.constant 0 : index
    %get3A_51 = arith.constant 0 : index
    %get3A_52 = vector.load %arg10[%get3A_50, %get3A_51] : memref<128x128xf32, #tpu.memory_space<vmem>>, vector<128x128xf32>
    %dot_general3A_53 = arith.constant dense<0.000000e+00> : vector<1000x128xf32>
    %dot_general3A_54 = tpu.matmul %get3A_49, %get3A_52, %dot_general3A_53 {dimension_numbers = #tpu.dot_dimension_numbers<[1], [1], [0], [0], [0, 0, 1, 0], [], []>, transpose_lhs_hint = false} : vector<1000x128xf32>, vector<128x128xf32>, vector<1000x128xf32> -> vector<1000x128xf32>
    %add3A_55 = arith.addf %dot_general3A_46, %dot_general3A_54 : vector<1000x128xf32>
    %swap3A = arith.constant 0 : index
    %swap3A_56 = arith.constant 0 : index
    %swap3A_57 = vector.load %arg11[%swap3A, %swap3A_56] : memref<1000x128xf32, #tpu.memory_space<vmem>>, vector<1000x128xf32>
    tpu.vector_store %arg11[%swap3A, %swap3A_56], %add3A_55 {strides = array<i32>} : memref<1000x128xf32, #tpu.memory_space<vmem>>, vector<1000x128xf32>,
    %swap3A_58 = arith.constant 0 : index
    %swap3A_59 = arith.constant 0 : index
    %swap3A_60 = vector.load %arg12[%swap3A_58, %swap3A_59] : memref<1000x128xf32, #tpu.memory_space<vmem>>, vector<1000x128xf32>
    tpu.vector_store %arg12[%swap3A_58, %swap3A_59], %add3A_25 {strides = array<i32>} : memref<1000x128xf32, #tpu.memory_space<vmem>>, vector<1000x128xf32>,
    %mul3A_61 = arith.mulf %add3A_55, %add3A_55 : vector<1000x128xf32>
    %reduce_sum3A = arith.constant dense<0.000000e+00> : vector<1000xf32>
    %reduce_sum3A_62 = vector.multi_reduction <add>, %mul3A_61, %reduce_sum3A [1] : vector<1000x128xf32> to vector<1000xf32>
    %broadcast_in_dim3A = vector.shape_cast %reduce_sum3A_62 : vector<1000xf32> to vector<1000x1xf32>
    %sqrt3A = math.sqrt %broadcast_in_dim3A : vector<1000x1xf32>
    %add3A_63 = arith.constant 9.99999996E-13 : f32
    %add3A_64 = vector.broadcast %add3A_63 : f32 to vector<1000x1xf32>
    %add3A_65 = arith.addf %sqrt3A, %add3A_64 : vector<1000x1xf32>
    %div3A = vector.broadcast %add3A_65 : vector<1000x1xf32> to vector<1000x128xf32>
    %div3A_66 = arith.divf %add3A_55, %div3A : vector<1000x128xf32>
    %swap3A_67 = arith.constant 0 : index
    %swap3A_68 = arith.constant 0 : index
    %swap3A_69 = vector.load %arg13[%swap3A_67, %swap3A_68] : memref<1000x128xf32, #tpu.memory_space<vmem>>, vector<1000x128xf32>
    tpu.vector_store %arg13[%swap3A_67, %swap3A_68], %div3A_66 {strides = array<i32>} : memref<1000x128xf32, #tpu.memory_space<vmem>>, vector<1000x128xf32>,
    %mul3A_70 = arith.mulf %add3A_25, %add3A_25 : vector<1000x128xf32>
    %reduce_sum3A_71 = arith.constant dense<0.000000e+00> : vector<1000xf32>
    %reduce_sum3A_72 = vector.multi_reduction <add>, %mul3A_70, %reduce_sum3A_71 [1] : vector<1000x128xf32> to vector<1000xf32>
    %broadcast_in_dim3A_73 = vector.shape_cast %reduce_sum3A_72 : vector<1000xf32> to vector<1000x1xf32>
    %sqrt3A_74 = math.sqrt %broadcast_in_dim3A_73 : vector<1000x1xf32>
    %add3A_75 = arith.constant 9.99999996E-13 : f32
    %add3A_76 = vector.broadcast %add3A_75 : f32 to vector<1000x1xf32>
    %add3A_77 = arith.addf %sqrt3A_74, %add3A_76 : vector<1000x1xf32>
    %div3A_78 = vector.broadcast %add3A_77 : vector<1000x1xf32> to vector<1000x128xf32>
    %div3A_79 = arith.divf %add3A_25, %div3A_78 : vector<1000x128xf32>
    %swap3A_80 = arith.constant 0 : index
    %swap3A_81 = arith.constant 0 : index
    %swap3A_82 = vector.load %arg14[%swap3A_80, %swap3A_81] : memref<1000x128xf32, #tpu.memory_space<vmem>>, vector<1000x128xf32>
    tpu.vector_store %arg14[%swap3A_80, %swap3A_81], %div3A_79 {strides = array<i32>} : memref<1000x128xf32, #tpu.memory_space<vmem>>, vector<1000x128xf32>,
    return
  }
  func.func @transform_0(%arg0: i32) -> (i32, i32, i32) {
    %c0_i32 = arith.constant 0 : i32
    %c0_i32_0 = arith.constant 0 : i32
    %c0_i32_1 = arith.constant 0 : i32
    return %c0_i32, %arg0, %c0_i32_0 : i32, i32, i32
  }
  func.func @transform_1(%arg0: i32) -> (i32, i32, i32) {
    %c0_i32 = arith.constant 0 : i32
    %c0_i32_0 = arith.constant 0 : i32
    %c0_i32_1 = arith.constant 0 : i32
    return %c0_i32, %arg0, %c0_i32_0 : i32, i32, i32
  }
  func.func @transform_2(%arg0: i32) -> (i32, i32) {
    %c0_i32 = arith.constant 0 : i32
    %c0_i32_0 = arith.constant 0 : i32
    return %arg0, %c0_i32 : i32, i32
  }
  func.func @transform_3(%arg0: i32) -> (i32, i32) {
    %c0_i32 = arith.constant 0 : i32
    %c0_i32_0 = arith.constant 0 : i32
    return %arg0, %c0_i32 : i32, i32
  }
  func.func @transform_4(%arg0: i32) -> (i32, i32) {
    %c0_i32 = arith.constant 0 : i32
    %c0_i32_0 = arith.constant 0 : i32
    return %arg0, %c0_i32 : i32, i32
  }
  func.func @transform_5(%arg0: i32) -> (i32, i32) {
    %c0_i32 = arith.constant 0 : i32
    %c0_i32_0 = arith.constant 0 : i32
    return %arg0, %c0_i32 : i32, i32
  }
  func.func @transform_6(%arg0: i32) -> (i32, i32) {
    %c0_i32 = arith.constant 0 : i32
    %c0_i32_0 = arith.constant 0 : i32
    %c0_i32_1 = arith.constant 0 : i32
    return %c0_i32, %c0_i32_0 : i32, i32
  }
  func.func @transform_7(%arg0: i32) -> (i32, i32) {
    %c0_i32 = arith.constant 0 : i32
    %c0_i32_0 = arith.constant 0 : i32
    %c0_i32_1 = arith.constant 0 : i32
    return %c0_i32, %c0_i32_0 : i32, i32
  }
  func.func @transform_8(%arg0: i32) -> (i32, i32) {
    %c0_i32 = arith.constant 0 : i32
    %c0_i32_0 = arith.constant 0 : i32
    %c0_i32_1 = arith.constant 0 : i32
    return %c0_i32, %c0_i32_0 : i32, i32
  }
  func.func @transform_9(%arg0: i32) -> (i32, i32) {
    %c0_i32 = arith.constant 0 : i32
    %c0_i32_0 = arith.constant 0 : i32
    %c0_i32_1 = arith.constant 0 : i32
    return %c0_i32, %c0_i32_0 : i32, i32
  }
  func.func @transform_10(%arg0: i32) -> (i32, i32) {
    %c0_i32 = arith.constant 0 : i32
    %c0_i32_0 = arith.constant 0 : i32
    return %arg0, %c0_i32 : i32, i32
  }
  func.func @transform_11(%arg0: i32) -> (i32, i32) {
    %c0_i32 = arith.constant 0 : i32
    %c0_i32_0 = arith.constant 0 : i32
    return %arg0, %c0_i32 : i32, i32
  }
  func.func @transform_12(%arg0: i32) -> (i32, i32) {
    %c0_i32 = arith.constant 0 : i32
    %c0_i32_0 = arith.constant 0 : i32
    return %arg0, %c0_i32 : i32, i32
  }
  func.func @transform_13(%arg0: i32) -> (i32, i32) {
    %c0_i32 = arith.constant 0 : i32
    %c0_i32_0 = arith.constant 0 : i32
    return %arg0, %c0_i32 : i32, i32
  }
}

module attributes {stable_mosaic.version = 14 : i64} {
  func.func @_comb_kernel(%arg0: i32, %arg1: memref<2x1000x128xf32, #tpu.memory_space<vmem>>, %arg2: memref<2x1000x128xf32, #tpu.memory_space<vmem>>, %arg3: memref<1000x1xf32, #tpu.memory_space<vmem>>, %arg4: memref<1000x1xf32, #tpu.memory_space<vmem>>, %arg5: memref<1000x128xf32, #tpu.memory_space<vmem>>, %arg6: memref<1000x128xf32, #tpu.memory_space<vmem>>, %arg7: memref<128x128xf32, #tpu.memory_space<vmem>>, %arg8: memref<128x128xf32, #tpu.memory_space<vmem>>, %arg9: memref<128x128xf32, #tpu.memory_space<vmem>>, %arg10: memref<128x128xf32, #tpu.memory_space<vmem>>, %arg11: memref<1000x128xf32, #tpu.memory_space<vmem>>, %arg12: memref<1000x128xf32, #tpu.memory_space<vmem>>, %arg13: memref<1000x128xf32, #tpu.memory_space<vmem>>, %arg14: memref<1000x128xf32, #tpu.memory_space<vmem>>) attributes {dimension_semantics = [#tpu.dimension_semantics<arbitrary>], iteration_bounds = array<i64: 10>, scalar_prefetch = 0 : i64, scratch_operands = 0 : i64, tpu.core_type = #tpu.core_type<tc>, window_params = [{transform_indices = @transform_0, window_bounds = array<i64: 2, 1000, 128>}, {transform_indices = @transform_1, window_bounds = array<i64: 2, 1000, 128>}, {transform_indices = @transform_2, window_bounds = array<i64: 1000, 1>}, {transform_indices = @transform_3, window_bounds = array<i64: 1000, 1>}, {transform_indices = @transform_4, window_bounds = array<i64: 1000, 128>}, {transform_indices = @transform_5, window_bounds = array<i64: 1000, 128>}, {pipeline_mode = #tpu.pipeline_mode<synchronous>, transform_indices = @transform_6, window_bounds = array<i64: 128, 128>}, {pipeline_mode = #tpu.pipeline_mode<synchronous>, transform_indices = @transform_7, window_bounds = array<i64: 128, 128>}, {pipeline_mode = #tpu.pipeline_mode<synchronous>, transform_indices = @transform_8, window_bounds = array<i64: 128, 128>}, {pipeline_mode = #tpu.pipeline_mode<synchronous>, transform_indices = @transform_9, window_bounds = array<i64: 128, 128>}, {transform_indices = @transform_10, window_bounds = array<i64: 1000, 128>}, {transform_indices = @transform_11, window_bounds = array<i64: 1000, 128>}, {transform_indices = @transform_12, window_bounds = array<i64: 1000, 128>}, {transform_indices = @transform_13, window_bounds = array<i64: 1000, 128>}]} {
    %get3A = arith.constant 0 : index
    %get3A_0 = arith.constant 0 : index
    %get3A_1 = arith.constant 0 : index
    %get3A_2 = vector.load %arg1[%get3A, %get3A_0, %get3A_1] : memref<2x1000x128xf32, #tpu.memory_space<vmem>>, vector<1x1000x128xf32>
    %get3A_3 = vector.shape_cast %get3A_2 : vector<1x1000x128xf32> to vector<1000x128xf32>
    %get3A_4 = arith.constant 1 : index
    %get3A_5 = arith.constant 0 : index
    %get3A_6 = arith.constant 0 : index
    %get3A_7 = vector.load %arg1[%get3A_4, %get3A_5, %get3A_6] : memref<2x1000x128xf32, #tpu.memory_space<vmem>>, vector<1x1000x128xf32>
    %get3A_8 = vector.shape_cast %get3A_7 : vector<1x1000x128xf32> to vector<1000x128xf32>
    %add3A = arith.addf %get3A_3, %get3A_8 : vector<1000x128xf32>
    %get3A_9 = arith.constant 0 : index
    %get3A_10 = arith.constant 0 : index
    %get3A_11 = vector.load %arg3[%get3A_9, %get3A_10] : memref<1000x1xf32, #tpu.memory_space<vmem>>, vector<1000x1xf32>
    %mul3A = vector.broadcast %get3A_11 : vector<1000x1xf32> to vector<1000x128xf32>
    %mul3A_12 = arith.mulf %add3A, %mul3A : vector<1000x128xf32>
    %get3A_13 = arith.constant 0 : index
    %get3A_14 = arith.constant 0 : index
    %get3A_15 = vector.load %arg7[%get3A_13, %get3A_14] : memref<128x128xf32, #tpu.memory_space<vmem>>, vector<128x128xf32>
    %dot_general3A = arith.constant dense<0.000000e+00> : vector<1000x128xf32>
    %dot_general3A_16 = tpu.matmul %mul3A_12, %get3A_15, %dot_general3A {dimension_numbers = #tpu.dot_dimension_numbers<[1], [1], [0], [0], [0, 0, 1, 0], [], []>, transpose_lhs_hint = false} : vector<1000x128xf32>, vector<128x128xf32>, vector<1000x128xf32> -> vector<1000x128xf32>
    %get3A_17 = arith.constant 0 : index
    %get3A_18 = arith.constant 0 : index
    %get3A_19 = vector.load %arg5[%get3A_17, %get3A_18] : memref<1000x128xf32, #tpu.memory_space<vmem>>, vector<1000x128xf32>
    %get3A_20 = arith.constant 0 : index
    %get3A_21 = arith.constant 0 : index
    %get3A_22 = vector.load %arg8[%get3A_20, %get3A_21] : memref<128x128xf32, #tpu.memory_space<vmem>>, vector<128x128xf32>
    %dot_general3A_23 = arith.constant dense<0.000000e+00> : vector<1000x128xf32>
    %dot_general3A_24 = tpu.matmul %get3A_19, %get3A_22, %dot_general3A_23 {dimension_numbers = #tpu.dot_dimension_numbers<[1], [1], [0], [0], [0, 0, 1, 0], [], []>, transpose_lhs_hint = false} : vector<1000x128xf32>, vector<128x128xf32>, vector<1000x128xf32> -> vector<1000x128xf32>
    %add3A_25 = arith.addf %dot_general3A_16, %dot_general3A_24 : vector<1000x128xf32>
    %get3A_26 = arith.constant 0 : index
    %get3A_27 = arith.constant 0 : index
    %get3A_28 = arith.constant 0 : index
    %get3A_29 = vector.load %arg2[%get3A_26, %get3A_27, %get3A_28] : memref<2x1000x128xf32, #tpu.memory_space<vmem>>, vector<1x1000x128xf32>
    %get3A_30 = vector.shape_cast %get3A_29 : vector<1x1000x128xf32> to vector<1000x128xf32>
    %get3A_31 = arith.constant 1 : index
    %get3A_32 = arith.constant 0 : index
    %get3A_33 = arith.constant 0 : index
    %get3A_34 = vector.load %arg2[%get3A_31, %get3A_32, %get3A_33] : memref<2x1000x128xf32, #tpu.memory_space<vmem>>, vector<1x1000x128xf32>
    %get3A_35 = vector.shape_cast %get3A_34 : vector<1x1000x128xf32> to vector<1000x128xf32>
    %add3A_36 = arith.addf %get3A_30, %get3A_35 : vector<1000x128xf32>
    %get3A_37 = arith.constant 0 : index
    %get3A_38 = arith.constant 0 : index
    %get3A_39 = vector.load %arg4[%get3A_37, %get3A_38] : memref<1000x1xf32, #tpu.memory_space<vmem>>, vector<1000x1xf32>
    %mul3A_40 = vector.broadcast %get3A_39 : vector<1000x1xf32> to vector<1000x128xf32>
    %mul3A_41 = arith.mulf %add3A_36, %mul3A_40 : vector<1000x128xf32>
    %get3A_42 = arith.constant 0 : index
    %get3A_43 = arith.constant 0 : index
    %get3A_44 = vector.load %arg9[%get3A_42, %get3A_43] : memref<128x128xf32, #tpu.memory_space<vmem>>, vector<128x128xf32>
    %dot_general3A_45 = arith.constant dense<0.000000e+00> : vector<1000x128xf32>
    %dot_general3A_46 = tpu.matmul %mul3A_41, %get3A_44, %dot_general3A_45 {dimension_numbers = #tpu.dot_dimension_numbers<[1], [1], [0], [0], [0, 0, 1, 0], [], []>, transpose_lhs_hint = false} : vector<1000x128xf32>, vector<128x128xf32>, vector<1000x128xf32> -> vector<1000x128xf32>
    %get3A_47 = arith.constant 0 : index
    %get3A_48 = arith.constant 0 : index
    %get3A_49 = vector.load %arg6[%get3A_47, %get3A_48] : memref<1000x128xf32, #tpu.memory_space<vmem>>, vector<1000x128xf32>
    %get3A_50 = arith.constant 0 : index
    %get3A_51 = arith.constant 0 : index
    %get3A_52 = vector.load %arg10[%get3A_50, %get3A_51] : memref<128x128xf32, #tpu.memory_space<vmem>>, vector<128x128xf32>
    %dot_general3A_53 = arith.constant dense<0.000000e+00> : vector<1000x128xf32>
    %dot_general3A_54 = tpu.matmul %get3A_49, %get3A_52, %dot_general3A_53 {dimension_numbers = #tpu.dot_dimension_numbers<[1], [1], [0], [0], [0, 0, 1, 0], [], []>, transpose_lhs_hint = false} : vector<1000x128xf32>, vector<128x128xf32>, vector<1000x128xf32> -> vector<1000x128xf32>
    %add3A_55 = arith.addf %dot_general3A_46, %dot_general3A_54 : vector<1000x128xf32>
    %swap3A = arith.constant 0 : index
    %swap3A_56 = arith.constant 0 : index
    %swap3A_57 = vector.load %arg11[%swap3A, %swap3A_56] : memref<1000x128xf32, #tpu.memory_space<vmem>>, vector<1000x128xf32>
    tpu.vector_store %arg11[%swap3A, %swap3A_56], %add3A_55 {strides = array<i32>} : memref<1000x128xf32, #tpu.memory_space<vmem>>, vector<1000x128xf32>,
    %swap3A_58 = arith.constant 0 : index
    %swap3A_59 = arith.constant 0 : index
    %swap3A_60 = vector.load %arg12[%swap3A_58, %swap3A_59] : memref<1000x128xf32, #tpu.memory_space<vmem>>, vector<1000x128xf32>
    tpu.vector_store %arg12[%swap3A_58, %swap3A_59], %add3A_25 {strides = array<i32>} : memref<1000x128xf32, #tpu.memory_space<vmem>>, vector<1000x128xf32>,
    %mul3A_61 = arith.mulf %add3A_55, %add3A_55 : vector<1000x128xf32>
    %reduce_sum3A = arith.constant dense<0.000000e+00> : vector<1000xf32>
    %reduce_sum3A_62 = vector.multi_reduction <add>, %mul3A_61, %reduce_sum3A [1] : vector<1000x128xf32> to vector<1000xf32>
    %broadcast_in_dim3A = vector.shape_cast %reduce_sum3A_62 : vector<1000xf32> to vector<1000x1xf32>
    %sqrt3A = math.sqrt %broadcast_in_dim3A : vector<1000x1xf32>
    %add3A_63 = arith.constant 9.99999996E-13 : f32
    %add3A_64 = vector.broadcast %add3A_63 : f32 to vector<1000x1xf32>
    %add3A_65 = arith.addf %sqrt3A, %add3A_64 : vector<1000x1xf32>
    %div3A = vector.broadcast %add3A_65 : vector<1000x1xf32> to vector<1000x128xf32>
    %div3A_66 = arith.divf %add3A_55, %div3A : vector<1000x128xf32>
    %swap3A_67 = arith.constant 0 : index
    %swap3A_68 = arith.constant 0 : index
    %swap3A_69 = vector.load %arg13[%swap3A_67, %swap3A_68] : memref<1000x128xf32, #tpu.memory_space<vmem>>, vector<1000x128xf32>
    tpu.vector_store %arg13[%swap3A_67, %swap3A_68], %div3A_66 {strides = array<i32>} : memref<1000x128xf32, #tpu.memory_space<vmem>>, vector<1000x128xf32>,
    %mul3A_70 = arith.mulf %add3A_25, %add3A_25 : vector<1000x128xf32>
    %reduce_sum3A_71 = arith.constant dense<0.000000e+00> : vector<1000xf32>
    %reduce_sum3A_72 = vector.multi_reduction <add>, %mul3A_70, %reduce_sum3A_71 [1] : vector<1000x128xf32> to vector<1000xf32>
    %broadcast_in_dim3A_73 = vector.shape_cast %reduce_sum3A_72 : vector<1000xf32> to vector<1000x1xf32>
    %sqrt3A_74 = math.sqrt %broadcast_in_dim3A_73 : vector<1000x1xf32>
    %add3A_75 = arith.constant 9.99999996E-13 : f32
    %add3A_76 = vector.broadcast %add3A_75 : f32 to vector<1000x1xf32>
    %add3A_77 = arith.addf %sqrt3A_74, %add3A_76 : vector<1000x1xf32>
    %div3A_78 = vector.broadcast %add3A_77 : vector<1000x1xf32> to vector<1000x128xf32>
    %div3A_79 = arith.divf %add3A_25, %div3A_78 : vector<1000x128xf32>
    %swap3A_80 = arith.constant 0 : index
    %swap3A_81 = arith.constant 0 : index
    %swap3A_82 = vector.load %arg14[%swap3A_80, %swap3A_81] : memref<1000x128xf32, #tpu.memory_space<vmem>>, vector<1000x128xf32>
    tpu.vector_store %arg14[%swap3A_80, %swap3A_81], %div3A_79 {strides = array<i32>} : memref<1000x128xf32, #tpu.memory_space<vmem>>, vector<1000x128xf32>,
    return
  }
  func.func @transform_0(%arg0: i32) -> (i32, i32, i32) {
    %c0_i32 = arith.constant 0 : i32
    %c0_i32_0 = arith.constant 0 : i32
    %c0_i32_1 = arith.constant 0 : i32
    return %c0_i32, %arg0, %c0_i32_0 : i32, i32, i32
  }
  func.func @transform_1(%arg0: i32) -> (i32, i32, i32) {
    %c0_i32 = arith.constant 0 : i32
    %c0_i32_0 = arith.constant 0 : i32
    %c0_i32_1 = arith.constant 0 : i32
    return %c0_i32, %arg0, %c0_i32_0 : i32, i32, i32
  }
  func.func @transform_2(%arg0: i32) -> (i32, i32) {
    %c0_i32 = arith.constant 0 : i32
    %c0_i32_0 = arith.constant 0 : i32
    return %arg0, %c0_i32 : i32, i32
  }
  func.func @transform_3(%arg0: i32) -> (i32, i32) {
    %c0_i32 = arith.constant 0 : i32
    %c0_i32_0 = arith.constant 0 : i32
    return %arg0, %c0_i32 : i32, i32
  }
  func.func @transform_4(%arg0: i32) -> (i32, i32) {
    %c0_i32 = arith.constant 0 : i32
    %c0_i32_0 = arith.constant 0 : i32
    return %arg0, %c0_i32 : i32, i32
  }
  func.func @transform_5(%arg0: i32) -> (i32, i32) {
    %c0_i32 = arith.constant 0 : i32
    %c0_i32_0 = arith.constant 0 : i32
    return %arg0, %c0_i32 : i32, i32
  }
  func.func @transform_6(%arg0: i32) -> (i32, i32) {
    %c0_i32 = arith.constant 0 : i32
    %c0_i32_0 = arith.constant 0 : i32
    %c0_i32_1 = arith.constant 0 : i32
    return %c0_i32, %c0_i32_0 : i32, i32
  }
  func.func @transform_7(%arg0: i32) -> (i32, i32) {
    %c0_i32 = arith.constant 0 : i32
    %c0_i32_0 = arith.constant 0 : i32
    %c0_i32_1 = arith.constant 0 : i32
    return %c0_i32, %c0_i32_0 : i32, i32
  }
  func.func @transform_8(%arg0: i32) -> (i32, i32) {
    %c0_i32 = arith.constant 0 : i32
    %c0_i32_0 = arith.constant 0 : i32
    %c0_i32_1 = arith.constant 0 : i32
    return %c0_i32, %c0_i32_0 : i32, i32
  }
  func.func @transform_9(%arg0: i32) -> (i32, i32) {
    %c0_i32 = arith.constant 0 : i32
    %c0_i32_0 = arith.constant 0 : i32
    %c0_i32_1 = arith.constant 0 : i32
    return %c0_i32, %c0_i32_0 : i32, i32
  }
  func.func @transform_10(%arg0: i32) -> (i32, i32) {
    %c0_i32 = arith.constant 0 : i32
    %c0_i32_0 = arith.constant 0 : i32
    return %arg0, %c0_i32 : i32, i32
  }
  func.func @transform_11(%arg0: i32) -> (i32, i32) {
    %c0_i32 = arith.constant 0 : i32
    %c0_i32_0 = arith.constant 0 : i32
    return %arg0, %c0_i32 : i32, i32
  }
  func.func @transform_12(%arg0: i32) -> (i32, i32) {
    %c0_i32 = arith.constant 0 : i32
    %c0_i32_0 = arith.constant 0 : i32
    return %arg0, %c0_i32 : i32, i32
  }
  func.func @transform_13(%arg0: i32) -> (i32, i32) {
    %c0_i32 = arith.constant 0 : i32
    %c0_i32_0 = arith.constant 0 : i32
    return %arg0, %c0_i32 : i32, i32
  }
}

module attributes {stable_mosaic.version = 14 : i64} {
  func.func @_final_kernel(%arg0: i32, %arg1: memref<1000x128xf32, #tpu.memory_space<vmem>>, %arg2: memref<1000x128xf32, #tpu.memory_space<vmem>>, %arg3: memref<1000x128xf32, #tpu.memory_space<vmem>>, %arg4: memref<1000x128xf32, #tpu.memory_space<vmem>>, %arg5: memref<1000x128xf32, #tpu.memory_space<vmem>>, %arg6: memref<1000x640xf32, #tpu.memory_space<vmem>>, %arg7: memref<1000x256xf32, #tpu.memory_space<vmem>>) attributes {dimension_semantics = [#tpu.dimension_semantics<arbitrary>], iteration_bounds = array<i64: 10>, scalar_prefetch = 0 : i64, scratch_operands = 0 : i64, tpu.core_type = #tpu.core_type<tc>, window_params = [{transform_indices = @transform_0, window_bounds = array<i64: 1000, 128>}, {transform_indices = @transform_1, window_bounds = array<i64: 1000, 128>}, {transform_indices = @transform_2, window_bounds = array<i64: 1000, 128>}, {transform_indices = @transform_3, window_bounds = array<i64: 1000, 128>}, {transform_indices = @transform_4, window_bounds = array<i64: 1000, 128>}, {transform_indices = @transform_5, window_bounds = array<i64: 1000, 640>}, {transform_indices = @transform_6, window_bounds = array<i64: 1000, 256>}]} {
    %get3A = arith.constant 0 : index
    %get3A_0 = arith.constant 0 : index
    %get3A_1 = vector.load %arg1[%get3A, %get3A_0] : memref<1000x128xf32, #tpu.memory_space<vmem>>, vector<1000x128xf32>
    %mul3A = arith.mulf %get3A_1, %get3A_1 : vector<1000x128xf32>
    %reduce_sum3A = arith.constant dense<0.000000e+00> : vector<1000xf32>
    %reduce_sum3A_2 = vector.multi_reduction <add>, %mul3A, %reduce_sum3A [1] : vector<1000x128xf32> to vector<1000xf32>
    %broadcast_in_dim3A = vector.shape_cast %reduce_sum3A_2 : vector<1000xf32> to vector<1000x1xf32>
    %sqrt3A = math.sqrt %broadcast_in_dim3A : vector<1000x1xf32>
    %add3A = arith.constant 9.99999996E-13 : f32
    %add3A_3 = vector.broadcast %add3A : f32 to vector<1000x1xf32>
    %add3A_4 = arith.addf %sqrt3A, %add3A_3 : vector<1000x1xf32>
    %div3A = vector.broadcast %add3A_4 : vector<1000x1xf32> to vector<1000x128xf32>
    %div3A_5 = arith.divf %get3A_1, %div3A : vector<1000x128xf32>
    %get3A_6 = arith.constant 0 : index
    %get3A_7 = arith.constant 0 : index
    %get3A_8 = vector.load %arg2[%get3A_6, %get3A_7] : memref<1000x128xf32, #tpu.memory_space<vmem>>, vector<1000x128xf32>
    %get3A_9 = arith.constant 0 : index
    %get3A_10 = arith.constant 0 : index
    %get3A_11 = vector.load %arg3[%get3A_9, %get3A_10] : memref<1000x128xf32, #tpu.memory_space<vmem>>, vector<1000x128xf32>
    %get3A_12 = arith.constant 0 : index
    %get3A_13 = arith.constant 0 : index
    %get3A_14 = vector.load %arg4[%get3A_12, %get3A_13] : memref<1000x128xf32, #tpu.memory_space<vmem>>, vector<1000x128xf32>
    %get3A_15 = arith.constant 0 : index
    %get3A_16 = arith.constant 0 : index
    %get3A_17 = vector.load %arg5[%get3A_15, %get3A_16] : memref<1000x128xf32, #tpu.memory_space<vmem>>, vector<1000x128xf32>
    %concatenate3A = tpu.concatenate %div3A_5, %get3A_8, %get3A_11, %get3A_14, %get3A_17 in 1 : vector<1000x128xf32>, vector<1000x128xf32>, vector<1000x128xf32>, vector<1000x128xf32>, vector<1000x128xf32> -> vector<1000x640xf32>
    %mul3A_18 = arith.mulf %concatenate3A, %concatenate3A : vector<1000x640xf32>
    %reduce_sum3A_19 = arith.constant dense<0.000000e+00> : vector<1000xf32>
    %reduce_sum3A_20 = vector.multi_reduction <add>, %mul3A_18, %reduce_sum3A_19 [1] : vector<1000x640xf32> to vector<1000xf32>
    %broadcast_in_dim3A_21 = vector.shape_cast %reduce_sum3A_20 : vector<1000xf32> to vector<1000x1xf32>
    %sqrt3A_22 = math.sqrt %broadcast_in_dim3A_21 : vector<1000x1xf32>
    %add3A_23 = arith.constant 9.99999996E-13 : f32
    %add3A_24 = vector.broadcast %add3A_23 : f32 to vector<1000x1xf32>
    %add3A_25 = arith.addf %sqrt3A_22, %add3A_24 : vector<1000x1xf32>
    %div3A_26 = vector.broadcast %add3A_25 : vector<1000x1xf32> to vector<1000x640xf32>
    %div3A_27 = arith.divf %concatenate3A, %div3A_26 : vector<1000x640xf32>
    %swap3A = arith.constant 0 : index
    %swap3A_28 = arith.constant 0 : index
    %swap3A_29 = vector.load %arg6[%swap3A, %swap3A_28] : memref<1000x640xf32, #tpu.memory_space<vmem>>, vector<1000x640xf32>
    tpu.vector_store %arg6[%swap3A, %swap3A_28], %div3A_27 {strides = array<i32>} : memref<1000x640xf32, #tpu.memory_space<vmem>>, vector<1000x640xf32>,
    %get3A_30 = arith.constant 0 : index
    %get3A_31 = arith.constant 0 : index
    %get3A_32 = vector.load %arg4[%get3A_30, %get3A_31] : memref<1000x128xf32, #tpu.memory_space<vmem>>, vector<1000x128xf32>
    %get3A_33 = arith.constant 0 : index
    %get3A_34 = arith.constant 0 : index
    %get3A_35 = vector.load %arg5[%get3A_33, %get3A_34] : memref<1000x128xf32, #tpu.memory_space<vmem>>, vector<1000x128xf32>
    %concatenate3A_36 = tpu.concatenate %get3A_32, %get3A_35 in 1 : vector<1000x128xf32>, vector<1000x128xf32> -> vector<1000x256xf32>
    %mul3A_37 = arith.mulf %concatenate3A_36, %concatenate3A_36 : vector<1000x256xf32>
    %reduce_sum3A_38 = arith.constant dense<0.000000e+00> : vector<1000xf32>
    %reduce_sum3A_39 = vector.multi_reduction <add>, %mul3A_37, %reduce_sum3A_38 [1] : vector<1000x256xf32> to vector<1000xf32>
    %broadcast_in_dim3A_40 = vector.shape_cast %reduce_sum3A_39 : vector<1000xf32> to vector<1000x1xf32>
    %sqrt3A_41 = math.sqrt %broadcast_in_dim3A_40 : vector<1000x1xf32>
    %add3A_42 = arith.constant 9.99999996E-13 : f32
    %add3A_43 = vector.broadcast %add3A_42 : f32 to vector<1000x1xf32>
    %add3A_44 = arith.addf %sqrt3A_41, %add3A_43 : vector<1000x1xf32>
    %div3A_45 = vector.broadcast %add3A_44 : vector<1000x1xf32> to vector<1000x256xf32>
    %div3A_46 = arith.divf %concatenate3A_36, %div3A_45 : vector<1000x256xf32>
    %swap3A_47 = arith.constant 0 : index
    %swap3A_48 = arith.constant 0 : index
    %swap3A_49 = vector.load %arg7[%swap3A_47, %swap3A_48] : memref<1000x256xf32, #tpu.memory_space<vmem>>, vector<1000x256xf32>
    tpu.vector_store %arg7[%swap3A_47, %swap3A_48], %div3A_46 {strides = array<i32>} : memref<1000x256xf32, #tpu.memory_space<vmem>>, vector<1000x256xf32>,
    return
  }
  func.func @transform_0(%arg0: i32) -> (i32, i32) {
    %c0_i32 = arith.constant 0 : i32
    %c0_i32_0 = arith.constant 0 : i32
    return %arg0, %c0_i32 : i32, i32
  }
  func.func @transform_1(%arg0: i32) -> (i32, i32) {
    %c0_i32 = arith.constant 0 : i32
    %c0_i32_0 = arith.constant 0 : i32
    return %arg0, %c0_i32 : i32, i32
  }
  func.func @transform_2(%arg0: i32) -> (i32, i32) {
    %c0_i32 = arith.constant 0 : i32
    %c0_i32_0 = arith.constant 0 : i32
    return %arg0, %c0_i32 : i32, i32
  }
  func.func @transform_3(%arg0: i32) -> (i32, i32) {
    %c0_i32 = arith.constant 0 : i32
    %c0_i32_0 = arith.constant 0 : i32
    return %arg0, %c0_i32 : i32, i32
  }
  func.func @transform_4(%arg0: i32) -> (i32, i32) {
    %c0_i32 = arith.constant 0 : i32
    %c0_i32_0 = arith.constant 0 : i32
    return %arg0, %c0_i32 : i32, i32
  }
  func.func @transform_5(%arg0: i32) -> (i32, i32) {
    %c0_i32 = arith.constant 0 : i32
    %c0_i32_0 = arith.constant 0 : i32
    return %arg0, %c0_i32 : i32, i32
  }
  func.func @transform_6(%arg0: i32) -> (i32, i32) {
    %c0_i32 = arith.constant 0 : i32
    %c0_i32_0 = arith.constant 0 : i32
    return %arg0, %c0_i32 : i32, i32
  }
}

</mosaic_0001>

<sc_bundles>
// kernel: kernel.15.cloned.1.call-start
scs
__scs_entry_jumppad:
0x0: {  	(pc) =	sbr.rel $0x88, $3  }
0x1: {  	(tag) =	ssettag $0x0;
	lr =	simm.s32 $0x1  }
0x2: {  	[smem:$0x3F8A] =	sst lr;
	_ =	strace $0xD0000000  }
0x3: {  	_ = 	snop  }
0x4: {  	_ = 	snop  }
0x5: {  	_ = 	snop  }
0x6: {  	_ = 	snop  }
0x7: {  	_ = 	snop  }
__scs_overlays_trampoline_lowered:
0x8: {  	[smem:$0x3F99] =	sst s0  }
0x9: {  	[smem:$0x3F9A] =	sst s1  }
0xa: {  	[smem:$0x3F9B] =	sst s2  }
0xb: {  	[smem:$0x3F9C] =	sst s3  }
0xc: {  	[smem:$0x3F9D] =	sst s4  }
0xd: {  	[smem:$0x3F9E] =	sst s5  }
0xe: {  	[smem:$0x3F9F] =	sst s6  }
0xf: {  	[smem:$0x3FA0] =	sst s7  }
0x10: {  	[smem:$0x3FA1] =	sst s8  }
0x11: {  	[smem:$0x3FA2] =	sst s9;
	s0 =	simm.s32 @!p0 $0x0  }
0x12: {  	s1 =	sld [smem:$0x3F88];
	s0 =	simm.s32 @p0 $0x1  }
0x13: {  	[smem:$0x3FA3] =	sst s0;
	s0 =	simm.s32 @!p1 $0x0  }
0x14: {  	s2 =	sld [smem:$0x3F87];
	s0 =	simm.s32 @p1 $0x1  }
0x15: {  	[smem:$0x3FA4] =	sst s0;
	s0 =	simm.s32 @!p2 $0x0  }
0x16: {  	s3 =	sld [smem:$0x3FDB];
	s0 =	simm.s32 @p2 $0x1  }
0x17: {  	s4 =	simm.s32 $0x1BF5;
	[smem:$0x3FA6] =	sst s0  }
0x18: {  	s0 =	sld [smem:$0x3F89];
	_ =	swait.ge [sflag:s4], $0x0  }
0x19: {  	s7 =	sld [smem:$0x3F8A]  }
0x1a: {  	s8 =	sadd.s32 $0xFFFFE003, lr  }
0x1b: {  	s9 =	sadd.s32 $0xFFFFFEF7, lr;
	s5 =	simm.s32 $0xFFFFFFFF;
	p2 =	slt.u32 s8, $0xFFFFF086  }
0x1c: {  	p1 =	slt.u32 s9, $0xF7A;
	s5 =	simm.s32 @!p2 $0x0  }
0x1d: {  	s5 =	simm.s32 @p1 $0x1;
	p0 =	seq.s32 s7, s2  }
0x1e: {  	s7 =	smul.u32 @!p0 $0xF7A, s2;
	p2 =	seq.s32 @!p0 s5, $0x0  }
0x1f: {  	s9 =	smul.u32 $0xF7A, s1;
	s8 =	simm.s32 @!p0 $0x1BF5;
	p2 =	por !p2, p0  }
0x20: {  	[sflag:s8] =	ssyncset.s32 @!p0 $0xFFFFF086;
	s6 =	sadd.s32 @!p0 s3, s7;
	s7 =	simm.s32 @!p0 $0x108  }
0x21: {  	s3 =	sadd.s32 s3, s9;
	s6 =	sadd.s32 @!p0 $0x88, s6;
	s7 =	simm.s32 @p2 $0x1082  }
0x22: {  	[simem:s7], [sflag:s8] =	dma.local @!p0 [hbm:s6], $0xF7A  }
0x23: {  	s9 =	sor.u32 $0xD0000000, s2;
	s6 =	simm.s32 $0x108;
	_ =	swait.ge @!p0 [sflag:s8], $0x0  }
0x24: {  	s3 =	sadd.s32 $0x88, s3;
	s6 =	simm.s32 @!p1 $0x1082;
	[sflag:s4] =	ssyncset.s32 $0xFFFFF086  }
0x25: {  	[simem:s6], [sflag:s4] =	dma.local [hbm:s3], $0xF7A  }
0x26: {  	[smem:$0x3F8A] =	sst s1;
	(tag) =	ssettag s2;
	_ =	strace s9  }
0x27: {  	s1 =	sld [smem:$0x3F9A]  }
0x28: {  	s2 =	sld [smem:$0x3F9B]  }
0x29: {  	s4 =	sld [smem:$0x3F9D]  }
0x2a: {  	p0 =	seq.s32 s5, $0x0;
	s5 =	sld [smem:$0x3F9E]  }
0x2b: {  	s6 =	sld [smem:$0x3F9F]  }
0x2c: {  	s7 =	sld [smem:$0x3FA0]  }
0x2d: {  	s3 =	simm.s32 $0x108;
	s8 =	sld [smem:$0x3FA1]  }
0x2e: {  	s3 =	simm.s32 @!p0 $0x1082;
	s9 =	sld [smem:$0x3FA2]  }
0x2f: {  	lr =	sadd.s32 s0, s3;
	s0 =	sld [smem:$0x3F99]  }
0x30: {  	s3 =	sld [smem:$0x3F9C]  }
0x31: {  	[smem:$0x3FA5] =	sst s10  }
0x32: {  	s10 =	sld [smem:$0x3FA3];
	_ =	sdelay $0x3  }
0x33: {  	p0 =	seq.s32 s10, $0x1;
	s10 =	sld [smem:$0x3FA5];
	_ =	sdelay $0x3  }
0x34: {  	[smem:$0x3FA5] =	sst s10  }
0x35: {  	s10 =	sld [smem:$0x3FA4];
	_ =	sdelay $0x3  }
0x36: {  	p1 =	seq.s32 s10, $0x1;
	s10 =	sld [smem:$0x3FA5];
	_ =	sdelay $0x3  }
0x37: {  	[smem:$0x3FA5] =	sst s10  }
0x38: {  	s10 =	sld [smem:$0x3FA6]  }
0x39: {  	_ = 	snop;
	(pc) =	sbr.ind lr, $3  }
0x3a: {  	_ = 	snop  }
0x3b: {  	_ = 	snop  }
0x3c: {  	p2 =	seq.s32 s10, $0x1;
	s10 =	sld [smem:$0x3FA5]  }
0x3d: {  	_ =	shalt  }
0x3e: {  	_ =	shalt  }
0x3f: {  	_ =	shalt  }
0x40: {  	_ =	shalt  }
0x41: {  	_ =	shalt  }
0x42: {  	_ =	shalt  }
0x43: {  	_ =	shalt  }
0x44: {  	_ =	shalt  }
0x45: {  	_ =	shalt  }
0x46: {  	_ =	shalt  }
0x47: {  	_ =	shalt  }
0x48: {  	_ =	shalt  }
0x49: {  	_ =	shalt  }
0x4a: {  	_ =	shalt  }
0x4b: {  	_ =	shalt  }
0x4c: {  	_ =	shalt  }
0x4d: {  	_ =	shalt  }
0x4e: {  	_ =	shalt  }
0x4f: {  	_ =	shalt  }
0x50: {  	_ =	shalt  }
0x51: {  	_ =	shalt  }
0x52: {  	_ =	shalt  }
0x53: {  	_ =	shalt  }
0x54: {  	_ =	shalt  }
0x55: {  	_ =	shalt  }
0x56: {  	_ =	shalt  }
0x57: {  	_ =	shalt  }
0x58: {  	_ =	shalt  }
0x59: {  	_ =	shalt  }
0x5a: {  	_ =	shalt  }
0x5b: {  	_ =	shalt  }
0x5c: {  	_ =	shalt  }
0x5d: {  	_ =	shalt  }
0x5e: {  	_ =	shalt  }
0x5f: {  	_ =	shalt  }
0x60: {  	_ =	shalt  }
0x61: {  	_ =	shalt  }
0x62: {  	_ =	shalt  }
0x63: {  	_ =	shalt  }
0x64: {  	_ =	shalt  }
0x65: {  	_ =	shalt  }
0x66: {  	_ =	shalt  }
0x67: {  	_ =	shalt  }
0x68: {  	_ =	shalt  }
0x69: {  	_ =	shalt  }
0x6a: {  	_ =	shalt  }
0x6b: {  	_ =	shalt  }
0x6c: {  	_ =	shalt  }
0x6d: {  	_ =	shalt  }
0x6e: {  	_ =	shalt  }
0x6f: {  	_ =	shalt  }
0x70: {  	_ =	shalt  }
0x71: {  	_ =	shalt  }
0x72: {  	_ =	shalt  }
0x73: {  	_ =	shalt  }
0x74: {  	_ =	shalt  }
0x75: {  	_ =	shalt  }
0x76: {  	_ =	shalt  }
0x77: {  	_ =	shalt  }
0x78: {  	_ =	shalt  }
0x79: {  	_ =	shalt  }
0x7a: {  	_ =	shalt  }
0x7b: {  	_ =	shalt  }
0x7c: {  	_ =	shalt  }
0x7d: {  	_ =	shalt  }
0x7e: {  	_ =	shalt  }
0x7f: {  	_ =	shalt  }
0x80: {  	_ =	shalt  }
0x81: {  	_ =	shalt  }
0x82: {  	_ =	shalt  }
0x83: {  	_ =	shalt  }
0x84: {  	_ =	shalt  }
0x85: {  	_ =	shalt  }
0x86: {  	_ =	shalt  }
0x87: {  	_ =	shalt  }
.Lfunc_end0:
.L_simem_size_0:
called_computation_lowered:
.L_overlay_start_0:
0x88: {  	s2 =	sld [smem:$0x3FD9]  }
0x89: {  	s3 =	sld [smem:$0x3FFE];
	_ =	sdelay $0x1  }
0x8a: {  	s1 =	srdreg.scid  }
0x8b: {  	s0 =	sand.u32 $0x1, s1  }
0x8c: {  	s14 =	sshll.u32 s0, $0xA;
	s2 =	sadd.s32 s3, s2  }
0x8d: {  	s2 =	sadd.s32 s2, s14  }
0x8e: {  	[smem:$0x3FB1] =	sst s2  }
0x8f: {  	_ = 	snop  }
0x90: {  	s2 =	sld [smem:$0x3FD0];
	_ =	sdelay $0x2  }
0x91: {  	s15 =	simm.s32 $0xD;
	s4 =	simm.s32 $0x10  }
0x92: {  	[smem:s4], [sflag:s15] =	dma.local [hbm:s2], $0x1  }
0x93: {  	_ =	swait.eq [sflag:s15], $0x1  }
0x94: {  	[sflag:s15] =	ssyncset.done $0x0  }
0x95: {  	[sflag:s15] =	ssyncadd.s32 $0xFFFFFFFF  }
0x96: {  	s16 =	sld [smem:$0x12];
	(tm) =	ssettm $0x1  }
0x97: {  	s17 =	sld [smem:$0x3FFB];
	_ =	sdelay $0x3  }
0x98: {  	_ =	strace s17  }
0x99: {  	s3 =	sld [smem:$0x3FFC];
	_ =	sdelay $0x3  }
0x9a: {  	_ =	strace s3  }
0x9b: {  	s3 =	sld [smem:$0x3FFD];
	_ =	sdelay $0x3  }
0x9c: {  	_ =	strace s3  }
0x9d: {  	_ =	strace $0x8FFFFFFF  }
0x9e: {  	s18 =	sld [smem:$0x3FDB];
	_ =	sdelay $0x1  }
0x9f: {  	s19 =	simm.s32 $_scs_section_size  }
0xa0: {  	s5 =	simm.s32 $_size__tile_overlayer_lowered;
	s6 =	simm.s32 $_tile_overlayer_lowered  }
0xa1: {  	s22 =	simm.s32 $0x1BFF;
	s21 =	sshll.u32 s6, $0x1;
	s3 =	sadd.s32 s19, s18  }
0xa2: {  	s7 =	simm.s32 $0x0;
	s20 =	sshll.u32 s5, $0x1;
	s5 =	sadd.s32 s21, s3  }
0xa3: {  	[timem:s7], [sflag:s22] =	dma.local [hbm:s5], s20  }
0xa4: {  	_ =	swait.ge [sflag:s22], s20  }
0xa5: {  	s4 =	ssub.s32 $0x0, s20;
	[sflag:s22] =	ssyncset.done $0x0  }
0xa6: {  	[sflag:s22] =	ssyncadd.s32 s4;
	_ =	sdelay $0x1  }
0xa7: {  	s23 =	simm.s32 $0x1B8B  }
0xa8: {  	_ =	swait.ge [sflag:s23], $0x1  }
0xa9: {  	[sflag:s23] =	ssyncset.done $0x0  }
0xaa: {  	s25 =	simm.s32 $0x1B8E;
	s24 =	sld [smem:$0x3FFE];
	[sflag:s23] =	ssyncadd.s32 $0xFFFFFFFF  }
0xab: {  	s26 =	simm.s32 $execute0_lowered;
	[smem:$0x3FD2] =	sst s25  }
0xac: {  	s5 =	sshll.u32 s26, $0x1;
	_ =	strace $0x80000046;
	[dreg:$0x1] =	wrdreg $0xFFFFFFFF  }
0xad: {  	s28 =	simm.s32 $_size_execute0_lowered;
	s3 =	sadd.s32 s3, s5;
	[dreg:$0x0] =	wrdreg $0x0  }
0xae: {  	s5 =	sshll.u32 s28, $0x1;
	[dreg:$0x2] =	wrdreg s3  }
0xaf: {  	[dreg:$0x3] =	wrdreg s5  }
0xb0: {  	[dreg:$0x4] =	wrdreg $0xC0  }
0xb1: {  	_ =	task [dreg:s7], $0x5FFFF  }
0xb2: {  	[dreg:$0x1] =	wrdreg $0xFFFFFFFF  }
0xb3: {  	[dreg:$0x0] =	wrdreg $0x60  }
0xb4: {  	[dreg:$0x2] =	wrdreg s16  }
0xb5: {  	[dreg:$0x3] =	wrdreg s24  }
0xb6: {  	[dreg:$0x4] =	wrdreg $0x9  }
0xb7: {  	_ =	task.clear_ibuf [dreg:s7], $0x5FFFF;
	_ =	strace $0x90000046  }
0xb8: {  	s29 =	simm.s32 $0x9;
	_ =	strace $0x80000048  }
0xb9: {  	_ =	swait.ge [sflag:s29], $0x1  }
0xba: {  	[sflag:s29] =	ssyncadd.s32 $0xFFFFFFFF  }
0xbb: {  	_ =	strace $0x90000048  }
0xbc: {  	_ =	sfence  }
0xbd: {  	s30 =	sld [smem:$0x0];
	_ =	sdelay $0x2  }
0xbe: {  	s31 =	sshll.u32 s1, $0xD;
	s1 =	sshrl.u32 s1, $0x2  }
0xbf: {  	s3 =	sand.u32 $0x4000, s31;
	s1 =	sadd.s32 s1, s30  }
0xc0: {  	s0 =	sor.u32 s3, s0;
	s1 =	sshll.u32 s1, $0x11  }
0xc1: {  	s0 =	sor.u32 s1, s0  }
0xc2: {  	s0 =	sadd.s32 $0x8F2B, s0  }
0xc3: {  	[sflag:s0] =	ssyncadd.remote.s32 $0x1  }
0xc4: {  	_ =	sfence.sel $0xFFFF  }
0xc5: {  	[dreg:$0x0] =	wrdreg $0xFFFFFFFF;
	(pc) =	sbr.abs _section_cstart, $3  }
0xc6: {  	[dreg:$0x1] =	wrdreg $0xFFFFFFFF  }
0xc7: {  	_ =	task.clear_ibuf [dreg:s7], $0x2FFFF;
	_ =	strace $0x9FFFFFFF  }
0xc8: {  	(tm) =	ssettm $0x7FFFFFFF  }
0xc9: {  	_ =	shalt  }
tec
execute0_lowered:
.L_overlay_start_1:
0x0: {  	(tag) =	ssettag $0x1  }
0x1: {  	s0 =	srdreg.scid  }
0x2: {  	s3 =	sand.u32 $0x1, s0  }
0x3: {  	s0 =	stileid.u32;
	s1 =	sshll.u32 s3, $0x4  }
0x4: {  	s5 =	rddreg [dreg:$0x0];
	s4 =	sor.u32 s0, s1  }
0x5: {  	s6 =	rddreg [dreg:$0x1];
	s2 =	simm.s32 $0x0;
	s1 =	sshrl.u32 s4, $0x3  }
0x6: {  	s9 =	simm.s32 $0x400;
	s8 =	sshll.u32 s0, $0x7;
	s7 =	smul.u32 $0x13C00, s1  }
0x7: {  	s10 =	simm.s32 $0x0;
	s3 =	ssub.s32 $0x2, s3;
	s8 =	sand.u32 $0x380, s8  }
0x8: {  	[smem:$0x7FF] =	sst s2;
	s31 =	sshrl.u32 s3, $0x1;
	s7 =	sor.u32 s8, s7  }
0x9: {  	s4 =	sshll.u32 s4, $0xB;
	s1 =	rddreg [dreg:$0x2];
	s7 =	sshrl.u32 s7, $0x3  }
0xa: {  	_ =	strace $0x80000047;
	s8 =	simm.s32 $0x80;
	s6 =	sadd.s32 s7, s6  }
0xb: {  	s7 =	ssub.s32 s3, s31;
	s3 =	sadd.s32 s5, s4;
	s4 =	sadd.s32 $0x7600, s6  }
0xc: {  	v0 =	vimm.f32 $0.0e+00;
	v1 =	vimm.f32 $1.000000000e+00;
	s5 =	smax.u32 s7, $0x1;
	s6 =	simm.s32 $0x1;
	s7 =	simm.s32 $0x4000  }
.LBB2_1:
0xd: {  	[tilespmem:s2], [sflag:$0x1] =	stream.linear.gather [hbm4b:s3+s2], $0x3E80, $0x38;
	[tilespmem:$0x6780] =	vst v63  }
0xe: {  	_ =	swait.ge [sflag:s6], $0x3E80  }
0xf: {  	[sflag:s6] =	ssyncset.done $0x0  }
0x10: {  	s11 =	simm.s32 $0x0;
	[sflag:s6] =	ssyncadd.s32 $0xFFFFC180  }
.LBB2_2:
0x11: {  	p0 =	sne.s32 s11, $0x9DC0  }
.Ltmp0:
0x12: {  	_ = 	snop;
	(pc) =	sbr.rel @p0 .LBB2_2-.Ltmp0, $3  }
0x13: {  	_ =	sdelay $0x1  }
0x14: {  	s12 =	sshra.s32 s11, $0x2  }
0x15: {  	s11 =	sadd.s32 $0x40, s11;
	[tilespmem:s12+$0x4000] =	vst v0  }
0x16: {  	s11 =	simm.s32 $0x0  }
0x17: {  	s11 =	smul.u32 $0xCCCD, s11;
	_ =	sdelay $0x1  }
0x18: {  	s11 =	sshrl.u32 s11, $0x12  }
0x19: {  	s12 =	smul.u32 $0x5, s11;
	_ =	sdelay $0x1  }
0x1a: {  	s12 =	ssub.s32 $0x0, s12  }
0x1b: {  	s12 =	sand.u32 $0xFFFF, s12  }
0x1c: {  	s13 =	sshll.u32 s11, $0x7;
	s12 =	sshll.u32 s12, $0x4  }
0x1d: {  	s11 =	simm.s32 $0x1;
	s14 =	sor.u32 s12, s13  }
0x1e: {  	s13 =	smul.u32 $0xCCCD, s11;
	s12 =	simm.s32 $0x2;
	v2 =	vld [tilespmem:s14+$0x0]  }
.LBB2_4:
0x1f: {  	p0 =	sne.s32 s12, $0x270  }
0x20: {  	s13 =	sshrl.u32 s13, $0x12  }
0x21: {  	s14 =	smul.u32 $0x5, s13;
	_ =	sdelay $0x1  }
.Ltmp1:
0x22: {  	s14 =	ssub.s32 s11, s14;
	s11 =	smov.u32 s12;
	(pc) =	sbr.rel @p0 .LBB2_4-.Ltmp1, $4  }
0x23: {  	s14 =	sand.u32 $0xFFFF, s14  }
0x24: {  	s13 =	sshll.u32 s13, $0x7;
	s14 =	sshll.u32 s14, $0x4  }
0x25: {  	s14 =	sor.u32 s14, s13;
	[tilespmem:v2+s7+$0x0] =	vst.idx.add.f32.msk $0xffff, v1  }
0x26: {  	s12 =	sadd.s32 $0x1, s12;
	s13 =	smul.u32 $0xCCCD, s11;
	v2 =	vld [tilespmem:s14+$0x0]  }
0x27: {  	_ =	sdelay $0x1  }
0x28: {  	s12 =	sshrl.u32 s13, $0x12  }
0x29: {  	s13 =	smul.u32 $0x5, s12;
	_ =	sdelay $0x1  }
0x2a: {  	s11 =	ssub.s32 s11, s13  }
0x2b: {  	s11 =	sand.u32 $0xFFFF, s11  }
0x2c: {  	s12 =	sshll.u32 s12, $0x7;
	s11 =	sshll.u32 s11, $0x4  }
0x2d: {  	[tilespmem:v2+s7+$0x0] =	vst.idx.add.f32.msk $0xffff, v1;
	s11 =	sor.u32 s11, s12  }
0x2e: {  	v2 =	vld [tilespmem:s11+$0x0];
	_ =	sdelay $0x5  }
0x2f: {  	s10 =	sadd.s32 $0x1, s10  }
0x30: {  	p0 =	sne.s32 s10, s5  }
.Ltmp2:
0x31: {  	[tilespmem:v2+s7+$0x0] =	vst.idx.add.f32.msk $0xffff, v1;
	(pc) =	sbr.rel @p0 .LBB2_1-.Ltmp2, $4  }
0x32: {  	[hbm4b:s4+s8] =	stream.strided.scatter [tilespmem:s7], [sflag:$0x1], $0x2780, s9, s8, $0x38;
	[tilespmem:$0x6780] =	vst v63  }
0x33: {  	_ =	swait.ge [sflag:s6], $0x2780  }
0x34: {  	[sflag:s6] =	ssyncset.done $0x0  }
0x35: {  	[sflag:s6] =	ssyncadd.s32 $0xFFFFD880  }
0x36: {  	_ =	sfence.sel $0x180000  }
0x37: {  	[bflag:$0x0] =	sbarrier.arrive $0xFFFF  }
0x38: {  	p0 =	sne.s32 s0, $0x0;
	_ =	strace $0x90000047  }
0x39: {  	s0 =	sadd.s32 @!p0 $0x100000, s1;
	[bflag:$0x2] =	sbarrier.arrive $0xFFFF  }
0x3a: {  	[sflag:s0] =	ssyncadd.tile.s32 @!p0 $0x1;
	_ =	shalt  }
.Lfunc_end2:
_tile_overlayer_lowered:
.L_overlay_start_2:
0x3b: {  	(tag) =	ssettag $0x2  }
0x3c: {  	s0 =	rddreg [dreg:$0x0];
	s2 =	stileid.u32  }
0x3d: {  	s1 =	rddreg [dreg:$0x1];
	p0 =	sne.s32 s2, $0x0  }
0x3e: {  	s3 =	rddreg [dreg:$0x2];
	[bflag:$0x3] =	sbarrier.arrive $0xFFFF;
	s2 =	simm.s32 @!p0 $0x1C01  }
0x3f: {  	[timem:s3], [sflag:s2] =	dma.local @!p0 [hbm:s0], s1  }
0x40: {  	s0 =	simm.s32 @!p0 $0x1  }
0x41: {  	_ =	swait.ge @!p0 [sflag:s0], s1  }
0x42: {  	s1 =	ssub.s32 @!p0 $0x0, s1;
	[sflag:s0] =	ssyncset.done @!p0 $0x0  }
0x43: {  	[sflag:s0] =	ssyncadd.s32 @!p0 s1  }
0x44: {  	[bflag:$0x3] =	sbarrier.arrive $0xFFFF  }
0x45: {  	_ =	shalt  }

// kernel: kernel.18.cloned.1.call-start
scs
__scs_entry_jumppad:
0x0: {  	(pc) =	sbr.rel $0x88, $3  }
0x1: {  	(tag) =	ssettag $0x0;
	lr =	simm.s32 $0x1  }
0x2: {  	[smem:$0x3F8A] =	sst lr;
	_ =	strace $0xD0000000  }
0x3: {  	_ = 	snop  }
0x4: {  	_ = 	snop  }
0x5: {  	_ = 	snop  }
0x6: {  	_ = 	snop  }
0x7: {  	_ = 	snop  }
__scs_overlays_trampoline_lowered:
0x8: {  	[smem:$0x3F99] =	sst s0  }
0x9: {  	[smem:$0x3F9A] =	sst s1  }
0xa: {  	[smem:$0x3F9B] =	sst s2  }
0xb: {  	[smem:$0x3F9C] =	sst s3  }
0xc: {  	[smem:$0x3F9D] =	sst s4  }
0xd: {  	[smem:$0x3F9E] =	sst s5  }
0xe: {  	[smem:$0x3F9F] =	sst s6  }
0xf: {  	[smem:$0x3FA0] =	sst s7  }
0x10: {  	[smem:$0x3FA1] =	sst s8  }
0x11: {  	[smem:$0x3FA2] =	sst s9;
	s0 =	simm.s32 @!p0 $0x0  }
0x12: {  	s1 =	sld [smem:$0x3F88];
	s0 =	simm.s32 @p0 $0x1  }
0x13: {  	[smem:$0x3FA3] =	sst s0;
	s0 =	simm.s32 @!p1 $0x0  }
0x14: {  	s2 =	sld [smem:$0x3F87];
	s0 =	simm.s32 @p1 $0x1  }
0x15: {  	[smem:$0x3FA4] =	sst s0;
	s0 =	simm.s32 @!p2 $0x0  }
0x16: {  	s3 =	sld [smem:$0x3FDB];
	s0 =	simm.s32 @p2 $0x1  }
0x17: {  	s4 =	simm.s32 $0x1BF5;
	[smem:$0x3FA6] =	sst s0  }
0x18: {  	s0 =	sld [smem:$0x3F89];
	_ =	swait.ge [sflag:s4], $0x0  }
0x19: {  	s7 =	sld [smem:$0x3F8A]  }
0x1a: {  	s8 =	sadd.s32 $0xFFFFE003, lr  }
0x1b: {  	s9 =	sadd.s32 $0xFFFFFEF7, lr;
	s5 =	simm.s32 $0xFFFFFFFF;
	p2 =	slt.u32 s8, $0xFFFFF086  }
0x1c: {  	p1 =	slt.u32 s9, $0xF7A;
	s5 =	simm.s32 @!p2 $0x0  }
0x1d: {  	s5 =	simm.s32 @p1 $0x1;
	p0 =	seq.s32 s7, s2  }
0x1e: {  	s7 =	smul.u32 @!p0 $0xF7A, s2;
	p2 =	seq.s32 @!p0 s5, $0x0  }
0x1f: {  	s9 =	smul.u32 $0xF7A, s1;
	s8 =	simm.s32 @!p0 $0x1BF5;
	p2 =	por !p2, p0  }
0x20: {  	[sflag:s8] =	ssyncset.s32 @!p0 $0xFFFFF086;
	s6 =	sadd.s32 @!p0 s3, s7;
	s7 =	simm.s32 @!p0 $0x108  }
0x21: {  	s3 =	sadd.s32 s3, s9;
	s6 =	sadd.s32 @!p0 $0x88, s6;
	s7 =	simm.s32 @p2 $0x1082  }
0x22: {  	[simem:s7], [sflag:s8] =	dma.local @!p0 [hbm:s6], $0xF7A  }
0x23: {  	s9 =	sor.u32 $0xD0000000, s2;
	s6 =	simm.s32 $0x108;
	_ =	swait.ge @!p0 [sflag:s8], $0x0  }
0x24: {  	s3 =	sadd.s32 $0x88, s3;
	s6 =	simm.s32 @!p1 $0x1082;
	[sflag:s4] =	ssyncset.s32 $0xFFFFF086  }
0x25: {  	[simem:s6], [sflag:s4] =	dma.local [hbm:s3], $0xF7A  }
0x26: {  	[smem:$0x3F8A] =	sst s1;
	(tag) =	ssettag s2;
	_ =	strace s9  }
0x27: {  	s1 =	sld [smem:$0x3F9A]  }
0x28: {  	s2 =	sld [smem:$0x3F9B]  }
0x29: {  	s4 =	sld [smem:$0x3F9D]  }
0x2a: {  	p0 =	seq.s32 s5, $0x0;
	s5 =	sld [smem:$0x3F9E]  }
0x2b: {  	s6 =	sld [smem:$0x3F9F]  }
0x2c: {  	s7 =	sld [smem:$0x3FA0]  }
0x2d: {  	s3 =	simm.s32 $0x108;
	s8 =	sld [smem:$0x3FA1]  }
0x2e: {  	s3 =	simm.s32 @!p0 $0x1082;
	s9 =	sld [smem:$0x3FA2]  }
0x2f: {  	lr =	sadd.s32 s0, s3;
	s0 =	sld [smem:$0x3F99]  }
0x30: {  	s3 =	sld [smem:$0x3F9C]  }
0x31: {  	[smem:$0x3FA5] =	sst s10  }
0x32: {  	s10 =	sld [smem:$0x3FA3];
	_ =	sdelay $0x3  }
0x33: {  	p0 =	seq.s32 s10, $0x1;
	s10 =	sld [smem:$0x3FA5];
	_ =	sdelay $0x3  }
0x34: {  	[smem:$0x3FA5] =	sst s10  }
0x35: {  	s10 =	sld [smem:$0x3FA4];
	_ =	sdelay $0x3  }
0x36: {  	p1 =	seq.s32 s10, $0x1;
	s10 =	sld [smem:$0x3FA5];
	_ =	sdelay $0x3  }
0x37: {  	[smem:$0x3FA5] =	sst s10  }
0x38: {  	s10 =	sld [smem:$0x3FA6]  }
0x39: {  	_ = 	snop;
	(pc) =	sbr.ind lr, $3  }
0x3a: {  	_ = 	snop  }
0x3b: {  	_ = 	snop  }
0x3c: {  	p2 =	seq.s32 s10, $0x1;
	s10 =	sld [smem:$0x3FA5]  }
0x3d: {  	_ =	shalt  }
0x3e: {  	_ =	shalt  }
0x3f: {  	_ =	shalt  }
0x40: {  	_ =	shalt  }
0x41: {  	_ =	shalt  }
0x42: {  	_ =	shalt  }
0x43: {  	_ =	shalt  }
0x44: {  	_ =	shalt  }
0x45: {  	_ =	shalt  }
0x46: {  	_ =	shalt  }
0x47: {  	_ =	shalt  }
0x48: {  	_ =	shalt  }
0x49: {  	_ =	shalt  }
0x4a: {  	_ =	shalt  }
0x4b: {  	_ =	shalt  }
0x4c: {  	_ =	shalt  }
0x4d: {  	_ =	shalt  }
0x4e: {  	_ =	shalt  }
0x4f: {  	_ =	shalt  }
0x50: {  	_ =	shalt  }
0x51: {  	_ =	shalt  }
0x52: {  	_ =	shalt  }
0x53: {  	_ =	shalt  }
0x54: {  	_ =	shalt  }
0x55: {  	_ =	shalt  }
0x56: {  	_ =	shalt  }
0x57: {  	_ =	shalt  }
0x58: {  	_ =	shalt  }
0x59: {  	_ =	shalt  }
0x5a: {  	_ =	shalt  }
0x5b: {  	_ =	shalt  }
0x5c: {  	_ =	shalt  }
0x5d: {  	_ =	shalt  }
0x5e: {  	_ =	shalt  }
0x5f: {  	_ =	shalt  }
0x60: {  	_ =	shalt  }
0x61: {  	_ =	shalt  }
0x62: {  	_ =	shalt  }
0x63: {  	_ =	shalt  }
0x64: {  	_ =	shalt  }
0x65: {  	_ =	shalt  }
0x66: {  	_ =	shalt  }
0x67: {  	_ =	shalt  }
0x68: {  	_ =	shalt  }
0x69: {  	_ =	shalt  }
0x6a: {  	_ =	shalt  }
0x6b: {  	_ =	shalt  }
0x6c: {  	_ =	shalt  }
0x6d: {  	_ =	shalt  }
0x6e: {  	_ =	shalt  }
0x6f: {  	_ =	shalt  }
0x70: {  	_ =	shalt  }
0x71: {  	_ =	shalt  }
0x72: {  	_ =	shalt  }
0x73: {  	_ =	shalt  }
0x74: {  	_ =	shalt  }
0x75: {  	_ =	shalt  }
0x76: {  	_ =	shalt  }
0x77: {  	_ =	shalt  }
0x78: {  	_ =	shalt  }
0x79: {  	_ =	shalt  }
0x7a: {  	_ =	shalt  }
0x7b: {  	_ =	shalt  }
0x7c: {  	_ =	shalt  }
0x7d: {  	_ =	shalt  }
0x7e: {  	_ =	shalt  }
0x7f: {  	_ =	shalt  }
0x80: {  	_ =	shalt  }
0x81: {  	_ =	shalt  }
0x82: {  	_ =	shalt  }
0x83: {  	_ =	shalt  }
0x84: {  	_ =	shalt  }
0x85: {  	_ =	shalt  }
0x86: {  	_ =	shalt  }
0x87: {  	_ =	shalt  }
.Lfunc_end0:
.L_simem_size_0:
called_computation.1_lowered:
.L_overlay_start_0:
0x88: {  	s2 =	sld [smem:$0x3FD9]  }
0x89: {  	s3 =	sld [smem:$0x3FFE];
	_ =	sdelay $0x1  }
0x8a: {  	s1 =	srdreg.scid  }
0x8b: {  	s0 =	sand.u32 $0x1, s1  }
0x8c: {  	s17 =	sshll.u32 s0, $0xA;
	s2 =	sadd.s32 s3, s2  }
0x8d: {  	s2 =	sadd.s32 s2, s17  }
0x8e: {  	[smem:$0x3FB1] =	sst s2  }
0x8f: {  	_ = 	snop  }
0x90: {  	(tm) =	ssettm $0x1  }
0x91: {  	s18 =	sld [smem:$0x3FFB];
	_ =	sdelay $0x3  }
0x92: {  	_ =	strace s18  }
0x93: {  	s2 =	sld [smem:$0x3FFC];
	_ =	sdelay $0x3  }
0x94: {  	_ =	strace s2  }
0x95: {  	s2 =	sld [smem:$0x3FFD];
	_ =	sdelay $0x3  }
0x96: {  	_ =	strace s2  }
0x97: {  	_ =	strace $0x8FFFFFFF  }
0x98: {  	s19 =	sld [smem:$0x3FDB];
	_ =	sdelay $0x1  }
0x99: {  	s20 =	simm.s32 $_scs_section_size  }
0x9a: {  	s4 =	simm.s32 $_size__tile_overlayer_lowered;
	s5 =	simm.s32 $_tile_overlayer_lowered  }
0x9b: {  	s6 =	simm.s32 $0x1BFF;
	s21 =	sshll.u32 s5, $0x1;
	s3 =	sadd.s32 s20, s19  }
0x9c: {  	s22 =	simm.s32 $0x0;
	s4 =	sshll.u32 s4, $0x1;
	s5 =	sadd.s32 s21, s3  }
0x9d: {  	[timem:s22], [sflag:s6] =	dma.local [hbm:s5], s4  }
0x9e: {  	_ =	swait.ge [sflag:s6], s4  }
0x9f: {  	s4 =	ssub.s32 $0x0, s4;
	[sflag:s6] =	ssyncset.done $0x0  }
0xa0: {  	[sflag:s6] =	ssyncadd.s32 s4;
	_ =	sdelay $0x1  }
0xa1: {  	s23 =	simm.s32 $0x1B8B  }
0xa2: {  	_ =	swait.ge [sflag:s23], $0x1  }
0xa3: {  	[sflag:s23] =	ssyncset.done $0x0  }
0xa4: {  	[sflag:s23] =	ssyncadd.s32 $0xFFFFFFFF  }
0xa5: {  	s4 =	sld [smem:$0x0]  }
0xa6: {  	s5 =	sand.u32 $0xFFFFFFFE, s1  }
0xa7: {  	p0 =	sne.s32 s1, s5  }
0xa8: {  	s5 =	sshll.u32 @p0 s5, $0xE  }
0xa9: {  	s5 =	sadd.s32 @p0 $0x11B8D, s5;
	s6 =	sshll.u32 @p0 s4, $0x11  }
0xaa: {  	s5 =	sor.u32 @p0 s6, s5  }
0xab: {  	[sflag:s5] =	ssyncadd.remote.s32 @p0 $0x1;
	_ =	sdelay $0x1  }
0xac: {  	s5 =	simm.s32 @p0 $0x1B8D  }
0xad: {  	_ =	swait.eq @p0 [sflag:s5], $0x1  }
0xae: {  	[sflag:s5] =	ssyncadd.s32 @p0 $0xFFFFFFFF  }
0xaf: {  	s6 =	sshll.u32 @!p0 s1, $0xE  }
0xb0: {  	s6 =	sor.u32 @!p0 $0x4000, s6;
	s5 =	simm.s32 @!p0 $0x1B8D  }
0xb1: {  	s4 =	sshll.u32 @!p0 s4, $0x11;
	s6 =	sadd.s32 @!p0 $0x11B8D, s6;
	_ =	swait.eq @!p0 [sflag:s5], $0x1  }
0xb2: {  	s4 =	sor.u32 @!p0 s4, s6;
	[sflag:s5] =	ssyncadd.s32 @!p0 $0xFFFFFFFF  }
0xb3: {  	s25 =	simm.s32 $0x1B8E;
	s24 =	sld [smem:$0x3FFE];
	[sflag:s4] =	ssyncadd.remote.s32 @!p0 $0x1  }
0xb4: {  	s26 =	simm.s32 $execute0_lowered;
	[smem:$0x3FD2] =	sst s25  }
0xb5: {  	s5 =	sshll.u32 s26, $0x1;
	_ =	strace $0x80000049;
	[dreg:$0x1] =	wrdreg $0xFFFFFFFF  }
0xb6: {  	s28 =	simm.s32 $_size_execute0_lowered;
	s3 =	sadd.s32 s3, s5;
	[dreg:$0x0] =	wrdreg $0x0  }
0xb7: {  	s5 =	sshll.u32 s28, $0x1;
	[dreg:$0x2] =	wrdreg s3  }
0xb8: {  	[dreg:$0x3] =	wrdreg s5  }
0xb9: {  	[dreg:$0x4] =	wrdreg $0xC0  }
0xba: {  	_ =	task [dreg:s22], $0x5FFFF  }
0xbb: {  	[dreg:$0x1] =	wrdreg $0xFFFFFFFF  }
0xbc: {  	[dreg:$0x0] =	wrdreg $0x60  }
0xbd: {  	[dreg:$0x2] =	wrdreg s24  }
0xbe: {  	[dreg:$0x3] =	wrdreg $0xA  }
0xbf: {  	_ =	task.clear_ibuf [dreg:s22], $0x4FFFF;
	_ =	strace $0x90000049  }
0xc0: {  	s29 =	simm.s32 $0xA;
	_ =	strace $0x8000004B  }
0xc1: {  	_ =	swait.ge [sflag:s29], $0x1  }
0xc2: {  	[sflag:s29] =	ssyncadd.s32 $0xFFFFFFFF  }
0xc3: {  	_ =	strace $0x9000004B  }
0xc4: {  	_ =	sfence  }
0xc5: {  	s30 =	sld [smem:$0x0];
	_ =	sdelay $0x2  }
0xc6: {  	s31 =	sshll.u32 s1, $0xD;
	s1 =	sshrl.u32 s1, $0x2  }
0xc7: {  	s4 =	sand.u32 $0x4000, s31;
	s1 =	sadd.s32 s1, s30  }
0xc8: {  	s0 =	sor.u32 s4, s0;
	s1 =	sshll.u32 s1, $0x11  }
0xc9: {  	s0 =	sor.u32 s1, s0  }
0xca: {  	s0 =	sadd.s32 $0x8F2B, s0  }
0xcb: {  	[sflag:s0] =	ssyncadd.remote.s32 $0x1  }
0xcc: {  	_ =	sfence.sel $0xFFFF  }
0xcd: {  	[dreg:$0x0] =	wrdreg $0xFFFFFFFF;
	(pc) =	sbr.abs _section_cstart, $3  }
0xce: {  	[dreg:$0x1] =	wrdreg $0xFFFFFFFF  }
0xcf: {  	_ =	task.clear_ibuf [dreg:s22], $0x2FFFF;
	_ =	strace $0x9FFFFFFF  }
0xd0: {  	(tm) =	ssettm $0x7FFFFFFF  }
0xd1: {  	_ =	shalt  }
tec
execute0_lowered:
.L_overlay_start_1:
0x0: {  	(tag) =	ssettag $0x1  }
0x1: {  	s0 =	srdreg.scid  }
0x2: {  	s4 =	rddreg [dreg:$0x0];
	s3 =	sand.u32 $0x1, s0  }
0x3: {  	s2 =	simm.s32 $0x0;
	s0 =	stileid.u32;
	s1 =	sshll.u32 s3, $0x4  }
0x4: {  	s8 =	simm.s32 $0x80;
	s9 =	simm.s32 $0x400;
	s5 =	sor.u32 s0, s1  }
0x5: {  	s10 =	simm.s32 $0x0;
	[smem:$0x7FF] =	sst s2;
	s6 =	sshrl.u32 s5, $0x3  }
0x6: {  	s7 =	sshll.u32 s0, $0x7;
	s3 =	ssub.s32 $0x2, s3;
	s6 =	smul.u32 $0x13C00, s6  }
0x7: {  	s1 =	rddreg [dreg:$0x1];
	s7 =	sand.u32 $0x380, s7;
	_ =	strace $0x8000004A  }
0x8: {  	s31 =	sshrl.u32 s3, $0x1;
	s5 =	sshll.u32 s5, $0xB;
	s6 =	sor.u32 s7, s6  }
0x9: {  	s5 =	sadd.s32 s5, s4;
	s7 =	simm.s32 $0x4000;
	s6 =	sshrl.u32 s6, $0x3  }
0xa: {  	s4 =	sadd.s32 s6, s4;
	s6 =	ssub.s32 s3, s31;
	s3 =	sadd.s32 $0x11400, s5  }
0xb: {  	v0 =	vimm.f32 $0.0e+00;
	v1 =	vimm.f32 $1.000000000e+00;
	s4 =	sadd.s32 $0x21400, s4;
	s5 =	smax.u32 s6, $0x1;
	s6 =	simm.s32 $0x1  }
.LBB2_1:
0xc: {  	[tilespmem:s2], [sflag:$0x1] =	stream.linear.gather [hbm4b:s3+s2], $0x3E80, $0x38;
	[tilespmem:$0x6780] =	vst v63  }
0xd: {  	_ =	swait.ge [sflag:s6], $0x3E80  }
0xe: {  	[sflag:s6] =	ssyncset.done $0x0  }
0xf: {  	s11 =	simm.s32 $0x0;
	[sflag:s6] =	ssyncadd.s32 $0xFFFFC180  }
.LBB2_2:
0x10: {  	p0 =	sne.s32 s11, $0x9DC0  }
.Ltmp0:
0x11: {  	_ = 	snop;
	(pc) =	sbr.rel @p0 .LBB2_2-.Ltmp0, $3  }
0x12: {  	_ =	sdelay $0x1  }
0x13: {  	s12 =	sshra.s32 s11, $0x2  }
0x14: {  	s11 =	sadd.s32 $0x40, s11;
	[tilespmem:s12+$0x4000] =	vst v0  }
0x15: {  	s11 =	simm.s32 $0x0  }
0x16: {  	s11 =	smul.u32 $0xCCCD, s11;
	_ =	sdelay $0x1  }
0x17: {  	s11 =	sshrl.u32 s11, $0x12  }
0x18: {  	s12 =	smul.u32 $0x5, s11;
	_ =	sdelay $0x1  }
0x19: {  	s12 =	ssub.s32 $0x0, s12  }
0x1a: {  	s12 =	sand.u32 $0xFFFF, s12  }
0x1b: {  	s13 =	sshll.u32 s11, $0x7;
	s12 =	sshll.u32 s12, $0x4  }
0x1c: {  	s11 =	simm.s32 $0x1;
	s14 =	sor.u32 s12, s13  }
0x1d: {  	s13 =	smul.u32 $0xCCCD, s11;
	s12 =	simm.s32 $0x2;
	v2 =	vld [tilespmem:s14+$0x0]  }
.LBB2_4:
0x1e: {  	p0 =	sne.s32 s12, $0x270  }
0x1f: {  	s13 =	sshrl.u32 s13, $0x12  }
0x20: {  	s14 =	smul.u32 $0x5, s13;
	_ =	sdelay $0x1  }
.Ltmp1:
0x21: {  	s14 =	ssub.s32 s11, s14;
	s11 =	smov.u32 s12;
	(pc) =	sbr.rel @p0 .LBB2_4-.Ltmp1, $4  }
0x22: {  	s14 =	sand.u32 $0xFFFF, s14  }
0x23: {  	s13 =	sshll.u32 s13, $0x7;
	s14 =	sshll.u32 s14, $0x4  }
0x24: {  	s14 =	sor.u32 s14, s13;
	[tilespmem:v2+s7+$0x0] =	vst.idx.add.f32.msk $0xffff, v1  }
0x25: {  	s12 =	sadd.s32 $0x1, s12;
	s13 =	smul.u32 $0xCCCD, s11;
	v2 =	vld [tilespmem:s14+$0x0]  }
0x26: {  	_ =	sdelay $0x1  }
0x27: {  	s12 =	sshrl.u32 s13, $0x12  }
0x28: {  	s13 =	smul.u32 $0x5, s12;
	_ =	sdelay $0x1  }
0x29: {  	s11 =	ssub.s32 s11, s13  }
0x2a: {  	s11 =	sand.u32 $0xFFFF, s11  }
0x2b: {  	s12 =	sshll.u32 s12, $0x7;
	s11 =	sshll.u32 s11, $0x4  }
0x2c: {  	[tilespmem:v2+s7+$0x0] =	vst.idx.add.f32.msk $0xffff, v1;
	s11 =	sor.u32 s11, s12  }
0x2d: {  	v2 =	vld [tilespmem:s11+$0x0];
	_ =	sdelay $0x5  }
0x2e: {  	s10 =	sadd.s32 $0x1, s10  }
0x2f: {  	p0 =	sne.s32 s10, s5  }
.Ltmp2:
0x30: {  	[tilespmem:v2+s7+$0x0] =	vst.idx.add.f32.msk $0xffff, v1;
	(pc) =	sbr.rel @p0 .LBB2_1-.Ltmp2, $4  }
0x31: {  	[hbm4b:s4+s8] =	stream.strided.scatter [tilespmem:s7], [sflag:$0x1], $0x2780, s9, s8, $0x38;
	[tilespmem:$0x6780] =	vst v63  }
0x32: {  	_ =	swait.ge [sflag:s6], $0x2780  }
0x33: {  	[sflag:s6] =	ssyncset.done $0x0  }
0x34: {  	[sflag:s6] =	ssyncadd.s32 $0xFFFFD880  }
0x35: {  	_ =	sfence.sel $0x180000  }
0x36: {  	[bflag:$0x0] =	sbarrier.arrive $0xFFFF  }
0x37: {  	p0 =	sne.s32 s0, $0x0;
	_ =	strace $0x9000004A  }
0x38: {  	s0 =	sadd.s32 @!p0 $0x100000, s1;
	[bflag:$0x2] =	sbarrier.arrive $0xFFFF  }
0x39: {  	[sflag:s0] =	ssyncadd.tile.s32 @!p0 $0x1;
	_ =	shalt  }
.Lfunc_end2:
_tile_overlayer_lowered:
.L_overlay_start_2:
0x3a: {  	(tag) =	ssettag $0x2  }
0x3b: {  	s0 =	rddreg [dreg:$0x0];
	s2 =	stileid.u32  }
0x3c: {  	s1 =	rddreg [dreg:$0x1];
	p0 =	sne.s32 s2, $0x0  }
0x3d: {  	s3 =	rddreg [dreg:$0x2];
	[bflag:$0x3] =	sbarrier.arrive $0xFFFF;
	s2 =	simm.s32 @!p0 $0x1C01  }
0x3e: {  	[timem:s3], [sflag:s2] =	dma.local @!p0 [hbm:s0], s1  }
0x3f: {  	s0 =	simm.s32 @!p0 $0x1  }
0x40: {  	_ =	swait.ge @!p0 [sflag:s0], s1  }
0x41: {  	s1 =	ssub.s32 @!p0 $0x0, s1;
	[sflag:s0] =	ssyncset.done @!p0 $0x0  }
0x42: {  	[sflag:s0] =	ssyncadd.s32 @!p0 s1  }
0x43: {  	[bflag:$0x3] =	sbarrier.arrive $0xFFFF  }
0x44: {  	_ =	shalt  }

// kernel: kernel.21.cloned.1.call-start
scs
__scs_entry_jumppad:
0x0: {  	(pc) =	sbr.rel $0x88, $3  }
0x1: {  	(tag) =	ssettag $0x0;
	lr =	simm.s32 $0x1  }
0x2: {  	[smem:$0x3F8A] =	sst lr;
	_ =	strace $0xD0000000  }
0x3: {  	_ = 	snop  }
0x4: {  	_ = 	snop  }
0x5: {  	_ = 	snop  }
0x6: {  	_ = 	snop  }
0x7: {  	_ = 	snop  }
__scs_overlays_trampoline_lowered:
0x8: {  	[smem:$0x3F99] =	sst s0  }
0x9: {  	[smem:$0x3F9A] =	sst s1  }
0xa: {  	[smem:$0x3F9B] =	sst s2  }
0xb: {  	[smem:$0x3F9C] =	sst s3  }
0xc: {  	[smem:$0x3F9D] =	sst s4  }
0xd: {  	[smem:$0x3F9E] =	sst s5  }
0xe: {  	[smem:$0x3F9F] =	sst s6  }
0xf: {  	[smem:$0x3FA0] =	sst s7  }
0x10: {  	[smem:$0x3FA1] =	sst s8  }
0x11: {  	[smem:$0x3FA2] =	sst s9;
	s0 =	simm.s32 @!p0 $0x0  }
0x12: {  	s1 =	sld [smem:$0x3F88];
	s0 =	simm.s32 @p0 $0x1  }
0x13: {  	[smem:$0x3FA3] =	sst s0;
	s0 =	simm.s32 @!p1 $0x0  }
0x14: {  	s2 =	sld [smem:$0x3F87];
	s0 =	simm.s32 @p1 $0x1  }
0x15: {  	[smem:$0x3FA4] =	sst s0;
	s0 =	simm.s32 @!p2 $0x0  }
0x16: {  	s3 =	sld [smem:$0x3FDB];
	s0 =	simm.s32 @p2 $0x1  }
0x17: {  	s4 =	simm.s32 $0x1BF5;
	[smem:$0x3FA6] =	sst s0  }
0x18: {  	s0 =	sld [smem:$0x3F89];
	_ =	swait.ge [sflag:s4], $0x0  }
0x19: {  	s7 =	sld [smem:$0x3F8A]  }
0x1a: {  	s8 =	sadd.s32 $0xFFFFE003, lr  }
0x1b: {  	s9 =	sadd.s32 $0xFFFFFEF7, lr;
	s5 =	simm.s32 $0xFFFFFFFF;
	p2 =	slt.u32 s8, $0xFFFFF086  }
0x1c: {  	p1 =	slt.u32 s9, $0xF7A;
	s5 =	simm.s32 @!p2 $0x0  }
0x1d: {  	s5 =	simm.s32 @p1 $0x1;
	p0 =	seq.s32 s7, s2  }
0x1e: {  	s7 =	smul.u32 @!p0 $0xF7A, s2;
	p2 =	seq.s32 @!p0 s5, $0x0  }
0x1f: {  	s9 =	smul.u32 $0xF7A, s1;
	s8 =	simm.s32 @!p0 $0x1BF5;
	p2 =	por !p2, p0  }
0x20: {  	[sflag:s8] =	ssyncset.s32 @!p0 $0xFFFFF086;
	s6 =	sadd.s32 @!p0 s3, s7;
	s7 =	simm.s32 @!p0 $0x108  }
0x21: {  	s3 =	sadd.s32 s3, s9;
	s6 =	sadd.s32 @!p0 $0x88, s6;
	s7 =	simm.s32 @p2 $0x1082  }
0x22: {  	[simem:s7], [sflag:s8] =	dma.local @!p0 [hbm:s6], $0xF7A  }
0x23: {  	s9 =	sor.u32 $0xD0000000, s2;
	s6 =	simm.s32 $0x108;
	_ =	swait.ge @!p0 [sflag:s8], $0x0  }
0x24: {  	s3 =	sadd.s32 $0x88, s3;
	s6 =	simm.s32 @!p1 $0x1082;
	[sflag:s4] =	ssyncset.s32 $0xFFFFF086  }
0x25: {  	[simem:s6], [sflag:s4] =	dma.local [hbm:s3], $0xF7A  }
0x26: {  	[smem:$0x3F8A] =	sst s1;
	(tag) =	ssettag s2;
	_ =	strace s9  }
0x27: {  	s1 =	sld [smem:$0x3F9A]  }
0x28: {  	s2 =	sld [smem:$0x3F9B]  }
0x29: {  	s4 =	sld [smem:$0x3F9D]  }
0x2a: {  	p0 =	seq.s32 s5, $0x0;
	s5 =	sld [smem:$0x3F9E]  }
0x2b: {  	s6 =	sld [smem:$0x3F9F]  }
0x2c: {  	s7 =	sld [smem:$0x3FA0]  }
0x2d: {  	s3 =	simm.s32 $0x108;
	s8 =	sld [smem:$0x3FA1]  }
0x2e: {  	s3 =	simm.s32 @!p0 $0x1082;
	s9 =	sld [smem:$0x3FA2]  }
0x2f: {  	lr =	sadd.s32 s0, s3;
	s0 =	sld [smem:$0x3F99]  }
0x30: {  	s3 =	sld [smem:$0x3F9C]  }
0x31: {  	[smem:$0x3FA5] =	sst s10  }
0x32: {  	s10 =	sld [smem:$0x3FA3];
	_ =	sdelay $0x3  }
0x33: {  	p0 =	seq.s32 s10, $0x1;
	s10 =	sld [smem:$0x3FA5];
	_ =	sdelay $0x3  }
0x34: {  	[smem:$0x3FA5] =	sst s10  }
0x35: {  	s10 =	sld [smem:$0x3FA4];
	_ =	sdelay $0x3  }
0x36: {  	p1 =	seq.s32 s10, $0x1;
	s10 =	sld [smem:$0x3FA5];
	_ =	sdelay $0x3  }
0x37: {  	[smem:$0x3FA5] =	sst s10  }
0x38: {  	s10 =	sld [smem:$0x3FA6]  }
0x39: {  	_ = 	snop;
	(pc) =	sbr.ind lr, $3  }
0x3a: {  	_ = 	snop  }
0x3b: {  	_ = 	snop  }
0x3c: {  	p2 =	seq.s32 s10, $0x1;
	s10 =	sld [smem:$0x3FA5]  }
0x3d: {  	_ =	shalt  }
0x3e: {  	_ =	shalt  }
0x3f: {  	_ =	shalt  }
0x40: {  	_ =	shalt  }
0x41: {  	_ =	shalt  }
0x42: {  	_ =	shalt  }
0x43: {  	_ =	shalt  }
0x44: {  	_ =	shalt  }
0x45: {  	_ =	shalt  }
0x46: {  	_ =	shalt  }
0x47: {  	_ =	shalt  }
0x48: {  	_ =	shalt  }
0x49: {  	_ =	shalt  }
0x4a: {  	_ =	shalt  }
0x4b: {  	_ =	shalt  }
0x4c: {  	_ =	shalt  }
0x4d: {  	_ =	shalt  }
0x4e: {  	_ =	shalt  }
0x4f: {  	_ =	shalt  }
0x50: {  	_ =	shalt  }
0x51: {  	_ =	shalt  }
0x52: {  	_ =	shalt  }
0x53: {  	_ =	shalt  }
0x54: {  	_ =	shalt  }
0x55: {  	_ =	shalt  }
0x56: {  	_ =	shalt  }
0x57: {  	_ =	shalt  }
0x58: {  	_ =	shalt  }
0x59: {  	_ =	shalt  }
0x5a: {  	_ =	shalt  }
0x5b: {  	_ =	shalt  }
0x5c: {  	_ =	shalt  }
0x5d: {  	_ =	shalt  }
0x5e: {  	_ =	shalt  }
0x5f: {  	_ =	shalt  }
0x60: {  	_ =	shalt  }
0x61: {  	_ =	shalt  }
0x62: {  	_ =	shalt  }
0x63: {  	_ =	shalt  }
0x64: {  	_ =	shalt  }
0x65: {  	_ =	shalt  }
0x66: {  	_ =	shalt  }
0x67: {  	_ =	shalt  }
0x68: {  	_ =	shalt  }
0x69: {  	_ =	shalt  }
0x6a: {  	_ =	shalt  }
0x6b: {  	_ =	shalt  }
0x6c: {  	_ =	shalt  }
0x6d: {  	_ =	shalt  }
0x6e: {  	_ =	shalt  }
0x6f: {  	_ =	shalt  }
0x70: {  	_ =	shalt  }
0x71: {  	_ =	shalt  }
0x72: {  	_ =	shalt  }
0x73: {  	_ =	shalt  }
0x74: {  	_ =	shalt  }
0x75: {  	_ =	shalt  }
0x76: {  	_ =	shalt  }
0x77: {  	_ =	shalt  }
0x78: {  	_ =	shalt  }
0x79: {  	_ =	shalt  }
0x7a: {  	_ =	shalt  }
0x7b: {  	_ =	shalt  }
0x7c: {  	_ =	shalt  }
0x7d: {  	_ =	shalt  }
0x7e: {  	_ =	shalt  }
0x7f: {  	_ =	shalt  }
0x80: {  	_ =	shalt  }
0x81: {  	_ =	shalt  }
0x82: {  	_ =	shalt  }
0x83: {  	_ =	shalt  }
0x84: {  	_ =	shalt  }
0x85: {  	_ =	shalt  }
0x86: {  	_ =	shalt  }
0x87: {  	_ =	shalt  }
.Lfunc_end0:
.L_simem_size_0:
called_computation.2_lowered:
.L_overlay_start_0:
0x88: {  	s2 =	sld [smem:$0x3FD9]  }
0x89: {  	s3 =	sld [smem:$0x3FFE];
	_ =	sdelay $0x1  }
0x8a: {  	s1 =	srdreg.scid  }
0x8b: {  	s0 =	sand.u32 $0x1, s1  }
0x8c: {  	s17 =	sshll.u32 s0, $0xA;
	s2 =	sadd.s32 s3, s2  }
0x8d: {  	s2 =	sadd.s32 s2, s17  }
0x8e: {  	[smem:$0x3FB1] =	sst s2  }
0x8f: {  	_ = 	snop  }
0x90: {  	(tm) =	ssettm $0x1  }
0x91: {  	s18 =	sld [smem:$0x3FFB];
	_ =	sdelay $0x3  }
0x92: {  	_ =	strace s18  }
0x93: {  	s2 =	sld [smem:$0x3FFC];
	_ =	sdelay $0x3  }
0x94: {  	_ =	strace s2  }
0x95: {  	s2 =	sld [smem:$0x3FFD];
	_ =	sdelay $0x3  }
0x96: {  	_ =	strace s2  }
0x97: {  	_ =	strace $0x8FFFFFFF  }
0x98: {  	s19 =	sld [smem:$0x3FDB];
	_ =	sdelay $0x1  }
0x99: {  	s20 =	simm.s32 $_scs_section_size  }
0x9a: {  	s4 =	simm.s32 $_size__tile_overlayer_lowered;
	s5 =	simm.s32 $_tile_overlayer_lowered  }
0x9b: {  	s6 =	simm.s32 $0x1BFF;
	s21 =	sshll.u32 s5, $0x1;
	s3 =	sadd.s32 s20, s19  }
0x9c: {  	s22 =	simm.s32 $0x0;
	s4 =	sshll.u32 s4, $0x1;
	s5 =	sadd.s32 s21, s3  }
0x9d: {  	[timem:s22], [sflag:s6] =	dma.local [hbm:s5], s4  }
0x9e: {  	_ =	swait.ge [sflag:s6], s4  }
0x9f: {  	s4 =	ssub.s32 $0x0, s4;
	[sflag:s6] =	ssyncset.done $0x0  }
0xa0: {  	[sflag:s6] =	ssyncadd.s32 s4;
	_ =	sdelay $0x1  }
0xa1: {  	s23 =	simm.s32 $0x1B8B  }
0xa2: {  	_ =	swait.ge [sflag:s23], $0x1  }
0xa3: {  	[sflag:s23] =	ssyncset.done $0x0  }
0xa4: {  	[sflag:s23] =	ssyncadd.s32 $0xFFFFFFFF  }
0xa5: {  	s4 =	sld [smem:$0x0]  }
0xa6: {  	s5 =	sand.u32 $0xFFFFFFFE, s1  }
0xa7: {  	p0 =	sne.s32 s1, s5  }
0xa8: {  	s5 =	sshll.u32 @p0 s5, $0xE  }
0xa9: {  	s5 =	sadd.s32 @p0 $0x11B8D, s5;
	s6 =	sshll.u32 @p0 s4, $0x11  }
0xaa: {  	s5 =	sor.u32 @p0 s6, s5  }
0xab: {  	[sflag:s5] =	ssyncadd.remote.s32 @p0 $0x1;
	_ =	sdelay $0x1  }
0xac: {  	s5 =	simm.s32 @p0 $0x1B8D  }
0xad: {  	_ =	swait.eq @p0 [sflag:s5], $0x1  }
0xae: {  	[sflag:s5] =	ssyncadd.s32 @p0 $0xFFFFFFFF  }
0xaf: {  	s6 =	sshll.u32 @!p0 s1, $0xE  }
0xb0: {  	s6 =	sor.u32 @!p0 $0x4000, s6;
	s5 =	simm.s32 @!p0 $0x1B8D  }
0xb1: {  	s4 =	sshll.u32 @!p0 s4, $0x11;
	s6 =	sadd.s32 @!p0 $0x11B8D, s6;
	_ =	swait.eq @!p0 [sflag:s5], $0x1  }
0xb2: {  	s4 =	sor.u32 @!p0 s4, s6;
	[sflag:s5] =	ssyncadd.s32 @!p0 $0xFFFFFFFF  }
0xb3: {  	s25 =	simm.s32 $0x1B8E;
	s24 =	sld [smem:$0x3FFE];
	[sflag:s4] =	ssyncadd.remote.s32 @!p0 $0x1  }
0xb4: {  	s26 =	simm.s32 $execute0_lowered;
	[smem:$0x3FD2] =	sst s25  }
0xb5: {  	s5 =	sshll.u32 s26, $0x1;
	_ =	strace $0x8000004C;
	[dreg:$0x1] =	wrdreg $0xFFFFFFFF  }
0xb6: {  	s28 =	simm.s32 $_size_execute0_lowered;
	s3 =	sadd.s32 s3, s5;
	[dreg:$0x0] =	wrdreg $0x0  }
0xb7: {  	s5 =	sshll.u32 s28, $0x1;
	[dreg:$0x2] =	wrdreg s3  }
0xb8: {  	[dreg:$0x3] =	wrdreg s5  }
0xb9: {  	[dreg:$0x4] =	wrdreg $0xC0  }
0xba: {  	_ =	task [dreg:s22], $0x5FFFF  }
0xbb: {  	[dreg:$0x1] =	wrdreg $0xFFFFFFFF  }
0xbc: {  	[dreg:$0x0] =	wrdreg $0x60  }
0xbd: {  	[dreg:$0x2] =	wrdreg s24  }
0xbe: {  	[dreg:$0x3] =	wrdreg $0x80000  }
0xbf: {  	[dreg:$0x4] =	wrdreg $0xB  }
0xc0: {  	_ =	task.clear_ibuf [dreg:s22], $0x5FFFF;
	_ =	strace $0x9000004C  }
0xc1: {  	s29 =	simm.s32 $0xB;
	_ =	strace $0x8000004E  }
0xc2: {  	_ =	swait.ge [sflag:s29], $0x1  }
0xc3: {  	[sflag:s29] =	ssyncadd.s32 $0xFFFFFFFF  }
0xc4: {  	_ =	strace $0x9000004E  }
0xc5: {  	_ =	sfence  }
0xc6: {  	s30 =	sld [smem:$0x0];
	_ =	sdelay $0x2  }
0xc7: {  	s31 =	sshll.u32 s1, $0xD;
	s1 =	sshrl.u32 s1, $0x2  }
0xc8: {  	s4 =	sand.u32 $0x4000, s31;
	s1 =	sadd.s32 s1, s30  }
0xc9: {  	s0 =	sor.u32 s4, s0;
	s1 =	sshll.u32 s1, $0x11  }
0xca: {  	s0 =	sor.u32 s1, s0  }
0xcb: {  	s0 =	sadd.s32 $0x8F2B, s0  }
0xcc: {  	[sflag:s0] =	ssyncadd.remote.s32 $0x1  }
0xcd: {  	_ =	sfence.sel $0xFFFF  }
0xce: {  	[dreg:$0x0] =	wrdreg $0xFFFFFFFF;
	(pc) =	sbr.abs _section_cstart, $3  }
0xcf: {  	[dreg:$0x1] =	wrdreg $0xFFFFFFFF  }
0xd0: {  	_ =	task.clear_ibuf [dreg:s22], $0x2FFFF;
	_ =	strace $0x9FFFFFFF  }
0xd1: {  	(tm) =	ssettm $0x7FFFFFFF  }
tec
execute0_lowered:
.L_overlay_start_1:
0x0: {  	(tag) =	ssettag $0x1  }
0x1: {  	s0 =	rddreg [dreg:$0x0]  }
0x2: {  	s1 =	rddreg [dreg:$0x1]  }
0x3: {  	s2 =	srdreg.scid;
	s3 =	simm.s32 $0x0;
	s12 =	stileid.u32  }
0x4: {  	s20 =	simm.s32 $0x3000;
	s21 =	simm.s32 $0x3;
	s22 =	simm.s32 $0x1000  }
0x5: {  	s23 =	simm.s32 $0x2000;
	s24 =	simm.s32 $0x50;
	s25 =	simm.s32 $0x5800  }
0x6: {  	s26 =	simm.s32 $0x1;
	s28 =	simm.s32 $0x2;
	s29 =	simm.s32 $0x0  }
0x7: {  	s2 =	sand.u32 $0x1, s2;
	[smem:$0x7FF] =	sst s3;
	s8 =	smul.u32 $0x13C00, s12  }
0x8: {  	s4 =	sadd.s32 $0x67200, s0;
	s5 =	sadd.s32 $0xB5600, s0;
	s10 =	smul.u32 $0x4F000, s12  }
0x9: {  	s6 =	sadd.s32 $0x3F200, s0;
	s7 =	smul.u32 $0x13C000, s2;
	s30 =	ssub.s32 $0x2, s2  }
0xa: {  	_ =	strace $0x8000004D;
	s2 =	sshll.u32 s2, $0x4;
	s11 =	sshrl.u32 s30, $0x1  }
0xb: {  	s10 =	sshrl.u32 s10, $0x2;
	s2 =	sor.u32 s12, s2;
	s8 =	sadd.s32 s8, s7  }
0xc: {  	s7 =	sadd.s32 $0x2B200, s0;
	s19 =	ssub.s32 s30, s11;
	s9 =	sshrl.u32 s8, $0x3  }
0xd: {  	s8 =	sadd.s32 $0x53200, s0;
	s0 =	sadd.s32 s9, s0;
	s9 =	sadd.s32 s10, s1  }
0xe: {  	s17 =	smul.u32 $0x5000, s2;
	s19 =	smax.u32 s19, $0x1;
	s10 =	sadd.s32 $0x2800, s9  }
0xf: {  	s31 =	sadd.s32 $0x5000, s9;
	s12 =	sadd.s32 $0x7800, s9;
	s13 =	sadd.s32 $0xA000, s9  }
0x10: {  	s14 =	sadd.s32 $0xC800, s9;
	s15 =	sadd.s32 $0xF000, s9;
	[dreg:$0x3] =	wrdreg s10  }
0x11: {  	v0 =	vimm.f32 $0.0e+00;
	s16 =	sadd.s32 $0x11800, s9;
	s18 =	sadd.s32 $0xBBE00, s0;
	[dreg:$0x4] =	wrdreg s31  }
.LBB2_1:
0x12: {  	s0 =	simm.s32 $0x0;
	s2 =	simm.s32 $0x200  }
.LBB2_2:
0x13: {  	p0 =	sne.s32 s2, $0x9E00;
	[tilespmem:s0+$0x3070] =	vst v0  }
0x14: {  	[tilespmem:s0+$0x3000] =	vst v0  }
0x15: {  	[tilespmem:s0+$0x3010] =	vst v0  }
.Ltmp0:
0x16: {  	[tilespmem:s0+$0x3020] =	vst v0;
	(pc) =	sbr.rel @p0 .LBB2_2-.Ltmp0, $4  }
0x17: {  	[tilespmem:s0+$0x3030] =	vst v0  }
0x18: {  	[tilespmem:s0+$0x3040] =	vst v0  }
0x19: {  	[tilespmem:s0+$0x3050] =	vst v0  }
0x1a: {  	[tilespmem:s0+$0x3060] =	vst v0;
	s0 =	sshra.s32 s2, $0x2;
	s2 =	sadd.s32 $0x200, s2  }
0x1b: {  	[tilespmem:s0+$0x3070] =	vst v0  }
0x1c: {  	[tilespmem:s0+$0x3000] =	vst v0  }
0x1d: {  	[tilespmem:s0+$0x3010] =	vst v0  }
0x1e: {  	[tilespmem:s0+$0x3020] =	vst v0  }
0x1f: {  	[tilespmem:s0+$0x3030] =	vst v0  }
0x20: {  	[tilespmem:s0+$0x3040] =	vst v0  }
0x21: {  	[tilespmem:s0+$0x3050] =	vst v0  }
0x22: {  	[tilespmem:s0+$0x3060] =	vst v0  }
0x23: {  	[spmem:s9] =	stream.linear.scatter [tilespmem:s20], [sflag:$0x3], $0x2800, $0x38;
	[tilespmem:$0x1BC00] =	vst v63  }
0x24: {  	_ =	swait.ge [sflag:s21], $0x2800  }
0x25: {  	[sflag:s21] =	ssyncset.done $0x0  }
0x26: {  	s11 =	rddreg [dreg:$0x3];
	[sflag:s21] =	ssyncadd.s32 $0xFFFFD800  }
0x27: {  	[spmem:s11] =	stream.linear.scatter [tilespmem:s20], [sflag:$0x3], $0x2800, $0x38;
	[tilespmem:$0x1BC00] =	vst v63  }
0x28: {  	_ =	swait.ge [sflag:s21], $0x2800  }
0x29: {  	[sflag:s21] =	ssyncset.done $0x0  }
0x2a: {  	s31 =	rddreg [dreg:$0x4];
	[sflag:s21] =	ssyncadd.s32 $0xFFFFD800  }
0x2b: {  	[spmem:s31] =	stream.linear.scatter [tilespmem:s20], [sflag:$0x3], $0x2800, $0x38;
	[tilespmem:$0x1BC00] =	vst v63  }
0x2c: {  	_ =	swait.ge [sflag:s21], $0x2800  }
0x2d: {  	[sflag:s21] =	ssyncset.done $0x0  }
0x2e: {  	[sflag:s21] =	ssyncadd.s32 $0xFFFFD800  }
0x2f: {  	[spmem:s12] =	stream.linear.scatter [tilespmem:s20], [sflag:$0x3], $0x2800, $0x38;
	[tilespmem:$0x1BC00] =	vst v63  }
0x30: {  	_ =	swait.ge [sflag:s21], $0x2800  }
0x31: {  	[sflag:s21] =	ssyncset.done $0x0  }
0x32: {  	[sflag:s21] =	ssyncadd.s32 $0xFFFFD800  }
0x33: {  	[spmem:s13] =	stream.linear.scatter [tilespmem:s20], [sflag:$0x3], $0x2800, $0x38;
	[tilespmem:$0x1BC00] =	vst v63  }
0x34: {  	_ =	swait.ge [sflag:s21], $0x2800  }
0x35: {  	[sflag:s21] =	ssyncset.done $0x0  }
0x36: {  	[sflag:s21] =	ssyncadd.s32 $0xFFFFD800  }
0x37: {  	[spmem:s14] =	stream.linear.scatter [tilespmem:s20], [sflag:$0x3], $0x2800, $0x38;
	[tilespmem:$0x1BC00] =	vst v63  }
0x38: {  	_ =	swait.ge [sflag:s21], $0x2800  }
0x39: {  	[sflag:s21] =	ssyncset.done $0x0  }
0x3a: {  	[sflag:s21] =	ssyncadd.s32 $0xFFFFD800  }
0x3b: {  	[spmem:s15] =	stream.linear.scatter [tilespmem:s20], [sflag:$0x3], $0x2800, $0x38;
	[tilespmem:$0x1BC00] =	vst v63  }
0x3c: {  	_ =	swait.ge [sflag:s21], $0x2800  }
0x3d: {  	[sflag:s21] =	ssyncset.done $0x0  }
0x3e: {  	[sflag:s21] =	ssyncadd.s32 $0xFFFFD800  }
0x3f: {  	[spmem:s16] =	stream.linear.scatter [tilespmem:s20], [sflag:$0x3], $0x2400, $0x38;
	[tilespmem:$0x1BC00] =	vst v63  }
0x40: {  	_ =	swait.ge [sflag:s21], $0x2400  }
0x41: {  	[sflag:s21] =	ssyncset.done $0x0  }
0x42: {  	[sflag:s21] =	ssyncadd.s32 $0xFFFFDC00  }
0x43: {  	s30 =	simm.s32 $0x0;
	[bflag:$0x0] =	sbarrier.arrive $0xFFFF  }
.LBB2_4:
0x44: {  	s0 =	sshll.u32 s30, $0xC  }
0x45: {  	s0 =	sadd.s32 s17, s0  }
0x46: {  	s0 =	sshrl.u32 s0, $0x3  }
0x47: {  	s2 =	sadd.s32 s6, s0  }
0x48: {  	[tilespmem:s29], [sflag:$0x3] =	stream.linear.gather [hbm4b:s2+s29], $0xC80, $0x38;
	[tilespmem:$0x1BC00] =	vst v63  }
0x49: {  	_ =	swait.ge [sflag:s21], $0xC80  }
0x4a: {  	[sflag:s21] =	ssyncset.done $0x0  }
0x4b: {  	s11 =	sadd.s32 s7, s0;
	[sflag:s21] =	ssyncadd.s32 $0xFFFFF380  }
0x4c: {  	[tilespmem:s22], [sflag:$0x3] =	stream.linear.gather [hbm4b:s11+s29], $0xC80, $0x38;
	[tilespmem:$0x1BC00] =	vst v63  }
0x4d: {  	_ =	swait.ge [sflag:s21], $0xC80  }
0x4e: {  	[sflag:s21] =	ssyncset.done $0x0  }
0x4f: {  	s0 =	sadd.s32 s8, s0;
	[sflag:s21] =	ssyncadd.s32 $0xFFFFF380  }
0x50: {  	[tilespmem:s23], [sflag:$0x3] =	stream.linear.gather [hbm4b:s0+s29], $0xC80, $0x38;
	[tilespmem:$0x1BC00] =	vst v63  }
0x51: {  	_ =	swait.ge [sflag:s21], $0xC80  }
0x52: {  	[sflag:s21] =	ssyncset.done $0x0  }
0x53: {  	s31 =	simm.s32 $0x0;
	[sflag:s21] =	ssyncadd.s32 $0xFFFFF380  }
.LBB2_5:
0x54: {  	s0 =	sshll.u32 s31, $0x7  }
0x55: {  	[tilespmem:s20], [sflag:$0x1] =	stream.indirect.gather [hbm4b:s4+s24], $0x80, s0, s24, $0xb8;
	[tilespmem:$0x1BC00] =	vst v63  }
0x56: {  	s2 =	sadd.s32 $0x2000, s0  }
0x57: {  	[tilespmem:s25], [sflag:$0x2] =	stream.indirect.gather [hbm4b:s5+s24], $0x80, s2, s24, $0xb8;
	[tilespmem:$0x1BC00] =	vst v63  }
0x58: {  	_ =	swait.ge [sflag:s26], $0x2800  }
0x59: {  	[sflag:s26] =	ssyncset.done $0x0  }
0x5a: {  	[sflag:s26] =	ssyncadd.s32 $0xFFFFD800  }
0x5b: {  	_ =	swait.ge [sflag:s28], $0x2800  }
0x5c: {  	[sflag:s28] =	ssyncset.done $0x0  }
0x5d: {  	s2 =	simm.s32 $0x0;
	[sflag:s28] =	ssyncadd.s32 $0xFFFFD800  }
0x5e: {  	v8 =	vld [tilespmem:s2+$0x5800]  }
0x5f: {  	v12 =	vld [tilespmem:s2+$0x5810]  }
0x60: {  	v6 =	vld [tilespmem:s2+$0x5820]  }
0x61: {  	v5 =	vld [tilespmem:s2+$0x5830]  }
0x62: {  	v4 =	vld [tilespmem:s2+$0x5840]  }
0x63: {  	v3 =	vld [tilespmem:s2+$0x5850]  }
0x64: {  	v2 =	vld [tilespmem:s2+$0x5860]  }
0x65: {  	v1 =	vld [tilespmem:s2+$0x5870]  }
0x66: {  	v13 =	vld [tilespmem:s2+$0x3000]  }
0x67: {  	v14 =	vld [tilespmem:s2+$0x3010]  }
0x68: {  	v11 =	vld [tilespmem:s2+$0x3020]  }
0x69: {  	v10 =	vld [tilespmem:s2+$0x3030]  }
0x6a: {  	v9 =	vld [tilespmem:s2+$0x3040]  }
0x6b: {  	v7 =	vld [tilespmem:s2+$0x3050];
	v13 =	vmul.f32 v8, v13  }
0x6c: {  	s10 =	simm.s32 $0x200;
	v12 =	vmul.f32 v12, v14;
	v8 =	vld [tilespmem:s2+$0x3060]  }
.LBB2_6:
0x6d: {  	s11 =	sshra.s32 s10, $0x2;
	p0 =	sne.s32 s10, $0x9E00;
	[tilespmem:s2+$0x3000] =	vst v13;
	v6 =	vmul.f32 v6, v11;
	v11 =	vld [tilespmem:s2+$0x3070]  }
0x6e: {  	v13 =	vld [tilespmem:s11+$0x5800];
	[tilespmem:s2+$0x3010] =	vst v12;
	v5 =	vmul.f32 v5, v10  }
0x6f: {  	v12 =	vld [tilespmem:s11+$0x5810];
	[tilespmem:s2+$0x3020] =	vst v6;
	v4 =	vmul.f32 v4, v9  }
0x70: {  	v6 =	vld [tilespmem:s11+$0x5820];
	[tilespmem:s2+$0x3030] =	vst v5;
	v3 =	vmul.f32 v3, v7  }
0x71: {  	v5 =	vld [tilespmem:s11+$0x5830];
	[tilespmem:s2+$0x3040] =	vst v4;
	v2 =	vmul.f32 v2, v8  }
0x72: {  	v4 =	vld [tilespmem:s11+$0x5840];
	[tilespmem:s2+$0x3050] =	vst v3;
	v1 =	vmul.f32 v1, v11  }
0x73: {  	v3 =	vld [tilespmem:s11+$0x5850];
	[tilespmem:s2+$0x3060] =	vst v2  }
0x74: {  	v2 =	vld [tilespmem:s11+$0x5860];
	[tilespmem:s2+$0x3070] =	vst v1;
	s2 =	smov.u32 s11  }
0x75: {  	v1 =	vld [tilespmem:s2+$0x5870]  }
0x76: {  	v7 =	vld [tilespmem:s2+$0x3000]  }
0x77: {  	v8 =	vld [tilespmem:s2+$0x3010]  }
.Ltmp1:
0x78: {  	v11 =	vld [tilespmem:s2+$0x3020];
	(pc) =	sbr.rel @p0 .LBB2_6-.Ltmp1, $4  }
0x79: {  	v10 =	vld [tilespmem:s2+$0x3030]  }
0x7a: {  	v9 =	vld [tilespmem:s2+$0x3040]  }
0x7b: {  	v13 =	vmul.f32 v13, v7;
	v7 =	vld [tilespmem:s2+$0x3050]  }
0x7c: {  	s10 =	sadd.s32 $0x200, s10;
	v12 =	vmul.f32 v12, v8;
	v8 =	vld [tilespmem:s2+$0x3060]  }
0x7d: {  	[tilespmem:s2+$0x3000] =	vst v13;
	v6 =	vmul.f32 v6, v11;
	v63 =	vld [tilespmem:s2+$0x3070]  }
0x7e: {  	[tilespmem:s2+$0x3010] =	vst v12;
	v5 =	vmul.f32 v5, v10  }
0x7f: {  	[tilespmem:s2+$0x3020] =	vst v6;
	v4 =	vmul.f32 v4, v9  }
0x80: {  	[tilespmem:s2+$0x3030] =	vst v5;
	v3 =	vmul.f32 v3, v7  }
0x81: {  	[tilespmem:s2+$0x3040] =	vst v4;
	v2 =	vmul.f32 v2, v8  }
0x82: {  	s31 =	sadd.s32 $0x1, s31;
	[tilespmem:s2+$0x3050] =	vst v3;
	v1 =	vmul.f32 v1, v63  }
0x83: {  	p0 =	sne.s32 s31, $0x19;
	[tilespmem:s2+$0x3060] =	vst v2  }
.Ltmp2:
0x84: {  	s0 =	sadd.s32 $0x1000, s0;
	[tilespmem:s2+$0x3070] =	vst v1;
	(pc) =	sbr.rel @p0 .LBB2_5-.Ltmp2, $4  }
0x85: {  	[spmem:s1] =	stream.indirect.scatter.add.f32 [tilespmem:s20], [sflag:$0x3], $0x80, s0, s24, $0xb8;
	[tilespmem:$0x1BC00] =	vst v63  }
0x86: {  	_ =	swait.ge [sflag:s21], $0x2800  }
0x87: {  	[sflag:s21] =	ssyncset.done $0x0  }
0x88: {  	[sflag:s21] =	ssyncadd.s32 $0xFFFFD800  }
0x89: {  	s30 =	sadd.s32 $0x1, s30  }
0x8a: {  	p0 =	sne.s32 s30, $0x5  }
.Ltmp3:
0x8b: {  	_ = 	snop;
	(pc) =	sbr.rel @p0 .LBB2_4-.Ltmp3, $1  }
0x8c: {  	_ =	sdelay $0x3  }
0x8d: {  	s0 =	stileid.u32;
	s3 =	sadd.s32 $0x1, s3  }
0x8e: {  	[bflag:$0x0] =	sbarrier.arrive $0xFFFF;
	s0 =	sshll.u32 s0, $0x6;
	p0 =	sne.s32 s3, s19  }
.Ltmp4:
0x8f: {  	s2 =	sshrl.u32 s9, $0x3;
	s0 =	sor.u32 $0x1C03, s0;
	(pc) =	sbr.rel @p0 .LBB2_1-.Ltmp4, $4  }
0x90: {  	[hbm:s18], [sflag:s0] =	dma.local [spmem:s2], $0x2780  }
0x91: {  	_ =	swait.ge [sflag:s21], $0x2780  }
0x92: {  	[sflag:s21] =	ssyncset.done $0x0  }
0x93: {  	[sflag:s21] =	ssyncadd.s32 $0xFFFFD880  }
0x94: {  	_ =	sfence.sel $0x180000  }
0x95: {  	[bflag:$0x0] =	sbarrier.arrive $0xFFFF  }
0x96: {  	_ =	strace $0x9000004D  }
0x97: {  	s0 =	stileid.u32;
	[bflag:$0x2] =	sbarrier.arrive $0xFFFF  }
0x98: {  	p0 =	sne.s32 s0, $0x0;
	s0 =	rddreg [dreg:$0x2]  }
0x99: {  	s0 =	sadd.s32 @!p0 $0x100000, s0  }
0x9a: {  	[sflag:s0] =	ssyncadd.tile.s32 @!p0 $0x1;
	_ =	shalt  }
.Lfunc_end2:
_tile_overlayer_lowered:
.L_overlay_start_2:
0x9b: {  	(tag) =	ssettag $0x2  }
0x9c: {  	s0 =	rddreg [dreg:$0x0];
	s2 =	stileid.u32  }
0x9d: {  	s1 =	rddreg [dreg:$0x1];
	p0 =	sne.s32 s2, $0x0  }
0x9e: {  	s3 =	rddreg [dreg:$0x2];
	[bflag:$0x3] =	sbarrier.arrive $0xFFFF;
	s2 =	simm.s32 @!p0 $0x1C03  }
0x9f: {  	[timem:s3], [sflag:s2] =	dma.local @!p0 [hbm:s0], s1  }
0xa0: {  	s0 =	simm.s32 @!p0 $0x3  }
0xa1: {  	_ =	swait.ge @!p0 [sflag:s0], s1  }
0xa2: {  	s1 =	ssub.s32 @!p0 $0x0, s1;
	[sflag:s0] =	ssyncset.done @!p0 $0x0  }
0xa3: {  	[sflag:s0] =	ssyncadd.s32 @!p0 s1  }
0xa4: {  	[bflag:$0x3] =	sbarrier.arrive $0xFFFF  }
0xa5: {  	_ =	shalt  }

// kernel: kernel.24.cloned.1.call-start
scs
__scs_entry_jumppad:
0x0: {  	(pc) =	sbr.rel $0x88, $3  }
0x1: {  	(tag) =	ssettag $0x0;
	lr =	simm.s32 $0x1  }
0x2: {  	[smem:$0x3F8A] =	sst lr;
	_ =	strace $0xD0000000  }
0x3: {  	_ = 	snop  }
0x4: {  	_ = 	snop  }
0x5: {  	_ = 	snop  }
0x6: {  	_ = 	snop  }
0x7: {  	_ = 	snop  }
__scs_overlays_trampoline_lowered:
0x8: {  	[smem:$0x3F99] =	sst s0  }
0x9: {  	[smem:$0x3F9A] =	sst s1  }
0xa: {  	[smem:$0x3F9B] =	sst s2  }
0xb: {  	[smem:$0x3F9C] =	sst s3  }
0xc: {  	[smem:$0x3F9D] =	sst s4  }
0xd: {  	[smem:$0x3F9E] =	sst s5  }
0xe: {  	[smem:$0x3F9F] =	sst s6  }
0xf: {  	[smem:$0x3FA0] =	sst s7  }
0x10: {  	[smem:$0x3FA1] =	sst s8  }
0x11: {  	[smem:$0x3FA2] =	sst s9;
	s0 =	simm.s32 @!p0 $0x0  }
0x12: {  	s1 =	sld [smem:$0x3F88];
	s0 =	simm.s32 @p0 $0x1  }
0x13: {  	[smem:$0x3FA3] =	sst s0;
	s0 =	simm.s32 @!p1 $0x0  }
0x14: {  	s2 =	sld [smem:$0x3F87];
	s0 =	simm.s32 @p1 $0x1  }
0x15: {  	[smem:$0x3FA4] =	sst s0;
	s0 =	simm.s32 @!p2 $0x0  }
0x16: {  	s3 =	sld [smem:$0x3FDB];
	s0 =	simm.s32 @p2 $0x1  }
0x17: {  	s4 =	simm.s32 $0x1BF5;
	[smem:$0x3FA6] =	sst s0  }
0x18: {  	s0 =	sld [smem:$0x3F89];
	_ =	swait.ge [sflag:s4], $0x0  }
0x19: {  	s7 =	sld [smem:$0x3F8A]  }
0x1a: {  	s8 =	sadd.s32 $0xFFFFE003, lr  }
0x1b: {  	s9 =	sadd.s32 $0xFFFFFEF7, lr;
	s5 =	simm.s32 $0xFFFFFFFF;
	p2 =	slt.u32 s8, $0xFFFFF086  }
0x1c: {  	p1 =	slt.u32 s9, $0xF7A;
	s5 =	simm.s32 @!p2 $0x0  }
0x1d: {  	s5 =	simm.s32 @p1 $0x1;
	p0 =	seq.s32 s7, s2  }
0x1e: {  	s7 =	smul.u32 @!p0 $0xF7A, s2;
	p2 =	seq.s32 @!p0 s5, $0x0  }
0x1f: {  	s9 =	smul.u32 $0xF7A, s1;
	s8 =	simm.s32 @!p0 $0x1BF5;
	p2 =	por !p2, p0  }
0x20: {  	[sflag:s8] =	ssyncset.s32 @!p0 $0xFFFFF086;
	s6 =	sadd.s32 @!p0 s3, s7;
	s7 =	simm.s32 @!p0 $0x108  }
0x21: {  	s3 =	sadd.s32 s3, s9;
	s6 =	sadd.s32 @!p0 $0x88, s6;
	s7 =	simm.s32 @p2 $0x1082  }
0x22: {  	[simem:s7], [sflag:s8] =	dma.local @!p0 [hbm:s6], $0xF7A  }
0x23: {  	s9 =	sor.u32 $0xD0000000, s2;
	s6 =	simm.s32 $0x108;
	_ =	swait.ge @!p0 [sflag:s8], $0x0  }
0x24: {  	s3 =	sadd.s32 $0x88, s3;
	s6 =	simm.s32 @!p1 $0x1082;
	[sflag:s4] =	ssyncset.s32 $0xFFFFF086  }
0x25: {  	[simem:s6], [sflag:s4] =	dma.local [hbm:s3], $0xF7A  }
0x26: {  	[smem:$0x3F8A] =	sst s1;
	(tag) =	ssettag s2;
	_ =	strace s9  }
0x27: {  	s1 =	sld [smem:$0x3F9A]  }
0x28: {  	s2 =	sld [smem:$0x3F9B]  }
0x29: {  	s4 =	sld [smem:$0x3F9D]  }
0x2a: {  	p0 =	seq.s32 s5, $0x0;
	s5 =	sld [smem:$0x3F9E]  }
0x2b: {  	s6 =	sld [smem:$0x3F9F]  }
0x2c: {  	s7 =	sld [smem:$0x3FA0]  }
0x2d: {  	s3 =	simm.s32 $0x108;
	s8 =	sld [smem:$0x3FA1]  }
0x2e: {  	s3 =	simm.s32 @!p0 $0x1082;
	s9 =	sld [smem:$0x3FA2]  }
0x2f: {  	lr =	sadd.s32 s0, s3;
	s0 =	sld [smem:$0x3F99]  }
0x30: {  	s3 =	sld [smem:$0x3F9C]  }
0x31: {  	[smem:$0x3FA5] =	sst s10  }
0x32: {  	s10 =	sld [smem:$0x3FA3];
	_ =	sdelay $0x3  }
0x33: {  	p0 =	seq.s32 s10, $0x1;
	s10 =	sld [smem:$0x3FA5];
	_ =	sdelay $0x3  }
0x34: {  	[smem:$0x3FA5] =	sst s10  }
0x35: {  	s10 =	sld [smem:$0x3FA4];
	_ =	sdelay $0x3  }
0x36: {  	p1 =	seq.s32 s10, $0x1;
	s10 =	sld [smem:$0x3FA5];
	_ =	sdelay $0x3  }
0x37: {  	[smem:$0x3FA5] =	sst s10  }
0x38: {  	s10 =	sld [smem:$0x3FA6]  }
0x39: {  	_ = 	snop;
	(pc) =	sbr.ind lr, $3  }
0x3a: {  	_ = 	snop  }
0x3b: {  	_ = 	snop  }
0x3c: {  	p2 =	seq.s32 s10, $0x1;
	s10 =	sld [smem:$0x3FA5]  }
0x3d: {  	_ =	shalt  }
0x3e: {  	_ =	shalt  }
0x3f: {  	_ =	shalt  }
0x40: {  	_ =	shalt  }
0x41: {  	_ =	shalt  }
0x42: {  	_ =	shalt  }
0x43: {  	_ =	shalt  }
0x44: {  	_ =	shalt  }
0x45: {  	_ =	shalt  }
0x46: {  	_ =	shalt  }
0x47: {  	_ =	shalt  }
0x48: {  	_ =	shalt  }
0x49: {  	_ =	shalt  }
0x4a: {  	_ =	shalt  }
0x4b: {  	_ =	shalt  }
0x4c: {  	_ =	shalt  }
0x4d: {  	_ =	shalt  }
0x4e: {  	_ =	shalt  }
0x4f: {  	_ =	shalt  }
0x50: {  	_ =	shalt  }
0x51: {  	_ =	shalt  }
0x52: {  	_ =	shalt  }
0x53: {  	_ =	shalt  }
0x54: {  	_ =	shalt  }
0x55: {  	_ =	shalt  }
0x56: {  	_ =	shalt  }
0x57: {  	_ =	shalt  }
0x58: {  	_ =	shalt  }
0x59: {  	_ =	shalt  }
0x5a: {  	_ =	shalt  }
0x5b: {  	_ =	shalt  }
0x5c: {  	_ =	shalt  }
0x5d: {  	_ =	shalt  }
0x5e: {  	_ =	shalt  }
0x5f: {  	_ =	shalt  }
0x60: {  	_ =	shalt  }
0x61: {  	_ =	shalt  }
0x62: {  	_ =	shalt  }
0x63: {  	_ =	shalt  }
0x64: {  	_ =	shalt  }
0x65: {  	_ =	shalt  }
0x66: {  	_ =	shalt  }
0x67: {  	_ =	shalt  }
0x68: {  	_ =	shalt  }
0x69: {  	_ =	shalt  }
0x6a: {  	_ =	shalt  }
0x6b: {  	_ =	shalt  }
0x6c: {  	_ =	shalt  }
0x6d: {  	_ =	shalt  }
0x6e: {  	_ =	shalt  }
0x6f: {  	_ =	shalt  }
0x70: {  	_ =	shalt  }
0x71: {  	_ =	shalt  }
0x72: {  	_ =	shalt  }
0x73: {  	_ =	shalt  }
0x74: {  	_ =	shalt  }
0x75: {  	_ =	shalt  }
0x76: {  	_ =	shalt  }
0x77: {  	_ =	shalt  }
0x78: {  	_ =	shalt  }
0x79: {  	_ =	shalt  }
0x7a: {  	_ =	shalt  }
0x7b: {  	_ =	shalt  }
0x7c: {  	_ =	shalt  }
0x7d: {  	_ =	shalt  }
0x7e: {  	_ =	shalt  }
0x7f: {  	_ =	shalt  }
0x80: {  	_ =	shalt  }
0x81: {  	_ =	shalt  }
0x82: {  	_ =	shalt  }
0x83: {  	_ =	shalt  }
0x84: {  	_ =	shalt  }
0x85: {  	_ =	shalt  }
0x86: {  	_ =	shalt  }
0x87: {  	_ =	shalt  }
.Lfunc_end0:
.L_simem_size_0:
called_computation.3_lowered:
.L_overlay_start_0:
0x88: {  	s2 =	sld [smem:$0x3FD9]  }
0x89: {  	s3 =	sld [smem:$0x3FFE];
	_ =	sdelay $0x1  }
0x8a: {  	s1 =	srdreg.scid  }
0x8b: {  	s0 =	sand.u32 $0x1, s1  }
0x8c: {  	s15 =	sshll.u32 s0, $0xA;
	s2 =	sadd.s32 s3, s2  }
0x8d: {  	s2 =	sadd.s32 s2, s15  }
0x8e: {  	[smem:$0x3FB1] =	sst s2  }
0x8f: {  	_ = 	snop  }
0x90: {  	s2 =	sld [smem:$0x3FD0];
	_ =	sdelay $0x2  }
0x91: {  	s16 =	simm.s32 $0xD;
	s4 =	simm.s32 $0x10  }
0x92: {  	[smem:s4], [sflag:s16] =	dma.local [hbm:s2], $0x1  }
0x93: {  	_ =	swait.eq [sflag:s16], $0x1  }
0x94: {  	[sflag:s16] =	ssyncset.done $0x0  }
0x95: {  	[sflag:s16] =	ssyncadd.s32 $0xFFFFFFFF  }
0x96: {  	s17 =	sld [smem:$0x10];
	(tm) =	ssettm $0x1  }
0x97: {  	s18 =	sld [smem:$0x3FFB];
	_ =	sdelay $0x3  }
0x98: {  	_ =	strace s18  }
0x99: {  	s2 =	sld [smem:$0x3FFC];
	_ =	sdelay $0x3  }
0x9a: {  	_ =	strace s2  }
0x9b: {  	s2 =	sld [smem:$0x3FFD];
	_ =	sdelay $0x3  }
0x9c: {  	_ =	strace s2  }
0x9d: {  	_ =	strace $0x8FFFFFFF  }
0x9e: {  	s19 =	sld [smem:$0x3FDB];
	_ =	sdelay $0x1  }
0x9f: {  	s20 =	simm.s32 $_scs_section_size  }
0xa0: {  	s5 =	simm.s32 $_size__tile_overlayer_lowered;
	s6 =	simm.s32 $_tile_overlayer_lowered  }
0xa1: {  	s7 =	simm.s32 $0x1BFF;
	s21 =	sshll.u32 s6, $0x1;
	s4 =	sadd.s32 s20, s19  }
0xa2: {  	s22 =	simm.s32 $0x0;
	s5 =	sshll.u32 s5, $0x1;
	s6 =	sadd.s32 s21, s4  }
0xa3: {  	[timem:s22], [sflag:s7] =	dma.local [hbm:s6], s5  }
0xa4: {  	_ =	swait.ge [sflag:s7], s5  }
0xa5: {  	s5 =	ssub.s32 $0x0, s5;
	[sflag:s7] =	ssyncset.done $0x0  }
0xa6: {  	[sflag:s7] =	ssyncadd.s32 s5;
	_ =	sdelay $0x1  }
0xa7: {  	s23 =	simm.s32 $0x1B8B  }
0xa8: {  	_ =	swait.ge [sflag:s23], $0x1  }
0xa9: {  	[sflag:s23] =	ssyncset.done $0x0  }
0xaa: {  	[sflag:s23] =	ssyncadd.s32 $0xFFFFFFFF  }
0xab: {  	s5 =	sld [smem:$0x0]  }
0xac: {  	s6 =	sand.u32 $0xFFFFFFFE, s1  }
0xad: {  	p0 =	sne.s32 s1, s6  }
0xae: {  	s6 =	sshll.u32 @p0 s6, $0xE  }
0xaf: {  	s6 =	sadd.s32 @p0 $0x11B8D, s6;
	s7 =	sshll.u32 @p0 s5, $0x11  }
0xb0: {  	s6 =	sor.u32 @p0 s7, s6  }
0xb1: {  	[sflag:s6] =	ssyncadd.remote.s32 @p0 $0x1;
	_ =	sdelay $0x1  }
0xb2: {  	s6 =	simm.s32 @p0 $0x1B8D  }
0xb3: {  	_ =	swait.eq @p0 [sflag:s6], $0x1  }
0xb4: {  	[sflag:s6] =	ssyncadd.s32 @p0 $0xFFFFFFFF  }
0xb5: {  	s7 =	sshll.u32 @!p0 s1, $0xE  }
0xb6: {  	s7 =	sor.u32 @!p0 $0x4000, s7;
	s6 =	simm.s32 @!p0 $0x1B8D  }
0xb7: {  	s5 =	sshll.u32 @!p0 s5, $0x11;
	s7 =	sadd.s32 @!p0 $0x11B8D, s7;
	_ =	swait.eq @!p0 [sflag:s6], $0x1  }
0xb8: {  	s5 =	sor.u32 @!p0 s5, s7;
	[sflag:s6] =	ssyncadd.s32 @!p0 $0xFFFFFFFF  }
0xb9: {  	s25 =	simm.s32 $0x1B8E;
	s24 =	sld [smem:$0x3FFE];
	[sflag:s5] =	ssyncadd.remote.s32 @!p0 $0x1  }
0xba: {  	s26 =	simm.s32 $execute0_lowered;
	[smem:$0x3FD2] =	sst s25  }
0xbb: {  	s6 =	sshll.u32 s26, $0x1;
	_ =	strace $0x8000004F;
	[dreg:$0x1] =	wrdreg $0xFFFFFFFF  }
0xbc: {  	s28 =	simm.s32 $_size_execute0_lowered;
	s4 =	sadd.s32 s4, s6;
	[dreg:$0x0] =	wrdreg $0x0  }
0xbd: {  	s6 =	sshll.u32 s28, $0x1;
	[dreg:$0x2] =	wrdreg s4  }
0xbe: {  	[dreg:$0x3] =	wrdreg s6  }
0xbf: {  	[dreg:$0x4] =	wrdreg $0xC0  }
0xc0: {  	_ =	task [dreg:s22], $0x5FFFF  }
0xc1: {  	[dreg:$0x1] =	wrdreg $0xFFFFFFFF  }
0xc2: {  	[dreg:$0x0] =	wrdreg $0x60  }
0xc3: {  	[dreg:$0x2] =	wrdreg s24  }
0xc4: {  	[dreg:$0x3] =	wrdreg s17  }
0xc5: {  	[dreg:$0x4] =	wrdreg $0x80000  }
0xc6: {  	[dreg:$0x5] =	wrdreg $0xC  }
0xc7: {  	_ =	task.clear_ibuf [dreg:s22], $0x6FFFF;
	_ =	strace $0x9000004F  }
0xc8: {  	s29 =	simm.s32 $0xC;
	_ =	strace $0x80000051  }
0xc9: {  	_ =	swait.ge [sflag:s29], $0x1  }
0xca: {  	[sflag:s29] =	ssyncadd.s32 $0xFFFFFFFF  }
0xcb: {  	_ =	strace $0x90000051  }
0xcc: {  	_ =	sfence  }
0xcd: {  	s30 =	sld [smem:$0x0];
	_ =	sdelay $0x2  }
0xce: {  	s31 =	sshll.u32 s1, $0xD;
	s1 =	sshrl.u32 s1, $0x2  }
0xcf: {  	s4 =	sand.u32 $0x4000, s31;
	s1 =	sadd.s32 s1, s30  }
0xd0: {  	s0 =	sor.u32 s4, s0;
	s1 =	sshll.u32 s1, $0x11  }
0xd1: {  	s0 =	sor.u32 s1, s0  }
0xd2: {  	s0 =	sadd.s32 $0x8F2B, s0  }
0xd3: {  	[sflag:s0] =	ssyncadd.remote.s32 $0x1  }
0xd4: {  	_ =	sfence.sel $0xFFFF  }
0xd5: {  	[dreg:$0x0] =	wrdreg $0xFFFFFFFF;
	(pc) =	sbr.abs _section_cstart, $3  }
0xd6: {  	[dreg:$0x1] =	wrdreg $0xFFFFFFFF  }
0xd7: {  	_ =	task.clear_ibuf [dreg:s22], $0x2FFFF;
	_ =	strace $0x9FFFFFFF  }
0xd8: {  	(tm) =	ssettm $0x7FFFFFFF  }
0xd9: {  	_ =	shalt  }
tec
execute0_lowered:
.L_overlay_start_1:
0x0: {  	(tag) =	ssettag $0x1  }
0x1: {  	s0 =	rddreg [dreg:$0x0]  }
0x2: {  	s3 =	rddreg [dreg:$0x1]  }
0x3: {  	s1 =	rddreg [dreg:$0x2];
	s2 =	simm.s32 $0x0;
	s6 =	srdreg.scid  }
0x4: {  	s12 =	stileid.u32;
	s20 =	simm.s32 $0x3000;
	s21 =	simm.s32 $0x3  }
0x5: {  	s22 =	simm.s32 $0x1000;
	s28 =	simm.s32 $0x2;
	s29 =	simm.s32 $0x0  }
0x6: {  	[smem:$0x7FF] =	sst s2;
	s4 =	sadd.s32 $0x8E400, s0;
	s5 =	sadd.s32 $0xB7000, s0  }
0x7: {  	s9 =	sand.u32 $0x1, s6;
	s6 =	sadd.s32 $0x11EE00, s0;
	s11 =	smul.u32 $0x4F000, s12  }
0x8: {  	s7 =	sadd.s32 $0x10AE00, s0;
	s8 =	sadd.s32 $0x53200, s0;
	s26 =	smul.u32 $0x13C00, s12  }
0x9: {  	_ =	strace $0x80000050;
	s10 =	ssub.s32 $0x2, s9;
	s14 =	smul.u32 $0x13C000, s9  }
0xa: {  	s25 =	sshll.u32 s9, $0x4;
	s23 =	sshrl.u32 s10, $0x1;
	s24 =	sshrl.u32 s11, $0x2  }
0xb: {  	s17 =	sor.u32 s12, s25;
	s25 =	simm.s32 $0x5800;
	s0 =	ssub.s32 s10, s23  }
0xc: {  	s9 =	sadd.s32 s24, s1;
	s10 =	sadd.s32 s26, s14;
	s17 =	smul.u32 $0x5000, s17  }
0xd: {  	s23 =	simm.s32 $0x2000;
	s24 =	simm.s32 $0x50;
	s26 =	simm.s32 $0x1  }
0xe: {  	s30 =	sadd.s32 $0x2800, s9;
	s31 =	sadd.s32 $0x5000, s9;
	s12 =	sadd.s32 $0x7800, s9  }
0xf: {  	s13 =	sadd.s32 $0xA000, s9;
	s14 =	sadd.s32 $0xC800, s9;
	s15 =	sadd.s32 $0xF000, s9  }
0x10: {  	s10 =	sshrl.u32 s10, $0x3;
	s16 =	sadd.s32 $0x11800, s9;
	[dreg:$0x4] =	wrdreg s30  }
0x11: {  	v0 =	vimm.f32 $0.0e+00;
	s19 =	smax.u32 s0, $0x1;
	[dreg:$0x5] =	wrdreg s31;
	s18 =	sadd.s32 s3, s10  }
.LBB2_1:
0x12: {  	s0 =	simm.s32 $0x0;
	s3 =	simm.s32 $0x200  }
.LBB2_2:
0x13: {  	p0 =	sne.s32 s3, $0x9E00;
	[tilespmem:s0+$0x3070] =	vst v0  }
0x14: {  	[tilespmem:s0+$0x3000] =	vst v0  }
0x15: {  	[tilespmem:s0+$0x3010] =	vst v0  }
.Ltmp0:
0x16: {  	[tilespmem:s0+$0x3020] =	vst v0;
	(pc) =	sbr.rel @p0 .LBB2_2-.Ltmp0, $4  }
0x17: {  	[tilespmem:s0+$0x3030] =	vst v0  }
0x18: {  	[tilespmem:s0+$0x3040] =	vst v0  }
0x19: {  	[tilespmem:s0+$0x3050] =	vst v0  }
0x1a: {  	[tilespmem:s0+$0x3060] =	vst v0;
	s0 =	sshra.s32 s3, $0x2;
	s3 =	sadd.s32 $0x200, s3  }
0x1b: {  	[tilespmem:s0+$0x3070] =	vst v0  }
0x1c: {  	[tilespmem:s0+$0x3000] =	vst v0  }
0x1d: {  	[tilespmem:s0+$0x3010] =	vst v0  }
0x1e: {  	[tilespmem:s0+$0x3020] =	vst v0  }
0x1f: {  	[tilespmem:s0+$0x3030] =	vst v0  }
0x20: {  	[tilespmem:s0+$0x3040] =	vst v0  }
0x21: {  	[tilespmem:s0+$0x3050] =	vst v0  }
0x22: {  	[tilespmem:s0+$0x3060] =	vst v0  }
0x23: {  	[spmem:s9] =	stream.linear.scatter [tilespmem:s20], [sflag:$0x3], $0x2800, $0x38;
	[tilespmem:$0x1BC00] =	vst v63  }
0x24: {  	_ =	swait.ge [sflag:s21], $0x2800  }
0x25: {  	[sflag:s21] =	ssyncset.done $0x0  }
0x26: {  	s11 =	rddreg [dreg:$0x4];
	[sflag:s21] =	ssyncadd.s32 $0xFFFFD800  }
0x27: {  	[spmem:s11] =	stream.linear.scatter [tilespmem:s20], [sflag:$0x3], $0x2800, $0x38;
	[tilespmem:$0x1BC00] =	vst v63  }
0x28: {  	_ =	swait.ge [sflag:s21], $0x2800  }
0x29: {  	[sflag:s21] =	ssyncset.done $0x0  }
0x2a: {  	s31 =	rddreg [dreg:$0x5];
	[sflag:s21] =	ssyncadd.s32 $0xFFFFD800  }
0x2b: {  	[spmem:s31] =	stream.linear.scatter [tilespmem:s20], [sflag:$0x3], $0x2800, $0x38;
	[tilespmem:$0x1BC00] =	vst v63  }
0x2c: {  	_ =	swait.ge [sflag:s21], $0x2800  }
0x2d: {  	[sflag:s21] =	ssyncset.done $0x0  }
0x2e: {  	[sflag:s21] =	ssyncadd.s32 $0xFFFFD800  }
0x2f: {  	[spmem:s12] =	stream.linear.scatter [tilespmem:s20], [sflag:$0x3], $0x2800, $0x38;
	[tilespmem:$0x1BC00] =	vst v63  }
0x30: {  	_ =	swait.ge [sflag:s21], $0x2800  }
0x31: {  	[sflag:s21] =	ssyncset.done $0x0  }
0x32: {  	[sflag:s21] =	ssyncadd.s32 $0xFFFFD800  }
0x33: {  	[spmem:s13] =	stream.linear.scatter [tilespmem:s20], [sflag:$0x3], $0x2800, $0x38;
	[tilespmem:$0x1BC00] =	vst v63  }
0x34: {  	_ =	swait.ge [sflag:s21], $0x2800  }
0x35: {  	[sflag:s21] =	ssyncset.done $0x0  }
0x36: {  	[sflag:s21] =	ssyncadd.s32 $0xFFFFD800  }
0x37: {  	[spmem:s14] =	stream.linear.scatter [tilespmem:s20], [sflag:$0x3], $0x2800, $0x38;
	[tilespmem:$0x1BC00] =	vst v63  }
0x38: {  	_ =	swait.ge [sflag:s21], $0x2800  }
0x39: {  	[sflag:s21] =	ssyncset.done $0x0  }
0x3a: {  	[sflag:s21] =	ssyncadd.s32 $0xFFFFD800  }
0x3b: {  	[spmem:s15] =	stream.linear.scatter [tilespmem:s20], [sflag:$0x3], $0x2800, $0x38;
	[tilespmem:$0x1BC00] =	vst v63  }
0x3c: {  	_ =	swait.ge [sflag:s21], $0x2800  }
0x3d: {  	[sflag:s21] =	ssyncset.done $0x0  }
0x3e: {  	[sflag:s21] =	ssyncadd.s32 $0xFFFFD800  }
0x3f: {  	[spmem:s16] =	stream.linear.scatter [tilespmem:s20], [sflag:$0x3], $0x2400, $0x38;
	[tilespmem:$0x1BC00] =	vst v63  }
0x40: {  	_ =	swait.ge [sflag:s21], $0x2400  }
0x41: {  	[sflag:s21] =	ssyncset.done $0x0  }
0x42: {  	[sflag:s21] =	ssyncadd.s32 $0xFFFFDC00  }
0x43: {  	s30 =	simm.s32 $0x0;
	[bflag:$0x0] =	sbarrier.arrive $0xFFFF  }
.LBB2_4:
0x44: {  	s0 =	sshll.u32 s30, $0xC  }
0x45: {  	s0 =	sadd.s32 s17, s0  }
0x46: {  	s0 =	sshrl.u32 s0, $0x3  }
0x47: {  	s3 =	sadd.s32 s6, s0  }
0x48: {  	[tilespmem:s29], [sflag:$0x3] =	stream.linear.gather [hbm4b:s3+s29], $0xC80, $0x38;
	[tilespmem:$0x1BC00] =	vst v63  }
0x49: {  	_ =	swait.ge [sflag:s21], $0xC80  }
0x4a: {  	[sflag:s21] =	ssyncset.done $0x0  }
0x4b: {  	s11 =	sadd.s32 s7, s0;
	[sflag:s21] =	ssyncadd.s32 $0xFFFFF380  }
0x4c: {  	[tilespmem:s22], [sflag:$0x3] =	stream.linear.gather [hbm4b:s11+s29], $0xC80, $0x38;
	[tilespmem:$0x1BC00] =	vst v63  }
0x4d: {  	_ =	swait.ge [sflag:s21], $0xC80  }
0x4e: {  	[sflag:s21] =	ssyncset.done $0x0  }
0x4f: {  	s0 =	sadd.s32 s8, s0;
	[sflag:s21] =	ssyncadd.s32 $0xFFFFF380  }
0x50: {  	[tilespmem:s23], [sflag:$0x3] =	stream.linear.gather [hbm4b:s0+s29], $0xC80, $0x38;
	[tilespmem:$0x1BC00] =	vst v63  }
0x51: {  	_ =	swait.ge [sflag:s21], $0xC80  }
0x52: {  	[sflag:s21] =	ssyncset.done $0x0  }
0x53: {  	s31 =	simm.s32 $0x0;
	[sflag:s21] =	ssyncadd.s32 $0xFFFFF380  }
.LBB2_5:
0x54: {  	s0 =	sshll.u32 s31, $0x7  }
0x55: {  	[tilespmem:s20], [sflag:$0x1] =	stream.indirect.gather [hbm4b:s4+s24], $0x80, s0, s24, $0xb8;
	[tilespmem:$0x1BC00] =	vst v63  }
0x56: {  	s3 =	sadd.s32 $0x2000, s0  }
0x57: {  	[tilespmem:s25], [sflag:$0x2] =	stream.indirect.gather [hbm4b:s5+s24], $0x80, s3, s24, $0xb8;
	[tilespmem:$0x1BC00] =	vst v63  }
0x58: {  	_ =	swait.ge [sflag:s26], $0x2800  }
0x59: {  	[sflag:s26] =	ssyncset.done $0x0  }
0x5a: {  	[sflag:s26] =	ssyncadd.s32 $0xFFFFD800  }
0x5b: {  	_ =	swait.ge [sflag:s28], $0x2800  }
0x5c: {  	[sflag:s28] =	ssyncset.done $0x0  }
0x5d: {  	s3 =	simm.s32 $0x0;
	[sflag:s28] =	ssyncadd.s32 $0xFFFFD800  }
0x5e: {  	v8 =	vld [tilespmem:s3+$0x5800]  }
0x5f: {  	v12 =	vld [tilespmem:s3+$0x5810]  }
0x60: {  	v6 =	vld [tilespmem:s3+$0x5820]  }
0x61: {  	v5 =	vld [tilespmem:s3+$0x5830]  }
0x62: {  	v4 =	vld [tilespmem:s3+$0x5840]  }
0x63: {  	v3 =	vld [tilespmem:s3+$0x5850]  }
0x64: {  	v2 =	vld [tilespmem:s3+$0x5860]  }
0x65: {  	v1 =	vld [tilespmem:s3+$0x5870]  }
0x66: {  	v13 =	vld [tilespmem:s3+$0x3000]  }
0x67: {  	v14 =	vld [tilespmem:s3+$0x3010]  }
0x68: {  	v11 =	vld [tilespmem:s3+$0x3020]  }
0x69: {  	v10 =	vld [tilespmem:s3+$0x3030]  }
0x6a: {  	v9 =	vld [tilespmem:s3+$0x3040]  }
0x6b: {  	v7 =	vld [tilespmem:s3+$0x3050];
	v13 =	vmul.f32 v8, v13  }
0x6c: {  	s10 =	simm.s32 $0x200;
	v12 =	vmul.f32 v12, v14;
	v8 =	vld [tilespmem:s3+$0x3060]  }
.LBB2_6:
0x6d: {  	s11 =	sshra.s32 s10, $0x2;
	p0 =	sne.s32 s10, $0x9E00;
	[tilespmem:s3+$0x3000] =	vst v13;
	v6 =	vmul.f32 v6, v11;
	v11 =	vld [tilespmem:s3+$0x3070]  }
0x6e: {  	v13 =	vld [tilespmem:s11+$0x5800];
	[tilespmem:s3+$0x3010] =	vst v12;
	v5 =	vmul.f32 v5, v10  }
0x6f: {  	v12 =	vld [tilespmem:s11+$0x5810];
	[tilespmem:s3+$0x3020] =	vst v6;
	v4 =	vmul.f32 v4, v9  }
0x70: {  	v6 =	vld [tilespmem:s11+$0x5820];
	[tilespmem:s3+$0x3030] =	vst v5;
	v3 =	vmul.f32 v3, v7  }
0x71: {  	v5 =	vld [tilespmem:s11+$0x5830];
	[tilespmem:s3+$0x3040] =	vst v4;
	v2 =	vmul.f32 v2, v8  }
0x72: {  	v4 =	vld [tilespmem:s11+$0x5840];
	[tilespmem:s3+$0x3050] =	vst v3;
	v1 =	vmul.f32 v1, v11  }
0x73: {  	v3 =	vld [tilespmem:s11+$0x5850];
	[tilespmem:s3+$0x3060] =	vst v2  }
0x74: {  	v2 =	vld [tilespmem:s11+$0x5860];
	[tilespmem:s3+$0x3070] =	vst v1;
	s3 =	smov.u32 s11  }
0x75: {  	v1 =	vld [tilespmem:s3+$0x5870]  }
0x76: {  	v7 =	vld [tilespmem:s3+$0x3000]  }
0x77: {  	v8 =	vld [tilespmem:s3+$0x3010]  }
.Ltmp1:
0x78: {  	v11 =	vld [tilespmem:s3+$0x3020];
	(pc) =	sbr.rel @p0 .LBB2_6-.Ltmp1, $4  }
0x79: {  	v10 =	vld [tilespmem:s3+$0x3030]  }
0x7a: {  	v9 =	vld [tilespmem:s3+$0x3040]  }
0x7b: {  	v13 =	vmul.f32 v13, v7;
	v7 =	vld [tilespmem:s3+$0x3050]  }
0x7c: {  	s10 =	sadd.s32 $0x200, s10;
	v12 =	vmul.f32 v12, v8;
	v8 =	vld [tilespmem:s3+$0x3060]  }
0x7d: {  	[tilespmem:s3+$0x3000] =	vst v13;
	v6 =	vmul.f32 v6, v11;
	v63 =	vld [tilespmem:s3+$0x3070]  }
0x7e: {  	[tilespmem:s3+$0x3010] =	vst v12;
	v5 =	vmul.f32 v5, v10  }
0x7f: {  	[tilespmem:s3+$0x3020] =	vst v6;
	v4 =	vmul.f32 v4, v9  }
0x80: {  	[tilespmem:s3+$0x3030] =	vst v5;
	v3 =	vmul.f32 v3, v7  }
0x81: {  	[tilespmem:s3+$0x3040] =	vst v4;
	v2 =	vmul.f32 v2, v8  }
0x82: {  	s31 =	sadd.s32 $0x1, s31;
	[tilespmem:s3+$0x3050] =	vst v3;
	v1 =	vmul.f32 v1, v63  }
0x83: {  	p0 =	sne.s32 s31, $0x19;
	[tilespmem:s3+$0x3060] =	vst v2  }
.Ltmp2:
0x84: {  	s0 =	sadd.s32 $0x1000, s0;
	[tilespmem:s3+$0x3070] =	vst v1;
	(pc) =	sbr.rel @p0 .LBB2_5-.Ltmp2, $4  }
0x85: {  	[spmem:s1] =	stream.indirect.scatter.add.f32 [tilespmem:s20], [sflag:$0x3], $0x80, s0, s24, $0xb8;
	[tilespmem:$0x1BC00] =	vst v63  }
0x86: {  	_ =	swait.ge [sflag:s21], $0x2800  }
0x87: {  	[sflag:s21] =	ssyncset.done $0x0  }
0x88: {  	[sflag:s21] =	ssyncadd.s32 $0xFFFFD800  }
0x89: {  	s30 =	sadd.s32 $0x1, s30  }
0x8a: {  	p0 =	sne.s32 s30, $0x5  }
.Ltmp3:
0x8b: {  	_ = 	snop;
	(pc) =	sbr.rel @p0 .LBB2_4-.Ltmp3, $1  }
0x8c: {  	_ =	sdelay $0x3  }
0x8d: {  	s0 =	stileid.u32;
	s2 =	sadd.s32 $0x1, s2  }
0x8e: {  	[bflag:$0x0] =	sbarrier.arrive $0xFFFF;
	s0 =	sshll.u32 s0, $0x6;
	p0 =	sne.s32 s2, s19  }
.Ltmp4:
0x8f: {  	s3 =	sshrl.u32 s9, $0x3;
	s0 =	sor.u32 $0x1C03, s0;
	(pc) =	sbr.rel @p0 .LBB2_1-.Ltmp4, $4  }
0x90: {  	[hbm:s18], [sflag:s0] =	dma.local [spmem:s3], $0x2780  }
0x91: {  	_ =	swait.ge [sflag:s21], $0x2780  }
0x92: {  	[sflag:s21] =	ssyncset.done $0x0  }
0x93: {  	[sflag:s21] =	ssyncadd.s32 $0xFFFFD880  }
0x94: {  	_ =	sfence.sel $0x180000  }
0x95: {  	[bflag:$0x0] =	sbarrier.arrive $0xFFFF  }
0x96: {  	_ =	strace $0x90000050  }
0x97: {  	s0 =	stileid.u32;
	[bflag:$0x2] =	sbarrier.arrive $0xFFFF  }
0x98: {  	p0 =	sne.s32 s0, $0x0;
	s0 =	rddreg [dreg:$0x3]  }
0x99: {  	s0 =	sadd.s32 @!p0 $0x100000, s0  }
0x9a: {  	[sflag:s0] =	ssyncadd.tile.s32 @!p0 $0x1;
	_ =	shalt  }
.Lfunc_end2:
_tile_overlayer_lowered:
.L_overlay_start_2:
0x9b: {  	(tag) =	ssettag $0x2  }
0x9c: {  	s0 =	rddreg [dreg:$0x0];
	s2 =	stileid.u32  }
0x9d: {  	s1 =	rddreg [dreg:$0x1];
	p0 =	sne.s32 s2, $0x0  }
0x9e: {  	s3 =	rddreg [dreg:$0x2];
	[bflag:$0x3] =	sbarrier.arrive $0xFFFF;
	s2 =	simm.s32 @!p0 $0x1C03  }
0x9f: {  	[timem:s3], [sflag:s2] =	dma.local @!p0 [hbm:s0], s1  }
0xa0: {  	s0 =	simm.s32 @!p0 $0x3  }
0xa1: {  	_ =	swait.ge @!p0 [sflag:s0], s1  }
0xa2: {  	s1 =	ssub.s32 @!p0 $0x0, s1;
	[sflag:s0] =	ssyncset.done @!p0 $0x0  }
0xa3: {  	[sflag:s0] =	ssyncadd.s32 @!p0 s1  }
0xa4: {  	[bflag:$0x3] =	sbarrier.arrive $0xFFFF  }
0xa5: {  	_ =	shalt  }

// kernel: kernel.27.cloned.1.call-start
scs
__scs_entry_jumppad:
0x0: {  	(pc) =	sbr.rel $0x88, $3  }
0x1: {  	(tag) =	ssettag $0x0;
	lr =	simm.s32 $0x1  }
0x2: {  	[smem:$0x3F8A] =	sst lr;
	_ =	strace $0xD0000000  }
0x3: {  	_ = 	snop  }
0x4: {  	_ = 	snop  }
0x5: {  	_ = 	snop  }
0x6: {  	_ = 	snop  }
0x7: {  	_ = 	snop  }
__scs_overlays_trampoline_lowered:
0x8: {  	[smem:$0x3F99] =	sst s0  }
0x9: {  	[smem:$0x3F9A] =	sst s1  }
0xa: {  	[smem:$0x3F9B] =	sst s2  }
0xb: {  	[smem:$0x3F9C] =	sst s3  }
0xc: {  	[smem:$0x3F9D] =	sst s4  }
0xd: {  	[smem:$0x3F9E] =	sst s5  }
0xe: {  	[smem:$0x3F9F] =	sst s6  }
0xf: {  	[smem:$0x3FA0] =	sst s7  }
0x10: {  	[smem:$0x3FA1] =	sst s8  }
0x11: {  	[smem:$0x3FA2] =	sst s9;
	s0 =	simm.s32 @!p0 $0x0  }
0x12: {  	s1 =	sld [smem:$0x3F88];
	s0 =	simm.s32 @p0 $0x1  }
0x13: {  	[smem:$0x3FA3] =	sst s0;
	s0 =	simm.s32 @!p1 $0x0  }
0x14: {  	s2 =	sld [smem:$0x3F87];
	s0 =	simm.s32 @p1 $0x1  }
0x15: {  	[smem:$0x3FA4] =	sst s0;
	s0 =	simm.s32 @!p2 $0x0  }
0x16: {  	s3 =	sld [smem:$0x3FDB];
	s0 =	simm.s32 @p2 $0x1  }
0x17: {  	s4 =	simm.s32 $0x1BF5;
	[smem:$0x3FA6] =	sst s0  }
0x18: {  	s0 =	sld [smem:$0x3F89];
	_ =	swait.ge [sflag:s4], $0x0  }
0x19: {  	s7 =	sld [smem:$0x3F8A]  }
0x1a: {  	s8 =	sadd.s32 $0xFFFFE003, lr  }
0x1b: {  	s9 =	sadd.s32 $0xFFFFFEF7, lr;
	s5 =	simm.s32 $0xFFFFFFFF;
	p2 =	slt.u32 s8, $0xFFFFF086  }
0x1c: {  	p1 =	slt.u32 s9, $0xF7A;
	s5 =	simm.s32 @!p2 $0x0  }
0x1d: {  	s5 =	simm.s32 @p1 $0x1;
	p0 =	seq.s32 s7, s2  }
0x1e: {  	s7 =	smul.u32 @!p0 $0xF7A, s2;
	p2 =	seq.s32 @!p0 s5, $0x0  }
0x1f: {  	s9 =	smul.u32 $0xF7A, s1;
	s8 =	simm.s32 @!p0 $0x1BF5;
	p2 =	por !p2, p0  }
0x20: {  	[sflag:s8] =	ssyncset.s32 @!p0 $0xFFFFF086;
	s6 =	sadd.s32 @!p0 s3, s7;
	s7 =	simm.s32 @!p0 $0x108  }
0x21: {  	s3 =	sadd.s32 s3, s9;
	s6 =	sadd.s32 @!p0 $0x88, s6;
	s7 =	simm.s32 @p2 $0x1082  }
0x22: {  	[simem:s7], [sflag:s8] =	dma.local @!p0 [hbm:s6], $0xF7A  }
0x23: {  	s9 =	sor.u32 $0xD0000000, s2;
	s6 =	simm.s32 $0x108;
	_ =	swait.ge @!p0 [sflag:s8], $0x0  }
0x24: {  	s3 =	sadd.s32 $0x88, s3;
	s6 =	simm.s32 @!p1 $0x1082;
	[sflag:s4] =	ssyncset.s32 $0xFFFFF086  }
0x25: {  	[simem:s6], [sflag:s4] =	dma.local [hbm:s3], $0xF7A  }
0x26: {  	[smem:$0x3F8A] =	sst s1;
	(tag) =	ssettag s2;
	_ =	strace s9  }
0x27: {  	s1 =	sld [smem:$0x3F9A]  }
0x28: {  	s2 =	sld [smem:$0x3F9B]  }
0x29: {  	s4 =	sld [smem:$0x3F9D]  }
0x2a: {  	p0 =	seq.s32 s5, $0x0;
	s5 =	sld [smem:$0x3F9E]  }
0x2b: {  	s6 =	sld [smem:$0x3F9F]  }
0x2c: {  	s7 =	sld [smem:$0x3FA0]  }
0x2d: {  	s3 =	simm.s32 $0x108;
	s8 =	sld [smem:$0x3FA1]  }
0x2e: {  	s3 =	simm.s32 @!p0 $0x1082;
	s9 =	sld [smem:$0x3FA2]  }
0x2f: {  	lr =	sadd.s32 s0, s3;
	s0 =	sld [smem:$0x3F99]  }
0x30: {  	s3 =	sld [smem:$0x3F9C]  }
0x31: {  	[smem:$0x3FA5] =	sst s10  }
0x32: {  	s10 =	sld [smem:$0x3FA3];
	_ =	sdelay $0x3  }
0x33: {  	p0 =	seq.s32 s10, $0x1;
	s10 =	sld [smem:$0x3FA5];
	_ =	sdelay $0x3  }
0x34: {  	[smem:$0x3FA5] =	sst s10  }
0x35: {  	s10 =	sld [smem:$0x3FA4];
	_ =	sdelay $0x3  }
0x36: {  	p1 =	seq.s32 s10, $0x1;
	s10 =	sld [smem:$0x3FA5];
	_ =	sdelay $0x3  }
0x37: {  	[smem:$0x3FA5] =	sst s10  }
0x38: {  	s10 =	sld [smem:$0x3FA6]  }
0x39: {  	_ = 	snop;
	(pc) =	sbr.ind lr, $3  }
0x3a: {  	_ = 	snop  }
0x3b: {  	_ = 	snop  }
0x3c: {  	p2 =	seq.s32 s10, $0x1;
	s10 =	sld [smem:$0x3FA5]  }
0x3d: {  	_ =	shalt  }
0x3e: {  	_ =	shalt  }
0x3f: {  	_ =	shalt  }
0x40: {  	_ =	shalt  }
0x41: {  	_ =	shalt  }
0x42: {  	_ =	shalt  }
0x43: {  	_ =	shalt  }
0x44: {  	_ =	shalt  }
0x45: {  	_ =	shalt  }
0x46: {  	_ =	shalt  }
0x47: {  	_ =	shalt  }
0x48: {  	_ =	shalt  }
0x49: {  	_ =	shalt  }
0x4a: {  	_ =	shalt  }
0x4b: {  	_ =	shalt  }
0x4c: {  	_ =	shalt  }
0x4d: {  	_ =	shalt  }
0x4e: {  	_ =	shalt  }
0x4f: {  	_ =	shalt  }
0x50: {  	_ =	shalt  }
0x51: {  	_ =	shalt  }
0x52: {  	_ =	shalt  }
0x53: {  	_ =	shalt  }
0x54: {  	_ =	shalt  }
0x55: {  	_ =	shalt  }
0x56: {  	_ =	shalt  }
0x57: {  	_ =	shalt  }
0x58: {  	_ =	shalt  }
0x59: {  	_ =	shalt  }
0x5a: {  	_ =	shalt  }
0x5b: {  	_ =	shalt  }
0x5c: {  	_ =	shalt  }
0x5d: {  	_ =	shalt  }
0x5e: {  	_ =	shalt  }
0x5f: {  	_ =	shalt  }
0x60: {  	_ =	shalt  }
0x61: {  	_ =	shalt  }
0x62: {  	_ =	shalt  }
0x63: {  	_ =	shalt  }
0x64: {  	_ =	shalt  }
0x65: {  	_ =	shalt  }
0x66: {  	_ =	shalt  }
0x67: {  	_ =	shalt  }
0x68: {  	_ =	shalt  }
0x69: {  	_ =	shalt  }
0x6a: {  	_ =	shalt  }
0x6b: {  	_ =	shalt  }
0x6c: {  	_ =	shalt  }
0x6d: {  	_ =	shalt  }
0x6e: {  	_ =	shalt  }
0x6f: {  	_ =	shalt  }
0x70: {  	_ =	shalt  }
0x71: {  	_ =	shalt  }
0x72: {  	_ =	shalt  }
0x73: {  	_ =	shalt  }
0x74: {  	_ =	shalt  }
0x75: {  	_ =	shalt  }
0x76: {  	_ =	shalt  }
0x77: {  	_ =	shalt  }
0x78: {  	_ =	shalt  }
0x79: {  	_ =	shalt  }
0x7a: {  	_ =	shalt  }
0x7b: {  	_ =	shalt  }
0x7c: {  	_ =	shalt  }
0x7d: {  	_ =	shalt  }
0x7e: {  	_ =	shalt  }
0x7f: {  	_ =	shalt  }
0x80: {  	_ =	shalt  }
0x81: {  	_ =	shalt  }
0x82: {  	_ =	shalt  }
0x83: {  	_ =	shalt  }
0x84: {  	_ =	shalt  }
0x85: {  	_ =	shalt  }
0x86: {  	_ =	shalt  }
0x87: {  	_ =	shalt  }
.Lfunc_end0:
.L_simem_size_0:
called_computation.4_lowered:
.L_overlay_start_0:
0x88: {  	s2 =	sld [smem:$0x3FD9]  }
0x89: {  	s3 =	sld [smem:$0x3FFE];
	_ =	sdelay $0x1  }
0x8a: {  	s1 =	srdreg.scid  }
0x8b: {  	s0 =	sand.u32 $0x1, s1  }
0x8c: {  	s16 =	sshll.u32 s0, $0xA;
	s2 =	sadd.s32 s3, s2  }
0x8d: {  	s2 =	sadd.s32 s2, s16  }
0x8e: {  	[smem:$0x3FB1] =	sst s2  }
0x8f: {  	_ = 	snop  }
0x90: {  	(tm) =	ssettm $0x1  }
0x91: {  	s17 =	sld [smem:$0x3FFB];
	_ =	sdelay $0x3  }
0x92: {  	_ =	strace s17  }
0x93: {  	s2 =	sld [smem:$0x3FFC];
	_ =	sdelay $0x3  }
0x94: {  	_ =	strace s2  }
0x95: {  	s2 =	sld [smem:$0x3FFD];
	_ =	sdelay $0x3  }
0x96: {  	_ =	strace s2  }
0x97: {  	_ =	strace $0x8FFFFFFF  }
0x98: {  	s18 =	sld [smem:$0x3FDB];
	_ =	sdelay $0x1  }
0x99: {  	s19 =	simm.s32 $_scs_section_size  }
0x9a: {  	s4 =	simm.s32 $_size__tile_overlayer_lowered;
	s5 =	simm.s32 $_tile_overlayer_lowered  }
0x9b: {  	s22 =	simm.s32 $0x1BFF;
	s21 =	sshll.u32 s5, $0x1;
	s2 =	sadd.s32 s19, s18  }
0x9c: {  	s6 =	simm.s32 $0x0;
	s20 =	sshll.u32 s4, $0x1;
	s4 =	sadd.s32 s21, s2  }
0x9d: {  	[timem:s6], [sflag:s22] =	dma.local [hbm:s4], s20  }
0x9e: {  	_ =	swait.ge [sflag:s22], s20  }
0x9f: {  	s3 =	ssub.s32 $0x0, s20;
	[sflag:s22] =	ssyncset.done $0x0  }
0xa0: {  	[sflag:s22] =	ssyncadd.s32 s3;
	_ =	sdelay $0x1  }
0xa1: {  	s23 =	simm.s32 $0x1B8B  }
0xa2: {  	_ =	swait.ge [sflag:s23], $0x1  }
0xa3: {  	[sflag:s23] =	ssyncset.done $0x0  }
0xa4: {  	s25 =	simm.s32 $0x1B8E;
	s24 =	sld [smem:$0x3FFE];
	[sflag:s23] =	ssyncadd.s32 $0xFFFFFFFF  }
0xa5: {  	s26 =	simm.s32 $execute0_lowered;
	[smem:$0x3FD2] =	sst s25  }
0xa6: {  	s4 =	sshll.u32 s26, $0x1;
	_ =	strace $0x80000052;
	[dreg:$0x1] =	wrdreg $0xFFFFFFFF  }
0xa7: {  	s28 =	simm.s32 $_size_execute0_lowered;
	s2 =	sadd.s32 s2, s4;
	[dreg:$0x0] =	wrdreg $0x0  }
0xa8: {  	s4 =	sshll.u32 s28, $0x1;
	[dreg:$0x2] =	wrdreg s2  }
0xa9: {  	[dreg:$0x3] =	wrdreg s4  }
0xaa: {  	[dreg:$0x4] =	wrdreg $0xC0  }
0xab: {  	_ =	task [dreg:s6], $0x5FFFF  }
0xac: {  	[dreg:$0x1] =	wrdreg $0xFFFFFFFF  }
0xad: {  	[dreg:$0x0] =	wrdreg $0x60  }
0xae: {  	[dreg:$0x2] =	wrdreg s24  }
0xaf: {  	[dreg:$0x3] =	wrdreg $0x80000  }
0xb0: {  	[dreg:$0x4] =	wrdreg $0x9  }
0xb1: {  	_ =	task.clear_ibuf [dreg:s6], $0x5FFFF;
	_ =	strace $0x90000052  }
0xb2: {  	s29 =	simm.s32 $0x9;
	_ =	strace $0x80000054  }
0xb3: {  	_ =	swait.ge [sflag:s29], $0x1  }
0xb4: {  	[sflag:s29] =	ssyncadd.s32 $0xFFFFFFFF  }
0xb5: {  	_ =	strace $0x90000054  }
0xb6: {  	_ =	sfence  }
0xb7: {  	s30 =	sld [smem:$0x0];
	_ =	sdelay $0x2  }
0xb8: {  	s31 =	sshll.u32 s1, $0xD;
	s1 =	sshrl.u32 s1, $0x2  }
0xb9: {  	s3 =	sand.u32 $0x4000, s31;
	s1 =	sadd.s32 s1, s30  }
0xba: {  	s0 =	sor.u32 s3, s0;
	s1 =	sshll.u32 s1, $0x11  }
0xbb: {  	s0 =	sor.u32 s1, s0  }
0xbc: {  	s0 =	sadd.s32 $0x8F2B, s0  }
0xbd: {  	[sflag:s0] =	ssyncadd.remote.s32 $0x1  }
0xbe: {  	_ =	sfence.sel $0xFFFF  }
0xbf: {  	[dreg:$0x0] =	wrdreg $0xFFFFFFFF;
	(pc) =	sbr.abs _section_cstart, $3  }
0xc0: {  	[dreg:$0x1] =	wrdreg $0xFFFFFFFF  }
0xc1: {  	_ =	task.clear_ibuf [dreg:s6], $0x2FFFF;
	_ =	strace $0x9FFFFFFF  }
0xc2: {  	(tm) =	ssettm $0x7FFFFFFF  }
0xc3: {  	_ =	shalt  }
tec
execute0_lowered:
.L_overlay_start_1:
0x0: {  	(tag) =	ssettag $0x1  }
0x1: {  	s0 =	rddreg [dreg:$0x0]  }
0x2: {  	s1 =	rddreg [dreg:$0x1]  }
0x3: {  	s2 =	srdreg.scid;
	s3 =	simm.s32 $0x0;
	s12 =	stileid.u32  }
0x4: {  	s20 =	simm.s32 $0x3000;
	s21 =	simm.s32 $0x3;
	s22 =	simm.s32 $0x1000  }
0x5: {  	s23 =	simm.s32 $0x2000;
	s24 =	simm.s32 $0x50;
	s25 =	simm.s32 $0x5800  }
0x6: {  	s26 =	simm.s32 $0x1;
	s28 =	simm.s32 $0x2;
	s29 =	simm.s32 $0x0  }
0x7: {  	s2 =	sand.u32 $0x1, s2;
	[smem:$0x7FF] =	sst s3;
	s8 =	smul.u32 $0x13C00, s12  }
0x8: {  	s4 =	sadd.s32 $0x67200, s0;
	s5 =	sadd.s32 $0xB8A00, s0;
	s10 =	smul.u32 $0x4F000, s12  }
0x9: {  	s6 =	sadd.s32 $0x3F200, s0;
	s7 =	smul.u32 $0x13C000, s2;
	s30 =	ssub.s32 $0x2, s2  }
0xa: {  	_ =	strace $0x80000053;
	s2 =	sshll.u32 s2, $0x4;
	s11 =	sshrl.u32 s30, $0x1  }
0xb: {  	s10 =	sshrl.u32 s10, $0x2;
	s2 =	sor.u32 s12, s2;
	s8 =	sadd.s32 s8, s7  }
0xc: {  	s7 =	sadd.s32 $0x2B200, s0;
	s19 =	ssub.s32 s30, s11;
	s9 =	sshrl.u32 s8, $0x3  }
0xd: {  	s8 =	sadd.s32 $0x53200, s0;
	s0 =	sadd.s32 s9, s0;
	s9 =	sadd.s32 s10, s1  }
0xe: {  	s17 =	smul.u32 $0x5000, s2;
	s19 =	smax.u32 s19, $0x1;
	s10 =	sadd.s32 $0x2800, s9  }
0xf: {  	s31 =	sadd.s32 $0x5000, s9;
	s12 =	sadd.s32 $0x7800, s9;
	s13 =	sadd.s32 $0xA000, s9  }
0x10: {  	s14 =	sadd.s32 $0xC800, s9;
	s15 =	sadd.s32 $0xF000, s9;
	[dreg:$0x3] =	wrdreg s10  }
0x11: {  	v0 =	vimm.f32 $0.0e+00;
	s16 =	sadd.s32 $0x11800, s9;
	s18 =	sadd.s32 $0x181200, s0;
	[dreg:$0x4] =	wrdreg s31  }
.LBB2_1:
0x12: {  	s0 =	simm.s32 $0x0;
	s2 =	simm.s32 $0x200  }
.LBB2_2:
0x13: {  	p0 =	sne.s32 s2, $0x9E00;
	[tilespmem:s0+$0x3070] =	vst v0  }
0x14: {  	[tilespmem:s0+$0x3000] =	vst v0  }
0x15: {  	[tilespmem:s0+$0x3010] =	vst v0  }
.Ltmp0:
0x16: {  	[tilespmem:s0+$0x3020] =	vst v0;
	(pc) =	sbr.rel @p0 .LBB2_2-.Ltmp0, $4  }
0x17: {  	[tilespmem:s0+$0x3030] =	vst v0  }
0x18: {  	[tilespmem:s0+$0x3040] =	vst v0  }
0x19: {  	[tilespmem:s0+$0x3050] =	vst v0  }
0x1a: {  	[tilespmem:s0+$0x3060] =	vst v0;
	s0 =	sshra.s32 s2, $0x2;
	s2 =	sadd.s32 $0x200, s2  }
0x1b: {  	[tilespmem:s0+$0x3070] =	vst v0  }
0x1c: {  	[tilespmem:s0+$0x3000] =	vst v0  }
0x1d: {  	[tilespmem:s0+$0x3010] =	vst v0  }
0x1e: {  	[tilespmem:s0+$0x3020] =	vst v0  }
0x1f: {  	[tilespmem:s0+$0x3030] =	vst v0  }
0x20: {  	[tilespmem:s0+$0x3040] =	vst v0  }
0x21: {  	[tilespmem:s0+$0x3050] =	vst v0  }
0x22: {  	[tilespmem:s0+$0x3060] =	vst v0  }
0x23: {  	[spmem:s9] =	stream.linear.scatter [tilespmem:s20], [sflag:$0x3], $0x2800, $0x38;
	[tilespmem:$0x1BC00] =	vst v63  }
0x24: {  	_ =	swait.ge [sflag:s21], $0x2800  }
0x25: {  	[sflag:s21] =	ssyncset.done $0x0  }
0x26: {  	s11 =	rddreg [dreg:$0x3];
	[sflag:s21] =	ssyncadd.s32 $0xFFFFD800  }
0x27: {  	[spmem:s11] =	stream.linear.scatter [tilespmem:s20], [sflag:$0x3], $0x2800, $0x38;
	[tilespmem:$0x1BC00] =	vst v63  }
0x28: {  	_ =	swait.ge [sflag:s21], $0x2800  }
0x29: {  	[sflag:s21] =	ssyncset.done $0x0  }
0x2a: {  	s31 =	rddreg [dreg:$0x4];
	[sflag:s21] =	ssyncadd.s32 $0xFFFFD800  }
0x2b: {  	[spmem:s31] =	stream.linear.scatter [tilespmem:s20], [sflag:$0x3], $0x2800, $0x38;
	[tilespmem:$0x1BC00] =	vst v63  }
0x2c: {  	_ =	swait.ge [sflag:s21], $0x2800  }
0x2d: {  	[sflag:s21] =	ssyncset.done $0x0  }
0x2e: {  	[sflag:s21] =	ssyncadd.s32 $0xFFFFD800  }
0x2f: {  	[spmem:s12] =	stream.linear.scatter [tilespmem:s20], [sflag:$0x3], $0x2800, $0x38;
	[tilespmem:$0x1BC00] =	vst v63  }
0x30: {  	_ =	swait.ge [sflag:s21], $0x2800  }
0x31: {  	[sflag:s21] =	ssyncset.done $0x0  }
0x32: {  	[sflag:s21] =	ssyncadd.s32 $0xFFFFD800  }
0x33: {  	[spmem:s13] =	stream.linear.scatter [tilespmem:s20], [sflag:$0x3], $0x2800, $0x38;
	[tilespmem:$0x1BC00] =	vst v63  }
0x34: {  	_ =	swait.ge [sflag:s21], $0x2800  }
0x35: {  	[sflag:s21] =	ssyncset.done $0x0  }
0x36: {  	[sflag:s21] =	ssyncadd.s32 $0xFFFFD800  }
0x37: {  	[spmem:s14] =	stream.linear.scatter [tilespmem:s20], [sflag:$0x3], $0x2800, $0x38;
	[tilespmem:$0x1BC00] =	vst v63  }
0x38: {  	_ =	swait.ge [sflag:s21], $0x2800  }
0x39: {  	[sflag:s21] =	ssyncset.done $0x0  }
0x3a: {  	[sflag:s21] =	ssyncadd.s32 $0xFFFFD800  }
0x3b: {  	[spmem:s15] =	stream.linear.scatter [tilespmem:s20], [sflag:$0x3], $0x2800, $0x38;
	[tilespmem:$0x1BC00] =	vst v63  }
0x3c: {  	_ =	swait.ge [sflag:s21], $0x2800  }
0x3d: {  	[sflag:s21] =	ssyncset.done $0x0  }
0x3e: {  	[sflag:s21] =	ssyncadd.s32 $0xFFFFD800  }
0x3f: {  	[spmem:s16] =	stream.linear.scatter [tilespmem:s20], [sflag:$0x3], $0x2400, $0x38;
	[tilespmem:$0x1BC00] =	vst v63  }
0x40: {  	_ =	swait.ge [sflag:s21], $0x2400  }
0x41: {  	[sflag:s21] =	ssyncset.done $0x0  }
0x42: {  	[sflag:s21] =	ssyncadd.s32 $0xFFFFDC00  }
0x43: {  	s30 =	simm.s32 $0x0;
	[bflag:$0x0] =	sbarrier.arrive $0xFFFF  }
.LBB2_4:
0x44: {  	s0 =	sshll.u32 s30, $0xC  }
0x45: {  	s0 =	sadd.s32 s17, s0  }
0x46: {  	s0 =	sshrl.u32 s0, $0x3  }
0x47: {  	s2 =	sadd.s32 s6, s0  }
0x48: {  	[tilespmem:s29], [sflag:$0x3] =	stream.linear.gather [hbm4b:s2+s29], $0xC80, $0x38;
	[tilespmem:$0x1BC00] =	vst v63  }
0x49: {  	_ =	swait.ge [sflag:s21], $0xC80  }
0x4a: {  	[sflag:s21] =	ssyncset.done $0x0  }
0x4b: {  	s11 =	sadd.s32 s7, s0;
	[sflag:s21] =	ssyncadd.s32 $0xFFFFF380  }
0x4c: {  	[tilespmem:s22], [sflag:$0x3] =	stream.linear.gather [hbm4b:s11+s29], $0xC80, $0x38;
	[tilespmem:$0x1BC00] =	vst v63  }
0x4d: {  	_ =	swait.ge [sflag:s21], $0xC80  }
0x4e: {  	[sflag:s21] =	ssyncset.done $0x0  }
0x4f: {  	s0 =	sadd.s32 s8, s0;
	[sflag:s21] =	ssyncadd.s32 $0xFFFFF380  }
0x50: {  	[tilespmem:s23], [sflag:$0x3] =	stream.linear.gather [hbm4b:s0+s29], $0xC80, $0x38;
	[tilespmem:$0x1BC00] =	vst v63  }
0x51: {  	_ =	swait.ge [sflag:s21], $0xC80  }
0x52: {  	[sflag:s21] =	ssyncset.done $0x0  }
0x53: {  	s31 =	simm.s32 $0x0;
	[sflag:s21] =	ssyncadd.s32 $0xFFFFF380  }
.LBB2_5:
0x54: {  	s0 =	sshll.u32 s31, $0x7  }
0x55: {  	[tilespmem:s20], [sflag:$0x1] =	stream.indirect.gather [hbm4b:s4+s24], $0x80, s0, s24, $0xb8;
	[tilespmem:$0x1BC00] =	vst v63  }
0x56: {  	s2 =	sadd.s32 $0x2000, s0  }
0x57: {  	[tilespmem:s25], [sflag:$0x2] =	stream.indirect.gather [hbm4b:s5+s24], $0x80, s2, s24, $0xb8;
	[tilespmem:$0x1BC00] =	vst v63  }
0x58: {  	_ =	swait.ge [sflag:s26], $0x2800  }
0x59: {  	[sflag:s26] =	ssyncset.done $0x0  }
0x5a: {  	[sflag:s26] =	ssyncadd.s32 $0xFFFFD800  }
0x5b: {  	_ =	swait.ge [sflag:s28], $0x2800  }
0x5c: {  	[sflag:s28] =	ssyncset.done $0x0  }
0x5d: {  	s2 =	simm.s32 $0x0;
	[sflag:s28] =	ssyncadd.s32 $0xFFFFD800  }
0x5e: {  	v8 =	vld [tilespmem:s2+$0x5800]  }
0x5f: {  	v12 =	vld [tilespmem:s2+$0x5810]  }
0x60: {  	v6 =	vld [tilespmem:s2+$0x5820]  }
0x61: {  	v5 =	vld [tilespmem:s2+$0x5830]  }
0x62: {  	v4 =	vld [tilespmem:s2+$0x5840]  }
0x63: {  	v3 =	vld [tilespmem:s2+$0x5850]  }
0x64: {  	v2 =	vld [tilespmem:s2+$0x5860]  }
0x65: {  	v1 =	vld [tilespmem:s2+$0x5870]  }
0x66: {  	v13 =	vld [tilespmem:s2+$0x3000]  }
0x67: {  	v14 =	vld [tilespmem:s2+$0x3010]  }
0x68: {  	v11 =	vld [tilespmem:s2+$0x3020]  }
0x69: {  	v10 =	vld [tilespmem:s2+$0x3030]  }
0x6a: {  	v9 =	vld [tilespmem:s2+$0x3040]  }
0x6b: {  	v7 =	vld [tilespmem:s2+$0x3050];
	v13 =	vmul.f32 v8, v13  }
0x6c: {  	s10 =	simm.s32 $0x200;
	v12 =	vmul.f32 v12, v14;
	v8 =	vld [tilespmem:s2+$0x3060]  }
.LBB2_6:
0x6d: {  	s11 =	sshra.s32 s10, $0x2;
	p0 =	sne.s32 s10, $0x9E00;
	[tilespmem:s2+$0x3000] =	vst v13;
	v6 =	vmul.f32 v6, v11;
	v11 =	vld [tilespmem:s2+$0x3070]  }
0x6e: {  	v13 =	vld [tilespmem:s11+$0x5800];
	[tilespmem:s2+$0x3010] =	vst v12;
	v5 =	vmul.f32 v5, v10  }
0x6f: {  	v12 =	vld [tilespmem:s11+$0x5810];
	[tilespmem:s2+$0x3020] =	vst v6;
	v4 =	vmul.f32 v4, v9  }
0x70: {  	v6 =	vld [tilespmem:s11+$0x5820];
	[tilespmem:s2+$0x3030] =	vst v5;
	v3 =	vmul.f32 v3, v7  }
0x71: {  	v5 =	vld [tilespmem:s11+$0x5830];
	[tilespmem:s2+$0x3040] =	vst v4;
	v2 =	vmul.f32 v2, v8  }
0x72: {  	v4 =	vld [tilespmem:s11+$0x5840];
	[tilespmem:s2+$0x3050] =	vst v3;
	v1 =	vmul.f32 v1, v11  }
0x73: {  	v3 =	vld [tilespmem:s11+$0x5850];
	[tilespmem:s2+$0x3060] =	vst v2  }
0x74: {  	v2 =	vld [tilespmem:s11+$0x5860];
	[tilespmem:s2+$0x3070] =	vst v1;
	s2 =	smov.u32 s11  }
0x75: {  	v1 =	vld [tilespmem:s2+$0x5870]  }
0x76: {  	v7 =	vld [tilespmem:s2+$0x3000]  }
0x77: {  	v8 =	vld [tilespmem:s2+$0x3010]  }
.Ltmp1:
0x78: {  	v11 =	vld [tilespmem:s2+$0x3020];
	(pc) =	sbr.rel @p0 .LBB2_6-.Ltmp1, $4  }
0x79: {  	v10 =	vld [tilespmem:s2+$0x3030]  }
0x7a: {  	v9 =	vld [tilespmem:s2+$0x3040]  }
0x7b: {  	v13 =	vmul.f32 v13, v7;
	v7 =	vld [tilespmem:s2+$0x3050]  }
0x7c: {  	s10 =	sadd.s32 $0x200, s10;
	v12 =	vmul.f32 v12, v8;
	v8 =	vld [tilespmem:s2+$0x3060]  }
0x7d: {  	[tilespmem:s2+$0x3000] =	vst v13;
	v6 =	vmul.f32 v6, v11;
	v63 =	vld [tilespmem:s2+$0x3070]  }
0x7e: {  	[tilespmem:s2+$0x3010] =	vst v12;
	v5 =	vmul.f32 v5, v10  }
0x7f: {  	[tilespmem:s2+$0x3020] =	vst v6;
	v4 =	vmul.f32 v4, v9  }
0x80: {  	[tilespmem:s2+$0x3030] =	vst v5;
	v3 =	vmul.f32 v3, v7  }
0x81: {  	[tilespmem:s2+$0x3040] =	vst v4;
	v2 =	vmul.f32 v2, v8  }
0x82: {  	s31 =	sadd.s32 $0x1, s31;
	[tilespmem:s2+$0x3050] =	vst v3;
	v1 =	vmul.f32 v1, v63  }
0x83: {  	p0 =	sne.s32 s31, $0x19;
	[tilespmem:s2+$0x3060] =	vst v2  }
.Ltmp2:
0x84: {  	s0 =	sadd.s32 $0x1000, s0;
	[tilespmem:s2+$0x3070] =	vst v1;
	(pc) =	sbr.rel @p0 .LBB2_5-.Ltmp2, $4  }
0x85: {  	[spmem:s1] =	stream.indirect.scatter.add.f32 [tilespmem:s20], [sflag:$0x3], $0x80, s0, s24, $0xb8;
	[tilespmem:$0x1BC00] =	vst v63  }
0x86: {  	_ =	swait.ge [sflag:s21], $0x2800  }
0x87: {  	[sflag:s21] =	ssyncset.done $0x0  }
0x88: {  	[sflag:s21] =	ssyncadd.s32 $0xFFFFD800  }
0x89: {  	s30 =	sadd.s32 $0x1, s30  }
0x8a: {  	p0 =	sne.s32 s30, $0x5  }
.Ltmp3:
0x8b: {  	_ = 	snop;
	(pc) =	sbr.rel @p0 .LBB2_4-.Ltmp3, $1  }
0x8c: {  	_ =	sdelay $0x3  }
0x8d: {  	s0 =	stileid.u32;
	s3 =	sadd.s32 $0x1, s3  }
0x8e: {  	[bflag:$0x0] =	sbarrier.arrive $0xFFFF;
	s0 =	sshll.u32 s0, $0x6;
	p0 =	sne.s32 s3, s19  }
.Ltmp4:
0x8f: {  	s2 =	sshrl.u32 s9, $0x3;
	s0 =	sor.u32 $0x1C03, s0;
	(pc) =	sbr.rel @p0 .LBB2_1-.Ltmp4, $4  }
0x90: {  	[hbm:s18], [sflag:s0] =	dma.local [spmem:s2], $0x2780  }
0x91: {  	_ =	swait.ge [sflag:s21], $0x2780  }
0x92: {  	[sflag:s21] =	ssyncset.done $0x0  }
0x93: {  	[sflag:s21] =	ssyncadd.s32 $0xFFFFD880  }
0x94: {  	_ =	sfence.sel $0x180000  }
0x95: {  	[bflag:$0x0] =	sbarrier.arrive $0xFFFF  }
0x96: {  	_ =	strace $0x90000053  }
0x97: {  	s0 =	stileid.u32;
	[bflag:$0x2] =	sbarrier.arrive $0xFFFF  }
0x98: {  	p0 =	sne.s32 s0, $0x0;
	s0 =	rddreg [dreg:$0x2]  }
0x99: {  	s0 =	sadd.s32 @!p0 $0x100000, s0  }
0x9a: {  	[sflag:s0] =	ssyncadd.tile.s32 @!p0 $0x1;
	_ =	shalt  }
.Lfunc_end2:
_tile_overlayer_lowered:
.L_overlay_start_2:
0x9b: {  	(tag) =	ssettag $0x2  }
0x9c: {  	s0 =	rddreg [dreg:$0x0];
	s2 =	stileid.u32  }
0x9d: {  	s1 =	rddreg [dreg:$0x1];
	p0 =	sne.s32 s2, $0x0  }
0x9e: {  	s3 =	rddreg [dreg:$0x2];
	[bflag:$0x3] =	sbarrier.arrive $0xFFFF;
	s2 =	simm.s32 @!p0 $0x1C03  }
0x9f: {  	[timem:s3], [sflag:s2] =	dma.local @!p0 [hbm:s0], s1  }
0xa0: {  	s0 =	simm.s32 @!p0 $0x3  }
0xa1: {  	_ =	swait.ge @!p0 [sflag:s0], s1  }
0xa2: {  	s1 =	ssub.s32 @!p0 $0x0, s1;
	[sflag:s0] =	ssyncset.done @!p0 $0x0  }
0xa3: {  	[sflag:s0] =	ssyncadd.s32 @!p0 s1  }
0xa4: {  	[bflag:$0x3] =	sbarrier.arrive $0xFFFF  }
0xa5: {  	_ =	shalt  }

// kernel: kernel.30.cloned.1.call-start
scs
__scs_entry_jumppad:
0x0: {  	(pc) =	sbr.rel $0x88, $3  }
0x1: {  	(tag) =	ssettag $0x0;
	lr =	simm.s32 $0x1  }
0x2: {  	[smem:$0x3F8A] =	sst lr;
	_ =	strace $0xD0000000  }
0x3: {  	_ = 	snop  }
0x4: {  	_ = 	snop  }
0x5: {  	_ = 	snop  }
0x6: {  	_ = 	snop  }
0x7: {  	_ = 	snop  }
__scs_overlays_trampoline_lowered:
0x8: {  	[smem:$0x3F99] =	sst s0  }
0x9: {  	[smem:$0x3F9A] =	sst s1  }
0xa: {  	[smem:$0x3F9B] =	sst s2  }
0xb: {  	[smem:$0x3F9C] =	sst s3  }
0xc: {  	[smem:$0x3F9D] =	sst s4  }
0xd: {  	[smem:$0x3F9E] =	sst s5  }
0xe: {  	[smem:$0x3F9F] =	sst s6  }
0xf: {  	[smem:$0x3FA0] =	sst s7  }
0x10: {  	[smem:$0x3FA1] =	sst s8  }
0x11: {  	[smem:$0x3FA2] =	sst s9;
	s0 =	simm.s32 @!p0 $0x0  }
0x12: {  	s1 =	sld [smem:$0x3F88];
	s0 =	simm.s32 @p0 $0x1  }
0x13: {  	[smem:$0x3FA3] =	sst s0;
	s0 =	simm.s32 @!p1 $0x0  }
0x14: {  	s2 =	sld [smem:$0x3F87];
	s0 =	simm.s32 @p1 $0x1  }
0x15: {  	[smem:$0x3FA4] =	sst s0;
	s0 =	simm.s32 @!p2 $0x0  }
0x16: {  	s3 =	sld [smem:$0x3FDB];
	s0 =	simm.s32 @p2 $0x1  }
0x17: {  	s4 =	simm.s32 $0x1BF5;
	[smem:$0x3FA6] =	sst s0  }
0x18: {  	s0 =	sld [smem:$0x3F89];
	_ =	swait.ge [sflag:s4], $0x0  }
0x19: {  	s7 =	sld [smem:$0x3F8A]  }
0x1a: {  	s8 =	sadd.s32 $0xFFFFE003, lr  }
0x1b: {  	s9 =	sadd.s32 $0xFFFFFEF7, lr;
	s5 =	simm.s32 $0xFFFFFFFF;
	p2 =	slt.u32 s8, $0xFFFFF086  }
0x1c: {  	p1 =	slt.u32 s9, $0xF7A;
	s5 =	simm.s32 @!p2 $0x0  }
0x1d: {  	s5 =	simm.s32 @p1 $0x1;
	p0 =	seq.s32 s7, s2  }
0x1e: {  	s7 =	smul.u32 @!p0 $0xF7A, s2;
	p2 =	seq.s32 @!p0 s5, $0x0  }
0x1f: {  	s9 =	smul.u32 $0xF7A, s1;
	s8 =	simm.s32 @!p0 $0x1BF5;
	p2 =	por !p2, p0  }
0x20: {  	[sflag:s8] =	ssyncset.s32 @!p0 $0xFFFFF086;
	s6 =	sadd.s32 @!p0 s3, s7;
	s7 =	simm.s32 @!p0 $0x108  }
0x21: {  	s3 =	sadd.s32 s3, s9;
	s6 =	sadd.s32 @!p0 $0x88, s6;
	s7 =	simm.s32 @p2 $0x1082  }
0x22: {  	[simem:s7], [sflag:s8] =	dma.local @!p0 [hbm:s6], $0xF7A  }
0x23: {  	s9 =	sor.u32 $0xD0000000, s2;
	s6 =	simm.s32 $0x108;
	_ =	swait.ge @!p0 [sflag:s8], $0x0  }
0x24: {  	s3 =	sadd.s32 $0x88, s3;
	s6 =	simm.s32 @!p1 $0x1082;
	[sflag:s4] =	ssyncset.s32 $0xFFFFF086  }
0x25: {  	[simem:s6], [sflag:s4] =	dma.local [hbm:s3], $0xF7A  }
0x26: {  	[smem:$0x3F8A] =	sst s1;
	(tag) =	ssettag s2;
	_ =	strace s9  }
0x27: {  	s1 =	sld [smem:$0x3F9A]  }
0x28: {  	s2 =	sld [smem:$0x3F9B]  }
0x29: {  	s4 =	sld [smem:$0x3F9D]  }
0x2a: {  	p0 =	seq.s32 s5, $0x0;
	s5 =	sld [smem:$0x3F9E]  }
0x2b: {  	s6 =	sld [smem:$0x3F9F]  }
0x2c: {  	s7 =	sld [smem:$0x3FA0]  }
0x2d: {  	s3 =	simm.s32 $0x108;
	s8 =	sld [smem:$0x3FA1]  }
0x2e: {  	s3 =	simm.s32 @!p0 $0x1082;
	s9 =	sld [smem:$0x3FA2]  }
0x2f: {  	lr =	sadd.s32 s0, s3;
	s0 =	sld [smem:$0x3F99]  }
0x30: {  	s3 =	sld [smem:$0x3F9C]  }
0x31: {  	[smem:$0x3FA5] =	sst s10  }
0x32: {  	s10 =	sld [smem:$0x3FA3];
	_ =	sdelay $0x3  }
0x33: {  	p0 =	seq.s32 s10, $0x1;
	s10 =	sld [smem:$0x3FA5];
	_ =	sdelay $0x3  }
0x34: {  	[smem:$0x3FA5] =	sst s10  }
0x35: {  	s10 =	sld [smem:$0x3FA4];
	_ =	sdelay $0x3  }
0x36: {  	p1 =	seq.s32 s10, $0x1;
	s10 =	sld [smem:$0x3FA5];
	_ =	sdelay $0x3  }
0x37: {  	[smem:$0x3FA5] =	sst s10  }
0x38: {  	s10 =	sld [smem:$0x3FA6]  }
0x39: {  	_ = 	snop;
	(pc) =	sbr.ind lr, $3  }
0x3a: {  	_ = 	snop  }
0x3b: {  	_ = 	snop  }
0x3c: {  	p2 =	seq.s32 s10, $0x1;
	s10 =	sld [smem:$0x3FA5]  }
0x3d: {  	_ =	shalt  }
0x3e: {  	_ =	shalt  }
0x3f: {  	_ =	shalt  }
0x40: {  	_ =	shalt  }
0x41: {  	_ =	shalt  }
0x42: {  	_ =	shalt  }
0x43: {  	_ =	shalt  }
0x44: {  	_ =	shalt  }
0x45: {  	_ =	shalt  }
0x46: {  	_ =	shalt  }
0x47: {  	_ =	shalt  }
0x48: {  	_ =	shalt  }
0x49: {  	_ =	shalt  }
0x4a: {  	_ =	shalt  }
0x4b: {  	_ =	shalt  }
0x4c: {  	_ =	shalt  }
0x4d: {  	_ =	shalt  }
0x4e: {  	_ =	shalt  }
0x4f: {  	_ =	shalt  }
0x50: {  	_ =	shalt  }
0x51: {  	_ =	shalt  }
0x52: {  	_ =	shalt  }
0x53: {  	_ =	shalt  }
0x54: {  	_ =	shalt  }
0x55: {  	_ =	shalt  }
0x56: {  	_ =	shalt  }
0x57: {  	_ =	shalt  }
0x58: {  	_ =	shalt  }
0x59: {  	_ =	shalt  }
0x5a: {  	_ =	shalt  }
0x5b: {  	_ =	shalt  }
0x5c: {  	_ =	shalt  }
0x5d: {  	_ =	shalt  }
0x5e: {  	_ =	shalt  }
0x5f: {  	_ =	shalt  }
0x60: {  	_ =	shalt  }
0x61: {  	_ =	shalt  }
0x62: {  	_ =	shalt  }
0x63: {  	_ =	shalt  }
0x64: {  	_ =	shalt  }
0x65: {  	_ =	shalt  }
0x66: {  	_ =	shalt  }
0x67: {  	_ =	shalt  }
0x68: {  	_ =	shalt  }
0x69: {  	_ =	shalt  }
0x6a: {  	_ =	shalt  }
0x6b: {  	_ =	shalt  }
0x6c: {  	_ =	shalt  }
0x6d: {  	_ =	shalt  }
0x6e: {  	_ =	shalt  }
0x6f: {  	_ =	shalt  }
0x70: {  	_ =	shalt  }
0x71: {  	_ =	shalt  }
0x72: {  	_ =	shalt  }
0x73: {  	_ =	shalt  }
0x74: {  	_ =	shalt  }
0x75: {  	_ =	shalt  }
0x76: {  	_ =	shalt  }
0x77: {  	_ =	shalt  }
0x78: {  	_ =	shalt  }
0x79: {  	_ =	shalt  }
0x7a: {  	_ =	shalt  }
0x7b: {  	_ =	shalt  }
0x7c: {  	_ =	shalt  }
0x7d: {  	_ =	shalt  }
0x7e: {  	_ =	shalt  }
0x7f: {  	_ =	shalt  }
0x80: {  	_ =	shalt  }
0x81: {  	_ =	shalt  }
0x82: {  	_ =	shalt  }
0x83: {  	_ =	shalt  }
0x84: {  	_ =	shalt  }
0x85: {  	_ =	shalt  }
0x86: {  	_ =	shalt  }
0x87: {  	_ =	shalt  }
.Lfunc_end0:
.L_simem_size_0:
called_computation.5_lowered:
.L_overlay_start_0:
0x88: {  	s2 =	sld [smem:$0x3FD9]  }
0x89: {  	s3 =	sld [smem:$0x3FFE];
	_ =	sdelay $0x1  }
0x8a: {  	s1 =	srdreg.scid  }
0x8b: {  	s0 =	sand.u32 $0x1, s1  }
0x8c: {  	s15 =	sshll.u32 s0, $0xA;
	s2 =	sadd.s32 s3, s2  }
0x8d: {  	s2 =	sadd.s32 s2, s15  }
0x8e: {  	[smem:$0x3FB1] =	sst s2  }
0x8f: {  	_ = 	snop  }
0x90: {  	s2 =	sld [smem:$0x3FD0];
	_ =	sdelay $0x2  }
0x91: {  	s16 =	simm.s32 $0xD;
	s4 =	simm.s32 $0x10  }
0x92: {  	[smem:s4], [sflag:s16] =	dma.local [hbm:s2], $0x1  }
0x93: {  	_ =	swait.eq [sflag:s16], $0x1  }
0x94: {  	[sflag:s16] =	ssyncset.done $0x0  }
0x95: {  	[sflag:s16] =	ssyncadd.s32 $0xFFFFFFFF  }
0x96: {  	s17 =	sld [smem:$0x10];
	(tm) =	ssettm $0x1  }
0x97: {  	s18 =	sld [smem:$0x3FFB];
	_ =	sdelay $0x3  }
0x98: {  	_ =	strace s18  }
0x99: {  	s2 =	sld [smem:$0x3FFC];
	_ =	sdelay $0x3  }
0x9a: {  	_ =	strace s2  }
0x9b: {  	s2 =	sld [smem:$0x3FFD];
	_ =	sdelay $0x3  }
0x9c: {  	_ =	strace s2  }
0x9d: {  	_ =	strace $0x8FFFFFFF  }
0x9e: {  	s19 =	sld [smem:$0x3FDB];
	_ =	sdelay $0x1  }
0x9f: {  	s20 =	simm.s32 $_scs_section_size  }
0xa0: {  	s5 =	simm.s32 $_size__tile_overlayer_lowered;
	s6 =	simm.s32 $_tile_overlayer_lowered  }
0xa1: {  	s7 =	simm.s32 $0x1BFF;
	s21 =	sshll.u32 s6, $0x1;
	s4 =	sadd.s32 s20, s19  }
0xa2: {  	s22 =	simm.s32 $0x0;
	s5 =	sshll.u32 s5, $0x1;
	s6 =	sadd.s32 s21, s4  }
0xa3: {  	[timem:s22], [sflag:s7] =	dma.local [hbm:s6], s5  }
0xa4: {  	_ =	swait.ge [sflag:s7], s5  }
0xa5: {  	s5 =	ssub.s32 $0x0, s5;
	[sflag:s7] =	ssyncset.done $0x0  }
0xa6: {  	[sflag:s7] =	ssyncadd.s32 s5;
	_ =	sdelay $0x1  }
0xa7: {  	s23 =	simm.s32 $0x1B8B  }
0xa8: {  	_ =	swait.ge [sflag:s23], $0x1  }
0xa9: {  	[sflag:s23] =	ssyncset.done $0x0  }
0xaa: {  	[sflag:s23] =	ssyncadd.s32 $0xFFFFFFFF  }
0xab: {  	s5 =	sld [smem:$0x0]  }
0xac: {  	s6 =	sand.u32 $0xFFFFFFFE, s1  }
0xad: {  	p0 =	sne.s32 s1, s6  }
0xae: {  	s6 =	sshll.u32 @p0 s6, $0xE  }
0xaf: {  	s6 =	sadd.s32 @p0 $0x11B8D, s6;
	s7 =	sshll.u32 @p0 s5, $0x11  }
0xb0: {  	s6 =	sor.u32 @p0 s7, s6  }
0xb1: {  	[sflag:s6] =	ssyncadd.remote.s32 @p0 $0x1;
	_ =	sdelay $0x1  }
0xb2: {  	s6 =	simm.s32 @p0 $0x1B8D  }
0xb3: {  	_ =	swait.eq @p0 [sflag:s6], $0x1  }
0xb4: {  	[sflag:s6] =	ssyncadd.s32 @p0 $0xFFFFFFFF  }
0xb5: {  	s7 =	sshll.u32 @!p0 s1, $0xE  }
0xb6: {  	s7 =	sor.u32 @!p0 $0x4000, s7;
	s6 =	simm.s32 @!p0 $0x1B8D  }
0xb7: {  	s5 =	sshll.u32 @!p0 s5, $0x11;
	s7 =	sadd.s32 @!p0 $0x11B8D, s7;
	_ =	swait.eq @!p0 [sflag:s6], $0x1  }
0xb8: {  	s5 =	sor.u32 @!p0 s5, s7;
	[sflag:s6] =	ssyncadd.s32 @!p0 $0xFFFFFFFF  }
0xb9: {  	s25 =	simm.s32 $0x1B8E;
	s24 =	sld [smem:$0x3FFE];
	[sflag:s5] =	ssyncadd.remote.s32 @!p0 $0x1  }
0xba: {  	s26 =	simm.s32 $execute0_lowered;
	[smem:$0x3FD2] =	sst s25  }
0xbb: {  	s6 =	sshll.u32 s26, $0x1;
	_ =	strace $0x80000055;
	[dreg:$0x1] =	wrdreg $0xFFFFFFFF  }
0xbc: {  	s28 =	simm.s32 $_size_execute0_lowered;
	s4 =	sadd.s32 s4, s6;
	[dreg:$0x0] =	wrdreg $0x0  }
0xbd: {  	s6 =	sshll.u32 s28, $0x1;
	[dreg:$0x2] =	wrdreg s4  }
0xbe: {  	[dreg:$0x3] =	wrdreg s6  }
0xbf: {  	[dreg:$0x4] =	wrdreg $0xC0  }
0xc0: {  	_ =	task [dreg:s22], $0x5FFFF  }
0xc1: {  	[dreg:$0x1] =	wrdreg $0xFFFFFFFF  }
0xc2: {  	[dreg:$0x0] =	wrdreg $0x60  }
0xc3: {  	[dreg:$0x2] =	wrdreg s24  }
0xc4: {  	[dreg:$0x3] =	wrdreg s17  }
0xc5: {  	[dreg:$0x4] =	wrdreg $0x80000  }
0xc6: {  	[dreg:$0x5] =	wrdreg $0xA  }
0xc7: {  	_ =	task.clear_ibuf [dreg:s22], $0x6FFFF;
	_ =	strace $0x90000055  }
0xc8: {  	s29 =	simm.s32 $0xA;
	_ =	strace $0x80000057  }
0xc9: {  	_ =	swait.ge [sflag:s29], $0x1  }
0xca: {  	[sflag:s29] =	ssyncadd.s32 $0xFFFFFFFF  }
0xcb: {  	_ =	strace $0x90000057  }
0xcc: {  	_ =	sfence  }
0xcd: {  	s30 =	sld [smem:$0x0];
	_ =	sdelay $0x2  }
0xce: {  	s31 =	sshll.u32 s1, $0xD;
	s1 =	sshrl.u32 s1, $0x2  }
0xcf: {  	s4 =	sand.u32 $0x4000, s31;
	s1 =	sadd.s32 s1, s30  }
0xd0: {  	s0 =	sor.u32 s4, s0;
	s1 =	sshll.u32 s1, $0x11  }
0xd1: {  	s0 =	sor.u32 s1, s0  }
0xd2: {  	s0 =	sadd.s32 $0x8F2B, s0  }
0xd3: {  	[sflag:s0] =	ssyncadd.remote.s32 $0x1  }
0xd4: {  	_ =	sfence.sel $0xFFFF  }
0xd5: {  	[dreg:$0x0] =	wrdreg $0xFFFFFFFF;
	(pc) =	sbr.abs _section_cstart, $3  }
0xd6: {  	[dreg:$0x1] =	wrdreg $0xFFFFFFFF  }
0xd7: {  	_ =	task.clear_ibuf [dreg:s22], $0x2FFFF;
	_ =	strace $0x9FFFFFFF  }
0xd8: {  	(tm) =	ssettm $0x7FFFFFFF  }
0xd9: {  	_ =	shalt  }
tec
execute0_lowered:
.L_overlay_start_1:
0x0: {  	(tag) =	ssettag $0x1  }
0x1: {  	s0 =	rddreg [dreg:$0x0]  }
0x2: {  	s3 =	rddreg [dreg:$0x1]  }
0x3: {  	s1 =	rddreg [dreg:$0x2];
	s2 =	simm.s32 $0x0;
	s6 =	srdreg.scid  }
0x4: {  	s12 =	stileid.u32;
	s20 =	simm.s32 $0x3000;
	s21 =	simm.s32 $0x3  }
0x5: {  	s22 =	simm.s32 $0x1000;
	s28 =	simm.s32 $0x2;
	s29 =	simm.s32 $0x0  }
0x6: {  	[smem:$0x7FF] =	sst s2;
	s4 =	sadd.s32 $0x8E400, s0;
	s5 =	sadd.s32 $0xBA400, s0  }
0x7: {  	s9 =	sand.u32 $0x1, s6;
	s6 =	sadd.s32 $0x11EE00, s0;
	s11 =	smul.u32 $0x4F000, s12  }
0x8: {  	s7 =	sadd.s32 $0x10AE00, s0;
	s8 =	sadd.s32 $0x53200, s0;
	s26 =	smul.u32 $0x13C00, s12  }
0x9: {  	_ =	strace $0x80000056;
	s10 =	ssub.s32 $0x2, s9;
	s14 =	smul.u32 $0x13C000, s9  }
0xa: {  	s25 =	sshll.u32 s9, $0x4;
	s23 =	sshrl.u32 s10, $0x1;
	s24 =	sshrl.u32 s11, $0x2  }
0xb: {  	s17 =	sor.u32 s12, s25;
	s25 =	simm.s32 $0x5800;
	s0 =	ssub.s32 s10, s23  }
0xc: {  	s9 =	sadd.s32 s24, s1;
	s10 =	sadd.s32 s26, s14;
	s17 =	smul.u32 $0x5000, s17  }
0xd: {  	s23 =	simm.s32 $0x2000;
	s24 =	simm.s32 $0x50;
	s26 =	simm.s32 $0x1  }
0xe: {  	s30 =	sadd.s32 $0x2800, s9;
	s31 =	sadd.s32 $0x5000, s9;
	s12 =	sadd.s32 $0x7800, s9  }
0xf: {  	s13 =	sadd.s32 $0xA000, s9;
	s14 =	sadd.s32 $0xC800, s9;
	s15 =	sadd.s32 $0xF000, s9  }
0x10: {  	s10 =	sshrl.u32 s10, $0x3;
	s16 =	sadd.s32 $0x11800, s9;
	[dreg:$0x4] =	wrdreg s30  }
0x11: {  	v0 =	vimm.f32 $0.0e+00;
	s19 =	smax.u32 s0, $0x1;
	[dreg:$0x5] =	wrdreg s31;
	s18 =	sadd.s32 s3, s10  }
.LBB2_1:
0x12: {  	s0 =	simm.s32 $0x0;
	s3 =	simm.s32 $0x200  }
.LBB2_2:
0x13: {  	p0 =	sne.s32 s3, $0x9E00;
	[tilespmem:s0+$0x3070] =	vst v0  }
0x14: {  	[tilespmem:s0+$0x3000] =	vst v0  }
0x15: {  	[tilespmem:s0+$0x3010] =	vst v0  }
.Ltmp0:
0x16: {  	[tilespmem:s0+$0x3020] =	vst v0;
	(pc) =	sbr.rel @p0 .LBB2_2-.Ltmp0, $4  }
0x17: {  	[tilespmem:s0+$0x3030] =	vst v0  }
0x18: {  	[tilespmem:s0+$0x3040] =	vst v0  }
0x19: {  	[tilespmem:s0+$0x3050] =	vst v0  }
0x1a: {  	[tilespmem:s0+$0x3060] =	vst v0;
	s0 =	sshra.s32 s3, $0x2;
	s3 =	sadd.s32 $0x200, s3  }
0x1b: {  	[tilespmem:s0+$0x3070] =	vst v0  }
0x1c: {  	[tilespmem:s0+$0x3000] =	vst v0  }
0x1d: {  	[tilespmem:s0+$0x3010] =	vst v0  }
0x1e: {  	[tilespmem:s0+$0x3020] =	vst v0  }
0x1f: {  	[tilespmem:s0+$0x3030] =	vst v0  }
0x20: {  	[tilespmem:s0+$0x3040] =	vst v0  }
0x21: {  	[tilespmem:s0+$0x3050] =	vst v0  }
0x22: {  	[tilespmem:s0+$0x3060] =	vst v0  }
0x23: {  	[spmem:s9] =	stream.linear.scatter [tilespmem:s20], [sflag:$0x3], $0x2800, $0x38;
	[tilespmem:$0x1BC00] =	vst v63  }
0x24: {  	_ =	swait.ge [sflag:s21], $0x2800  }
0x25: {  	[sflag:s21] =	ssyncset.done $0x0  }
0x26: {  	s11 =	rddreg [dreg:$0x4];
	[sflag:s21] =	ssyncadd.s32 $0xFFFFD800  }
0x27: {  	[spmem:s11] =	stream.linear.scatter [tilespmem:s20], [sflag:$0x3], $0x2800, $0x38;
	[tilespmem:$0x1BC00] =	vst v63  }
0x28: {  	_ =	swait.ge [sflag:s21], $0x2800  }
0x29: {  	[sflag:s21] =	ssyncset.done $0x0  }
0x2a: {  	s31 =	rddreg [dreg:$0x5];
	[sflag:s21] =	ssyncadd.s32 $0xFFFFD800  }
0x2b: {  	[spmem:s31] =	stream.linear.scatter [tilespmem:s20], [sflag:$0x3], $0x2800, $0x38;
	[tilespmem:$0x1BC00] =	vst v63  }
0x2c: {  	_ =	swait.ge [sflag:s21], $0x2800  }
0x2d: {  	[sflag:s21] =	ssyncset.done $0x0  }
0x2e: {  	[sflag:s21] =	ssyncadd.s32 $0xFFFFD800  }
0x2f: {  	[spmem:s12] =	stream.linear.scatter [tilespmem:s20], [sflag:$0x3], $0x2800, $0x38;
	[tilespmem:$0x1BC00] =	vst v63  }
0x30: {  	_ =	swait.ge [sflag:s21], $0x2800  }
0x31: {  	[sflag:s21] =	ssyncset.done $0x0  }
0x32: {  	[sflag:s21] =	ssyncadd.s32 $0xFFFFD800  }
0x33: {  	[spmem:s13] =	stream.linear.scatter [tilespmem:s20], [sflag:$0x3], $0x2800, $0x38;
	[tilespmem:$0x1BC00] =	vst v63  }
0x34: {  	_ =	swait.ge [sflag:s21], $0x2800  }
0x35: {  	[sflag:s21] =	ssyncset.done $0x0  }
0x36: {  	[sflag:s21] =	ssyncadd.s32 $0xFFFFD800  }
0x37: {  	[spmem:s14] =	stream.linear.scatter [tilespmem:s20], [sflag:$0x3], $0x2800, $0x38;
	[tilespmem:$0x1BC00] =	vst v63  }
0x38: {  	_ =	swait.ge [sflag:s21], $0x2800  }
0x39: {  	[sflag:s21] =	ssyncset.done $0x0  }
0x3a: {  	[sflag:s21] =	ssyncadd.s32 $0xFFFFD800  }
0x3b: {  	[spmem:s15] =	stream.linear.scatter [tilespmem:s20], [sflag:$0x3], $0x2800, $0x38;
	[tilespmem:$0x1BC00] =	vst v63  }
0x3c: {  	_ =	swait.ge [sflag:s21], $0x2800  }
0x3d: {  	[sflag:s21] =	ssyncset.done $0x0  }
0x3e: {  	[sflag:s21] =	ssyncadd.s32 $0xFFFFD800  }
0x3f: {  	[spmem:s16] =	stream.linear.scatter [tilespmem:s20], [sflag:$0x3], $0x2400, $0x38;
	[tilespmem:$0x1BC00] =	vst v63  }
0x40: {  	_ =	swait.ge [sflag:s21], $0x2400  }
0x41: {  	[sflag:s21] =	ssyncset.done $0x0  }
0x42: {  	[sflag:s21] =	ssyncadd.s32 $0xFFFFDC00  }
0x43: {  	s30 =	simm.s32 $0x0;
	[bflag:$0x0] =	sbarrier.arrive $0xFFFF  }
.LBB2_4:
0x44: {  	s0 =	sshll.u32 s30, $0xC  }
0x45: {  	s0 =	sadd.s32 s17, s0  }
0x46: {  	s0 =	sshrl.u32 s0, $0x3  }
0x47: {  	s3 =	sadd.s32 s6, s0  }
0x48: {  	[tilespmem:s29], [sflag:$0x3] =	stream.linear.gather [hbm4b:s3+s29], $0xC80, $0x38;
	[tilespmem:$0x1BC00] =	vst v63  }
0x49: {  	_ =	swait.ge [sflag:s21], $0xC80  }
0x4a: {  	[sflag:s21] =	ssyncset.done $0x0  }
0x4b: {  	s11 =	sadd.s32 s7, s0;
	[sflag:s21] =	ssyncadd.s32 $0xFFFFF380  }
0x4c: {  	[tilespmem:s22], [sflag:$0x3] =	stream.linear.gather [hbm4b:s11+s29], $0xC80, $0x38;
	[tilespmem:$0x1BC00] =	vst v63  }
0x4d: {  	_ =	swait.ge [sflag:s21], $0xC80  }
0x4e: {  	[sflag:s21] =	ssyncset.done $0x0  }
0x4f: {  	s0 =	sadd.s32 s8, s0;
	[sflag:s21] =	ssyncadd.s32 $0xFFFFF380  }
0x50: {  	[tilespmem:s23], [sflag:$0x3] =	stream.linear.gather [hbm4b:s0+s29], $0xC80, $0x38;
	[tilespmem:$0x1BC00] =	vst v63  }
0x51: {  	_ =	swait.ge [sflag:s21], $0xC80  }
0x52: {  	[sflag:s21] =	ssyncset.done $0x0  }
0x53: {  	s31 =	simm.s32 $0x0;
	[sflag:s21] =	ssyncadd.s32 $0xFFFFF380  }
.LBB2_5:
0x54: {  	s0 =	sshll.u32 s31, $0x7  }
0x55: {  	[tilespmem:s20], [sflag:$0x1] =	stream.indirect.gather [hbm4b:s4+s24], $0x80, s0, s24, $0xb8;
	[tilespmem:$0x1BC00] =	vst v63  }
0x56: {  	s3 =	sadd.s32 $0x2000, s0  }
0x57: {  	[tilespmem:s25], [sflag:$0x2] =	stream.indirect.gather [hbm4b:s5+s24], $0x80, s3, s24, $0xb8;
	[tilespmem:$0x1BC00] =	vst v63  }
0x58: {  	_ =	swait.ge [sflag:s26], $0x2800  }
0x59: {  	[sflag:s26] =	ssyncset.done $0x0  }
0x5a: {  	[sflag:s26] =	ssyncadd.s32 $0xFFFFD800  }
0x5b: {  	_ =	swait.ge [sflag:s28], $0x2800  }
0x5c: {  	[sflag:s28] =	ssyncset.done $0x0  }
0x5d: {  	s3 =	simm.s32 $0x0;
	[sflag:s28] =	ssyncadd.s32 $0xFFFFD800  }
0x5e: {  	v8 =	vld [tilespmem:s3+$0x5800]  }
0x5f: {  	v12 =	vld [tilespmem:s3+$0x5810]  }
0x60: {  	v6 =	vld [tilespmem:s3+$0x5820]  }
0x61: {  	v5 =	vld [tilespmem:s3+$0x5830]  }
0x62: {  	v4 =	vld [tilespmem:s3+$0x5840]  }
0x63: {  	v3 =	vld [tilespmem:s3+$0x5850]  }
0x64: {  	v2 =	vld [tilespmem:s3+$0x5860]  }
0x65: {  	v1 =	vld [tilespmem:s3+$0x5870]  }
0x66: {  	v13 =	vld [tilespmem:s3+$0x3000]  }
0x67: {  	v14 =	vld [tilespmem:s3+$0x3010]  }
0x68: {  	v11 =	vld [tilespmem:s3+$0x3020]  }
0x69: {  	v10 =	vld [tilespmem:s3+$0x3030]  }
0x6a: {  	v9 =	vld [tilespmem:s3+$0x3040]  }
0x6b: {  	v7 =	vld [tilespmem:s3+$0x3050];
	v13 =	vmul.f32 v8, v13  }
0x6c: {  	s10 =	simm.s32 $0x200;
	v12 =	vmul.f32 v12, v14;
	v8 =	vld [tilespmem:s3+$0x3060]  }
.LBB2_6:
0x6d: {  	s11 =	sshra.s32 s10, $0x2;
	p0 =	sne.s32 s10, $0x9E00;
	[tilespmem:s3+$0x3000] =	vst v13;
	v6 =	vmul.f32 v6, v11;
	v11 =	vld [tilespmem:s3+$0x3070]  }
0x6e: {  	v13 =	vld [tilespmem:s11+$0x5800];
	[tilespmem:s3+$0x3010] =	vst v12;
	v5 =	vmul.f32 v5, v10  }
0x6f: {  	v12 =	vld [tilespmem:s11+$0x5810];
	[tilespmem:s3+$0x3020] =	vst v6;
	v4 =	vmul.f32 v4, v9  }
0x70: {  	v6 =	vld [tilespmem:s11+$0x5820];
	[tilespmem:s3+$0x3030] =	vst v5;
	v3 =	vmul.f32 v3, v7  }
0x71: {  	v5 =	vld [tilespmem:s11+$0x5830];
	[tilespmem:s3+$0x3040] =	vst v4;
	v2 =	vmul.f32 v2, v8  }
0x72: {  	v4 =	vld [tilespmem:s11+$0x5840];
	[tilespmem:s3+$0x3050] =	vst v3;
	v1 =	vmul.f32 v1, v11  }
0x73: {  	v3 =	vld [tilespmem:s11+$0x5850];
	[tilespmem:s3+$0x3060] =	vst v2  }
0x74: {  	v2 =	vld [tilespmem:s11+$0x5860];
	[tilespmem:s3+$0x3070] =	vst v1;
	s3 =	smov.u32 s11  }
0x75: {  	v1 =	vld [tilespmem:s3+$0x5870]  }
0x76: {  	v7 =	vld [tilespmem:s3+$0x3000]  }
0x77: {  	v8 =	vld [tilespmem:s3+$0x3010]  }
.Ltmp1:
0x78: {  	v11 =	vld [tilespmem:s3+$0x3020];
	(pc) =	sbr.rel @p0 .LBB2_6-.Ltmp1, $4  }
0x79: {  	v10 =	vld [tilespmem:s3+$0x3030]  }
0x7a: {  	v9 =	vld [tilespmem:s3+$0x3040]  }
0x7b: {  	v13 =	vmul.f32 v13, v7;
	v7 =	vld [tilespmem:s3+$0x3050]  }
0x7c: {  	s10 =	sadd.s32 $0x200, s10;
	v12 =	vmul.f32 v12, v8;
	v8 =	vld [tilespmem:s3+$0x3060]  }
0x7d: {  	[tilespmem:s3+$0x3000] =	vst v13;
	v6 =	vmul.f32 v6, v11;
	v63 =	vld [tilespmem:s3+$0x3070]  }
0x7e: {  	[tilespmem:s3+$0x3010] =	vst v12;
	v5 =	vmul.f32 v5, v10  }
0x7f: {  	[tilespmem:s3+$0x3020] =	vst v6;
	v4 =	vmul.f32 v4, v9  }
0x80: {  	[tilespmem:s3+$0x3030] =	vst v5;
	v3 =	vmul.f32 v3, v7  }
0x81: {  	[tilespmem:s3+$0x3040] =	vst v4;
	v2 =	vmul.f32 v2, v8  }
0x82: {  	s31 =	sadd.s32 $0x1, s31;
	[tilespmem:s3+$0x3050] =	vst v3;
	v1 =	vmul.f32 v1, v63  }
0x83: {  	p0 =	sne.s32 s31, $0x19;
	[tilespmem:s3+$0x3060] =	vst v2  }
.Ltmp2:
0x84: {  	s0 =	sadd.s32 $0x1000, s0;
	[tilespmem:s3+$0x3070] =	vst v1;
	(pc) =	sbr.rel @p0 .LBB2_5-.Ltmp2, $4  }
0x85: {  	[spmem:s1] =	stream.indirect.scatter.add.f32 [tilespmem:s20], [sflag:$0x3], $0x80, s0, s24, $0xb8;
	[tilespmem:$0x1BC00] =	vst v63  }
0x86: {  	_ =	swait.ge [sflag:s21], $0x2800  }
0x87: {  	[sflag:s21] =	ssyncset.done $0x0  }
0x88: {  	[sflag:s21] =	ssyncadd.s32 $0xFFFFD800  }
0x89: {  	s30 =	sadd.s32 $0x1, s30  }
0x8a: {  	p0 =	sne.s32 s30, $0x5  }
.Ltmp3:
0x8b: {  	_ = 	snop;
	(pc) =	sbr.rel @p0 .LBB2_4-.Ltmp3, $1  }
0x8c: {  	_ =	sdelay $0x3  }
0x8d: {  	s0 =	stileid.u32;
	s2 =	sadd.s32 $0x1, s2  }
0x8e: {  	[bflag:$0x0] =	sbarrier.arrive $0xFFFF;
	s0 =	sshll.u32 s0, $0x6;
	p0 =	sne.s32 s2, s19  }
.Ltmp4:
0x8f: {  	s3 =	sshrl.u32 s9, $0x3;
	s0 =	sor.u32 $0x1C03, s0;
	(pc) =	sbr.rel @p0 .LBB2_1-.Ltmp4, $4  }
0x90: {  	[hbm:s18], [sflag:s0] =	dma.local [spmem:s3], $0x2780  }
0x91: {  	_ =	swait.ge [sflag:s21], $0x2780  }
0x92: {  	[sflag:s21] =	ssyncset.done $0x0  }
0x93: {  	[sflag:s21] =	ssyncadd.s32 $0xFFFFD880  }
0x94: {  	_ =	sfence.sel $0x180000  }
0x95: {  	[bflag:$0x0] =	sbarrier.arrive $0xFFFF  }
0x96: {  	_ =	strace $0x90000056  }
0x97: {  	s0 =	stileid.u32;
	[bflag:$0x2] =	sbarrier.arrive $0xFFFF  }
0x98: {  	p0 =	sne.s32 s0, $0x0;
	s0 =	rddreg [dreg:$0x3]  }
0x99: {  	s0 =	sadd.s32 @!p0 $0x100000, s0  }
0x9a: {  	[sflag:s0] =	ssyncadd.tile.s32 @!p0 $0x1;
	_ =	shalt  }
.Lfunc_end2:
_tile_overlayer_lowered:
.L_overlay_start_2:
0x9b: {  	(tag) =	ssettag $0x2  }
0x9c: {  	s0 =	rddreg [dreg:$0x0];
	s2 =	stileid.u32  }
0x9d: {  	s1 =	rddreg [dreg:$0x1];
	p0 =	sne.s32 s2, $0x0  }
0x9e: {  	s3 =	rddreg [dreg:$0x2];
	[bflag:$0x3] =	sbarrier.arrive $0xFFFF;
	s2 =	simm.s32 @!p0 $0x1C03  }
0x9f: {  	[timem:s3], [sflag:s2] =	dma.local @!p0 [hbm:s0], s1  }
0xa0: {  	s0 =	simm.s32 @!p0 $0x3  }
0xa1: {  	_ =	swait.ge @!p0 [sflag:s0], s1  }
0xa2: {  	s1 =	ssub.s32 @!p0 $0x0, s1;
	[sflag:s0] =	ssyncset.done @!p0 $0x0  }
0xa3: {  	[sflag:s0] =	ssyncadd.s32 @!p0 s1  }
0xa4: {  	[bflag:$0x3] =	sbarrier.arrive $0xFFFF  }
0xa5: {  	_ =	shalt  }

</sc_bundles>
